<compile_context>
chip_gen: v7x
topology: tpu7x:2x2x1
jax: 0.10.2.dev20260603
libtpu: 0.0.44.dev20260713+nightly
codegen_flags: <defaults>
</compile_context>

<pallas_src>
import dataclasses
import functools

import jax
import jax.numpy as jnp
from jax import lax
from jax.experimental import pallas as pl
from jax.experimental.pallas import tpu as pltpu
from jax.experimental.pallas import tpu_sc as plsc

N = 10000
HALF = N // 2
H = 128
E = 320000
NC = 2
NS = 16
NW = NC * NS
K = 100
CHUNKS = E // (NS * K)
WPART = 312
WTAIL = 8
ZCH = 104
ACC_ROWS = HALF + 1
QSIZE = (2504, 2496)
QOFF = (0, 2504)
QACC = 2505
QPART = 152
BM = 1000
GB = N // BM


def _sc_mesh():
    return plsc.VectorSubcoreMesh(core_axis_name="c", subcore_axis_name="s")


def _sc_degree(dstq4, ones16, zeros16):

    @functools.partial(
        pl.kernel,
        mesh=_sc_mesh(),
        out_type=jax.ShapeDtypeStruct((N, 16), jnp.float32),
        scratch_types=[
            pltpu.VMEM((CHUNKS, K), jnp.int32),
            pltpu.VMEM((K, 16), jnp.float32),
            pltpu.VMEM_SHARED((QACC, 16), jnp.float32),
        ],
    )
    def k(dst_hbm, ones_hbm, zeros_hbm, out_hbm, didx, ones_v, acc):
        c = lax.axis_index("c")
        s = lax.axis_index("s")
        base = s * QPART

        pltpu.sync_copy(ones_hbm, ones_v)

        for p in range(2):
            tail = QSIZE[p] - 15 * QPART
            obase = c * HALF + QOFF[p]

            pltpu.sync_copy(zeros_hbm, acc.at[pl.ds(base, QPART)])

            @pl.when(s == NS - 1)
            def _():
                pltpu.sync_copy(zeros_hbm.at[pl.ds(0, tail - QPART)],
                                acc.at[pl.ds(16 * QPART, tail - QPART)])

            pltpu.sync_copy(dst_hbm.at[(c * 2 + p) * NS + s], didx)
            plsc.subcore_barrier()

            @pl.loop(0, CHUNKS)
            def _(j):
                pltpu.sync_copy(ones_v, acc.at[didx.at[j]], add=True)

            plsc.subcore_barrier()
            pltpu.sync_copy(acc.at[pl.ds(base, QPART)],
                            out_hbm.at[pl.ds(obase + base, QPART)])

            @pl.when(s == NS - 1)
            def _():
                pltpu.sync_copy(
                    acc.at[pl.ds(16 * QPART, tail - QPART)],
                    out_hbm.at[pl.ds(obase + 16 * QPART, tail - QPART)])

            plsc.subcore_barrier()

    return k(dstq4, ones16, zeros16)


def _sc_scatter(g, src3d, dstr3d, zeros128):

    @functools.partial(
        pl.kernel,
        mesh=_sc_mesh(),
        out_type=jax.ShapeDtypeStruct((N, H), jnp.float32),
        scratch_types=[
            pltpu.VMEM((CHUNKS, K), jnp.int32),
            pltpu.VMEM((CHUNKS, K), jnp.int32),
            pltpu.VMEM((K, H), jnp.float32),
            pltpu.VMEM((K, H), jnp.float32),
            pltpu.VMEM((ZCH, H), jnp.float32),
            pltpu.VMEM_SHARED((ACC_ROWS, H), jnp.float32),
            pltpu.SemaphoreType.DMA,
            pltpu.SemaphoreType.DMA,
        ],
    )
    def k(g_hbm, src_hbm, dst_hbm, zeros_hbm, out_hbm, sidx, didx, rows0,
          rows1, bounce, acc, sem0, sem1):
        c = lax.axis_index("c")
        s = lax.axis_index("s")
        base = s * WPART

        pltpu.sync_copy(zeros_hbm, bounce)

        @pl.loop(0, WPART // ZCH)
        def _(i):
            pltpu.sync_copy(bounce, acc.at[pl.ds(base + i * ZCH, ZCH)])

        @pl.when(s == NS - 1)
        def _():
            pltpu.sync_copy(bounce.at[pl.ds(0, WTAIL)],
                            acc.at[pl.ds(HALF - WTAIL, WTAIL)])

        pltpu.sync_copy(src_hbm.at[s], sidx)
        pltpu.sync_copy(dst_hbm.at[c * NS + s], didx)
        plsc.subcore_barrier()

        pltpu.async_copy(g_hbm.at[sidx.at[0]], rows0, sem0)

        @pl.loop(0, CHUNKS, step=2)
        def _(j):
            pltpu.async_copy(g_hbm.at[sidx.at[j + 1]], rows1, sem1)
            pltpu.make_async_copy(g_hbm.at[sidx.at[j]], rows0, sem0).wait()
            pltpu.sync_copy(rows0, acc.at[didx.at[j]], add=True)

            @pl.when(j + 2 < CHUNKS)
            def _():
                pltpu.async_copy(g_hbm.at[sidx.at[j + 2]], rows0, sem0)

            pltpu.make_async_copy(g_hbm.at[sidx.at[j + 1]], rows1, sem1).wait()
            pltpu.sync_copy(rows1, acc.at[didx.at[j + 1]], add=True)

        plsc.subcore_barrier()

        @pl.loop(0, WPART // ZCH)
        def _(i):
            pltpu.sync_copy(acc.at[pl.ds(base + i * ZCH, ZCH)], bounce)
            pltpu.sync_copy(
                bounce, out_hbm.at[pl.ds(c * HALF + base + i * ZCH, ZCH)])

        @pl.when(s == NS - 1)
        def _():
            pltpu.sync_copy(acc.at[pl.ds(HALF - WTAIL, WTAIL)],
                            bounce.at[pl.ds(0, WTAIL)])
            pltpu.sync_copy(
                bounce.at[pl.ds(0, WTAIL)],
                out_hbm.at[pl.ds(c * HALF + HALF - WTAIL, WTAIL)])

    return k(g, src3d, dstr3d, zeros128)



def _sc_scatter_q(g, src3d, dstq4, zeros128):

    @functools.partial(
        pl.kernel,
        mesh=_sc_mesh(),
        out_type=jax.ShapeDtypeStruct((N, H), jnp.float32),
        scratch_types=[
            pltpu.VMEM((CHUNKS, K), jnp.int32),
            pltpu.VMEM((CHUNKS, K), jnp.int32),
            pltpu.VMEM((K, H), jnp.float32),
            pltpu.VMEM((K, H), jnp.float32),
            pltpu.VMEM((ZCH, H), jnp.float32),
            pltpu.VMEM_SHARED((QACC, H), jnp.float32),
            pltpu.SemaphoreType.DMA,
            pltpu.SemaphoreType.DMA,
        ],
    )
    def k(g_hbm, src_hbm, dst_hbm, zeros_hbm, out_hbm, sidx, didx, rows0,
          rows1, bounce, acc, sem0, sem1):
        c = lax.axis_index("c")
        s = lax.axis_index("s")
        base = s * QPART

        pltpu.sync_copy(src_hbm.at[s], sidx)

        for p in range(2):
            tail = QSIZE[p] - 15 * QPART
            obase = c * HALF + QOFF[p]

            pltpu.sync_copy(zeros_hbm, bounce)
            pltpu.sync_copy(bounce, acc.at[pl.ds(base, ZCH)])
            pltpu.sync_copy(bounce.at[pl.ds(0, QPART - ZCH)],
                            acc.at[pl.ds(base + ZCH, QPART - ZCH)])

            @pl.when(s == NS - 1)
            def _():
                pltpu.sync_copy(bounce.at[pl.ds(0, tail - QPART)],
                                acc.at[pl.ds(16 * QPART, tail - QPART)])

            pltpu.sync_copy(dst_hbm.at[(c * 2 + p) * NS + s], didx)
            plsc.subcore_barrier()

            pltpu.async_copy(g_hbm.at[sidx.at[0]], rows0, sem0)

            @pl.loop(0, CHUNKS, step=2)
            def _(j):
                pltpu.async_copy(g_hbm.at[sidx.at[j + 1]], rows1, sem1)
                pltpu.make_async_copy(g_hbm.at[sidx.at[j]], rows0, sem0).wait()
                pltpu.sync_copy(rows0, acc.at[didx.at[j]], add=True)

                @pl.when(j + 2 < CHUNKS)
                def _():
                    pltpu.async_copy(g_hbm.at[sidx.at[j + 2]], rows0, sem0)

                pltpu.make_async_copy(g_hbm.at[sidx.at[j + 1]], rows1,
                                      sem1).wait()
                pltpu.sync_copy(rows1, acc.at[didx.at[j + 1]], add=True)

            plsc.subcore_barrier()

            pltpu.sync_copy(acc.at[pl.ds(base, ZCH)], bounce)
            pltpu.sync_copy(bounce, out_hbm.at[pl.ds(obase + base, ZCH)])
            pltpu.sync_copy(acc.at[pl.ds(base + ZCH, QPART - ZCH)],
                            bounce.at[pl.ds(0, QPART - ZCH)])
            pltpu.sync_copy(bounce.at[pl.ds(0, QPART - ZCH)],
                            out_hbm.at[pl.ds(obase + base + ZCH, QPART - ZCH)])

            @pl.when(s == NS - 1)
            def _():
                pltpu.sync_copy(acc.at[pl.ds(16 * QPART, tail - QPART)],
                                bounce.at[pl.ds(0, tail - QPART)])
                pltpu.sync_copy(
                    bounce.at[pl.ds(0, tail - QPART)],
                    out_hbm.at[pl.ds(obase + 16 * QPART, tail - QPART)])

            plsc.subcore_barrier()

    return k(g, src3d, dstq4, zeros128)


def _tc_first(deg16, x, W0):

    def body(p_ref, x_ref, w_ref, dinv_ref, g_ref):
        dinv = lax.rsqrt(1.0 + p_ref[:, 0:1])
        dinv_ref[...] = dinv
        g_ref[...] = dinv * jnp.dot(x_ref[...], w_ref[...],
                                    preferred_element_type=jnp.float32,
                                    precision=lax.Precision.HIGHEST)

    return pl.pallas_call(
        body,
        grid=(GB,),
        in_specs=[
            pl.BlockSpec((BM, 16), lambda i: (i, 0)),
            pl.BlockSpec((BM, H), lambda i: (i, 0)),
            pl.BlockSpec((H, H), lambda i: (0, 0)),
        ],
        out_specs=[
            pl.BlockSpec((BM, 1), lambda i: (i, 0)),
            pl.BlockSpec((BM, H), lambda i: (i, 0)),
        ],
        out_shape=[
            jax.ShapeDtypeStruct((N, 1), jnp.float32),
            jax.ShapeDtypeStruct((N, H), jnp.float32),
        ],
    )(deg16, x, W0)


def _tc_mid(s_agg, g, dinv, b, W):

    def body(s_ref, g_ref, dinv_ref, b_ref, w_ref, out_ref):
        dinv = dinv_ref[...]
        h = jnp.maximum((s_ref[...] + g_ref[...]) * dinv + b_ref[...], 0.0)
        out_ref[...] = dinv * jnp.dot(h, w_ref[...],
                                      preferred_element_type=jnp.float32,
                                      precision=lax.Precision.HIGHEST)

    return pl.pallas_call(
        body,
        grid=(GB,),
        in_specs=[
            pl.BlockSpec((BM, H), lambda i: (i, 0)),
            pl.BlockSpec((BM, H), lambda i: (i, 0)),
            pl.BlockSpec((BM, 1), lambda i: (i, 0)),
            pl.BlockSpec((1, H), lambda i: (0, 0)),
            pl.BlockSpec((H, H), lambda i: (0, 0)),
        ],
        out_specs=pl.BlockSpec((BM, H), lambda i: (i, 0)),
        out_shape=jax.ShapeDtypeStruct((N, H), jnp.float32),
    )(s_agg, g, dinv, b, W)


def _tc_last(s_agg, g, dinv, b, Wlin, blin):

    def body(s_ref, g_ref, dinv_ref, b_ref, wl_ref, bl_ref, y_ref):
        dinv = dinv_ref[...]
        h = jnp.maximum((s_ref[...] + g_ref[...]) * dinv + b_ref[...], 0.0)
        y_ref[...] = jnp.dot(h, wl_ref[...],
                             preferred_element_type=jnp.float32,
                             precision=lax.Precision.HIGHEST) + bl_ref[...]

    return pl.pallas_call(
        body,
        grid=(GB,),
        in_specs=[
            pl.BlockSpec((BM, H), lambda i: (i, 0)),
            pl.BlockSpec((BM, H), lambda i: (i, 0)),
            pl.BlockSpec((BM, 1), lambda i: (i, 0)),
            pl.BlockSpec((1, H), lambda i: (0, 0)),
            pl.BlockSpec((H, 1), lambda i: (0, 0)),
            pl.BlockSpec((1, 1), lambda i: (0, 0)),
        ],
        out_specs=pl.BlockSpec((BM, 1), lambda i: (i, 0)),
        out_shape=jax.ShapeDtypeStruct((N, 1), jnp.float32),
    )(s_agg, g, dinv, b, Wlin, blin)


def kernel(x, edge_index, W0, b0, W1, b1, W2, b2, Wlin, blin):
    src = edge_index[0]
    dst = edge_index[1]
    in0 = dst < HALF
    dstr = jnp.stack([jnp.where(in0, dst, HALF),
                      jnp.where(in0, HALF, dst - HALF)])
    src3d = src.reshape(NS, CHUNKS, K)
    dstr3d = dstr.reshape(NW, CHUNKS, K)
    dstq = []
    for c in range(NC):
        for p in range(2):
            b = c * HALF + QOFF[p]
            inq = (dst >= b) & (dst < b + QSIZE[p])
            dstq.append(jnp.where(inq, dst - b, QSIZE[0]))
    dstq4 = jnp.stack(dstq).reshape(4 * NS, CHUNKS, K)
    zeros128 = jnp.zeros((ZCH, H), jnp.float32)
    ones16 = jnp.ones((K, 16), jnp.float32)
    zeros16 = jnp.zeros((QPART, 16), jnp.float32)

    deg16 = _sc_degree(dstq4, ones16, zeros16)
    dinv, g = _tc_first(deg16, x, W0)
    s_agg = _sc_scatter_q(g, src3d, dstq4, zeros128)
    g = _tc_mid(s_agg, g, dinv, b0.reshape(1, H), W1)
    s_agg = _sc_scatter_q(g, src3d, dstq4, zeros128)
    g = _tc_mid(s_agg, g, dinv, b1.reshape(1, H), W2)
    s_agg = _sc_scatter_q(g, src3d, dstq4, zeros128)
    y = _tc_last(s_agg, g, dinv, b2.reshape(1, H), Wlin, blin.reshape(1, 1))
    return y.reshape(N)

# --- scband reference (transcript-rebuilt; emitter-appended) ---
"""Pipeline reference for scband-gcnconv-net-for-regression-27762668601834 (READ-ONLY COPY).

The authoritative reference and input builder live on the scoring server;
editing this copy changes nothing except your own understanding.
"""

import jax, jax.numpy as jnp
import numpy as np

N = 10000
E = 320000
D = 128
H = 128


def glorot(key, shape):
    fan_in, fan_out = shape[0], shape[1]
    limit = float(np.sqrt(6.0 / (fan_in + fan_out)))
    return jax.random.uniform(key, shape, dtype=jnp.float32, minval=-limit, maxval=limit)


def setup_inputs(seed: int = 0) -> dict:
    key = jax.random.key(seed)
    ks = jax.random.split(key, 10)
    x = jax.random.normal(ks[0], (N, D), dtype=jnp.float32)
    edge_index = jax.random.randint(ks[1], (2, E), 0, N, dtype=jnp.int32)
    W0 = glorot(ks[2], (D, H)); b0 = jnp.zeros((H,), jnp.float32)
    W1 = glorot(ks[3], (H, H)); b1 = jnp.zeros((H,), jnp.float32)
    W2 = glorot(ks[4], (H, H)); b2 = jnp.zeros((H,), jnp.float32)
    Wlin = glorot(ks[5], (H, 1)); blin = jnp.zeros((1,), jnp.float32)
    return {"x": x, "edge_index": edge_index, "W0": W0, "b0": b0,
            "W1": W1, "b1": b1, "W2": W2, "b2": b2,
            "Wlin": Wlin, "blin": blin}


def gcn_conv(x, src, dst, W, b, n):
    # PyG GCNConv: add self-loops, symmetric normalization D^{-1/2} A D^{-1/2}
    loop = jnp.arange(n, dtype=src.dtype)
    s = jnp.concatenate([src, loop])
    d = jnp.concatenate([dst, loop])
    deg = jnp.zeros((n,), x.dtype).at[d].add(1.0)
    deg_inv_sqrt = jnp.where(deg > 0, 1.0 / jnp.sqrt(deg), 0.0)
    norm = deg_inv_sqrt[s] * deg_inv_sqrt[d]
    h = x @ W
    msg = h[s] * norm[:, None]
    out = jnp.zeros((n, h.shape[1]), h.dtype).at[d].add(msg)
    return out + b


def reference(x, edge_index, W0, b0, W1, b1, W2, b2, Wlin, blin):
    src = edge_index[0]
    dst = edge_index[1]
    n = x.shape[0]
    # conv0 + relu (dropout is identity in eval)
    h = gcn_conv(x, src, dst, W0, b0, n)
    h = jax.nn.relu(h)
    # conv1 + relu
    h = gcn_conv(h, src, dst, W1, b1, n)
    h = jax.nn.relu(h)
    # last conv + relu
    h = gcn_conv(h, src, dst, W2, b2, n)
    h = jax.nn.relu(h)
    # final linear + squeeze
    out = h @ Wlin + blin
    return jnp.squeeze(out, axis=-1)

if __name__ == "__main__":
    import jax
    _d = setup_inputs()
    print(jax.jit(kernel)(*tuple(_d.values())))

</pallas_src>

<mosaic_0001>
#map = affine_map<(d0, d1) -> (0, 0)>
#map1 = affine_map<(d0, d1) -> (0, 0, 0)>
module attributes {stable_mosaic.version = 14 : i64} {
  func.func @k(%arg0: i32, %arg1: i32, %arg2: memref<10000x128xf32, #tpu.memory_space<hbm>>, %arg3: memref<16x200x100xi32, #tpu.memory_space<hbm>>, %arg4: memref<64x200x100xi32, #tpu.memory_space<hbm>>, %arg5: memref<104x128xf32, #tpu.memory_space<hbm>>, %arg6: memref<10000x128xf32, #tpu.memory_space<hbm>>, %arg7: memref<200x100xi32, #tpu.memory_space<vmem>>, %arg8: memref<200x100xi32, #tpu.memory_space<vmem>>, %arg9: memref<100x128xf32, #tpu.memory_space<vmem>>, %arg10: memref<100x128xf32, #tpu.memory_space<vmem>>, %arg11: memref<104x128xf32, #tpu.memory_space<vmem>>, %arg12: memref<2505x128xf32, #tpu.memory_space<vmem_shared>>, %arg13: memref<!tpu.dma_semaphore, #tpu.memory_space<semaphore_mem>>, %arg14: memref<!tpu.dma_semaphore, #tpu.memory_space<semaphore_mem>>) attributes {dimension_semantics = [#tpu.dimension_semantics<core_parallel>, #tpu.dimension_semantics<subcore_parallel>], iteration_bounds = array<i64: 2, 16>, scalar_prefetch = 0 : i64, scratch_operands = 8 : i64, tpu.core_type = #tpu.core_type<sc_vector_subcore>, window_params = [{transform_indices = #map}, {transform_indices = #map1}, {transform_indices = #map1}, {transform_indices = #map}, {transform_indices = #map}]} {
    %mul3A = arith.constant 152 : i32
    %mul3A_0 = arith.muli %arg1, %mul3A : i32
    "tpu.region"() ({
      %run_scoped3A = tpu.sem_alloc : memref<!tpu.dma_semaphore, #tpu.memory_space<semaphore_mem>>
      %dma_start3A_82 = arith.constant 0 : i32
      %dma_start3A_83 = arith.constant 0 : i32
      %dma_start3A_84 = tpu.memref_slice %arg3[%arg1, %dma_start3A_82, %dma_start3A_83] : memref<16x200x100xi32, #tpu.memory_space<hbm>> -> memref<1x200x100xi32, #tpu.memory_space<hbm>>
      %dma_start3A_85 = tpu.memref_squeeze %dma_start3A_84 : memref<1x200x100xi32, #tpu.memory_space<hbm>> -> memref<200x100xi32, #tpu.memory_space<hbm>>
      %dma_start3A_86 = arith.constant 0 : i32
      %dma_start3A_87 = arith.constant 0 : i32
      %dma_start3A_88 = tpu.memref_slice %arg3[%arg1, %dma_start3A_86, %dma_start3A_87] : memref<16x200x100xi32, #tpu.memory_space<hbm>> -> memref<1x200x100xi32, #tpu.memory_space<hbm>>
      %dma_start3A_89 = tpu.memref_squeeze %dma_start3A_88 : memref<1x200x100xi32, #tpu.memory_space<hbm>> -> memref<200x100xi32, #tpu.memory_space<hbm>>
      tpu.enqueue_dma source(%dma_start3A_89 : memref<200x100xi32, #tpu.memory_space<hbm>>) target(%arg7 : memref<200x100xi32, #tpu.memory_space<vmem>>) target_semaphore(%run_scoped3A : memref<!tpu.dma_semaphore, #tpu.memory_space<semaphore_mem>>)
      %dma_wait3A = arith.constant 0 : i32
      %dma_wait3A_90 = arith.constant 0 : i32
      %dma_wait3A_91 = tpu.memref_slice %arg3[%arg1, %dma_wait3A, %dma_wait3A_90] : memref<16x200x100xi32, #tpu.memory_space<hbm>> -> memref<1x200x100xi32, #tpu.memory_space<hbm>>
      %dma_wait3A_92 = tpu.memref_squeeze %dma_wait3A_91 : memref<1x200x100xi32, #tpu.memory_space<hbm>> -> memref<200x100xi32, #tpu.memory_space<hbm>>
      %dma_wait3A_93 = arith.constant 0 : i32
      %dma_wait3A_94 = arith.constant 0 : i32
      %dma_wait3A_95 = tpu.memref_slice %arg3[%arg1, %dma_wait3A_93, %dma_wait3A_94] : memref<16x200x100xi32, #tpu.memory_space<hbm>> -> memref<1x200x100xi32, #tpu.memory_space<hbm>>
      %dma_wait3A_96 = tpu.memref_squeeze %dma_wait3A_95 : memref<1x200x100xi32, #tpu.memory_space<hbm>> -> memref<200x100xi32, #tpu.memory_space<hbm>>
      tpu.wait_dma2 semaphore(%run_scoped3A : memref<!tpu.dma_semaphore, #tpu.memory_space<semaphore_mem>>) src(%dma_wait3A_96 : memref<200x100xi32, #tpu.memory_space<hbm>>) dst(%arg7 : memref<200x100xi32, #tpu.memory_space<vmem>>)
      tpu.yield
    }) : () -> ()
    %mul3A_1 = arith.constant 5000 : i32
    %mul3A_2 = arith.muli %arg0, %mul3A_1 : i32
    %add3A = arith.constant 0 : i32
    %add3A_3 = arith.addi %mul3A_2, %add3A : i32
    "tpu.region"() ({
      %run_scoped3A = tpu.sem_alloc : memref<!tpu.dma_semaphore, #tpu.memory_space<semaphore_mem>>
      tpu.enqueue_dma source(%arg5 : memref<104x128xf32, #tpu.memory_space<hbm>>) target(%arg11 : memref<104x128xf32, #tpu.memory_space<vmem>>) target_semaphore(%run_scoped3A : memref<!tpu.dma_semaphore, #tpu.memory_space<semaphore_mem>>)
      tpu.wait_dma2 semaphore(%run_scoped3A : memref<!tpu.dma_semaphore, #tpu.memory_space<semaphore_mem>>) src(%arg5 : memref<104x128xf32, #tpu.memory_space<hbm>>) dst(%arg11 : memref<104x128xf32, #tpu.memory_space<vmem>>)
      tpu.yield
    }) : () -> ()
    "tpu.region"() ({
      %run_scoped3A = tpu.sem_alloc : memref<!tpu.dma_semaphore, #tpu.memory_space<semaphore_mem>>
      %dma_start3A_82 = arith.constant 0 : i32
      %dma_start3A_83 = tpu.memref_slice %arg12[%mul3A_0, %dma_start3A_82] : memref<2505x128xf32, #tpu.memory_space<vmem_shared>> -> memref<104x128xf32, #tpu.memory_space<vmem_shared>>
      %dma_start3A_84 = arith.constant 0 : i32
      %dma_start3A_85 = tpu.memref_slice %arg12[%mul3A_0, %dma_start3A_84] : memref<2505x128xf32, #tpu.memory_space<vmem_shared>> -> memref<104x128xf32, #tpu.memory_space<vmem_shared>>
      tpu.enqueue_dma source(%arg11 : memref<104x128xf32, #tpu.memory_space<vmem>>) target(%dma_start3A_85 : memref<104x128xf32, #tpu.memory_space<vmem_shared>>) target_semaphore(%run_scoped3A : memref<!tpu.dma_semaphore, #tpu.memory_space<semaphore_mem>>)
      %dma_wait3A = arith.constant 0 : i32
      %dma_wait3A_86 = tpu.memref_slice %arg12[%mul3A_0, %dma_wait3A] : memref<2505x128xf32, #tpu.memory_space<vmem_shared>> -> memref<104x128xf32, #tpu.memory_space<vmem_shared>>
      %dma_wait3A_87 = arith.constant 0 : i32
      %dma_wait3A_88 = tpu.memref_slice %arg12[%mul3A_0, %dma_wait3A_87] : memref<2505x128xf32, #tpu.memory_space<vmem_shared>> -> memref<104x128xf32, #tpu.memory_space<vmem_shared>>
      tpu.wait_dma2 semaphore(%run_scoped3A : memref<!tpu.dma_semaphore, #tpu.memory_space<semaphore_mem>>) src(%arg11 : memref<104x128xf32, #tpu.memory_space<vmem>>) dst(%dma_wait3A_88 : memref<104x128xf32, #tpu.memory_space<vmem_shared>>)
      tpu.yield
    }) : () -> ()
    %add3A_4 = arith.constant 104 : i32
    %add3A_5 = arith.addi %mul3A_0, %add3A_4 : i32
    "tpu.region"() ({
      %run_scoped3A = tpu.sem_alloc : memref<!tpu.dma_semaphore, #tpu.memory_space<semaphore_mem>>
      %dma_start3A_82 = arith.constant 0 : i32
      %dma_start3A_83 = arith.constant 0 : i32
      %dma_start3A_84 = tpu.memref_slice %arg11[%dma_start3A_82, %dma_start3A_83] : memref<104x128xf32, #tpu.memory_space<vmem>> -> memref<48x128xf32, #tpu.memory_space<vmem>>
      %dma_start3A_85 = arith.constant 0 : i32
      %dma_start3A_86 = tpu.memref_slice %arg12[%add3A_5, %dma_start3A_85] : memref<2505x128xf32, #tpu.memory_space<vmem_shared>> -> memref<48x128xf32, #tpu.memory_space<vmem_shared>>
      %dma_start3A_87 = arith.constant 0 : i32
      %dma_start3A_88 = tpu.memref_slice %arg12[%add3A_5, %dma_start3A_87] : memref<2505x128xf32, #tpu.memory_space<vmem_shared>> -> memref<48x128xf32, #tpu.memory_space<vmem_shared>>
      %dma_start3A_89 = arith.constant 0 : i32
      %dma_start3A_90 = arith.constant 0 : i32
      %dma_start3A_91 = tpu.memref_slice %arg11[%dma_start3A_89, %dma_start3A_90] : memref<104x128xf32, #tpu.memory_space<vmem>> -> memref<48x128xf32, #tpu.memory_space<vmem>>
      tpu.enqueue_dma source(%dma_start3A_91 : memref<48x128xf32, #tpu.memory_space<vmem>>) target(%dma_start3A_88 : memref<48x128xf32, #tpu.memory_space<vmem_shared>>) target_semaphore(%run_scoped3A : memref<!tpu.dma_semaphore, #tpu.memory_space<semaphore_mem>>)
      %dma_wait3A = arith.constant 0 : i32
      %dma_wait3A_92 = arith.constant 0 : i32
      %dma_wait3A_93 = tpu.memref_slice %arg11[%dma_wait3A, %dma_wait3A_92] : memref<104x128xf32, #tpu.memory_space<vmem>> -> memref<48x128xf32, #tpu.memory_space<vmem>>
      %dma_wait3A_94 = arith.constant 0 : i32
      %dma_wait3A_95 = tpu.memref_slice %arg12[%add3A_5, %dma_wait3A_94] : memref<2505x128xf32, #tpu.memory_space<vmem_shared>> -> memref<48x128xf32, #tpu.memory_space<vmem_shared>>
      %dma_wait3A_96 = arith.constant 0 : i32
      %dma_wait3A_97 = tpu.memref_slice %arg12[%add3A_5, %dma_wait3A_96] : memref<2505x128xf32, #tpu.memory_space<vmem_shared>> -> memref<48x128xf32, #tpu.memory_space<vmem_shared>>
      %dma_wait3A_98 = arith.constant 0 : i32
      %dma_wait3A_99 = arith.constant 0 : i32
      %dma_wait3A_100 = tpu.memref_slice %arg11[%dma_wait3A_98, %dma_wait3A_99] : memref<104x128xf32, #tpu.memory_space<vmem>> -> memref<48x128xf32, #tpu.memory_space<vmem>>
      tpu.wait_dma2 semaphore(%run_scoped3A : memref<!tpu.dma_semaphore, #tpu.memory_space<semaphore_mem>>) src(%dma_wait3A_100 : memref<48x128xf32, #tpu.memory_space<vmem>>) dst(%dma_wait3A_97 : memref<48x128xf32, #tpu.memory_space<vmem_shared>>)
      tpu.yield
    }) : () -> ()
    %eq3A = arith.constant 15 : i32
    %eq3A_6 = arith.cmpi eq, %arg1, %eq3A : i32
    %convert_element_type3A = arith.extui %eq3A_6 : i1 to i32
    %cond3A = arith.constant 0 : i32
    %cond3A_7 = arith.cmpi ne, %convert_element_type3A, %cond3A : i32
    scf.if %cond3A_7 {
      "tpu.region"() ({
        %run_scoped3A = tpu.sem_alloc : memref<!tpu.dma_semaphore, #tpu.memory_space<semaphore_mem>>
        %dma_start3A_82 = arith.constant 0 : i32
        %dma_start3A_83 = arith.constant 0 : i32
        %dma_start3A_84 = tpu.memref_slice %arg11[%dma_start3A_82, %dma_start3A_83] : memref<104x128xf32, #tpu.memory_space<vmem>> -> memref<72x128xf32, #tpu.memory_space<vmem>>
        %dma_start3A_85 = arith.constant 2432 : i32
        %dma_start3A_86 = arith.constant 0 : i32
        %dma_start3A_87 = tpu.memref_slice %arg12[%dma_start3A_85, %dma_start3A_86] : memref<2505x128xf32, #tpu.memory_space<vmem_shared>> -> memref<72x128xf32, #tpu.memory_space<vmem_shared>>
        %dma_start3A_88 = arith.constant 2432 : i32
        %dma_start3A_89 = arith.constant 0 : i32
        %dma_start3A_90 = tpu.memref_slice %arg12[%dma_start3A_88, %dma_start3A_89] : memref<2505x128xf32, #tpu.memory_space<vmem_shared>> -> memref<72x128xf32, #tpu.memory_space<vmem_shared>>
        %dma_start3A_91 = arith.constant 0 : i32
        %dma_start3A_92 = arith.constant 0 : i32
        %dma_start3A_93 = tpu.memref_slice %arg11[%dma_start3A_91, %dma_start3A_92] : memref<104x128xf32, #tpu.memory_space<vmem>> -> memref<72x128xf32, #tpu.memory_space<vmem>>
        tpu.enqueue_dma source(%dma_start3A_93 : memref<72x128xf32, #tpu.memory_space<vmem>>) target(%dma_start3A_90 : memref<72x128xf32, #tpu.memory_space<vmem_shared>>) target_semaphore(%run_scoped3A : memref<!tpu.dma_semaphore, #tpu.memory_space<semaphore_mem>>)
        %dma_wait3A = arith.constant 0 : i32
        %dma_wait3A_94 = arith.constant 0 : i32
        %dma_wait3A_95 = tpu.memref_slice %arg11[%dma_wait3A, %dma_wait3A_94] : memref<104x128xf32, #tpu.memory_space<vmem>> -> memref<72x128xf32, #tpu.memory_space<vmem>>
        %dma_wait3A_96 = arith.constant 2432 : i32
        %dma_wait3A_97 = arith.constant 0 : i32
        %dma_wait3A_98 = tpu.memref_slice %arg12[%dma_wait3A_96, %dma_wait3A_97] : memref<2505x128xf32, #tpu.memory_space<vmem_shared>> -> memref<72x128xf32, #tpu.memory_space<vmem_shared>>
        %dma_wait3A_99 = arith.constant 2432 : i32
        %dma_wait3A_100 = arith.constant 0 : i32
        %dma_wait3A_101 = tpu.memref_slice %arg12[%dma_wait3A_99, %dma_wait3A_100] : memref<2505x128xf32, #tpu.memory_space<vmem_shared>> -> memref<72x128xf32, #tpu.memory_space<vmem_shared>>
        %dma_wait3A_102 = arith.constant 0 : i32
        %dma_wait3A_103 = arith.constant 0 : i32
        %dma_wait3A_104 = tpu.memref_slice %arg11[%dma_wait3A_102, %dma_wait3A_103] : memref<104x128xf32, #tpu.memory_space<vmem>> -> memref<72x128xf32, #tpu.memory_space<vmem>>
        tpu.wait_dma2 semaphore(%run_scoped3A : memref<!tpu.dma_semaphore, #tpu.memory_space<semaphore_mem>>) src(%dma_wait3A_104 : memref<72x128xf32, #tpu.memory_space<vmem>>) dst(%dma_wait3A_101 : memref<72x128xf32, #tpu.memory_space<vmem_shared>>)
        tpu.yield
      }) : () -> ()
    } else {
    }
    %mul3A_8 = arith.constant 2 : i32
    %mul3A_9 = arith.muli %arg0, %mul3A_8 : i32
    %add3A_10 = arith.constant 0 : i32
    %add3A_11 = arith.addi %mul3A_9, %add3A_10 : i32
    %mul3A_12 = arith.constant 16 : i32
    %mul3A_13 = arith.muli %add3A_11, %mul3A_12 : i32
    %add3A_14 = arith.addi %mul3A_13, %arg1 : i32
    "tpu.region"() ({
      %run_scoped3A = tpu.sem_alloc : memref<!tpu.dma_semaphore, #tpu.memory_space<semaphore_mem>>
      %dma_start3A_82 = arith.constant 0 : i32
      %dma_start3A_83 = arith.constant 0 : i32
      %dma_start3A_84 = tpu.memref_slice %arg4[%add3A_14, %dma_start3A_82, %dma_start3A_83] : memref<64x200x100xi32, #tpu.memory_space<hbm>> -> memref<1x200x100xi32, #tpu.memory_space<hbm>>
      %dma_start3A_85 = tpu.memref_squeeze %dma_start3A_84 : memref<1x200x100xi32, #tpu.memory_space<hbm>> -> memref<200x100xi32, #tpu.memory_space<hbm>>
      %dma_start3A_86 = arith.constant 0 : i32
      %dma_start3A_87 = arith.constant 0 : i32
      %dma_start3A_88 = tpu.memref_slice %arg4[%add3A_14, %dma_start3A_86, %dma_start3A_87] : memref<64x200x100xi32, #tpu.memory_space<hbm>> -> memref<1x200x100xi32, #tpu.memory_space<hbm>>
      %dma_start3A_89 = tpu.memref_squeeze %dma_start3A_88 : memref<1x200x100xi32, #tpu.memory_space<hbm>> -> memref<200x100xi32, #tpu.memory_space<hbm>>
      tpu.enqueue_dma source(%dma_start3A_89 : memref<200x100xi32, #tpu.memory_space<hbm>>) target(%arg8 : memref<200x100xi32, #tpu.memory_space<vmem>>) target_semaphore(%run_scoped3A : memref<!tpu.dma_semaphore, #tpu.memory_space<semaphore_mem>>)
      %dma_wait3A = arith.constant 0 : i32
      %dma_wait3A_90 = arith.constant 0 : i32
      %dma_wait3A_91 = tpu.memref_slice %arg4[%add3A_14, %dma_wait3A, %dma_wait3A_90] : memref<64x200x100xi32, #tpu.memory_space<hbm>> -> memref<1x200x100xi32, #tpu.memory_space<hbm>>
      %dma_wait3A_92 = tpu.memref_squeeze %dma_wait3A_91 : memref<1x200x100xi32, #tpu.memory_space<hbm>> -> memref<200x100xi32, #tpu.memory_space<hbm>>
      %dma_wait3A_93 = arith.constant 0 : i32
      %dma_wait3A_94 = arith.constant 0 : i32
      %dma_wait3A_95 = tpu.memref_slice %arg4[%add3A_14, %dma_wait3A_93, %dma_wait3A_94] : memref<64x200x100xi32, #tpu.memory_space<hbm>> -> memref<1x200x100xi32, #tpu.memory_space<hbm>>
      %dma_wait3A_96 = tpu.memref_squeeze %dma_wait3A_95 : memref<1x200x100xi32, #tpu.memory_space<hbm>> -> memref<200x100xi32, #tpu.memory_space<hbm>>
      tpu.wait_dma2 semaphore(%run_scoped3A : memref<!tpu.dma_semaphore, #tpu.memory_space<semaphore_mem>>) src(%dma_wait3A_96 : memref<200x100xi32, #tpu.memory_space<hbm>>) dst(%arg8 : memref<200x100xi32, #tpu.memory_space<vmem>>)
      tpu.yield
    }) : () -> ()
    %barrier3A = arith.constant 0 : index
    tpu.barrier barrier_id(%barrier3A)
    %dma_start3A = arith.constant 0 : i32
    %dma_start3A_15 = arith.constant 0 : i32
    %dma_start3A_16 = tpu.memref_slice %arg7[%dma_start3A, %dma_start3A_15] : memref<200x100xi32, #tpu.memory_space<vmem>> -> memref<1x100xi32, #tpu.memory_space<vmem>>
    %dma_start3A_17 = tpu.memref_squeeze %dma_start3A_16 : memref<1x100xi32, #tpu.memory_space<vmem>> -> memref<100xi32, #tpu.memory_space<vmem>>
    %dma_start3A_18 = arith.constant 0 : i32
    %dma_start3A_19 = arith.constant 0 : i32
    %dma_start3A_20 = tpu.memref_slice %arg2[%dma_start3A_18, %dma_start3A_19] : memref<10000x128xf32, #tpu.memory_space<hbm>> -> memref<10000x128xf32, #tpu.memory_space<hbm>>
    tpu.enqueue_indirect_dma source(%dma_start3A_20 : memref<10000x128xf32, #tpu.memory_space<hbm>>) target(%arg9 : memref<100x128xf32, #tpu.memory_space<vmem>>) offsets(%dma_start3A_17 : memref<100xi32, #tpu.memory_space<vmem>>) semaphore(%arg13 : memref<!tpu.dma_semaphore, #tpu.memory_space<semaphore_mem>>)
    %scan3A = arith.constant 0 : i32
    %scan3A_21 = arith.constant 100 : i32
    %scan3A_22 = arith.addi %scan3A, %scan3A_21 : i32
    %scan3A_23 = arith.constant 1 : i32
    scf.for %scan3A_82 = %scan3A to %scan3A_22 step %scan3A_23  : i32 {
      %mul3A_83 = arith.constant 2 : i32
      %mul3A_84 = arith.muli %scan3A_82, %mul3A_83 : i32
      %add3A_85 = arith.constant 0 : i32
      %add3A_86 = arith.addi %add3A_85, %mul3A_84 : i32
      %add3A_87 = arith.constant 1 : i32
      %add3A_88 = arith.addi %add3A_86, %add3A_87 : i32
      %dma_start3A_89 = arith.constant 0 : i32
      %dma_start3A_90 = tpu.memref_slice %arg7[%add3A_88, %dma_start3A_89] : memref<200x100xi32, #tpu.memory_space<vmem>> -> memref<1x100xi32, #tpu.memory_space<vmem>>
      %dma_start3A_91 = tpu.memref_squeeze %dma_start3A_90 : memref<1x100xi32, #tpu.memory_space<vmem>> -> memref<100xi32, #tpu.memory_space<vmem>>
      %dma_start3A_92 = arith.constant 0 : i32
      %dma_start3A_93 = arith.constant 0 : i32
      %dma_start3A_94 = tpu.memref_slice %arg2[%dma_start3A_92, %dma_start3A_93] : memref<10000x128xf32, #tpu.memory_space<hbm>> -> memref<10000x128xf32, #tpu.memory_space<hbm>>
      tpu.enqueue_indirect_dma source(%dma_start3A_94 : memref<10000x128xf32, #tpu.memory_space<hbm>>) target(%arg10 : memref<100x128xf32, #tpu.memory_space<vmem>>) offsets(%dma_start3A_91 : memref<100xi32, #tpu.memory_space<vmem>>) semaphore(%arg14 : memref<!tpu.dma_semaphore, #tpu.memory_space<semaphore_mem>>)
      %dma_wait3A = arith.constant 0 : i32
      %dma_wait3A_95 = tpu.memref_slice %arg7[%add3A_86, %dma_wait3A] : memref<200x100xi32, #tpu.memory_space<vmem>> -> memref<1x100xi32, #tpu.memory_space<vmem>>
      %dma_wait3A_96 = tpu.memref_squeeze %dma_wait3A_95 : memref<1x100xi32, #tpu.memory_space<vmem>> -> memref<100xi32, #tpu.memory_space<vmem>>
      %dma_wait3A_97 = arith.constant 0 : i32
      %dma_wait3A_98 = arith.constant 0 : i32
      %dma_wait3A_99 = tpu.memref_slice %arg2[%dma_wait3A_97, %dma_wait3A_98] : memref<10000x128xf32, #tpu.memory_space<hbm>> -> memref<10000x128xf32, #tpu.memory_space<hbm>>
      tpu.wait_indirect_dma semaphore(%arg13 : memref<!tpu.dma_semaphore, #tpu.memory_space<semaphore_mem>>) src(%dma_wait3A_99 : memref<10000x128xf32, #tpu.memory_space<hbm>>) dst(%arg9 : memref<100x128xf32, #tpu.memory_space<vmem>>)
      "tpu.region"() ({
        %run_scoped3A = tpu.sem_alloc : memref<!tpu.dma_semaphore, #tpu.memory_space<semaphore_mem>>
        %dma_start3A_116 = arith.constant 0 : i32
        %dma_start3A_117 = tpu.memref_slice %arg8[%add3A_86, %dma_start3A_116] : memref<200x100xi32, #tpu.memory_space<vmem>> -> memref<1x100xi32, #tpu.memory_space<vmem>>
        %dma_start3A_118 = tpu.memref_squeeze %dma_start3A_117 : memref<1x100xi32, #tpu.memory_space<vmem>> -> memref<100xi32, #tpu.memory_space<vmem>>
        %dma_start3A_119 = arith.constant 0 : i32
        %dma_start3A_120 = arith.constant 0 : i32
        %dma_start3A_121 = tpu.memref_slice %arg12[%dma_start3A_119, %dma_start3A_120] : memref<2505x128xf32, #tpu.memory_space<vmem_shared>> -> memref<2505x128xf32, #tpu.memory_space<vmem_shared>>
        tpu.enqueue_indirect_dma source(%arg9 : memref<100x128xf32, #tpu.memory_space<vmem>>) target(%dma_start3A_121 : memref<2505x128xf32, #tpu.memory_space<vmem_shared>>) offsets(%dma_start3A_118 : memref<100xi32, #tpu.memory_space<vmem>>) semaphore(%run_scoped3A : memref<!tpu.dma_semaphore, #tpu.memory_space<semaphore_mem>>) {add = true}
        %dma_wait3A_122 = arith.constant 0 : i32
        %dma_wait3A_123 = tpu.memref_slice %arg8[%add3A_86, %dma_wait3A_122] : memref<200x100xi32, #tpu.memory_space<vmem>> -> memref<1x100xi32, #tpu.memory_space<vmem>>
        %dma_wait3A_124 = tpu.memref_squeeze %dma_wait3A_123 : memref<1x100xi32, #tpu.memory_space<vmem>> -> memref<100xi32, #tpu.memory_space<vmem>>
        %dma_wait3A_125 = arith.constant 0 : i32
        %dma_wait3A_126 = arith.constant 0 : i32
        %dma_wait3A_127 = tpu.memref_slice %arg12[%dma_wait3A_125, %dma_wait3A_126] : memref<2505x128xf32, #tpu.memory_space<vmem_shared>> -> memref<2505x128xf32, #tpu.memory_space<vmem_shared>>
        tpu.wait_indirect_dma semaphore(%run_scoped3A : memref<!tpu.dma_semaphore, #tpu.memory_space<semaphore_mem>>) src(%arg9 : memref<100x128xf32, #tpu.memory_space<vmem>>) dst(%dma_wait3A_127 : memref<2505x128xf32, #tpu.memory_space<vmem_shared>>)
        tpu.yield
      }) : () -> ()
      %add3A_100 = arith.constant 2 : i32
      %add3A_101 = arith.addi %add3A_86, %add3A_100 : i32
      %lt3A = arith.constant 200 : i32
      %lt3A_102 = arith.cmpi slt, %add3A_101, %lt3A : i32
      %convert_element_type3A_103 = arith.extui %lt3A_102 : i1 to i32
      %cond3A_104 = arith.constant 0 : i32
      %cond3A_105 = arith.cmpi ne, %convert_element_type3A_103, %cond3A_104 : i32
      scf.if %cond3A_105 {
        %add3A_116 = arith.constant 2 : i32
        %add3A_117 = arith.addi %add3A_86, %add3A_116 : i32
        %dma_start3A_118 = arith.constant 0 : i32
        %dma_start3A_119 = tpu.memref_slice %arg7[%add3A_117, %dma_start3A_118] : memref<200x100xi32, #tpu.memory_space<vmem>> -> memref<1x100xi32, #tpu.memory_space<vmem>>
        %dma_start3A_120 = tpu.memref_squeeze %dma_start3A_119 : memref<1x100xi32, #tpu.memory_space<vmem>> -> memref<100xi32, #tpu.memory_space<vmem>>
        %dma_start3A_121 = arith.constant 0 : i32
        %dma_start3A_122 = arith.constant 0 : i32
        %dma_start3A_123 = tpu.memref_slice %arg2[%dma_start3A_121, %dma_start3A_122] : memref<10000x128xf32, #tpu.memory_space<hbm>> -> memref<10000x128xf32, #tpu.memory_space<hbm>>
        tpu.enqueue_indirect_dma source(%dma_start3A_123 : memref<10000x128xf32, #tpu.memory_space<hbm>>) target(%arg9 : memref<100x128xf32, #tpu.memory_space<vmem>>) offsets(%dma_start3A_120 : memref<100xi32, #tpu.memory_space<vmem>>) semaphore(%arg13 : memref<!tpu.dma_semaphore, #tpu.memory_space<semaphore_mem>>)
      } else {
      }
      %add3A_106 = arith.constant 1 : i32
      %add3A_107 = arith.addi %add3A_86, %add3A_106 : i32
      %dma_wait3A_108 = arith.constant 0 : i32
      %dma_wait3A_109 = tpu.memref_slice %arg7[%add3A_107, %dma_wait3A_108] : memref<200x100xi32, #tpu.memory_space<vmem>> -> memref<1x100xi32, #tpu.memory_space<vmem>>
      %dma_wait3A_110 = tpu.memref_squeeze %dma_wait3A_109 : memref<1x100xi32, #tpu.memory_space<vmem>> -> memref<100xi32, #tpu.memory_space<vmem>>
      %dma_wait3A_111 = arith.constant 0 : i32
      %dma_wait3A_112 = arith.constant 0 : i32
      %dma_wait3A_113 = tpu.memref_slice %arg2[%dma_wait3A_111, %dma_wait3A_112] : memref<10000x128xf32, #tpu.memory_space<hbm>> -> memref<10000x128xf32, #tpu.memory_space<hbm>>
      tpu.wait_indirect_dma semaphore(%arg14 : memref<!tpu.dma_semaphore, #tpu.memory_space<semaphore_mem>>) src(%dma_wait3A_113 : memref<10000x128xf32, #tpu.memory_space<hbm>>) dst(%arg10 : memref<100x128xf32, #tpu.memory_space<vmem>>)
      %add3A_114 = arith.constant 1 : i32
      %add3A_115 = arith.addi %add3A_86, %add3A_114 : i32
      "tpu.region"() ({
        %run_scoped3A = tpu.sem_alloc : memref<!tpu.dma_semaphore, #tpu.memory_space<semaphore_mem>>
        %dma_start3A_116 = arith.constant 0 : i32
        %dma_start3A_117 = tpu.memref_slice %arg8[%add3A_115, %dma_start3A_116] : memref<200x100xi32, #tpu.memory_space<vmem>> -> memref<1x100xi32, #tpu.memory_space<vmem>>
        %dma_start3A_118 = tpu.memref_squeeze %dma_start3A_117 : memref<1x100xi32, #tpu.memory_space<vmem>> -> memref<100xi32, #tpu.memory_space<vmem>>
        %dma_start3A_119 = arith.constant 0 : i32
        %dma_start3A_120 = arith.constant 0 : i32
        %dma_start3A_121 = tpu.memref_slice %arg12[%dma_start3A_119, %dma_start3A_120] : memref<2505x128xf32, #tpu.memory_space<vmem_shared>> -> memref<2505x128xf32, #tpu.memory_space<vmem_shared>>
        tpu.enqueue_indirect_dma source(%arg10 : memref<100x128xf32, #tpu.memory_space<vmem>>) target(%dma_start3A_121 : memref<2505x128xf32, #tpu.memory_space<vmem_shared>>) offsets(%dma_start3A_118 : memref<100xi32, #tpu.memory_space<vmem>>) semaphore(%run_scoped3A : memref<!tpu.dma_semaphore, #tpu.memory_space<semaphore_mem>>) {add = true}
        %dma_wait3A_122 = arith.constant 0 : i32
        %dma_wait3A_123 = tpu.memref_slice %arg8[%add3A_115, %dma_wait3A_122] : memref<200x100xi32, #tpu.memory_space<vmem>> -> memref<1x100xi32, #tpu.memory_space<vmem>>
        %dma_wait3A_124 = tpu.memref_squeeze %dma_wait3A_123 : memref<1x100xi32, #tpu.memory_space<vmem>> -> memref<100xi32, #tpu.memory_space<vmem>>
        %dma_wait3A_125 = arith.constant 0 : i32
        %dma_wait3A_126 = arith.constant 0 : i32
        %dma_wait3A_127 = tpu.memref_slice %arg12[%dma_wait3A_125, %dma_wait3A_126] : memref<2505x128xf32, #tpu.memory_space<vmem_shared>> -> memref<2505x128xf32, #tpu.memory_space<vmem_shared>>
        tpu.wait_indirect_dma semaphore(%run_scoped3A : memref<!tpu.dma_semaphore, #tpu.memory_space<semaphore_mem>>) src(%arg10 : memref<100x128xf32, #tpu.memory_space<vmem>>) dst(%dma_wait3A_127 : memref<2505x128xf32, #tpu.memory_space<vmem_shared>>)
        tpu.yield
      }) : () -> ()
    }
    %scan3A_24 = arith.constant 100 : i32
    %barrier3A_25 = arith.constant 0 : index
    tpu.barrier barrier_id(%barrier3A_25)
    "tpu.region"() ({
      %run_scoped3A = tpu.sem_alloc : memref<!tpu.dma_semaphore, #tpu.memory_space<semaphore_mem>>
      %dma_start3A_82 = arith.constant 0 : i32
      %dma_start3A_83 = tpu.memref_slice %arg12[%mul3A_0, %dma_start3A_82] : memref<2505x128xf32, #tpu.memory_space<vmem_shared>> -> memref<104x128xf32, #tpu.memory_space<vmem_shared>>
      %dma_start3A_84 = arith.constant 0 : i32
      %dma_start3A_85 = tpu.memref_slice %arg12[%mul3A_0, %dma_start3A_84] : memref<2505x128xf32, #tpu.memory_space<vmem_shared>> -> memref<104x128xf32, #tpu.memory_space<vmem_shared>>
      tpu.enqueue_dma source(%dma_start3A_85 : memref<104x128xf32, #tpu.memory_space<vmem_shared>>) target(%arg11 : memref<104x128xf32, #tpu.memory_space<vmem>>) target_semaphore(%run_scoped3A : memref<!tpu.dma_semaphore, #tpu.memory_space<semaphore_mem>>)
      %dma_wait3A = arith.constant 0 : i32
      %dma_wait3A_86 = tpu.memref_slice %arg12[%mul3A_0, %dma_wait3A] : memref<2505x128xf32, #tpu.memory_space<vmem_shared>> -> memref<104x128xf32, #tpu.memory_space<vmem_shared>>
      %dma_wait3A_87 = arith.constant 0 : i32
      %dma_wait3A_88 = tpu.memref_slice %arg12[%mul3A_0, %dma_wait3A_87] : memref<2505x128xf32, #tpu.memory_space<vmem_shared>> -> memref<104x128xf32, #tpu.memory_space<vmem_shared>>
      tpu.wait_dma2 semaphore(%run_scoped3A : memref<!tpu.dma_semaphore, #tpu.memory_space<semaphore_mem>>) src(%dma_wait3A_88 : memref<104x128xf32, #tpu.memory_space<vmem_shared>>) dst(%arg11 : memref<104x128xf32, #tpu.memory_space<vmem>>)
      tpu.yield
    }) : () -> ()
    %add3A_26 = arith.addi %add3A_3, %mul3A_0 : i32
    "tpu.region"() ({
      %run_scoped3A = tpu.sem_alloc : memref<!tpu.dma_semaphore, #tpu.memory_space<semaphore_mem>>
      %dma_start3A_82 = arith.constant 0 : i32
      %dma_start3A_83 = tpu.memref_slice %arg6[%add3A_26, %dma_start3A_82] : memref<10000x128xf32, #tpu.memory_space<hbm>> -> memref<104x128xf32, #tpu.memory_space<hbm>>
      %dma_start3A_84 = arith.constant 0 : i32
      %dma_start3A_85 = tpu.memref_slice %arg6[%add3A_26, %dma_start3A_84] : memref<10000x128xf32, #tpu.memory_space<hbm>> -> memref<104x128xf32, #tpu.memory_space<hbm>>
      tpu.enqueue_dma source(%arg11 : memref<104x128xf32, #tpu.memory_space<vmem>>) target(%dma_start3A_85 : memref<104x128xf32, #tpu.memory_space<hbm>>) target_semaphore(%run_scoped3A : memref<!tpu.dma_semaphore, #tpu.memory_space<semaphore_mem>>)
      %dma_wait3A = arith.constant 0 : i32
      %dma_wait3A_86 = tpu.memref_slice %arg6[%add3A_26, %dma_wait3A] : memref<10000x128xf32, #tpu.memory_space<hbm>> -> memref<104x128xf32, #tpu.memory_space<hbm>>
      %dma_wait3A_87 = arith.constant 0 : i32
      %dma_wait3A_88 = tpu.memref_slice %arg6[%add3A_26, %dma_wait3A_87] : memref<10000x128xf32, #tpu.memory_space<hbm>> -> memref<104x128xf32, #tpu.memory_space<hbm>>
      tpu.wait_dma2 semaphore(%run_scoped3A : memref<!tpu.dma_semaphore, #tpu.memory_space<semaphore_mem>>) src(%arg11 : memref<104x128xf32, #tpu.memory_space<vmem>>) dst(%dma_wait3A_88 : memref<104x128xf32, #tpu.memory_space<hbm>>)
      tpu.yield
    }) : () -> ()
    %add3A_27 = arith.constant 104 : i32
    %add3A_28 = arith.addi %mul3A_0, %add3A_27 : i32
    "tpu.region"() ({
      %run_scoped3A = tpu.sem_alloc : memref<!tpu.dma_semaphore, #tpu.memory_space<semaphore_mem>>
      %dma_start3A_82 = arith.constant 0 : i32
      %dma_start3A_83 = arith.constant 0 : i32
      %dma_start3A_84 = tpu.memref_slice %arg11[%dma_start3A_82, %dma_start3A_83] : memref<104x128xf32, #tpu.memory_space<vmem>> -> memref<48x128xf32, #tpu.memory_space<vmem>>
      %dma_start3A_85 = arith.constant 0 : i32
      %dma_start3A_86 = tpu.memref_slice %arg12[%add3A_28, %dma_start3A_85] : memref<2505x128xf32, #tpu.memory_space<vmem_shared>> -> memref<48x128xf32, #tpu.memory_space<vmem_shared>>
      %dma_start3A_87 = arith.constant 0 : i32
      %dma_start3A_88 = arith.constant 0 : i32
      %dma_start3A_89 = tpu.memref_slice %arg11[%dma_start3A_87, %dma_start3A_88] : memref<104x128xf32, #tpu.memory_space<vmem>> -> memref<48x128xf32, #tpu.memory_space<vmem>>
      %dma_start3A_90 = arith.constant 0 : i32
      %dma_start3A_91 = tpu.memref_slice %arg12[%add3A_28, %dma_start3A_90] : memref<2505x128xf32, #tpu.memory_space<vmem_shared>> -> memref<48x128xf32, #tpu.memory_space<vmem_shared>>
      tpu.enqueue_dma source(%dma_start3A_91 : memref<48x128xf32, #tpu.memory_space<vmem_shared>>) target(%dma_start3A_89 : memref<48x128xf32, #tpu.memory_space<vmem>>) target_semaphore(%run_scoped3A : memref<!tpu.dma_semaphore, #tpu.memory_space<semaphore_mem>>)
      %dma_wait3A = arith.constant 0 : i32
      %dma_wait3A_92 = arith.constant 0 : i32
      %dma_wait3A_93 = tpu.memref_slice %arg11[%dma_wait3A, %dma_wait3A_92] : memref<104x128xf32, #tpu.memory_space<vmem>> -> memref<48x128xf32, #tpu.memory_space<vmem>>
      %dma_wait3A_94 = arith.constant 0 : i32
      %dma_wait3A_95 = tpu.memref_slice %arg12[%add3A_28, %dma_wait3A_94] : memref<2505x128xf32, #tpu.memory_space<vmem_shared>> -> memref<48x128xf32, #tpu.memory_space<vmem_shared>>
      %dma_wait3A_96 = arith.constant 0 : i32
      %dma_wait3A_97 = arith.constant 0 : i32
      %dma_wait3A_98 = tpu.memref_slice %arg11[%dma_wait3A_96, %dma_wait3A_97] : memref<104x128xf32, #tpu.memory_space<vmem>> -> memref<48x128xf32, #tpu.memory_space<vmem>>
      %dma_wait3A_99 = arith.constant 0 : i32
      %dma_wait3A_100 = tpu.memref_slice %arg12[%add3A_28, %dma_wait3A_99] : memref<2505x128xf32, #tpu.memory_space<vmem_shared>> -> memref<48x128xf32, #tpu.memory_space<vmem_shared>>
      tpu.wait_dma2 semaphore(%run_scoped3A : memref<!tpu.dma_semaphore, #tpu.memory_space<semaphore_mem>>) src(%dma_wait3A_100 : memref<48x128xf32, #tpu.memory_space<vmem_shared>>) dst(%dma_wait3A_98 : memref<48x128xf32, #tpu.memory_space<vmem>>)
      tpu.yield
    }) : () -> ()
    %add3A_29 = arith.addi %add3A_3, %mul3A_0 : i32
    %add3A_30 = arith.constant 104 : i32
    %add3A_31 = arith.addi %add3A_29, %add3A_30 : i32
    "tpu.region"() ({
      %run_scoped3A = tpu.sem_alloc : memref<!tpu.dma_semaphore, #tpu.memory_space<semaphore_mem>>
      %dma_start3A_82 = arith.constant 0 : i32
      %dma_start3A_83 = arith.constant 0 : i32
      %dma_start3A_84 = tpu.memref_slice %arg11[%dma_start3A_82, %dma_start3A_83] : memref<104x128xf32, #tpu.memory_space<vmem>> -> memref<48x128xf32, #tpu.memory_space<vmem>>
      %dma_start3A_85 = arith.constant 0 : i32
      %dma_start3A_86 = tpu.memref_slice %arg6[%add3A_31, %dma_start3A_85] : memref<10000x128xf32, #tpu.memory_space<hbm>> -> memref<48x128xf32, #tpu.memory_space<hbm>>
      %dma_start3A_87 = arith.constant 0 : i32
      %dma_start3A_88 = tpu.memref_slice %arg6[%add3A_31, %dma_start3A_87] : memref<10000x128xf32, #tpu.memory_space<hbm>> -> memref<48x128xf32, #tpu.memory_space<hbm>>
      %dma_start3A_89 = arith.constant 0 : i32
      %dma_start3A_90 = arith.constant 0 : i32
      %dma_start3A_91 = tpu.memref_slice %arg11[%dma_start3A_89, %dma_start3A_90] : memref<104x128xf32, #tpu.memory_space<vmem>> -> memref<48x128xf32, #tpu.memory_space<vmem>>
      tpu.enqueue_dma source(%dma_start3A_91 : memref<48x128xf32, #tpu.memory_space<vmem>>) target(%dma_start3A_88 : memref<48x128xf32, #tpu.memory_space<hbm>>) target_semaphore(%run_scoped3A : memref<!tpu.dma_semaphore, #tpu.memory_space<semaphore_mem>>)
      %dma_wait3A = arith.constant 0 : i32
      %dma_wait3A_92 = arith.constant 0 : i32
      %dma_wait3A_93 = tpu.memref_slice %arg11[%dma_wait3A, %dma_wait3A_92] : memref<104x128xf32, #tpu.memory_space<vmem>> -> memref<48x128xf32, #tpu.memory_space<vmem>>
      %dma_wait3A_94 = arith.constant 0 : i32
      %dma_wait3A_95 = tpu.memref_slice %arg6[%add3A_31, %dma_wait3A_94] : memref<10000x128xf32, #tpu.memory_space<hbm>> -> memref<48x128xf32, #tpu.memory_space<hbm>>
      %dma_wait3A_96 = arith.constant 0 : i32
      %dma_wait3A_97 = tpu.memref_slice %arg6[%add3A_31, %dma_wait3A_96] : memref<10000x128xf32, #tpu.memory_space<hbm>> -> memref<48x128xf32, #tpu.memory_space<hbm>>
      %dma_wait3A_98 = arith.constant 0 : i32
      %dma_wait3A_99 = arith.constant 0 : i32
      %dma_wait3A_100 = tpu.memref_slice %arg11[%dma_wait3A_98, %dma_wait3A_99] : memref<104x128xf32, #tpu.memory_space<vmem>> -> memref<48x128xf32, #tpu.memory_space<vmem>>
      tpu.wait_dma2 semaphore(%run_scoped3A : memref<!tpu.dma_semaphore, #tpu.memory_space<semaphore_mem>>) src(%dma_wait3A_100 : memref<48x128xf32, #tpu.memory_space<vmem>>) dst(%dma_wait3A_97 : memref<48x128xf32, #tpu.memory_space<hbm>>)
      tpu.yield
    }) : () -> ()
    %eq3A_32 = arith.constant 15 : i32
    %eq3A_33 = arith.cmpi eq, %arg1, %eq3A_32 : i32
    %convert_element_type3A_34 = arith.extui %eq3A_33 : i1 to i32
    %cond3A_35 = arith.constant 0 : i32
    %cond3A_36 = arith.cmpi ne, %convert_element_type3A_34, %cond3A_35 : i32
    scf.if %cond3A_36 {
      "tpu.region"() ({
        %run_scoped3A = tpu.sem_alloc : memref<!tpu.dma_semaphore, #tpu.memory_space<semaphore_mem>>
        %dma_start3A_84 = arith.constant 0 : i32
        %dma_start3A_85 = arith.constant 0 : i32
        %dma_start3A_86 = tpu.memref_slice %arg11[%dma_start3A_84, %dma_start3A_85] : memref<104x128xf32, #tpu.memory_space<vmem>> -> memref<72x128xf32, #tpu.memory_space<vmem>>
        %dma_start3A_87 = arith.constant 2432 : i32
        %dma_start3A_88 = arith.constant 0 : i32
        %dma_start3A_89 = tpu.memref_slice %arg12[%dma_start3A_87, %dma_start3A_88] : memref<2505x128xf32, #tpu.memory_space<vmem_shared>> -> memref<72x128xf32, #tpu.memory_space<vmem_shared>>
        %dma_start3A_90 = arith.constant 0 : i32
        %dma_start3A_91 = arith.constant 0 : i32
        %dma_start3A_92 = tpu.memref_slice %arg11[%dma_start3A_90, %dma_start3A_91] : memref<104x128xf32, #tpu.memory_space<vmem>> -> memref<72x128xf32, #tpu.memory_space<vmem>>
        %dma_start3A_93 = arith.constant 2432 : i32
        %dma_start3A_94 = arith.constant 0 : i32
        %dma_start3A_95 = tpu.memref_slice %arg12[%dma_start3A_93, %dma_start3A_94] : memref<2505x128xf32, #tpu.memory_space<vmem_shared>> -> memref<72x128xf32, #tpu.memory_space<vmem_shared>>
        tpu.enqueue_dma source(%dma_start3A_95 : memref<72x128xf32, #tpu.memory_space<vmem_shared>>) target(%dma_start3A_92 : memref<72x128xf32, #tpu.memory_space<vmem>>) target_semaphore(%run_scoped3A : memref<!tpu.dma_semaphore, #tpu.memory_space<semaphore_mem>>)
        %dma_wait3A = arith.constant 0 : i32
        %dma_wait3A_96 = arith.constant 0 : i32
        %dma_wait3A_97 = tpu.memref_slice %arg11[%dma_wait3A, %dma_wait3A_96] : memref<104x128xf32, #tpu.memory_space<vmem>> -> memref<72x128xf32, #tpu.memory_space<vmem>>
        %dma_wait3A_98 = arith.constant 2432 : i32
        %dma_wait3A_99 = arith.constant 0 : i32
        %dma_wait3A_100 = tpu.memref_slice %arg12[%dma_wait3A_98, %dma_wait3A_99] : memref<2505x128xf32, #tpu.memory_space<vmem_shared>> -> memref<72x128xf32, #tpu.memory_space<vmem_shared>>
        %dma_wait3A_101 = arith.constant 0 : i32
        %dma_wait3A_102 = arith.constant 0 : i32
        %dma_wait3A_103 = tpu.memref_slice %arg11[%dma_wait3A_101, %dma_wait3A_102] : memref<104x128xf32, #tpu.memory_space<vmem>> -> memref<72x128xf32, #tpu.memory_space<vmem>>
        %dma_wait3A_104 = arith.constant 2432 : i32
        %dma_wait3A_105 = arith.constant 0 : i32
        %dma_wait3A_106 = tpu.memref_slice %arg12[%dma_wait3A_104, %dma_wait3A_105] : memref<2505x128xf32, #tpu.memory_space<vmem_shared>> -> memref<72x128xf32, #tpu.memory_space<vmem_shared>>
        tpu.wait_dma2 semaphore(%run_scoped3A : memref<!tpu.dma_semaphore, #tpu.memory_space<semaphore_mem>>) src(%dma_wait3A_106 : memref<72x128xf32, #tpu.memory_space<vmem_shared>>) dst(%dma_wait3A_103 : memref<72x128xf32, #tpu.memory_space<vmem>>)
        tpu.yield
      }) : () -> ()
      %add3A_82 = arith.constant 2432 : i32
      %add3A_83 = arith.addi %add3A_3, %add3A_82 : i32
      "tpu.region"() ({
        %run_scoped3A = tpu.sem_alloc : memref<!tpu.dma_semaphore, #tpu.memory_space<semaphore_mem>>
        %dma_start3A_84 = arith.constant 0 : i32
        %dma_start3A_85 = arith.constant 0 : i32
        %dma_start3A_86 = tpu.memref_slice %arg11[%dma_start3A_84, %dma_start3A_85] : memref<104x128xf32, #tpu.memory_space<vmem>> -> memref<72x128xf32, #tpu.memory_space<vmem>>
        %dma_start3A_87 = arith.constant 0 : i32
        %dma_start3A_88 = tpu.memref_slice %arg6[%add3A_83, %dma_start3A_87] : memref<10000x128xf32, #tpu.memory_space<hbm>> -> memref<72x128xf32, #tpu.memory_space<hbm>>
        %dma_start3A_89 = arith.constant 0 : i32
        %dma_start3A_90 = tpu.memref_slice %arg6[%add3A_83, %dma_start3A_89] : memref<10000x128xf32, #tpu.memory_space<hbm>> -> memref<72x128xf32, #tpu.memory_space<hbm>>
        %dma_start3A_91 = arith.constant 0 : i32
        %dma_start3A_92 = arith.constant 0 : i32
        %dma_start3A_93 = tpu.memref_slice %arg11[%dma_start3A_91, %dma_start3A_92] : memref<104x128xf32, #tpu.memory_space<vmem>> -> memref<72x128xf32, #tpu.memory_space<vmem>>
        tpu.enqueue_dma source(%dma_start3A_93 : memref<72x128xf32, #tpu.memory_space<vmem>>) target(%dma_start3A_90 : memref<72x128xf32, #tpu.memory_space<hbm>>) target_semaphore(%run_scoped3A : memref<!tpu.dma_semaphore, #tpu.memory_space<semaphore_mem>>)
        %dma_wait3A = arith.constant 0 : i32
        %dma_wait3A_94 = arith.constant 0 : i32
        %dma_wait3A_95 = tpu.memref_slice %arg11[%dma_wait3A, %dma_wait3A_94] : memref<104x128xf32, #tpu.memory_space<vmem>> -> memref<72x128xf32, #tpu.memory_space<vmem>>
        %dma_wait3A_96 = arith.constant 0 : i32
        %dma_wait3A_97 = tpu.memref_slice %arg6[%add3A_83, %dma_wait3A_96] : memref<10000x128xf32, #tpu.memory_space<hbm>> -> memref<72x128xf32, #tpu.memory_space<hbm>>
        %dma_wait3A_98 = arith.constant 0 : i32
        %dma_wait3A_99 = tpu.memref_slice %arg6[%add3A_83, %dma_wait3A_98] : memref<10000x128xf32, #tpu.memory_space<hbm>> -> memref<72x128xf32, #tpu.memory_space<hbm>>
        %dma_wait3A_100 = arith.constant 0 : i32
        %dma_wait3A_101 = arith.constant 0 : i32
        %dma_wait3A_102 = tpu.memref_slice %arg11[%dma_wait3A_100, %dma_wait3A_101] : memref<104x128xf32, #tpu.memory_space<vmem>> -> memref<72x128xf32, #tpu.memory_space<vmem>>
        tpu.wait_dma2 semaphore(%run_scoped3A : memref<!tpu.dma_semaphore, #tpu.memory_space<semaphore_mem>>) src(%dma_wait3A_102 : memref<72x128xf32, #tpu.memory_space<vmem>>) dst(%dma_wait3A_99 : memref<72x128xf32, #tpu.memory_space<hbm>>)
        tpu.yield
      }) : () -> ()
    } else {
    }
    %barrier3A_37 = arith.constant 0 : index
    tpu.barrier barrier_id(%barrier3A_37)
    %mul3A_38 = arith.constant 5000 : i32
    %mul3A_39 = arith.muli %arg0, %mul3A_38 : i32
    %add3A_40 = arith.constant 2504 : i32
    %add3A_41 = arith.addi %mul3A_39, %add3A_40 : i32
    "tpu.region"() ({
      %run_scoped3A = tpu.sem_alloc : memref<!tpu.dma_semaphore, #tpu.memory_space<semaphore_mem>>
      tpu.enqueue_dma source(%arg5 : memref<104x128xf32, #tpu.memory_space<hbm>>) target(%arg11 : memref<104x128xf32, #tpu.memory_space<vmem>>) target_semaphore(%run_scoped3A : memref<!tpu.dma_semaphore, #tpu.memory_space<semaphore_mem>>)
      tpu.wait_dma2 semaphore(%run_scoped3A : memref<!tpu.dma_semaphore, #tpu.memory_space<semaphore_mem>>) src(%arg5 : memref<104x128xf32, #tpu.memory_space<hbm>>) dst(%arg11 : memref<104x128xf32, #tpu.memory_space<vmem>>)
      tpu.yield
    }) : () -> ()
    "tpu.region"() ({
      %run_scoped3A = tpu.sem_alloc : memref<!tpu.dma_semaphore, #tpu.memory_space<semaphore_mem>>
      %dma_start3A_82 = arith.constant 0 : i32
      %dma_start3A_83 = tpu.memref_slice %arg12[%mul3A_0, %dma_start3A_82] : memref<2505x128xf32, #tpu.memory_space<vmem_shared>> -> memref<104x128xf32, #tpu.memory_space<vmem_shared>>
      %dma_start3A_84 = arith.constant 0 : i32
      %dma_start3A_85 = tpu.memref_slice %arg12[%mul3A_0, %dma_start3A_84] : memref<2505x128xf32, #tpu.memory_space<vmem_shared>> -> memref<104x128xf32, #tpu.memory_space<vmem_shared>>
      tpu.enqueue_dma source(%arg11 : memref<104x128xf32, #tpu.memory_space<vmem>>) target(%dma_start3A_85 : memref<104x128xf32, #tpu.memory_space<vmem_shared>>) target_semaphore(%run_scoped3A : memref<!tpu.dma_semaphore, #tpu.memory_space<semaphore_mem>>)
      %dma_wait3A = arith.constant 0 : i32
      %dma_wait3A_86 = tpu.memref_slice %arg12[%mul3A_0, %dma_wait3A] : memref<2505x128xf32, #tpu.memory_space<vmem_shared>> -> memref<104x128xf32, #tpu.memory_space<vmem_shared>>
      %dma_wait3A_87 = arith.constant 0 : i32
      %dma_wait3A_88 = tpu.memref_slice %arg12[%mul3A_0, %dma_wait3A_87] : memref<2505x128xf32, #tpu.memory_space<vmem_shared>> -> memref<104x128xf32, #tpu.memory_space<vmem_shared>>
      tpu.wait_dma2 semaphore(%run_scoped3A : memref<!tpu.dma_semaphore, #tpu.memory_space<semaphore_mem>>) src(%arg11 : memref<104x128xf32, #tpu.memory_space<vmem>>) dst(%dma_wait3A_88 : memref<104x128xf32, #tpu.memory_space<vmem_shared>>)
      tpu.yield
    }) : () -> ()
    %add3A_42 = arith.constant 104 : i32
    %add3A_43 = arith.addi %mul3A_0, %add3A_42 : i32
    "tpu.region"() ({
      %run_scoped3A = tpu.sem_alloc : memref<!tpu.dma_semaphore, #tpu.memory_space<semaphore_mem>>
      %dma_start3A_82 = arith.constant 0 : i32
      %dma_start3A_83 = arith.constant 0 : i32
      %dma_start3A_84 = tpu.memref_slice %arg11[%dma_start3A_82, %dma_start3A_83] : memref<104x128xf32, #tpu.memory_space<vmem>> -> memref<48x128xf32, #tpu.memory_space<vmem>>
      %dma_start3A_85 = arith.constant 0 : i32
      %dma_start3A_86 = tpu.memref_slice %arg12[%add3A_43, %dma_start3A_85] : memref<2505x128xf32, #tpu.memory_space<vmem_shared>> -> memref<48x128xf32, #tpu.memory_space<vmem_shared>>
      %dma_start3A_87 = arith.constant 0 : i32
      %dma_start3A_88 = tpu.memref_slice %arg12[%add3A_43, %dma_start3A_87] : memref<2505x128xf32, #tpu.memory_space<vmem_shared>> -> memref<48x128xf32, #tpu.memory_space<vmem_shared>>
      %dma_start3A_89 = arith.constant 0 : i32
      %dma_start3A_90 = arith.constant 0 : i32
      %dma_start3A_91 = tpu.memref_slice %arg11[%dma_start3A_89, %dma_start3A_90] : memref<104x128xf32, #tpu.memory_space<vmem>> -> memref<48x128xf32, #tpu.memory_space<vmem>>
      tpu.enqueue_dma source(%dma_start3A_91 : memref<48x128xf32, #tpu.memory_space<vmem>>) target(%dma_start3A_88 : memref<48x128xf32, #tpu.memory_space<vmem_shared>>) target_semaphore(%run_scoped3A : memref<!tpu.dma_semaphore, #tpu.memory_space<semaphore_mem>>)
      %dma_wait3A = arith.constant 0 : i32
      %dma_wait3A_92 = arith.constant 0 : i32
      %dma_wait3A_93 = tpu.memref_slice %arg11[%dma_wait3A, %dma_wait3A_92] : memref<104x128xf32, #tpu.memory_space<vmem>> -> memref<48x128xf32, #tpu.memory_space<vmem>>
      %dma_wait3A_94 = arith.constant 0 : i32
      %dma_wait3A_95 = tpu.memref_slice %arg12[%add3A_43, %dma_wait3A_94] : memref<2505x128xf32, #tpu.memory_space<vmem_shared>> -> memref<48x128xf32, #tpu.memory_space<vmem_shared>>
      %dma_wait3A_96 = arith.constant 0 : i32
      %dma_wait3A_97 = tpu.memref_slice %arg12[%add3A_43, %dma_wait3A_96] : memref<2505x128xf32, #tpu.memory_space<vmem_shared>> -> memref<48x128xf32, #tpu.memory_space<vmem_shared>>
      %dma_wait3A_98 = arith.constant 0 : i32
      %dma_wait3A_99 = arith.constant 0 : i32
      %dma_wait3A_100 = tpu.memref_slice %arg11[%dma_wait3A_98, %dma_wait3A_99] : memref<104x128xf32, #tpu.memory_space<vmem>> -> memref<48x128xf32, #tpu.memory_space<vmem>>
      tpu.wait_dma2 semaphore(%run_scoped3A : memref<!tpu.dma_semaphore, #tpu.memory_space<semaphore_mem>>) src(%dma_wait3A_100 : memref<48x128xf32, #tpu.memory_space<vmem>>) dst(%dma_wait3A_97 : memref<48x128xf32, #tpu.memory_space<vmem_shared>>)
      tpu.yield
    }) : () -> ()
    %eq3A_44 = arith.constant 15 : i32
    %eq3A_45 = arith.cmpi eq, %arg1, %eq3A_44 : i32
    %convert_element_type3A_46 = arith.extui %eq3A_45 : i1 to i32
    %cond3A_47 = arith.constant 0 : i32
    %cond3A_48 = arith.cmpi ne, %convert_element_type3A_46, %cond3A_47 : i32
    scf.if %cond3A_48 {
      "tpu.region"() ({
        %run_scoped3A = tpu.sem_alloc : memref<!tpu.dma_semaphore, #tpu.memory_space<semaphore_mem>>
        %dma_start3A_82 = arith.constant 0 : i32
        %dma_start3A_83 = arith.constant 0 : i32
        %dma_start3A_84 = tpu.memref_slice %arg11[%dma_start3A_82, %dma_start3A_83] : memref<104x128xf32, #tpu.memory_space<vmem>> -> memref<64x128xf32, #tpu.memory_space<vmem>>
        %dma_start3A_85 = arith.constant 2432 : i32
        %dma_start3A_86 = arith.constant 0 : i32
        %dma_start3A_87 = tpu.memref_slice %arg12[%dma_start3A_85, %dma_start3A_86] : memref<2505x128xf32, #tpu.memory_space<vmem_shared>> -> memref<64x128xf32, #tpu.memory_space<vmem_shared>>
        %dma_start3A_88 = arith.constant 2432 : i32
        %dma_start3A_89 = arith.constant 0 : i32
        %dma_start3A_90 = tpu.memref_slice %arg12[%dma_start3A_88, %dma_start3A_89] : memref<2505x128xf32, #tpu.memory_space<vmem_shared>> -> memref<64x128xf32, #tpu.memory_space<vmem_shared>>
        %dma_start3A_91 = arith.constant 0 : i32
        %dma_start3A_92 = arith.constant 0 : i32
        %dma_start3A_93 = tpu.memref_slice %arg11[%dma_start3A_91, %dma_start3A_92] : memref<104x128xf32, #tpu.memory_space<vmem>> -> memref<64x128xf32, #tpu.memory_space<vmem>>
        tpu.enqueue_dma source(%dma_start3A_93 : memref<64x128xf32, #tpu.memory_space<vmem>>) target(%dma_start3A_90 : memref<64x128xf32, #tpu.memory_space<vmem_shared>>) target_semaphore(%run_scoped3A : memref<!tpu.dma_semaphore, #tpu.memory_space<semaphore_mem>>)
        %dma_wait3A = arith.constant 0 : i32
        %dma_wait3A_94 = arith.constant 0 : i32
        %dma_wait3A_95 = tpu.memref_slice %arg11[%dma_wait3A, %dma_wait3A_94] : memref<104x128xf32, #tpu.memory_space<vmem>> -> memref<64x128xf32, #tpu.memory_space<vmem>>
        %dma_wait3A_96 = arith.constant 2432 : i32
        %dma_wait3A_97 = arith.constant 0 : i32
        %dma_wait3A_98 = tpu.memref_slice %arg12[%dma_wait3A_96, %dma_wait3A_97] : memref<2505x128xf32, #tpu.memory_space<vmem_shared>> -> memref<64x128xf32, #tpu.memory_space<vmem_shared>>
        %dma_wait3A_99 = arith.constant 2432 : i32
        %dma_wait3A_100 = arith.constant 0 : i32
        %dma_wait3A_101 = tpu.memref_slice %arg12[%dma_wait3A_99, %dma_wait3A_100] : memref<2505x128xf32, #tpu.memory_space<vmem_shared>> -> memref<64x128xf32, #tpu.memory_space<vmem_shared>>
        %dma_wait3A_102 = arith.constant 0 : i32
        %dma_wait3A_103 = arith.constant 0 : i32
        %dma_wait3A_104 = tpu.memref_slice %arg11[%dma_wait3A_102, %dma_wait3A_103] : memref<104x128xf32, #tpu.memory_space<vmem>> -> memref<64x128xf32, #tpu.memory_space<vmem>>
        tpu.wait_dma2 semaphore(%run_scoped3A : memref<!tpu.dma_semaphore, #tpu.memory_space<semaphore_mem>>) src(%dma_wait3A_104 : memref<64x128xf32, #tpu.memory_space<vmem>>) dst(%dma_wait3A_101 : memref<64x128xf32, #tpu.memory_space<vmem_shared>>)
        tpu.yield
      }) : () -> ()
    } else {
    }
    %mul3A_49 = arith.constant 2 : i32
    %mul3A_50 = arith.muli %arg0, %mul3A_49 : i32
    %add3A_51 = arith.constant 1 : i32
    %add3A_52 = arith.addi %mul3A_50, %add3A_51 : i32
    %mul3A_53 = arith.constant 16 : i32
    %mul3A_54 = arith.muli %add3A_52, %mul3A_53 : i32
    %add3A_55 = arith.addi %mul3A_54, %arg1 : i32
    "tpu.region"() ({
      %run_scoped3A = tpu.sem_alloc : memref<!tpu.dma_semaphore, #tpu.memory_space<semaphore_mem>>
      %dma_start3A_82 = arith.constant 0 : i32
      %dma_start3A_83 = arith.constant 0 : i32
      %dma_start3A_84 = tpu.memref_slice %arg4[%add3A_55, %dma_start3A_82, %dma_start3A_83] : memref<64x200x100xi32, #tpu.memory_space<hbm>> -> memref<1x200x100xi32, #tpu.memory_space<hbm>>
      %dma_start3A_85 = tpu.memref_squeeze %dma_start3A_84 : memref<1x200x100xi32, #tpu.memory_space<hbm>> -> memref<200x100xi32, #tpu.memory_space<hbm>>
      %dma_start3A_86 = arith.constant 0 : i32
      %dma_start3A_87 = arith.constant 0 : i32
      %dma_start3A_88 = tpu.memref_slice %arg4[%add3A_55, %dma_start3A_86, %dma_start3A_87] : memref<64x200x100xi32, #tpu.memory_space<hbm>> -> memref<1x200x100xi32, #tpu.memory_space<hbm>>
      %dma_start3A_89 = tpu.memref_squeeze %dma_start3A_88 : memref<1x200x100xi32, #tpu.memory_space<hbm>> -> memref<200x100xi32, #tpu.memory_space<hbm>>
      tpu.enqueue_dma source(%dma_start3A_89 : memref<200x100xi32, #tpu.memory_space<hbm>>) target(%arg8 : memref<200x100xi32, #tpu.memory_space<vmem>>) target_semaphore(%run_scoped3A : memref<!tpu.dma_semaphore, #tpu.memory_space<semaphore_mem>>)
      %dma_wait3A = arith.constant 0 : i32
      %dma_wait3A_90 = arith.constant 0 : i32
      %dma_wait3A_91 = tpu.memref_slice %arg4[%add3A_55, %dma_wait3A, %dma_wait3A_90] : memref<64x200x100xi32, #tpu.memory_space<hbm>> -> memref<1x200x100xi32, #tpu.memory_space<hbm>>
      %dma_wait3A_92 = tpu.memref_squeeze %dma_wait3A_91 : memref<1x200x100xi32, #tpu.memory_space<hbm>> -> memref<200x100xi32, #tpu.memory_space<hbm>>
      %dma_wait3A_93 = arith.constant 0 : i32
      %dma_wait3A_94 = arith.constant 0 : i32
      %dma_wait3A_95 = tpu.memref_slice %arg4[%add3A_55, %dma_wait3A_93, %dma_wait3A_94] : memref<64x200x100xi32, #tpu.memory_space<hbm>> -> memref<1x200x100xi32, #tpu.memory_space<hbm>>
      %dma_wait3A_96 = tpu.memref_squeeze %dma_wait3A_95 : memref<1x200x100xi32, #tpu.memory_space<hbm>> -> memref<200x100xi32, #tpu.memory_space<hbm>>
      tpu.wait_dma2 semaphore(%run_scoped3A : memref<!tpu.dma_semaphore, #tpu.memory_space<semaphore_mem>>) src(%dma_wait3A_96 : memref<200x100xi32, #tpu.memory_space<hbm>>) dst(%arg8 : memref<200x100xi32, #tpu.memory_space<vmem>>)
      tpu.yield
    }) : () -> ()
    %barrier3A_56 = arith.constant 0 : index
    tpu.barrier barrier_id(%barrier3A_56)
    %dma_start3A_57 = arith.constant 0 : i32
    %dma_start3A_58 = arith.constant 0 : i32
    %dma_start3A_59 = tpu.memref_slice %arg7[%dma_start3A_57, %dma_start3A_58] : memref<200x100xi32, #tpu.memory_space<vmem>> -> memref<1x100xi32, #tpu.memory_space<vmem>>
    %dma_start3A_60 = tpu.memref_squeeze %dma_start3A_59 : memref<1x100xi32, #tpu.memory_space<vmem>> -> memref<100xi32, #tpu.memory_space<vmem>>
    %dma_start3A_61 = arith.constant 0 : i32
    %dma_start3A_62 = arith.constant 0 : i32
    %dma_start3A_63 = tpu.memref_slice %arg2[%dma_start3A_61, %dma_start3A_62] : memref<10000x128xf32, #tpu.memory_space<hbm>> -> memref<10000x128xf32, #tpu.memory_space<hbm>>
    tpu.enqueue_indirect_dma source(%dma_start3A_63 : memref<10000x128xf32, #tpu.memory_space<hbm>>) target(%arg9 : memref<100x128xf32, #tpu.memory_space<vmem>>) offsets(%dma_start3A_60 : memref<100xi32, #tpu.memory_space<vmem>>) semaphore(%arg13 : memref<!tpu.dma_semaphore, #tpu.memory_space<semaphore_mem>>)
    %scan3A_64 = arith.constant 0 : i32
    %scan3A_65 = arith.constant 100 : i32
    %scan3A_66 = arith.addi %scan3A_64, %scan3A_65 : i32
    %scan3A_67 = arith.constant 1 : i32
    scf.for %scan3A_82 = %scan3A_64 to %scan3A_66 step %scan3A_67  : i32 {
      %mul3A_83 = arith.constant 2 : i32
      %mul3A_84 = arith.muli %scan3A_82, %mul3A_83 : i32
      %add3A_85 = arith.constant 0 : i32
      %add3A_86 = arith.addi %add3A_85, %mul3A_84 : i32
      %add3A_87 = arith.constant 1 : i32
      %add3A_88 = arith.addi %add3A_86, %add3A_87 : i32
      %dma_start3A_89 = arith.constant 0 : i32
      %dma_start3A_90 = tpu.memref_slice %arg7[%add3A_88, %dma_start3A_89] : memref<200x100xi32, #tpu.memory_space<vmem>> -> memref<1x100xi32, #tpu.memory_space<vmem>>
      %dma_start3A_91 = tpu.memref_squeeze %dma_start3A_90 : memref<1x100xi32, #tpu.memory_space<vmem>> -> memref<100xi32, #tpu.memory_space<vmem>>
      %dma_start3A_92 = arith.constant 0 : i32
      %dma_start3A_93 = arith.constant 0 : i32
      %dma_start3A_94 = tpu.memref_slice %arg2[%dma_start3A_92, %dma_start3A_93] : memref<10000x128xf32, #tpu.memory_space<hbm>> -> memref<10000x128xf32, #tpu.memory_space<hbm>>
      tpu.enqueue_indirect_dma source(%dma_start3A_94 : memref<10000x128xf32, #tpu.memory_space<hbm>>) target(%arg10 : memref<100x128xf32, #tpu.memory_space<vmem>>) offsets(%dma_start3A_91 : memref<100xi32, #tpu.memory_space<vmem>>) semaphore(%arg14 : memref<!tpu.dma_semaphore, #tpu.memory_space<semaphore_mem>>)
      %dma_wait3A = arith.constant 0 : i32
      %dma_wait3A_95 = tpu.memref_slice %arg7[%add3A_86, %dma_wait3A] : memref<200x100xi32, #tpu.memory_space<vmem>> -> memref<1x100xi32, #tpu.memory_space<vmem>>
      %dma_wait3A_96 = tpu.memref_squeeze %dma_wait3A_95 : memref<1x100xi32, #tpu.memory_space<vmem>> -> memref<100xi32, #tpu.memory_space<vmem>>
      %dma_wait3A_97 = arith.constant 0 : i32
      %dma_wait3A_98 = arith.constant 0 : i32
      %dma_wait3A_99 = tpu.memref_slice %arg2[%dma_wait3A_97, %dma_wait3A_98] : memref<10000x128xf32, #tpu.memory_space<hbm>> -> memref<10000x128xf32, #tpu.memory_space<hbm>>
      tpu.wait_indirect_dma semaphore(%arg13 : memref<!tpu.dma_semaphore, #tpu.memory_space<semaphore_mem>>) src(%dma_wait3A_99 : memref<10000x128xf32, #tpu.memory_space<hbm>>) dst(%arg9 : memref<100x128xf32, #tpu.memory_space<vmem>>)
      "tpu.region"() ({
        %run_scoped3A = tpu.sem_alloc : memref<!tpu.dma_semaphore, #tpu.memory_space<semaphore_mem>>
        %dma_start3A_116 = arith.constant 0 : i32
        %dma_start3A_117 = tpu.memref_slice %arg8[%add3A_86, %dma_start3A_116] : memref<200x100xi32, #tpu.memory_space<vmem>> -> memref<1x100xi32, #tpu.memory_space<vmem>>
        %dma_start3A_118 = tpu.memref_squeeze %dma_start3A_117 : memref<1x100xi32, #tpu.memory_space<vmem>> -> memref<100xi32, #tpu.memory_space<vmem>>
        %dma_start3A_119 = arith.constant 0 : i32
        %dma_start3A_120 = arith.constant 0 : i32
        %dma_start3A_121 = tpu.memref_slice %arg12[%dma_start3A_119, %dma_start3A_120] : memref<2505x128xf32, #tpu.memory_space<vmem_shared>> -> memref<2505x128xf32, #tpu.memory_space<vmem_shared>>
        tpu.enqueue_indirect_dma source(%arg9 : memref<100x128xf32, #tpu.memory_space<vmem>>) target(%dma_start3A_121 : memref<2505x128xf32, #tpu.memory_space<vmem_shared>>) offsets(%dma_start3A_118 : memref<100xi32, #tpu.memory_space<vmem>>) semaphore(%run_scoped3A : memref<!tpu.dma_semaphore, #tpu.memory_space<semaphore_mem>>) {add = true}
        %dma_wait3A_122 = arith.constant 0 : i32
        %dma_wait3A_123 = tpu.memref_slice %arg8[%add3A_86, %dma_wait3A_122] : memref<200x100xi32, #tpu.memory_space<vmem>> -> memref<1x100xi32, #tpu.memory_space<vmem>>
        %dma_wait3A_124 = tpu.memref_squeeze %dma_wait3A_123 : memref<1x100xi32, #tpu.memory_space<vmem>> -> memref<100xi32, #tpu.memory_space<vmem>>
        %dma_wait3A_125 = arith.constant 0 : i32
        %dma_wait3A_126 = arith.constant 0 : i32
        %dma_wait3A_127 = tpu.memref_slice %arg12[%dma_wait3A_125, %dma_wait3A_126] : memref<2505x128xf32, #tpu.memory_space<vmem_shared>> -> memref<2505x128xf32, #tpu.memory_space<vmem_shared>>
        tpu.wait_indirect_dma semaphore(%run_scoped3A : memref<!tpu.dma_semaphore, #tpu.memory_space<semaphore_mem>>) src(%arg9 : memref<100x128xf32, #tpu.memory_space<vmem>>) dst(%dma_wait3A_127 : memref<2505x128xf32, #tpu.memory_space<vmem_shared>>)
        tpu.yield
      }) : () -> ()
      %add3A_100 = arith.constant 2 : i32
      %add3A_101 = arith.addi %add3A_86, %add3A_100 : i32
      %lt3A = arith.constant 200 : i32
      %lt3A_102 = arith.cmpi slt, %add3A_101, %lt3A : i32
      %convert_element_type3A_103 = arith.extui %lt3A_102 : i1 to i32
      %cond3A_104 = arith.constant 0 : i32
      %cond3A_105 = arith.cmpi ne, %convert_element_type3A_103, %cond3A_104 : i32
      scf.if %cond3A_105 {
        %add3A_116 = arith.constant 2 : i32
        %add3A_117 = arith.addi %add3A_86, %add3A_116 : i32
        %dma_start3A_118 = arith.constant 0 : i32
        %dma_start3A_119 = tpu.memref_slice %arg7[%add3A_117, %dma_start3A_118] : memref<200x100xi32, #tpu.memory_space<vmem>> -> memref<1x100xi32, #tpu.memory_space<vmem>>
        %dma_start3A_120 = tpu.memref_squeeze %dma_start3A_119 : memref<1x100xi32, #tpu.memory_space<vmem>> -> memref<100xi32, #tpu.memory_space<vmem>>
        %dma_start3A_121 = arith.constant 0 : i32
        %dma_start3A_122 = arith.constant 0 : i32
        %dma_start3A_123 = tpu.memref_slice %arg2[%dma_start3A_121, %dma_start3A_122] : memref<10000x128xf32, #tpu.memory_space<hbm>> -> memref<10000x128xf32, #tpu.memory_space<hbm>>
        tpu.enqueue_indirect_dma source(%dma_start3A_123 : memref<10000x128xf32, #tpu.memory_space<hbm>>) target(%arg9 : memref<100x128xf32, #tpu.memory_space<vmem>>) offsets(%dma_start3A_120 : memref<100xi32, #tpu.memory_space<vmem>>) semaphore(%arg13 : memref<!tpu.dma_semaphore, #tpu.memory_space<semaphore_mem>>)
      } else {
      }
      %add3A_106 = arith.constant 1 : i32
      %add3A_107 = arith.addi %add3A_86, %add3A_106 : i32
      %dma_wait3A_108 = arith.constant 0 : i32
      %dma_wait3A_109 = tpu.memref_slice %arg7[%add3A_107, %dma_wait3A_108] : memref<200x100xi32, #tpu.memory_space<vmem>> -> memref<1x100xi32, #tpu.memory_space<vmem>>
      %dma_wait3A_110 = tpu.memref_squeeze %dma_wait3A_109 : memref<1x100xi32, #tpu.memory_space<vmem>> -> memref<100xi32, #tpu.memory_space<vmem>>
      %dma_wait3A_111 = arith.constant 0 : i32
      %dma_wait3A_112 = arith.constant 0 : i32
      %dma_wait3A_113 = tpu.memref_slice %arg2[%dma_wait3A_111, %dma_wait3A_112] : memref<10000x128xf32, #tpu.memory_space<hbm>> -> memref<10000x128xf32, #tpu.memory_space<hbm>>
      tpu.wait_indirect_dma semaphore(%arg14 : memref<!tpu.dma_semaphore, #tpu.memory_space<semaphore_mem>>) src(%dma_wait3A_113 : memref<10000x128xf32, #tpu.memory_space<hbm>>) dst(%arg10 : memref<100x128xf32, #tpu.memory_space<vmem>>)
      %add3A_114 = arith.constant 1 : i32
      %add3A_115 = arith.addi %add3A_86, %add3A_114 : i32
      "tpu.region"() ({
        %run_scoped3A = tpu.sem_alloc : memref<!tpu.dma_semaphore, #tpu.memory_space<semaphore_mem>>
        %dma_start3A_116 = arith.constant 0 : i32
        %dma_start3A_117 = tpu.memref_slice %arg8[%add3A_115, %dma_start3A_116] : memref<200x100xi32, #tpu.memory_space<vmem>> -> memref<1x100xi32, #tpu.memory_space<vmem>>
        %dma_start3A_118 = tpu.memref_squeeze %dma_start3A_117 : memref<1x100xi32, #tpu.memory_space<vmem>> -> memref<100xi32, #tpu.memory_space<vmem>>
        %dma_start3A_119 = arith.constant 0 : i32
        %dma_start3A_120 = arith.constant 0 : i32
        %dma_start3A_121 = tpu.memref_slice %arg12[%dma_start3A_119, %dma_start3A_120] : memref<2505x128xf32, #tpu.memory_space<vmem_shared>> -> memref<2505x128xf32, #tpu.memory_space<vmem_shared>>
        tpu.enqueue_indirect_dma source(%arg10 : memref<100x128xf32, #tpu.memory_space<vmem>>) target(%dma_start3A_121 : memref<2505x128xf32, #tpu.memory_space<vmem_shared>>) offsets(%dma_start3A_118 : memref<100xi32, #tpu.memory_space<vmem>>) semaphore(%run_scoped3A : memref<!tpu.dma_semaphore, #tpu.memory_space<semaphore_mem>>) {add = true}
        %dma_wait3A_122 = arith.constant 0 : i32
        %dma_wait3A_123 = tpu.memref_slice %arg8[%add3A_115, %dma_wait3A_122] : memref<200x100xi32, #tpu.memory_space<vmem>> -> memref<1x100xi32, #tpu.memory_space<vmem>>
        %dma_wait3A_124 = tpu.memref_squeeze %dma_wait3A_123 : memref<1x100xi32, #tpu.memory_space<vmem>> -> memref<100xi32, #tpu.memory_space<vmem>>
        %dma_wait3A_125 = arith.constant 0 : i32
        %dma_wait3A_126 = arith.constant 0 : i32
        %dma_wait3A_127 = tpu.memref_slice %arg12[%dma_wait3A_125, %dma_wait3A_126] : memref<2505x128xf32, #tpu.memory_space<vmem_shared>> -> memref<2505x128xf32, #tpu.memory_space<vmem_shared>>
        tpu.wait_indirect_dma semaphore(%run_scoped3A : memref<!tpu.dma_semaphore, #tpu.memory_space<semaphore_mem>>) src(%arg10 : memref<100x128xf32, #tpu.memory_space<vmem>>) dst(%dma_wait3A_127 : memref<2505x128xf32, #tpu.memory_space<vmem_shared>>)
        tpu.yield
      }) : () -> ()
    }
    %scan3A_68 = arith.constant 100 : i32
    %barrier3A_69 = arith.constant 0 : index
    tpu.barrier barrier_id(%barrier3A_69)
    "tpu.region"() ({
      %run_scoped3A = tpu.sem_alloc : memref<!tpu.dma_semaphore, #tpu.memory_space<semaphore_mem>>
      %dma_start3A_82 = arith.constant 0 : i32
      %dma_start3A_83 = tpu.memref_slice %arg12[%mul3A_0, %dma_start3A_82] : memref<2505x128xf32, #tpu.memory_space<vmem_shared>> -> memref<104x128xf32, #tpu.memory_space<vmem_shared>>
      %dma_start3A_84 = arith.constant 0 : i32
      %dma_start3A_85 = tpu.memref_slice %arg12[%mul3A_0, %dma_start3A_84] : memref<2505x128xf32, #tpu.memory_space<vmem_shared>> -> memref<104x128xf32, #tpu.memory_space<vmem_shared>>
      tpu.enqueue_dma source(%dma_start3A_85 : memref<104x128xf32, #tpu.memory_space<vmem_shared>>) target(%arg11 : memref<104x128xf32, #tpu.memory_space<vmem>>) target_semaphore(%run_scoped3A : memref<!tpu.dma_semaphore, #tpu.memory_space<semaphore_mem>>)
      %dma_wait3A = arith.constant 0 : i32
      %dma_wait3A_86 = tpu.memref_slice %arg12[%mul3A_0, %dma_wait3A] : memref<2505x128xf32, #tpu.memory_space<vmem_shared>> -> memref<104x128xf32, #tpu.memory_space<vmem_shared>>
      %dma_wait3A_87 = arith.constant 0 : i32
      %dma_wait3A_88 = tpu.memref_slice %arg12[%mul3A_0, %dma_wait3A_87] : memref<2505x128xf32, #tpu.memory_space<vmem_shared>> -> memref<104x128xf32, #tpu.memory_space<vmem_shared>>
      tpu.wait_dma2 semaphore(%run_scoped3A : memref<!tpu.dma_semaphore, #tpu.memory_space<semaphore_mem>>) src(%dma_wait3A_88 : memref<104x128xf32, #tpu.memory_space<vmem_shared>>) dst(%arg11 : memref<104x128xf32, #tpu.memory_space<vmem>>)
      tpu.yield
    }) : () -> ()
    %add3A_70 = arith.addi %add3A_41, %mul3A_0 : i32
    "tpu.region"() ({
      %run_scoped3A = tpu.sem_alloc : memref<!tpu.dma_semaphore, #tpu.memory_space<semaphore_mem>>
      %dma_start3A_82 = arith.constant 0 : i32
      %dma_start3A_83 = tpu.memref_slice %arg6[%add3A_70, %dma_start3A_82] : memref<10000x128xf32, #tpu.memory_space<hbm>> -> memref<104x128xf32, #tpu.memory_space<hbm>>
      %dma_start3A_84 = arith.constant 0 : i32
      %dma_start3A_85 = tpu.memref_slice %arg6[%add3A_70, %dma_start3A_84] : memref<10000x128xf32, #tpu.memory_space<hbm>> -> memref<104x128xf32, #tpu.memory_space<hbm>>
      tpu.enqueue_dma source(%arg11 : memref<104x128xf32, #tpu.memory_space<vmem>>) target(%dma_start3A_85 : memref<104x128xf32, #tpu.memory_space<hbm>>) target_semaphore(%run_scoped3A : memref<!tpu.dma_semaphore, #tpu.memory_space<semaphore_mem>>)
      %dma_wait3A = arith.constant 0 : i32
      %dma_wait3A_86 = tpu.memref_slice %arg6[%add3A_70, %dma_wait3A] : memref<10000x128xf32, #tpu.memory_space<hbm>> -> memref<104x128xf32, #tpu.memory_space<hbm>>
      %dma_wait3A_87 = arith.constant 0 : i32
      %dma_wait3A_88 = tpu.memref_slice %arg6[%add3A_70, %dma_wait3A_87] : memref<10000x128xf32, #tpu.memory_space<hbm>> -> memref<104x128xf32, #tpu.memory_space<hbm>>
      tpu.wait_dma2 semaphore(%run_scoped3A : memref<!tpu.dma_semaphore, #tpu.memory_space<semaphore_mem>>) src(%arg11 : memref<104x128xf32, #tpu.memory_space<vmem>>) dst(%dma_wait3A_88 : memref<104x128xf32, #tpu.memory_space<hbm>>)
      tpu.yield
    }) : () -> ()
    %add3A_71 = arith.constant 104 : i32
    %add3A_72 = arith.addi %mul3A_0, %add3A_71 : i32
    "tpu.region"() ({
      %run_scoped3A = tpu.sem_alloc : memref<!tpu.dma_semaphore, #tpu.memory_space<semaphore_mem>>
      %dma_start3A_82 = arith.constant 0 : i32
      %dma_start3A_83 = arith.constant 0 : i32
      %dma_start3A_84 = tpu.memref_slice %arg11[%dma_start3A_82, %dma_start3A_83] : memref<104x128xf32, #tpu.memory_space<vmem>> -> memref<48x128xf32, #tpu.memory_space<vmem>>
      %dma_start3A_85 = arith.constant 0 : i32
      %dma_start3A_86 = tpu.memref_slice %arg12[%add3A_72, %dma_start3A_85] : memref<2505x128xf32, #tpu.memory_space<vmem_shared>> -> memref<48x128xf32, #tpu.memory_space<vmem_shared>>
      %dma_start3A_87 = arith.constant 0 : i32
      %dma_start3A_88 = arith.constant 0 : i32
      %dma_start3A_89 = tpu.memref_slice %arg11[%dma_start3A_87, %dma_start3A_88] : memref<104x128xf32, #tpu.memory_space<vmem>> -> memref<48x128xf32, #tpu.memory_space<vmem>>
      %dma_start3A_90 = arith.constant 0 : i32
      %dma_start3A_91 = tpu.memref_slice %arg12[%add3A_72, %dma_start3A_90] : memref<2505x128xf32, #tpu.memory_space<vmem_shared>> -> memref<48x128xf32, #tpu.memory_space<vmem_shared>>
      tpu.enqueue_dma source(%dma_start3A_91 : memref<48x128xf32, #tpu.memory_space<vmem_shared>>) target(%dma_start3A_89 : memref<48x128xf32, #tpu.memory_space<vmem>>) target_semaphore(%run_scoped3A : memref<!tpu.dma_semaphore, #tpu.memory_space<semaphore_mem>>)
      %dma_wait3A = arith.constant 0 : i32
      %dma_wait3A_92 = arith.constant 0 : i32
      %dma_wait3A_93 = tpu.memref_slice %arg11[%dma_wait3A, %dma_wait3A_92] : memref<104x128xf32, #tpu.memory_space<vmem>> -> memref<48x128xf32, #tpu.memory_space<vmem>>
      %dma_wait3A_94 = arith.constant 0 : i32
      %dma_wait3A_95 = tpu.memref_slice %arg12[%add3A_72, %dma_wait3A_94] : memref<2505x128xf32, #tpu.memory_space<vmem_shared>> -> memref<48x128xf32, #tpu.memory_space<vmem_shared>>
      %dma_wait3A_96 = arith.constant 0 : i32
      %dma_wait3A_97 = arith.constant 0 : i32
      %dma_wait3A_98 = tpu.memref_slice %arg11[%dma_wait3A_96, %dma_wait3A_97] : memref<104x128xf32, #tpu.memory_space<vmem>> -> memref<48x128xf32, #tpu.memory_space<vmem>>
      %dma_wait3A_99 = arith.constant 0 : i32
      %dma_wait3A_100 = tpu.memref_slice %arg12[%add3A_72, %dma_wait3A_99] : memref<2505x128xf32, #tpu.memory_space<vmem_shared>> -> memref<48x128xf32, #tpu.memory_space<vmem_shared>>
      tpu.wait_dma2 semaphore(%run_scoped3A : memref<!tpu.dma_semaphore, #tpu.memory_space<semaphore_mem>>) src(%dma_wait3A_100 : memref<48x128xf32, #tpu.memory_space<vmem_shared>>) dst(%dma_wait3A_98 : memref<48x128xf32, #tpu.memory_space<vmem>>)
      tpu.yield
    }) : () -> ()
    %add3A_73 = arith.addi %add3A_41, %mul3A_0 : i32
    %add3A_74 = arith.constant 104 : i32
    %add3A_75 = arith.addi %add3A_73, %add3A_74 : i32
    "tpu.region"() ({
      %run_scoped3A = tpu.sem_alloc : memref<!tpu.dma_semaphore, #tpu.memory_space<semaphore_mem>>
      %dma_start3A_82 = arith.constant 0 : i32
      %dma_start3A_83 = arith.constant 0 : i32
      %dma_start3A_84 = tpu.memref_slice %arg11[%dma_start3A_82, %dma_start3A_83] : memref<104x128xf32, #tpu.memory_space<vmem>> -> memref<48x128xf32, #tpu.memory_space<vmem>>
      %dma_start3A_85 = arith.constant 0 : i32
      %dma_start3A_86 = tpu.memref_slice %arg6[%add3A_75, %dma_start3A_85] : memref<10000x128xf32, #tpu.memory_space<hbm>> -> memref<48x128xf32, #tpu.memory_space<hbm>>
      %dma_start3A_87 = arith.constant 0 : i32
      %dma_start3A_88 = tpu.memref_slice %arg6[%add3A_75, %dma_start3A_87] : memref<10000x128xf32, #tpu.memory_space<hbm>> -> memref<48x128xf32, #tpu.memory_space<hbm>>
      %dma_start3A_89 = arith.constant 0 : i32
      %dma_start3A_90 = arith.constant 0 : i32
      %dma_start3A_91 = tpu.memref_slice %arg11[%dma_start3A_89, %dma_start3A_90] : memref<104x128xf32, #tpu.memory_space<vmem>> -> memref<48x128xf32, #tpu.memory_space<vmem>>
      tpu.enqueue_dma source(%dma_start3A_91 : memref<48x128xf32, #tpu.memory_space<vmem>>) target(%dma_start3A_88 : memref<48x128xf32, #tpu.memory_space<hbm>>) target_semaphore(%run_scoped3A : memref<!tpu.dma_semaphore, #tpu.memory_space<semaphore_mem>>)
      %dma_wait3A = arith.constant 0 : i32
      %dma_wait3A_92 = arith.constant 0 : i32
      %dma_wait3A_93 = tpu.memref_slice %arg11[%dma_wait3A, %dma_wait3A_92] : memref<104x128xf32, #tpu.memory_space<vmem>> -> memref<48x128xf32, #tpu.memory_space<vmem>>
      %dma_wait3A_94 = arith.constant 0 : i32
      %dma_wait3A_95 = tpu.memref_slice %arg6[%add3A_75, %dma_wait3A_94] : memref<10000x128xf32, #tpu.memory_space<hbm>> -> memref<48x128xf32, #tpu.memory_space<hbm>>
      %dma_wait3A_96 = arith.constant 0 : i32
      %dma_wait3A_97 = tpu.memref_slice %arg6[%add3A_75, %dma_wait3A_96] : memref<10000x128xf32, #tpu.memory_space<hbm>> -> memref<48x128xf32, #tpu.memory_space<hbm>>
      %dma_wait3A_98 = arith.constant 0 : i32
      %dma_wait3A_99 = arith.constant 0 : i32
      %dma_wait3A_100 = tpu.memref_slice %arg11[%dma_wait3A_98, %dma_wait3A_99] : memref<104x128xf32, #tpu.memory_space<vmem>> -> memref<48x128xf32, #tpu.memory_space<vmem>>
      tpu.wait_dma2 semaphore(%run_scoped3A : memref<!tpu.dma_semaphore, #tpu.memory_space<semaphore_mem>>) src(%dma_wait3A_100 : memref<48x128xf32, #tpu.memory_space<vmem>>) dst(%dma_wait3A_97 : memref<48x128xf32, #tpu.memory_space<hbm>>)
      tpu.yield
    }) : () -> ()
    %eq3A_76 = arith.constant 15 : i32
    %eq3A_77 = arith.cmpi eq, %arg1, %eq3A_76 : i32
    %convert_element_type3A_78 = arith.extui %eq3A_77 : i1 to i32
    %cond3A_79 = arith.constant 0 : i32
    %cond3A_80 = arith.cmpi ne, %convert_element_type3A_78, %cond3A_79 : i32
    scf.if %cond3A_80 {
      "tpu.region"() ({
        %run_scoped3A = tpu.sem_alloc : memref<!tpu.dma_semaphore, #tpu.memory_space<semaphore_mem>>
        %dma_start3A_84 = arith.constant 0 : i32
        %dma_start3A_85 = arith.constant 0 : i32
        %dma_start3A_86 = tpu.memref_slice %arg11[%dma_start3A_84, %dma_start3A_85] : memref<104x128xf32, #tpu.memory_space<vmem>> -> memref<64x128xf32, #tpu.memory_space<vmem>>
        %dma_start3A_87 = arith.constant 2432 : i32
        %dma_start3A_88 = arith.constant 0 : i32
        %dma_start3A_89 = tpu.memref_slice %arg12[%dma_start3A_87, %dma_start3A_88] : memref<2505x128xf32, #tpu.memory_space<vmem_shared>> -> memref<64x128xf32, #tpu.memory_space<vmem_shared>>
        %dma_start3A_90 = arith.constant 0 : i32
        %dma_start3A_91 = arith.constant 0 : i32
        %dma_start3A_92 = tpu.memref_slice %arg11[%dma_start3A_90, %dma_start3A_91] : memref<104x128xf32, #tpu.memory_space<vmem>> -> memref<64x128xf32, #tpu.memory_space<vmem>>
        %dma_start3A_93 = arith.constant 2432 : i32
        %dma_start3A_94 = arith.constant 0 : i32
        %dma_start3A_95 = tpu.memref_slice %arg12[%dma_start3A_93, %dma_start3A_94] : memref<2505x128xf32, #tpu.memory_space<vmem_shared>> -> memref<64x128xf32, #tpu.memory_space<vmem_shared>>
        tpu.enqueue_dma source(%dma_start3A_95 : memref<64x128xf32, #tpu.memory_space<vmem_shared>>) target(%dma_start3A_92 : memref<64x128xf32, #tpu.memory_space<vmem>>) target_semaphore(%run_scoped3A : memref<!tpu.dma_semaphore, #tpu.memory_space<semaphore_mem>>)
        %dma_wait3A = arith.constant 0 : i32
        %dma_wait3A_96 = arith.constant 0 : i32
        %dma_wait3A_97 = tpu.memref_slice %arg11[%dma_wait3A, %dma_wait3A_96] : memref<104x128xf32, #tpu.memory_space<vmem>> -> memref<64x128xf32, #tpu.memory_space<vmem>>
        %dma_wait3A_98 = arith.constant 2432 : i32
        %dma_wait3A_99 = arith.constant 0 : i32
        %dma_wait3A_100 = tpu.memref_slice %arg12[%dma_wait3A_98, %dma_wait3A_99] : memref<2505x128xf32, #tpu.memory_space<vmem_shared>> -> memref<64x128xf32, #tpu.memory_space<vmem_shared>>
        %dma_wait3A_101 = arith.constant 0 : i32
        %dma_wait3A_102 = arith.constant 0 : i32
        %dma_wait3A_103 = tpu.memref_slice %arg11[%dma_wait3A_101, %dma_wait3A_102] : memref<104x128xf32, #tpu.memory_space<vmem>> -> memref<64x128xf32, #tpu.memory_space<vmem>>
        %dma_wait3A_104 = arith.constant 2432 : i32
        %dma_wait3A_105 = arith.constant 0 : i32
        %dma_wait3A_106 = tpu.memref_slice %arg12[%dma_wait3A_104, %dma_wait3A_105] : memref<2505x128xf32, #tpu.memory_space<vmem_shared>> -> memref<64x128xf32, #tpu.memory_space<vmem_shared>>
        tpu.wait_dma2 semaphore(%run_scoped3A : memref<!tpu.dma_semaphore, #tpu.memory_space<semaphore_mem>>) src(%dma_wait3A_106 : memref<64x128xf32, #tpu.memory_space<vmem_shared>>) dst(%dma_wait3A_103 : memref<64x128xf32, #tpu.memory_space<vmem>>)
        tpu.yield
      }) : () -> ()
      %add3A_82 = arith.constant 2432 : i32
      %add3A_83 = arith.addi %add3A_41, %add3A_82 : i32
      "tpu.region"() ({
        %run_scoped3A = tpu.sem_alloc : memref<!tpu.dma_semaphore, #tpu.memory_space<semaphore_mem>>
        %dma_start3A_84 = arith.constant 0 : i32
        %dma_start3A_85 = arith.constant 0 : i32
        %dma_start3A_86 = tpu.memref_slice %arg11[%dma_start3A_84, %dma_start3A_85] : memref<104x128xf32, #tpu.memory_space<vmem>> -> memref<64x128xf32, #tpu.memory_space<vmem>>
        %dma_start3A_87 = arith.constant 0 : i32
        %dma_start3A_88 = tpu.memref_slice %arg6[%add3A_83, %dma_start3A_87] : memref<10000x128xf32, #tpu.memory_space<hbm>> -> memref<64x128xf32, #tpu.memory_space<hbm>>
        %dma_start3A_89 = arith.constant 0 : i32
        %dma_start3A_90 = tpu.memref_slice %arg6[%add3A_83, %dma_start3A_89] : memref<10000x128xf32, #tpu.memory_space<hbm>> -> memref<64x128xf32, #tpu.memory_space<hbm>>
        %dma_start3A_91 = arith.constant 0 : i32
        %dma_start3A_92 = arith.constant 0 : i32
        %dma_start3A_93 = tpu.memref_slice %arg11[%dma_start3A_91, %dma_start3A_92] : memref<104x128xf32, #tpu.memory_space<vmem>> -> memref<64x128xf32, #tpu.memory_space<vmem>>
        tpu.enqueue_dma source(%dma_start3A_93 : memref<64x128xf32, #tpu.memory_space<vmem>>) target(%dma_start3A_90 : memref<64x128xf32, #tpu.memory_space<hbm>>) target_semaphore(%run_scoped3A : memref<!tpu.dma_semaphore, #tpu.memory_space<semaphore_mem>>)
        %dma_wait3A = arith.constant 0 : i32
        %dma_wait3A_94 = arith.constant 0 : i32
        %dma_wait3A_95 = tpu.memref_slice %arg11[%dma_wait3A, %dma_wait3A_94] : memref<104x128xf32, #tpu.memory_space<vmem>> -> memref<64x128xf32, #tpu.memory_space<vmem>>
        %dma_wait3A_96 = arith.constant 0 : i32
        %dma_wait3A_97 = tpu.memref_slice %arg6[%add3A_83, %dma_wait3A_96] : memref<10000x128xf32, #tpu.memory_space<hbm>> -> memref<64x128xf32, #tpu.memory_space<hbm>>
        %dma_wait3A_98 = arith.constant 0 : i32
        %dma_wait3A_99 = tpu.memref_slice %arg6[%add3A_83, %dma_wait3A_98] : memref<10000x128xf32, #tpu.memory_space<hbm>> -> memref<64x128xf32, #tpu.memory_space<hbm>>
        %dma_wait3A_100 = arith.constant 0 : i32
        %dma_wait3A_101 = arith.constant 0 : i32
        %dma_wait3A_102 = tpu.memref_slice %arg11[%dma_wait3A_100, %dma_wait3A_101] : memref<104x128xf32, #tpu.memory_space<vmem>> -> memref<64x128xf32, #tpu.memory_space<vmem>>
        tpu.wait_dma2 semaphore(%run_scoped3A : memref<!tpu.dma_semaphore, #tpu.memory_space<semaphore_mem>>) src(%dma_wait3A_102 : memref<64x128xf32, #tpu.memory_space<vmem>>) dst(%dma_wait3A_99 : memref<64x128xf32, #tpu.memory_space<hbm>>)
        tpu.yield
      }) : () -> ()
    } else {
    }
    %barrier3A_81 = arith.constant 0 : index
    tpu.barrier barrier_id(%barrier3A_81)
    return
  }
}

#map = affine_map<(d0, d1) -> (0, 0)>
#map1 = affine_map<(d0, d1) -> (0, 0, 0)>
module attributes {stable_mosaic.version = 14 : i64} {
  func.func @k(%arg0: i32, %arg1: i32, %arg2: memref<10000x128xf32, #tpu.memory_space<hbm>>, %arg3: memref<16x200x100xi32, #tpu.memory_space<hbm>>, %arg4: memref<64x200x100xi32, #tpu.memory_space<hbm>>, %arg5: memref<104x128xf32, #tpu.memory_space<hbm>>, %arg6: memref<10000x128xf32, #tpu.memory_space<hbm>>, %arg7: memref<200x100xi32, #tpu.memory_space<vmem>>, %arg8: memref<200x100xi32, #tpu.memory_space<vmem>>, %arg9: memref<100x128xf32, #tpu.memory_space<vmem>>, %arg10: memref<100x128xf32, #tpu.memory_space<vmem>>, %arg11: memref<104x128xf32, #tpu.memory_space<vmem>>, %arg12: memref<2505x128xf32, #tpu.memory_space<vmem_shared>>, %arg13: memref<!tpu.dma_semaphore, #tpu.memory_space<semaphore_mem>>, %arg14: memref<!tpu.dma_semaphore, #tpu.memory_space<semaphore_mem>>) attributes {dimension_semantics = [#tpu.dimension_semantics<core_parallel>, #tpu.dimension_semantics<subcore_parallel>], iteration_bounds = array<i64: 2, 16>, scalar_prefetch = 0 : i64, scratch_operands = 8 : i64, tpu.core_type = #tpu.core_type<sc_vector_subcore>, window_params = [{transform_indices = #map}, {transform_indices = #map1}, {transform_indices = #map1}, {transform_indices = #map}, {transform_indices = #map}]} {
    %mul3A = arith.constant 152 : i32
    %mul3A_0 = arith.muli %arg1, %mul3A : i32
    "tpu.region"() ({
      %run_scoped3A = tpu.sem_alloc : memref<!tpu.dma_semaphore, #tpu.memory_space<semaphore_mem>>
      %dma_start3A_82 = arith.constant 0 : i32
      %dma_start3A_83 = arith.constant 0 : i32
      %dma_start3A_84 = tpu.memref_slice %arg3[%arg1, %dma_start3A_82, %dma_start3A_83] : memref<16x200x100xi32, #tpu.memory_space<hbm>> -> memref<1x200x100xi32, #tpu.memory_space<hbm>>
      %dma_start3A_85 = tpu.memref_squeeze %dma_start3A_84 : memref<1x200x100xi32, #tpu.memory_space<hbm>> -> memref<200x100xi32, #tpu.memory_space<hbm>>
      %dma_start3A_86 = arith.constant 0 : i32
      %dma_start3A_87 = arith.constant 0 : i32
      %dma_start3A_88 = tpu.memref_slice %arg3[%arg1, %dma_start3A_86, %dma_start3A_87] : memref<16x200x100xi32, #tpu.memory_space<hbm>> -> memref<1x200x100xi32, #tpu.memory_space<hbm>>
      %dma_start3A_89 = tpu.memref_squeeze %dma_start3A_88 : memref<1x200x100xi32, #tpu.memory_space<hbm>> -> memref<200x100xi32, #tpu.memory_space<hbm>>
      tpu.enqueue_dma source(%dma_start3A_89 : memref<200x100xi32, #tpu.memory_space<hbm>>) target(%arg7 : memref<200x100xi32, #tpu.memory_space<vmem>>) target_semaphore(%run_scoped3A : memref<!tpu.dma_semaphore, #tpu.memory_space<semaphore_mem>>)
      %dma_wait3A = arith.constant 0 : i32
      %dma_wait3A_90 = arith.constant 0 : i32
      %dma_wait3A_91 = tpu.memref_slice %arg3[%arg1, %dma_wait3A, %dma_wait3A_90] : memref<16x200x100xi32, #tpu.memory_space<hbm>> -> memref<1x200x100xi32, #tpu.memory_space<hbm>>
      %dma_wait3A_92 = tpu.memref_squeeze %dma_wait3A_91 : memref<1x200x100xi32, #tpu.memory_space<hbm>> -> memref<200x100xi32, #tpu.memory_space<hbm>>
      %dma_wait3A_93 = arith.constant 0 : i32
      %dma_wait3A_94 = arith.constant 0 : i32
      %dma_wait3A_95 = tpu.memref_slice %arg3[%arg1, %dma_wait3A_93, %dma_wait3A_94] : memref<16x200x100xi32, #tpu.memory_space<hbm>> -> memref<1x200x100xi32, #tpu.memory_space<hbm>>
      %dma_wait3A_96 = tpu.memref_squeeze %dma_wait3A_95 : memref<1x200x100xi32, #tpu.memory_space<hbm>> -> memref<200x100xi32, #tpu.memory_space<hbm>>
      tpu.wait_dma2 semaphore(%run_scoped3A : memref<!tpu.dma_semaphore, #tpu.memory_space<semaphore_mem>>) src(%dma_wait3A_96 : memref<200x100xi32, #tpu.memory_space<hbm>>) dst(%arg7 : memref<200x100xi32, #tpu.memory_space<vmem>>)
      tpu.yield
    }) : () -> ()
    %mul3A_1 = arith.constant 5000 : i32
    %mul3A_2 = arith.muli %arg0, %mul3A_1 : i32
    %add3A = arith.constant 0 : i32
    %add3A_3 = arith.addi %mul3A_2, %add3A : i32
    "tpu.region"() ({
      %run_scoped3A = tpu.sem_alloc : memref<!tpu.dma_semaphore, #tpu.memory_space<semaphore_mem>>
      tpu.enqueue_dma source(%arg5 : memref<104x128xf32, #tpu.memory_space<hbm>>) target(%arg11 : memref<104x128xf32, #tpu.memory_space<vmem>>) target_semaphore(%run_scoped3A : memref<!tpu.dma_semaphore, #tpu.memory_space<semaphore_mem>>)
      tpu.wait_dma2 semaphore(%run_scoped3A : memref<!tpu.dma_semaphore, #tpu.memory_space<semaphore_mem>>) src(%arg5 : memref<104x128xf32, #tpu.memory_space<hbm>>) dst(%arg11 : memref<104x128xf32, #tpu.memory_space<vmem>>)
      tpu.yield
    }) : () -> ()
    "tpu.region"() ({
      %run_scoped3A = tpu.sem_alloc : memref<!tpu.dma_semaphore, #tpu.memory_space<semaphore_mem>>
      %dma_start3A_82 = arith.constant 0 : i32
      %dma_start3A_83 = tpu.memref_slice %arg12[%mul3A_0, %dma_start3A_82] : memref<2505x128xf32, #tpu.memory_space<vmem_shared>> -> memref<104x128xf32, #tpu.memory_space<vmem_shared>>
      %dma_start3A_84 = arith.constant 0 : i32
      %dma_start3A_85 = tpu.memref_slice %arg12[%mul3A_0, %dma_start3A_84] : memref<2505x128xf32, #tpu.memory_space<vmem_shared>> -> memref<104x128xf32, #tpu.memory_space<vmem_shared>>
      tpu.enqueue_dma source(%arg11 : memref<104x128xf32, #tpu.memory_space<vmem>>) target(%dma_start3A_85 : memref<104x128xf32, #tpu.memory_space<vmem_shared>>) target_semaphore(%run_scoped3A : memref<!tpu.dma_semaphore, #tpu.memory_space<semaphore_mem>>)
      %dma_wait3A = arith.constant 0 : i32
      %dma_wait3A_86 = tpu.memref_slice %arg12[%mul3A_0, %dma_wait3A] : memref<2505x128xf32, #tpu.memory_space<vmem_shared>> -> memref<104x128xf32, #tpu.memory_space<vmem_shared>>
      %dma_wait3A_87 = arith.constant 0 : i32
      %dma_wait3A_88 = tpu.memref_slice %arg12[%mul3A_0, %dma_wait3A_87] : memref<2505x128xf32, #tpu.memory_space<vmem_shared>> -> memref<104x128xf32, #tpu.memory_space<vmem_shared>>
      tpu.wait_dma2 semaphore(%run_scoped3A : memref<!tpu.dma_semaphore, #tpu.memory_space<semaphore_mem>>) src(%arg11 : memref<104x128xf32, #tpu.memory_space<vmem>>) dst(%dma_wait3A_88 : memref<104x128xf32, #tpu.memory_space<vmem_shared>>)
      tpu.yield
    }) : () -> ()
    %add3A_4 = arith.constant 104 : i32
    %add3A_5 = arith.addi %mul3A_0, %add3A_4 : i32
    "tpu.region"() ({
      %run_scoped3A = tpu.sem_alloc : memref<!tpu.dma_semaphore, #tpu.memory_space<semaphore_mem>>
      %dma_start3A_82 = arith.constant 0 : i32
      %dma_start3A_83 = arith.constant 0 : i32
      %dma_start3A_84 = tpu.memref_slice %arg11[%dma_start3A_82, %dma_start3A_83] : memref<104x128xf32, #tpu.memory_space<vmem>> -> memref<48x128xf32, #tpu.memory_space<vmem>>
      %dma_start3A_85 = arith.constant 0 : i32
      %dma_start3A_86 = tpu.memref_slice %arg12[%add3A_5, %dma_start3A_85] : memref<2505x128xf32, #tpu.memory_space<vmem_shared>> -> memref<48x128xf32, #tpu.memory_space<vmem_shared>>
      %dma_start3A_87 = arith.constant 0 : i32
      %dma_start3A_88 = tpu.memref_slice %arg12[%add3A_5, %dma_start3A_87] : memref<2505x128xf32, #tpu.memory_space<vmem_shared>> -> memref<48x128xf32, #tpu.memory_space<vmem_shared>>
      %dma_start3A_89 = arith.constant 0 : i32
      %dma_start3A_90 = arith.constant 0 : i32
      %dma_start3A_91 = tpu.memref_slice %arg11[%dma_start3A_89, %dma_start3A_90] : memref<104x128xf32, #tpu.memory_space<vmem>> -> memref<48x128xf32, #tpu.memory_space<vmem>>
      tpu.enqueue_dma source(%dma_start3A_91 : memref<48x128xf32, #tpu.memory_space<vmem>>) target(%dma_start3A_88 : memref<48x128xf32, #tpu.memory_space<vmem_shared>>) target_semaphore(%run_scoped3A : memref<!tpu.dma_semaphore, #tpu.memory_space<semaphore_mem>>)
      %dma_wait3A = arith.constant 0 : i32
      %dma_wait3A_92 = arith.constant 0 : i32
      %dma_wait3A_93 = tpu.memref_slice %arg11[%dma_wait3A, %dma_wait3A_92] : memref<104x128xf32, #tpu.memory_space<vmem>> -> memref<48x128xf32, #tpu.memory_space<vmem>>
      %dma_wait3A_94 = arith.constant 0 : i32
      %dma_wait3A_95 = tpu.memref_slice %arg12[%add3A_5, %dma_wait3A_94] : memref<2505x128xf32, #tpu.memory_space<vmem_shared>> -> memref<48x128xf32, #tpu.memory_space<vmem_shared>>
      %dma_wait3A_96 = arith.constant 0 : i32
      %dma_wait3A_97 = tpu.memref_slice %arg12[%add3A_5, %dma_wait3A_96] : memref<2505x128xf32, #tpu.memory_space<vmem_shared>> -> memref<48x128xf32, #tpu.memory_space<vmem_shared>>
      %dma_wait3A_98 = arith.constant 0 : i32
      %dma_wait3A_99 = arith.constant 0 : i32
      %dma_wait3A_100 = tpu.memref_slice %arg11[%dma_wait3A_98, %dma_wait3A_99] : memref<104x128xf32, #tpu.memory_space<vmem>> -> memref<48x128xf32, #tpu.memory_space<vmem>>
      tpu.wait_dma2 semaphore(%run_scoped3A : memref<!tpu.dma_semaphore, #tpu.memory_space<semaphore_mem>>) src(%dma_wait3A_100 : memref<48x128xf32, #tpu.memory_space<vmem>>) dst(%dma_wait3A_97 : memref<48x128xf32, #tpu.memory_space<vmem_shared>>)
      tpu.yield
    }) : () -> ()
    %eq3A = arith.constant 15 : i32
    %eq3A_6 = arith.cmpi eq, %arg1, %eq3A : i32
    %convert_element_type3A = arith.extui %eq3A_6 : i1 to i32
    %cond3A = arith.constant 0 : i32
    %cond3A_7 = arith.cmpi ne, %convert_element_type3A, %cond3A : i32
    scf.if %cond3A_7 {
      "tpu.region"() ({
        %run_scoped3A = tpu.sem_alloc : memref<!tpu.dma_semaphore, #tpu.memory_space<semaphore_mem>>
        %dma_start3A_82 = arith.constant 0 : i32
        %dma_start3A_83 = arith.constant 0 : i32
        %dma_start3A_84 = tpu.memref_slice %arg11[%dma_start3A_82, %dma_start3A_83] : memref<104x128xf32, #tpu.memory_space<vmem>> -> memref<72x128xf32, #tpu.memory_space<vmem>>
        %dma_start3A_85 = arith.constant 2432 : i32
        %dma_start3A_86 = arith.constant 0 : i32
        %dma_start3A_87 = tpu.memref_slice %arg12[%dma_start3A_85, %dma_start3A_86] : memref<2505x128xf32, #tpu.memory_space<vmem_shared>> -> memref<72x128xf32, #tpu.memory_space<vmem_shared>>
        %dma_start3A_88 = arith.constant 2432 : i32
        %dma_start3A_89 = arith.constant 0 : i32
        %dma_start3A_90 = tpu.memref_slice %arg12[%dma_start3A_88, %dma_start3A_89] : memref<2505x128xf32, #tpu.memory_space<vmem_shared>> -> memref<72x128xf32, #tpu.memory_space<vmem_shared>>
        %dma_start3A_91 = arith.constant 0 : i32
        %dma_start3A_92 = arith.constant 0 : i32
        %dma_start3A_93 = tpu.memref_slice %arg11[%dma_start3A_91, %dma_start3A_92] : memref<104x128xf32, #tpu.memory_space<vmem>> -> memref<72x128xf32, #tpu.memory_space<vmem>>
        tpu.enqueue_dma source(%dma_start3A_93 : memref<72x128xf32, #tpu.memory_space<vmem>>) target(%dma_start3A_90 : memref<72x128xf32, #tpu.memory_space<vmem_shared>>) target_semaphore(%run_scoped3A : memref<!tpu.dma_semaphore, #tpu.memory_space<semaphore_mem>>)
        %dma_wait3A = arith.constant 0 : i32
        %dma_wait3A_94 = arith.constant 0 : i32
        %dma_wait3A_95 = tpu.memref_slice %arg11[%dma_wait3A, %dma_wait3A_94] : memref<104x128xf32, #tpu.memory_space<vmem>> -> memref<72x128xf32, #tpu.memory_space<vmem>>
        %dma_wait3A_96 = arith.constant 2432 : i32
        %dma_wait3A_97 = arith.constant 0 : i32
        %dma_wait3A_98 = tpu.memref_slice %arg12[%dma_wait3A_96, %dma_wait3A_97] : memref<2505x128xf32, #tpu.memory_space<vmem_shared>> -> memref<72x128xf32, #tpu.memory_space<vmem_shared>>
        %dma_wait3A_99 = arith.constant 2432 : i32
        %dma_wait3A_100 = arith.constant 0 : i32
        %dma_wait3A_101 = tpu.memref_slice %arg12[%dma_wait3A_99, %dma_wait3A_100] : memref<2505x128xf32, #tpu.memory_space<vmem_shared>> -> memref<72x128xf32, #tpu.memory_space<vmem_shared>>
        %dma_wait3A_102 = arith.constant 0 : i32
        %dma_wait3A_103 = arith.constant 0 : i32
        %dma_wait3A_104 = tpu.memref_slice %arg11[%dma_wait3A_102, %dma_wait3A_103] : memref<104x128xf32, #tpu.memory_space<vmem>> -> memref<72x128xf32, #tpu.memory_space<vmem>>
        tpu.wait_dma2 semaphore(%run_scoped3A : memref<!tpu.dma_semaphore, #tpu.memory_space<semaphore_mem>>) src(%dma_wait3A_104 : memref<72x128xf32, #tpu.memory_space<vmem>>) dst(%dma_wait3A_101 : memref<72x128xf32, #tpu.memory_space<vmem_shared>>)
        tpu.yield
      }) : () -> ()
    } else {
    }
    %mul3A_8 = arith.constant 2 : i32
    %mul3A_9 = arith.muli %arg0, %mul3A_8 : i32
    %add3A_10 = arith.constant 0 : i32
    %add3A_11 = arith.addi %mul3A_9, %add3A_10 : i32
    %mul3A_12 = arith.constant 16 : i32
    %mul3A_13 = arith.muli %add3A_11, %mul3A_12 : i32
    %add3A_14 = arith.addi %mul3A_13, %arg1 : i32
    "tpu.region"() ({
      %run_scoped3A = tpu.sem_alloc : memref<!tpu.dma_semaphore, #tpu.memory_space<semaphore_mem>>
      %dma_start3A_82 = arith.constant 0 : i32
      %dma_start3A_83 = arith.constant 0 : i32
      %dma_start3A_84 = tpu.memref_slice %arg4[%add3A_14, %dma_start3A_82, %dma_start3A_83] : memref<64x200x100xi32, #tpu.memory_space<hbm>> -> memref<1x200x100xi32, #tpu.memory_space<hbm>>
      %dma_start3A_85 = tpu.memref_squeeze %dma_start3A_84 : memref<1x200x100xi32, #tpu.memory_space<hbm>> -> memref<200x100xi32, #tpu.memory_space<hbm>>
      %dma_start3A_86 = arith.constant 0 : i32
      %dma_start3A_87 = arith.constant 0 : i32
      %dma_start3A_88 = tpu.memref_slice %arg4[%add3A_14, %dma_start3A_86, %dma_start3A_87] : memref<64x200x100xi32, #tpu.memory_space<hbm>> -> memref<1x200x100xi32, #tpu.memory_space<hbm>>
      %dma_start3A_89 = tpu.memref_squeeze %dma_start3A_88 : memref<1x200x100xi32, #tpu.memory_space<hbm>> -> memref<200x100xi32, #tpu.memory_space<hbm>>
      tpu.enqueue_dma source(%dma_start3A_89 : memref<200x100xi32, #tpu.memory_space<hbm>>) target(%arg8 : memref<200x100xi32, #tpu.memory_space<vmem>>) target_semaphore(%run_scoped3A : memref<!tpu.dma_semaphore, #tpu.memory_space<semaphore_mem>>)
      %dma_wait3A = arith.constant 0 : i32
      %dma_wait3A_90 = arith.constant 0 : i32
      %dma_wait3A_91 = tpu.memref_slice %arg4[%add3A_14, %dma_wait3A, %dma_wait3A_90] : memref<64x200x100xi32, #tpu.memory_space<hbm>> -> memref<1x200x100xi32, #tpu.memory_space<hbm>>
      %dma_wait3A_92 = tpu.memref_squeeze %dma_wait3A_91 : memref<1x200x100xi32, #tpu.memory_space<hbm>> -> memref<200x100xi32, #tpu.memory_space<hbm>>
      %dma_wait3A_93 = arith.constant 0 : i32
      %dma_wait3A_94 = arith.constant 0 : i32
      %dma_wait3A_95 = tpu.memref_slice %arg4[%add3A_14, %dma_wait3A_93, %dma_wait3A_94] : memref<64x200x100xi32, #tpu.memory_space<hbm>> -> memref<1x200x100xi32, #tpu.memory_space<hbm>>
      %dma_wait3A_96 = tpu.memref_squeeze %dma_wait3A_95 : memref<1x200x100xi32, #tpu.memory_space<hbm>> -> memref<200x100xi32, #tpu.memory_space<hbm>>
      tpu.wait_dma2 semaphore(%run_scoped3A : memref<!tpu.dma_semaphore, #tpu.memory_space<semaphore_mem>>) src(%dma_wait3A_96 : memref<200x100xi32, #tpu.memory_space<hbm>>) dst(%arg8 : memref<200x100xi32, #tpu.memory_space<vmem>>)
      tpu.yield
    }) : () -> ()
    %barrier3A = arith.constant 0 : index
    tpu.barrier barrier_id(%barrier3A)
    %dma_start3A = arith.constant 0 : i32
    %dma_start3A_15 = arith.constant 0 : i32
    %dma_start3A_16 = tpu.memref_slice %arg7[%dma_start3A, %dma_start3A_15] : memref<200x100xi32, #tpu.memory_space<vmem>> -> memref<1x100xi32, #tpu.memory_space<vmem>>
    %dma_start3A_17 = tpu.memref_squeeze %dma_start3A_16 : memref<1x100xi32, #tpu.memory_space<vmem>> -> memref<100xi32, #tpu.memory_space<vmem>>
    %dma_start3A_18 = arith.constant 0 : i32
    %dma_start3A_19 = arith.constant 0 : i32
    %dma_start3A_20 = tpu.memref_slice %arg2[%dma_start3A_18, %dma_start3A_19] : memref<10000x128xf32, #tpu.memory_space<hbm>> -> memref<10000x128xf32, #tpu.memory_space<hbm>>
    tpu.enqueue_indirect_dma source(%dma_start3A_20 : memref<10000x128xf32, #tpu.memory_space<hbm>>) target(%arg9 : memref<100x128xf32, #tpu.memory_space<vmem>>) offsets(%dma_start3A_17 : memref<100xi32, #tpu.memory_space<vmem>>) semaphore(%arg13 : memref<!tpu.dma_semaphore, #tpu.memory_space<semaphore_mem>>)
    %scan3A = arith.constant 0 : i32
    %scan3A_21 = arith.constant 100 : i32
    %scan3A_22 = arith.addi %scan3A, %scan3A_21 : i32
    %scan3A_23 = arith.constant 1 : i32
    scf.for %scan3A_82 = %scan3A to %scan3A_22 step %scan3A_23  : i32 {
      %mul3A_83 = arith.constant 2 : i32
      %mul3A_84 = arith.muli %scan3A_82, %mul3A_83 : i32
      %add3A_85 = arith.constant 0 : i32
      %add3A_86 = arith.addi %add3A_85, %mul3A_84 : i32
      %add3A_87 = arith.constant 1 : i32
      %add3A_88 = arith.addi %add3A_86, %add3A_87 : i32
      %dma_start3A_89 = arith.constant 0 : i32
      %dma_start3A_90 = tpu.memref_slice %arg7[%add3A_88, %dma_start3A_89] : memref<200x100xi32, #tpu.memory_space<vmem>> -> memref<1x100xi32, #tpu.memory_space<vmem>>
      %dma_start3A_91 = tpu.memref_squeeze %dma_start3A_90 : memref<1x100xi32, #tpu.memory_space<vmem>> -> memref<100xi32, #tpu.memory_space<vmem>>
      %dma_start3A_92 = arith.constant 0 : i32
      %dma_start3A_93 = arith.constant 0 : i32
      %dma_start3A_94 = tpu.memref_slice %arg2[%dma_start3A_92, %dma_start3A_93] : memref<10000x128xf32, #tpu.memory_space<hbm>> -> memref<10000x128xf32, #tpu.memory_space<hbm>>
      tpu.enqueue_indirect_dma source(%dma_start3A_94 : memref<10000x128xf32, #tpu.memory_space<hbm>>) target(%arg10 : memref<100x128xf32, #tpu.memory_space<vmem>>) offsets(%dma_start3A_91 : memref<100xi32, #tpu.memory_space<vmem>>) semaphore(%arg14 : memref<!tpu.dma_semaphore, #tpu.memory_space<semaphore_mem>>)
      %dma_wait3A = arith.constant 0 : i32
      %dma_wait3A_95 = tpu.memref_slice %arg7[%add3A_86, %dma_wait3A] : memref<200x100xi32, #tpu.memory_space<vmem>> -> memref<1x100xi32, #tpu.memory_space<vmem>>
      %dma_wait3A_96 = tpu.memref_squeeze %dma_wait3A_95 : memref<1x100xi32, #tpu.memory_space<vmem>> -> memref<100xi32, #tpu.memory_space<vmem>>
      %dma_wait3A_97 = arith.constant 0 : i32
      %dma_wait3A_98 = arith.constant 0 : i32
      %dma_wait3A_99 = tpu.memref_slice %arg2[%dma_wait3A_97, %dma_wait3A_98] : memref<10000x128xf32, #tpu.memory_space<hbm>> -> memref<10000x128xf32, #tpu.memory_space<hbm>>
      tpu.wait_indirect_dma semaphore(%arg13 : memref<!tpu.dma_semaphore, #tpu.memory_space<semaphore_mem>>) src(%dma_wait3A_99 : memref<10000x128xf32, #tpu.memory_space<hbm>>) dst(%arg9 : memref<100x128xf32, #tpu.memory_space<vmem>>)
      "tpu.region"() ({
        %run_scoped3A = tpu.sem_alloc : memref<!tpu.dma_semaphore, #tpu.memory_space<semaphore_mem>>
        %dma_start3A_116 = arith.constant 0 : i32
        %dma_start3A_117 = tpu.memref_slice %arg8[%add3A_86, %dma_start3A_116] : memref<200x100xi32, #tpu.memory_space<vmem>> -> memref<1x100xi32, #tpu.memory_space<vmem>>
        %dma_start3A_118 = tpu.memref_squeeze %dma_start3A_117 : memref<1x100xi32, #tpu.memory_space<vmem>> -> memref<100xi32, #tpu.memory_space<vmem>>
        %dma_start3A_119 = arith.constant 0 : i32
        %dma_start3A_120 = arith.constant 0 : i32
        %dma_start3A_121 = tpu.memref_slice %arg12[%dma_start3A_119, %dma_start3A_120] : memref<2505x128xf32, #tpu.memory_space<vmem_shared>> -> memref<2505x128xf32, #tpu.memory_space<vmem_shared>>
        tpu.enqueue_indirect_dma source(%arg9 : memref<100x128xf32, #tpu.memory_space<vmem>>) target(%dma_start3A_121 : memref<2505x128xf32, #tpu.memory_space<vmem_shared>>) offsets(%dma_start3A_118 : memref<100xi32, #tpu.memory_space<vmem>>) semaphore(%run_scoped3A : memref<!tpu.dma_semaphore, #tpu.memory_space<semaphore_mem>>) {add = true}
        %dma_wait3A_122 = arith.constant 0 : i32
        %dma_wait3A_123 = tpu.memref_slice %arg8[%add3A_86, %dma_wait3A_122] : memref<200x100xi32, #tpu.memory_space<vmem>> -> memref<1x100xi32, #tpu.memory_space<vmem>>
        %dma_wait3A_124 = tpu.memref_squeeze %dma_wait3A_123 : memref<1x100xi32, #tpu.memory_space<vmem>> -> memref<100xi32, #tpu.memory_space<vmem>>
        %dma_wait3A_125 = arith.constant 0 : i32
        %dma_wait3A_126 = arith.constant 0 : i32
        %dma_wait3A_127 = tpu.memref_slice %arg12[%dma_wait3A_125, %dma_wait3A_126] : memref<2505x128xf32, #tpu.memory_space<vmem_shared>> -> memref<2505x128xf32, #tpu.memory_space<vmem_shared>>
        tpu.wait_indirect_dma semaphore(%run_scoped3A : memref<!tpu.dma_semaphore, #tpu.memory_space<semaphore_mem>>) src(%arg9 : memref<100x128xf32, #tpu.memory_space<vmem>>) dst(%dma_wait3A_127 : memref<2505x128xf32, #tpu.memory_space<vmem_shared>>)
        tpu.yield
      }) : () -> ()
      %add3A_100 = arith.constant 2 : i32
      %add3A_101 = arith.addi %add3A_86, %add3A_100 : i32
      %lt3A = arith.constant 200 : i32
      %lt3A_102 = arith.cmpi slt, %add3A_101, %lt3A : i32
      %convert_element_type3A_103 = arith.extui %lt3A_102 : i1 to i32
      %cond3A_104 = arith.constant 0 : i32
      %cond3A_105 = arith.cmpi ne, %convert_element_type3A_103, %cond3A_104 : i32
      scf.if %cond3A_105 {
        %add3A_116 = arith.constant 2 : i32
        %add3A_117 = arith.addi %add3A_86, %add3A_116 : i32
        %dma_start3A_118 = arith.constant 0 : i32
        %dma_start3A_119 = tpu.memref_slice %arg7[%add3A_117, %dma_start3A_118] : memref<200x100xi32, #tpu.memory_space<vmem>> -> memref<1x100xi32, #tpu.memory_space<vmem>>
        %dma_start3A_120 = tpu.memref_squeeze %dma_start3A_119 : memref<1x100xi32, #tpu.memory_space<vmem>> -> memref<100xi32, #tpu.memory_space<vmem>>
        %dma_start3A_121 = arith.constant 0 : i32
        %dma_start3A_122 = arith.constant 0 : i32
        %dma_start3A_123 = tpu.memref_slice %arg2[%dma_start3A_121, %dma_start3A_122] : memref<10000x128xf32, #tpu.memory_space<hbm>> -> memref<10000x128xf32, #tpu.memory_space<hbm>>
        tpu.enqueue_indirect_dma source(%dma_start3A_123 : memref<10000x128xf32, #tpu.memory_space<hbm>>) target(%arg9 : memref<100x128xf32, #tpu.memory_space<vmem>>) offsets(%dma_start3A_120 : memref<100xi32, #tpu.memory_space<vmem>>) semaphore(%arg13 : memref<!tpu.dma_semaphore, #tpu.memory_space<semaphore_mem>>)
      } else {
      }
      %add3A_106 = arith.constant 1 : i32
      %add3A_107 = arith.addi %add3A_86, %add3A_106 : i32
      %dma_wait3A_108 = arith.constant 0 : i32
      %dma_wait3A_109 = tpu.memref_slice %arg7[%add3A_107, %dma_wait3A_108] : memref<200x100xi32, #tpu.memory_space<vmem>> -> memref<1x100xi32, #tpu.memory_space<vmem>>
      %dma_wait3A_110 = tpu.memref_squeeze %dma_wait3A_109 : memref<1x100xi32, #tpu.memory_space<vmem>> -> memref<100xi32, #tpu.memory_space<vmem>>
      %dma_wait3A_111 = arith.constant 0 : i32
      %dma_wait3A_112 = arith.constant 0 : i32
      %dma_wait3A_113 = tpu.memref_slice %arg2[%dma_wait3A_111, %dma_wait3A_112] : memref<10000x128xf32, #tpu.memory_space<hbm>> -> memref<10000x128xf32, #tpu.memory_space<hbm>>
      tpu.wait_indirect_dma semaphore(%arg14 : memref<!tpu.dma_semaphore, #tpu.memory_space<semaphore_mem>>) src(%dma_wait3A_113 : memref<10000x128xf32, #tpu.memory_space<hbm>>) dst(%arg10 : memref<100x128xf32, #tpu.memory_space<vmem>>)
      %add3A_114 = arith.constant 1 : i32
      %add3A_115 = arith.addi %add3A_86, %add3A_114 : i32
      "tpu.region"() ({
        %run_scoped3A = tpu.sem_alloc : memref<!tpu.dma_semaphore, #tpu.memory_space<semaphore_mem>>
        %dma_start3A_116 = arith.constant 0 : i32
        %dma_start3A_117 = tpu.memref_slice %arg8[%add3A_115, %dma_start3A_116] : memref<200x100xi32, #tpu.memory_space<vmem>> -> memref<1x100xi32, #tpu.memory_space<vmem>>
        %dma_start3A_118 = tpu.memref_squeeze %dma_start3A_117 : memref<1x100xi32, #tpu.memory_space<vmem>> -> memref<100xi32, #tpu.memory_space<vmem>>
        %dma_start3A_119 = arith.constant 0 : i32
        %dma_start3A_120 = arith.constant 0 : i32
        %dma_start3A_121 = tpu.memref_slice %arg12[%dma_start3A_119, %dma_start3A_120] : memref<2505x128xf32, #tpu.memory_space<vmem_shared>> -> memref<2505x128xf32, #tpu.memory_space<vmem_shared>>
        tpu.enqueue_indirect_dma source(%arg10 : memref<100x128xf32, #tpu.memory_space<vmem>>) target(%dma_start3A_121 : memref<2505x128xf32, #tpu.memory_space<vmem_shared>>) offsets(%dma_start3A_118 : memref<100xi32, #tpu.memory_space<vmem>>) semaphore(%run_scoped3A : memref<!tpu.dma_semaphore, #tpu.memory_space<semaphore_mem>>) {add = true}
        %dma_wait3A_122 = arith.constant 0 : i32
        %dma_wait3A_123 = tpu.memref_slice %arg8[%add3A_115, %dma_wait3A_122] : memref<200x100xi32, #tpu.memory_space<vmem>> -> memref<1x100xi32, #tpu.memory_space<vmem>>
        %dma_wait3A_124 = tpu.memref_squeeze %dma_wait3A_123 : memref<1x100xi32, #tpu.memory_space<vmem>> -> memref<100xi32, #tpu.memory_space<vmem>>
        %dma_wait3A_125 = arith.constant 0 : i32
        %dma_wait3A_126 = arith.constant 0 : i32
        %dma_wait3A_127 = tpu.memref_slice %arg12[%dma_wait3A_125, %dma_wait3A_126] : memref<2505x128xf32, #tpu.memory_space<vmem_shared>> -> memref<2505x128xf32, #tpu.memory_space<vmem_shared>>
        tpu.wait_indirect_dma semaphore(%run_scoped3A : memref<!tpu.dma_semaphore, #tpu.memory_space<semaphore_mem>>) src(%arg10 : memref<100x128xf32, #tpu.memory_space<vmem>>) dst(%dma_wait3A_127 : memref<2505x128xf32, #tpu.memory_space<vmem_shared>>)
        tpu.yield
      }) : () -> ()
    }
    %scan3A_24 = arith.constant 100 : i32
    %barrier3A_25 = arith.constant 0 : index
    tpu.barrier barrier_id(%barrier3A_25)
    "tpu.region"() ({
      %run_scoped3A = tpu.sem_alloc : memref<!tpu.dma_semaphore, #tpu.memory_space<semaphore_mem>>
      %dma_start3A_82 = arith.constant 0 : i32
      %dma_start3A_83 = tpu.memref_slice %arg12[%mul3A_0, %dma_start3A_82] : memref<2505x128xf32, #tpu.memory_space<vmem_shared>> -> memref<104x128xf32, #tpu.memory_space<vmem_shared>>
      %dma_start3A_84 = arith.constant 0 : i32
      %dma_start3A_85 = tpu.memref_slice %arg12[%mul3A_0, %dma_start3A_84] : memref<2505x128xf32, #tpu.memory_space<vmem_shared>> -> memref<104x128xf32, #tpu.memory_space<vmem_shared>>
      tpu.enqueue_dma source(%dma_start3A_85 : memref<104x128xf32, #tpu.memory_space<vmem_shared>>) target(%arg11 : memref<104x128xf32, #tpu.memory_space<vmem>>) target_semaphore(%run_scoped3A : memref<!tpu.dma_semaphore, #tpu.memory_space<semaphore_mem>>)
      %dma_wait3A = arith.constant 0 : i32
      %dma_wait3A_86 = tpu.memref_slice %arg12[%mul3A_0, %dma_wait3A] : memref<2505x128xf32, #tpu.memory_space<vmem_shared>> -> memref<104x128xf32, #tpu.memory_space<vmem_shared>>
      %dma_wait3A_87 = arith.constant 0 : i32
      %dma_wait3A_88 = tpu.memref_slice %arg12[%mul3A_0, %dma_wait3A_87] : memref<2505x128xf32, #tpu.memory_space<vmem_shared>> -> memref<104x128xf32, #tpu.memory_space<vmem_shared>>
      tpu.wait_dma2 semaphore(%run_scoped3A : memref<!tpu.dma_semaphore, #tpu.memory_space<semaphore_mem>>) src(%dma_wait3A_88 : memref<104x128xf32, #tpu.memory_space<vmem_shared>>) dst(%arg11 : memref<104x128xf32, #tpu.memory_space<vmem>>)
      tpu.yield
    }) : () -> ()
    %add3A_26 = arith.addi %add3A_3, %mul3A_0 : i32
    "tpu.region"() ({
      %run_scoped3A = tpu.sem_alloc : memref<!tpu.dma_semaphore, #tpu.memory_space<semaphore_mem>>
      %dma_start3A_82 = arith.constant 0 : i32
      %dma_start3A_83 = tpu.memref_slice %arg6[%add3A_26, %dma_start3A_82] : memref<10000x128xf32, #tpu.memory_space<hbm>> -> memref<104x128xf32, #tpu.memory_space<hbm>>
      %dma_start3A_84 = arith.constant 0 : i32
      %dma_start3A_85 = tpu.memref_slice %arg6[%add3A_26, %dma_start3A_84] : memref<10000x128xf32, #tpu.memory_space<hbm>> -> memref<104x128xf32, #tpu.memory_space<hbm>>
      tpu.enqueue_dma source(%arg11 : memref<104x128xf32, #tpu.memory_space<vmem>>) target(%dma_start3A_85 : memref<104x128xf32, #tpu.memory_space<hbm>>) target_semaphore(%run_scoped3A : memref<!tpu.dma_semaphore, #tpu.memory_space<semaphore_mem>>)
      %dma_wait3A = arith.constant 0 : i32
      %dma_wait3A_86 = tpu.memref_slice %arg6[%add3A_26, %dma_wait3A] : memref<10000x128xf32, #tpu.memory_space<hbm>> -> memref<104x128xf32, #tpu.memory_space<hbm>>
      %dma_wait3A_87 = arith.constant 0 : i32
      %dma_wait3A_88 = tpu.memref_slice %arg6[%add3A_26, %dma_wait3A_87] : memref<10000x128xf32, #tpu.memory_space<hbm>> -> memref<104x128xf32, #tpu.memory_space<hbm>>
      tpu.wait_dma2 semaphore(%run_scoped3A : memref<!tpu.dma_semaphore, #tpu.memory_space<semaphore_mem>>) src(%arg11 : memref<104x128xf32, #tpu.memory_space<vmem>>) dst(%dma_wait3A_88 : memref<104x128xf32, #tpu.memory_space<hbm>>)
      tpu.yield
    }) : () -> ()
    %add3A_27 = arith.constant 104 : i32
    %add3A_28 = arith.addi %mul3A_0, %add3A_27 : i32
    "tpu.region"() ({
      %run_scoped3A = tpu.sem_alloc : memref<!tpu.dma_semaphore, #tpu.memory_space<semaphore_mem>>
      %dma_start3A_82 = arith.constant 0 : i32
      %dma_start3A_83 = arith.constant 0 : i32
      %dma_start3A_84 = tpu.memref_slice %arg11[%dma_start3A_82, %dma_start3A_83] : memref<104x128xf32, #tpu.memory_space<vmem>> -> memref<48x128xf32, #tpu.memory_space<vmem>>
      %dma_start3A_85 = arith.constant 0 : i32
      %dma_start3A_86 = tpu.memref_slice %arg12[%add3A_28, %dma_start3A_85] : memref<2505x128xf32, #tpu.memory_space<vmem_shared>> -> memref<48x128xf32, #tpu.memory_space<vmem_shared>>
      %dma_start3A_87 = arith.constant 0 : i32
      %dma_start3A_88 = arith.constant 0 : i32
      %dma_start3A_89 = tpu.memref_slice %arg11[%dma_start3A_87, %dma_start3A_88] : memref<104x128xf32, #tpu.memory_space<vmem>> -> memref<48x128xf32, #tpu.memory_space<vmem>>
      %dma_start3A_90 = arith.constant 0 : i32
      %dma_start3A_91 = tpu.memref_slice %arg12[%add3A_28, %dma_start3A_90] : memref<2505x128xf32, #tpu.memory_space<vmem_shared>> -> memref<48x128xf32, #tpu.memory_space<vmem_shared>>
      tpu.enqueue_dma source(%dma_start3A_91 : memref<48x128xf32, #tpu.memory_space<vmem_shared>>) target(%dma_start3A_89 : memref<48x128xf32, #tpu.memory_space<vmem>>) target_semaphore(%run_scoped3A : memref<!tpu.dma_semaphore, #tpu.memory_space<semaphore_mem>>)
      %dma_wait3A = arith.constant 0 : i32
      %dma_wait3A_92 = arith.constant 0 : i32
      %dma_wait3A_93 = tpu.memref_slice %arg11[%dma_wait3A, %dma_wait3A_92] : memref<104x128xf32, #tpu.memory_space<vmem>> -> memref<48x128xf32, #tpu.memory_space<vmem>>
      %dma_wait3A_94 = arith.constant 0 : i32
      %dma_wait3A_95 = tpu.memref_slice %arg12[%add3A_28, %dma_wait3A_94] : memref<2505x128xf32, #tpu.memory_space<vmem_shared>> -> memref<48x128xf32, #tpu.memory_space<vmem_shared>>
      %dma_wait3A_96 = arith.constant 0 : i32
      %dma_wait3A_97 = arith.constant 0 : i32
      %dma_wait3A_98 = tpu.memref_slice %arg11[%dma_wait3A_96, %dma_wait3A_97] : memref<104x128xf32, #tpu.memory_space<vmem>> -> memref<48x128xf32, #tpu.memory_space<vmem>>
      %dma_wait3A_99 = arith.constant 0 : i32
      %dma_wait3A_100 = tpu.memref_slice %arg12[%add3A_28, %dma_wait3A_99] : memref<2505x128xf32, #tpu.memory_space<vmem_shared>> -> memref<48x128xf32, #tpu.memory_space<vmem_shared>>
      tpu.wait_dma2 semaphore(%run_scoped3A : memref<!tpu.dma_semaphore, #tpu.memory_space<semaphore_mem>>) src(%dma_wait3A_100 : memref<48x128xf32, #tpu.memory_space<vmem_shared>>) dst(%dma_wait3A_98 : memref<48x128xf32, #tpu.memory_space<vmem>>)
      tpu.yield
    }) : () -> ()
    %add3A_29 = arith.addi %add3A_3, %mul3A_0 : i32
    %add3A_30 = arith.constant 104 : i32
    %add3A_31 = arith.addi %add3A_29, %add3A_30 : i32
    "tpu.region"() ({
      %run_scoped3A = tpu.sem_alloc : memref<!tpu.dma_semaphore, #tpu.memory_space<semaphore_mem>>
      %dma_start3A_82 = arith.constant 0 : i32
      %dma_start3A_83 = arith.constant 0 : i32
      %dma_start3A_84 = tpu.memref_slice %arg11[%dma_start3A_82, %dma_start3A_83] : memref<104x128xf32, #tpu.memory_space<vmem>> -> memref<48x128xf32, #tpu.memory_space<vmem>>
      %dma_start3A_85 = arith.constant 0 : i32
      %dma_start3A_86 = tpu.memref_slice %arg6[%add3A_31, %dma_start3A_85] : memref<10000x128xf32, #tpu.memory_space<hbm>> -> memref<48x128xf32, #tpu.memory_space<hbm>>
      %dma_start3A_87 = arith.constant 0 : i32
      %dma_start3A_88 = tpu.memref_slice %arg6[%add3A_31, %dma_start3A_87] : memref<10000x128xf32, #tpu.memory_space<hbm>> -> memref<48x128xf32, #tpu.memory_space<hbm>>
      %dma_start3A_89 = arith.constant 0 : i32
      %dma_start3A_90 = arith.constant 0 : i32
      %dma_start3A_91 = tpu.memref_slice %arg11[%dma_start3A_89, %dma_start3A_90] : memref<104x128xf32, #tpu.memory_space<vmem>> -> memref<48x128xf32, #tpu.memory_space<vmem>>
      tpu.enqueue_dma source(%dma_start3A_91 : memref<48x128xf32, #tpu.memory_space<vmem>>) target(%dma_start3A_88 : memref<48x128xf32, #tpu.memory_space<hbm>>) target_semaphore(%run_scoped3A : memref<!tpu.dma_semaphore, #tpu.memory_space<semaphore_mem>>)
      %dma_wait3A = arith.constant 0 : i32
      %dma_wait3A_92 = arith.constant 0 : i32
      %dma_wait3A_93 = tpu.memref_slice %arg11[%dma_wait3A, %dma_wait3A_92] : memref<104x128xf32, #tpu.memory_space<vmem>> -> memref<48x128xf32, #tpu.memory_space<vmem>>
      %dma_wait3A_94 = arith.constant 0 : i32
      %dma_wait3A_95 = tpu.memref_slice %arg6[%add3A_31, %dma_wait3A_94] : memref<10000x128xf32, #tpu.memory_space<hbm>> -> memref<48x128xf32, #tpu.memory_space<hbm>>
      %dma_wait3A_96 = arith.constant 0 : i32
      %dma_wait3A_97 = tpu.memref_slice %arg6[%add3A_31, %dma_wait3A_96] : memref<10000x128xf32, #tpu.memory_space<hbm>> -> memref<48x128xf32, #tpu.memory_space<hbm>>
      %dma_wait3A_98 = arith.constant 0 : i32
      %dma_wait3A_99 = arith.constant 0 : i32
      %dma_wait3A_100 = tpu.memref_slice %arg11[%dma_wait3A_98, %dma_wait3A_99] : memref<104x128xf32, #tpu.memory_space<vmem>> -> memref<48x128xf32, #tpu.memory_space<vmem>>
      tpu.wait_dma2 semaphore(%run_scoped3A : memref<!tpu.dma_semaphore, #tpu.memory_space<semaphore_mem>>) src(%dma_wait3A_100 : memref<48x128xf32, #tpu.memory_space<vmem>>) dst(%dma_wait3A_97 : memref<48x128xf32, #tpu.memory_space<hbm>>)
      tpu.yield
    }) : () -> ()
    %eq3A_32 = arith.constant 15 : i32
    %eq3A_33 = arith.cmpi eq, %arg1, %eq3A_32 : i32
    %convert_element_type3A_34 = arith.extui %eq3A_33 : i1 to i32
    %cond3A_35 = arith.constant 0 : i32
    %cond3A_36 = arith.cmpi ne, %convert_element_type3A_34, %cond3A_35 : i32
    scf.if %cond3A_36 {
      "tpu.region"() ({
        %run_scoped3A = tpu.sem_alloc : memref<!tpu.dma_semaphore, #tpu.memory_space<semaphore_mem>>
        %dma_start3A_84 = arith.constant 0 : i32
        %dma_start3A_85 = arith.constant 0 : i32
        %dma_start3A_86 = tpu.memref_slice %arg11[%dma_start3A_84, %dma_start3A_85] : memref<104x128xf32, #tpu.memory_space<vmem>> -> memref<72x128xf32, #tpu.memory_space<vmem>>
        %dma_start3A_87 = arith.constant 2432 : i32
        %dma_start3A_88 = arith.constant 0 : i32
        %dma_start3A_89 = tpu.memref_slice %arg12[%dma_start3A_87, %dma_start3A_88] : memref<2505x128xf32, #tpu.memory_space<vmem_shared>> -> memref<72x128xf32, #tpu.memory_space<vmem_shared>>
        %dma_start3A_90 = arith.constant 0 : i32
        %dma_start3A_91 = arith.constant 0 : i32
        %dma_start3A_92 = tpu.memref_slice %arg11[%dma_start3A_90, %dma_start3A_91] : memref<104x128xf32, #tpu.memory_space<vmem>> -> memref<72x128xf32, #tpu.memory_space<vmem>>
        %dma_start3A_93 = arith.constant 2432 : i32
        %dma_start3A_94 = arith.constant 0 : i32
        %dma_start3A_95 = tpu.memref_slice %arg12[%dma_start3A_93, %dma_start3A_94] : memref<2505x128xf32, #tpu.memory_space<vmem_shared>> -> memref<72x128xf32, #tpu.memory_space<vmem_shared>>
        tpu.enqueue_dma source(%dma_start3A_95 : memref<72x128xf32, #tpu.memory_space<vmem_shared>>) target(%dma_start3A_92 : memref<72x128xf32, #tpu.memory_space<vmem>>) target_semaphore(%run_scoped3A : memref<!tpu.dma_semaphore, #tpu.memory_space<semaphore_mem>>)
        %dma_wait3A = arith.constant 0 : i32
        %dma_wait3A_96 = arith.constant 0 : i32
        %dma_wait3A_97 = tpu.memref_slice %arg11[%dma_wait3A, %dma_wait3A_96] : memref<104x128xf32, #tpu.memory_space<vmem>> -> memref<72x128xf32, #tpu.memory_space<vmem>>
        %dma_wait3A_98 = arith.constant 2432 : i32
        %dma_wait3A_99 = arith.constant 0 : i32
        %dma_wait3A_100 = tpu.memref_slice %arg12[%dma_wait3A_98, %dma_wait3A_99] : memref<2505x128xf32, #tpu.memory_space<vmem_shared>> -> memref<72x128xf32, #tpu.memory_space<vmem_shared>>
        %dma_wait3A_101 = arith.constant 0 : i32
        %dma_wait3A_102 = arith.constant 0 : i32
        %dma_wait3A_103 = tpu.memref_slice %arg11[%dma_wait3A_101, %dma_wait3A_102] : memref<104x128xf32, #tpu.memory_space<vmem>> -> memref<72x128xf32, #tpu.memory_space<vmem>>
        %dma_wait3A_104 = arith.constant 2432 : i32
        %dma_wait3A_105 = arith.constant 0 : i32
        %dma_wait3A_106 = tpu.memref_slice %arg12[%dma_wait3A_104, %dma_wait3A_105] : memref<2505x128xf32, #tpu.memory_space<vmem_shared>> -> memref<72x128xf32, #tpu.memory_space<vmem_shared>>
        tpu.wait_dma2 semaphore(%run_scoped3A : memref<!tpu.dma_semaphore, #tpu.memory_space<semaphore_mem>>) src(%dma_wait3A_106 : memref<72x128xf32, #tpu.memory_space<vmem_shared>>) dst(%dma_wait3A_103 : memref<72x128xf32, #tpu.memory_space<vmem>>)
        tpu.yield
      }) : () -> ()
      %add3A_82 = arith.constant 2432 : i32
      %add3A_83 = arith.addi %add3A_3, %add3A_82 : i32
      "tpu.region"() ({
        %run_scoped3A = tpu.sem_alloc : memref<!tpu.dma_semaphore, #tpu.memory_space<semaphore_mem>>
        %dma_start3A_84 = arith.constant 0 : i32
        %dma_start3A_85 = arith.constant 0 : i32
        %dma_start3A_86 = tpu.memref_slice %arg11[%dma_start3A_84, %dma_start3A_85] : memref<104x128xf32, #tpu.memory_space<vmem>> -> memref<72x128xf32, #tpu.memory_space<vmem>>
        %dma_start3A_87 = arith.constant 0 : i32
        %dma_start3A_88 = tpu.memref_slice %arg6[%add3A_83, %dma_start3A_87] : memref<10000x128xf32, #tpu.memory_space<hbm>> -> memref<72x128xf32, #tpu.memory_space<hbm>>
        %dma_start3A_89 = arith.constant 0 : i32
        %dma_start3A_90 = tpu.memref_slice %arg6[%add3A_83, %dma_start3A_89] : memref<10000x128xf32, #tpu.memory_space<hbm>> -> memref<72x128xf32, #tpu.memory_space<hbm>>
        %dma_start3A_91 = arith.constant 0 : i32
        %dma_start3A_92 = arith.constant 0 : i32
        %dma_start3A_93 = tpu.memref_slice %arg11[%dma_start3A_91, %dma_start3A_92] : memref<104x128xf32, #tpu.memory_space<vmem>> -> memref<72x128xf32, #tpu.memory_space<vmem>>
        tpu.enqueue_dma source(%dma_start3A_93 : memref<72x128xf32, #tpu.memory_space<vmem>>) target(%dma_start3A_90 : memref<72x128xf32, #tpu.memory_space<hbm>>) target_semaphore(%run_scoped3A : memref<!tpu.dma_semaphore, #tpu.memory_space<semaphore_mem>>)
        %dma_wait3A = arith.constant 0 : i32
        %dma_wait3A_94 = arith.constant 0 : i32
        %dma_wait3A_95 = tpu.memref_slice %arg11[%dma_wait3A, %dma_wait3A_94] : memref<104x128xf32, #tpu.memory_space<vmem>> -> memref<72x128xf32, #tpu.memory_space<vmem>>
        %dma_wait3A_96 = arith.constant 0 : i32
        %dma_wait3A_97 = tpu.memref_slice %arg6[%add3A_83, %dma_wait3A_96] : memref<10000x128xf32, #tpu.memory_space<hbm>> -> memref<72x128xf32, #tpu.memory_space<hbm>>
        %dma_wait3A_98 = arith.constant 0 : i32
        %dma_wait3A_99 = tpu.memref_slice %arg6[%add3A_83, %dma_wait3A_98] : memref<10000x128xf32, #tpu.memory_space<hbm>> -> memref<72x128xf32, #tpu.memory_space<hbm>>
        %dma_wait3A_100 = arith.constant 0 : i32
        %dma_wait3A_101 = arith.constant 0 : i32
        %dma_wait3A_102 = tpu.memref_slice %arg11[%dma_wait3A_100, %dma_wait3A_101] : memref<104x128xf32, #tpu.memory_space<vmem>> -> memref<72x128xf32, #tpu.memory_space<vmem>>
        tpu.wait_dma2 semaphore(%run_scoped3A : memref<!tpu.dma_semaphore, #tpu.memory_space<semaphore_mem>>) src(%dma_wait3A_102 : memref<72x128xf32, #tpu.memory_space<vmem>>) dst(%dma_wait3A_99 : memref<72x128xf32, #tpu.memory_space<hbm>>)
        tpu.yield
      }) : () -> ()
    } else {
    }
    %barrier3A_37 = arith.constant 0 : index
    tpu.barrier barrier_id(%barrier3A_37)
    %mul3A_38 = arith.constant 5000 : i32
    %mul3A_39 = arith.muli %arg0, %mul3A_38 : i32
    %add3A_40 = arith.constant 2504 : i32
    %add3A_41 = arith.addi %mul3A_39, %add3A_40 : i32
    "tpu.region"() ({
      %run_scoped3A = tpu.sem_alloc : memref<!tpu.dma_semaphore, #tpu.memory_space<semaphore_mem>>
      tpu.enqueue_dma source(%arg5 : memref<104x128xf32, #tpu.memory_space<hbm>>) target(%arg11 : memref<104x128xf32, #tpu.memory_space<vmem>>) target_semaphore(%run_scoped3A : memref<!tpu.dma_semaphore, #tpu.memory_space<semaphore_mem>>)
      tpu.wait_dma2 semaphore(%run_scoped3A : memref<!tpu.dma_semaphore, #tpu.memory_space<semaphore_mem>>) src(%arg5 : memref<104x128xf32, #tpu.memory_space<hbm>>) dst(%arg11 : memref<104x128xf32, #tpu.memory_space<vmem>>)
      tpu.yield
    }) : () -> ()
    "tpu.region"() ({
      %run_scoped3A = tpu.sem_alloc : memref<!tpu.dma_semaphore, #tpu.memory_space<semaphore_mem>>
      %dma_start3A_82 = arith.constant 0 : i32
      %dma_start3A_83 = tpu.memref_slice %arg12[%mul3A_0, %dma_start3A_82] : memref<2505x128xf32, #tpu.memory_space<vmem_shared>> -> memref<104x128xf32, #tpu.memory_space<vmem_shared>>
      %dma_start3A_84 = arith.constant 0 : i32
      %dma_start3A_85 = tpu.memref_slice %arg12[%mul3A_0, %dma_start3A_84] : memref<2505x128xf32, #tpu.memory_space<vmem_shared>> -> memref<104x128xf32, #tpu.memory_space<vmem_shared>>
      tpu.enqueue_dma source(%arg11 : memref<104x128xf32, #tpu.memory_space<vmem>>) target(%dma_start3A_85 : memref<104x128xf32, #tpu.memory_space<vmem_shared>>) target_semaphore(%run_scoped3A : memref<!tpu.dma_semaphore, #tpu.memory_space<semaphore_mem>>)
      %dma_wait3A = arith.constant 0 : i32
      %dma_wait3A_86 = tpu.memref_slice %arg12[%mul3A_0, %dma_wait3A] : memref<2505x128xf32, #tpu.memory_space<vmem_shared>> -> memref<104x128xf32, #tpu.memory_space<vmem_shared>>
      %dma_wait3A_87 = arith.constant 0 : i32
      %dma_wait3A_88 = tpu.memref_slice %arg12[%mul3A_0, %dma_wait3A_87] : memref<2505x128xf32, #tpu.memory_space<vmem_shared>> -> memref<104x128xf32, #tpu.memory_space<vmem_shared>>
      tpu.wait_dma2 semaphore(%run_scoped3A : memref<!tpu.dma_semaphore, #tpu.memory_space<semaphore_mem>>) src(%arg11 : memref<104x128xf32, #tpu.memory_space<vmem>>) dst(%dma_wait3A_88 : memref<104x128xf32, #tpu.memory_space<vmem_shared>>)
      tpu.yield
    }) : () -> ()
    %add3A_42 = arith.constant 104 : i32
    %add3A_43 = arith.addi %mul3A_0, %add3A_42 : i32
    "tpu.region"() ({
      %run_scoped3A = tpu.sem_alloc : memref<!tpu.dma_semaphore, #tpu.memory_space<semaphore_mem>>
      %dma_start3A_82 = arith.constant 0 : i32
      %dma_start3A_83 = arith.constant 0 : i32
      %dma_start3A_84 = tpu.memref_slice %arg11[%dma_start3A_82, %dma_start3A_83] : memref<104x128xf32, #tpu.memory_space<vmem>> -> memref<48x128xf32, #tpu.memory_space<vmem>>
      %dma_start3A_85 = arith.constant 0 : i32
      %dma_start3A_86 = tpu.memref_slice %arg12[%add3A_43, %dma_start3A_85] : memref<2505x128xf32, #tpu.memory_space<vmem_shared>> -> memref<48x128xf32, #tpu.memory_space<vmem_shared>>
      %dma_start3A_87 = arith.constant 0 : i32
      %dma_start3A_88 = tpu.memref_slice %arg12[%add3A_43, %dma_start3A_87] : memref<2505x128xf32, #tpu.memory_space<vmem_shared>> -> memref<48x128xf32, #tpu.memory_space<vmem_shared>>
      %dma_start3A_89 = arith.constant 0 : i32
      %dma_start3A_90 = arith.constant 0 : i32
      %dma_start3A_91 = tpu.memref_slice %arg11[%dma_start3A_89, %dma_start3A_90] : memref<104x128xf32, #tpu.memory_space<vmem>> -> memref<48x128xf32, #tpu.memory_space<vmem>>
      tpu.enqueue_dma source(%dma_start3A_91 : memref<48x128xf32, #tpu.memory_space<vmem>>) target(%dma_start3A_88 : memref<48x128xf32, #tpu.memory_space<vmem_shared>>) target_semaphore(%run_scoped3A : memref<!tpu.dma_semaphore, #tpu.memory_space<semaphore_mem>>)
      %dma_wait3A = arith.constant 0 : i32
      %dma_wait3A_92 = arith.constant 0 : i32
      %dma_wait3A_93 = tpu.memref_slice %arg11[%dma_wait3A, %dma_wait3A_92] : memref<104x128xf32, #tpu.memory_space<vmem>> -> memref<48x128xf32, #tpu.memory_space<vmem>>
      %dma_wait3A_94 = arith.constant 0 : i32
      %dma_wait3A_95 = tpu.memref_slice %arg12[%add3A_43, %dma_wait3A_94] : memref<2505x128xf32, #tpu.memory_space<vmem_shared>> -> memref<48x128xf32, #tpu.memory_space<vmem_shared>>
      %dma_wait3A_96 = arith.constant 0 : i32
      %dma_wait3A_97 = tpu.memref_slice %arg12[%add3A_43, %dma_wait3A_96] : memref<2505x128xf32, #tpu.memory_space<vmem_shared>> -> memref<48x128xf32, #tpu.memory_space<vmem_shared>>
      %dma_wait3A_98 = arith.constant 0 : i32
      %dma_wait3A_99 = arith.constant 0 : i32
      %dma_wait3A_100 = tpu.memref_slice %arg11[%dma_wait3A_98, %dma_wait3A_99] : memref<104x128xf32, #tpu.memory_space<vmem>> -> memref<48x128xf32, #tpu.memory_space<vmem>>
      tpu.wait_dma2 semaphore(%run_scoped3A : memref<!tpu.dma_semaphore, #tpu.memory_space<semaphore_mem>>) src(%dma_wait3A_100 : memref<48x128xf32, #tpu.memory_space<vmem>>) dst(%dma_wait3A_97 : memref<48x128xf32, #tpu.memory_space<vmem_shared>>)
      tpu.yield
    }) : () -> ()
    %eq3A_44 = arith.constant 15 : i32
    %eq3A_45 = arith.cmpi eq, %arg1, %eq3A_44 : i32
    %convert_element_type3A_46 = arith.extui %eq3A_45 : i1 to i32
    %cond3A_47 = arith.constant 0 : i32
    %cond3A_48 = arith.cmpi ne, %convert_element_type3A_46, %cond3A_47 : i32
    scf.if %cond3A_48 {
      "tpu.region"() ({
        %run_scoped3A = tpu.sem_alloc : memref<!tpu.dma_semaphore, #tpu.memory_space<semaphore_mem>>
        %dma_start3A_82 = arith.constant 0 : i32
        %dma_start3A_83 = arith.constant 0 : i32
        %dma_start3A_84 = tpu.memref_slice %arg11[%dma_start3A_82, %dma_start3A_83] : memref<104x128xf32, #tpu.memory_space<vmem>> -> memref<64x128xf32, #tpu.memory_space<vmem>>
        %dma_start3A_85 = arith.constant 2432 : i32
        %dma_start3A_86 = arith.constant 0 : i32
        %dma_start3A_87 = tpu.memref_slice %arg12[%dma_start3A_85, %dma_start3A_86] : memref<2505x128xf32, #tpu.memory_space<vmem_shared>> -> memref<64x128xf32, #tpu.memory_space<vmem_shared>>
        %dma_start3A_88 = arith.constant 2432 : i32
        %dma_start3A_89 = arith.constant 0 : i32
        %dma_start3A_90 = tpu.memref_slice %arg12[%dma_start3A_88, %dma_start3A_89] : memref<2505x128xf32, #tpu.memory_space<vmem_shared>> -> memref<64x128xf32, #tpu.memory_space<vmem_shared>>
        %dma_start3A_91 = arith.constant 0 : i32
        %dma_start3A_92 = arith.constant 0 : i32
        %dma_start3A_93 = tpu.memref_slice %arg11[%dma_start3A_91, %dma_start3A_92] : memref<104x128xf32, #tpu.memory_space<vmem>> -> memref<64x128xf32, #tpu.memory_space<vmem>>
        tpu.enqueue_dma source(%dma_start3A_93 : memref<64x128xf32, #tpu.memory_space<vmem>>) target(%dma_start3A_90 : memref<64x128xf32, #tpu.memory_space<vmem_shared>>) target_semaphore(%run_scoped3A : memref<!tpu.dma_semaphore, #tpu.memory_space<semaphore_mem>>)
        %dma_wait3A = arith.constant 0 : i32
        %dma_wait3A_94 = arith.constant 0 : i32
        %dma_wait3A_95 = tpu.memref_slice %arg11[%dma_wait3A, %dma_wait3A_94] : memref<104x128xf32, #tpu.memory_space<vmem>> -> memref<64x128xf32, #tpu.memory_space<vmem>>
        %dma_wait3A_96 = arith.constant 2432 : i32
        %dma_wait3A_97 = arith.constant 0 : i32
        %dma_wait3A_98 = tpu.memref_slice %arg12[%dma_wait3A_96, %dma_wait3A_97] : memref<2505x128xf32, #tpu.memory_space<vmem_shared>> -> memref<64x128xf32, #tpu.memory_space<vmem_shared>>
        %dma_wait3A_99 = arith.constant 2432 : i32
        %dma_wait3A_100 = arith.constant 0 : i32
        %dma_wait3A_101 = tpu.memref_slice %arg12[%dma_wait3A_99, %dma_wait3A_100] : memref<2505x128xf32, #tpu.memory_space<vmem_shared>> -> memref<64x128xf32, #tpu.memory_space<vmem_shared>>
        %dma_wait3A_102 = arith.constant 0 : i32
        %dma_wait3A_103 = arith.constant 0 : i32
        %dma_wait3A_104 = tpu.memref_slice %arg11[%dma_wait3A_102, %dma_wait3A_103] : memref<104x128xf32, #tpu.memory_space<vmem>> -> memref<64x128xf32, #tpu.memory_space<vmem>>
        tpu.wait_dma2 semaphore(%run_scoped3A : memref<!tpu.dma_semaphore, #tpu.memory_space<semaphore_mem>>) src(%dma_wait3A_104 : memref<64x128xf32, #tpu.memory_space<vmem>>) dst(%dma_wait3A_101 : memref<64x128xf32, #tpu.memory_space<vmem_shared>>)
        tpu.yield
      }) : () -> ()
    } else {
    }
    %mul3A_49 = arith.constant 2 : i32
    %mul3A_50 = arith.muli %arg0, %mul3A_49 : i32
    %add3A_51 = arith.constant 1 : i32
    %add3A_52 = arith.addi %mul3A_50, %add3A_51 : i32
    %mul3A_53 = arith.constant 16 : i32
    %mul3A_54 = arith.muli %add3A_52, %mul3A_53 : i32
    %add3A_55 = arith.addi %mul3A_54, %arg1 : i32
    "tpu.region"() ({
      %run_scoped3A = tpu.sem_alloc : memref<!tpu.dma_semaphore, #tpu.memory_space<semaphore_mem>>
      %dma_start3A_82 = arith.constant 0 : i32
      %dma_start3A_83 = arith.constant 0 : i32
      %dma_start3A_84 = tpu.memref_slice %arg4[%add3A_55, %dma_start3A_82, %dma_start3A_83] : memref<64x200x100xi32, #tpu.memory_space<hbm>> -> memref<1x200x100xi32, #tpu.memory_space<hbm>>
      %dma_start3A_85 = tpu.memref_squeeze %dma_start3A_84 : memref<1x200x100xi32, #tpu.memory_space<hbm>> -> memref<200x100xi32, #tpu.memory_space<hbm>>
      %dma_start3A_86 = arith.constant 0 : i32
      %dma_start3A_87 = arith.constant 0 : i32
      %dma_start3A_88 = tpu.memref_slice %arg4[%add3A_55, %dma_start3A_86, %dma_start3A_87] : memref<64x200x100xi32, #tpu.memory_space<hbm>> -> memref<1x200x100xi32, #tpu.memory_space<hbm>>
      %dma_start3A_89 = tpu.memref_squeeze %dma_start3A_88 : memref<1x200x100xi32, #tpu.memory_space<hbm>> -> memref<200x100xi32, #tpu.memory_space<hbm>>
      tpu.enqueue_dma source(%dma_start3A_89 : memref<200x100xi32, #tpu.memory_space<hbm>>) target(%arg8 : memref<200x100xi32, #tpu.memory_space<vmem>>) target_semaphore(%run_scoped3A : memref<!tpu.dma_semaphore, #tpu.memory_space<semaphore_mem>>)
      %dma_wait3A = arith.constant 0 : i32
      %dma_wait3A_90 = arith.constant 0 : i32
      %dma_wait3A_91 = tpu.memref_slice %arg4[%add3A_55, %dma_wait3A, %dma_wait3A_90] : memref<64x200x100xi32, #tpu.memory_space<hbm>> -> memref<1x200x100xi32, #tpu.memory_space<hbm>>
      %dma_wait3A_92 = tpu.memref_squeeze %dma_wait3A_91 : memref<1x200x100xi32, #tpu.memory_space<hbm>> -> memref<200x100xi32, #tpu.memory_space<hbm>>
      %dma_wait3A_93 = arith.constant 0 : i32
      %dma_wait3A_94 = arith.constant 0 : i32
      %dma_wait3A_95 = tpu.memref_slice %arg4[%add3A_55, %dma_wait3A_93, %dma_wait3A_94] : memref<64x200x100xi32, #tpu.memory_space<hbm>> -> memref<1x200x100xi32, #tpu.memory_space<hbm>>
      %dma_wait3A_96 = tpu.memref_squeeze %dma_wait3A_95 : memref<1x200x100xi32, #tpu.memory_space<hbm>> -> memref<200x100xi32, #tpu.memory_space<hbm>>
      tpu.wait_dma2 semaphore(%run_scoped3A : memref<!tpu.dma_semaphore, #tpu.memory_space<semaphore_mem>>) src(%dma_wait3A_96 : memref<200x100xi32, #tpu.memory_space<hbm>>) dst(%arg8 : memref<200x100xi32, #tpu.memory_space<vmem>>)
      tpu.yield
    }) : () -> ()
    %barrier3A_56 = arith.constant 0 : index
    tpu.barrier barrier_id(%barrier3A_56)
    %dma_start3A_57 = arith.constant 0 : i32
    %dma_start3A_58 = arith.constant 0 : i32
    %dma_start3A_59 = tpu.memref_slice %arg7[%dma_start3A_57, %dma_start3A_58] : memref<200x100xi32, #tpu.memory_space<vmem>> -> memref<1x100xi32, #tpu.memory_space<vmem>>
    %dma_start3A_60 = tpu.memref_squeeze %dma_start3A_59 : memref<1x100xi32, #tpu.memory_space<vmem>> -> memref<100xi32, #tpu.memory_space<vmem>>
    %dma_start3A_61 = arith.constant 0 : i32
    %dma_start3A_62 = arith.constant 0 : i32
    %dma_start3A_63 = tpu.memref_slice %arg2[%dma_start3A_61, %dma_start3A_62] : memref<10000x128xf32, #tpu.memory_space<hbm>> -> memref<10000x128xf32, #tpu.memory_space<hbm>>
    tpu.enqueue_indirect_dma source(%dma_start3A_63 : memref<10000x128xf32, #tpu.memory_space<hbm>>) target(%arg9 : memref<100x128xf32, #tpu.memory_space<vmem>>) offsets(%dma_start3A_60 : memref<100xi32, #tpu.memory_space<vmem>>) semaphore(%arg13 : memref<!tpu.dma_semaphore, #tpu.memory_space<semaphore_mem>>)
    %scan3A_64 = arith.constant 0 : i32
    %scan3A_65 = arith.constant 100 : i32
    %scan3A_66 = arith.addi %scan3A_64, %scan3A_65 : i32
    %scan3A_67 = arith.constant 1 : i32
    scf.for %scan3A_82 = %scan3A_64 to %scan3A_66 step %scan3A_67  : i32 {
      %mul3A_83 = arith.constant 2 : i32
      %mul3A_84 = arith.muli %scan3A_82, %mul3A_83 : i32
      %add3A_85 = arith.constant 0 : i32
      %add3A_86 = arith.addi %add3A_85, %mul3A_84 : i32
      %add3A_87 = arith.constant 1 : i32
      %add3A_88 = arith.addi %add3A_86, %add3A_87 : i32
      %dma_start3A_89 = arith.constant 0 : i32
      %dma_start3A_90 = tpu.memref_slice %arg7[%add3A_88, %dma_start3A_89] : memref<200x100xi32, #tpu.memory_space<vmem>> -> memref<1x100xi32, #tpu.memory_space<vmem>>
      %dma_start3A_91 = tpu.memref_squeeze %dma_start3A_90 : memref<1x100xi32, #tpu.memory_space<vmem>> -> memref<100xi32, #tpu.memory_space<vmem>>
      %dma_start3A_92 = arith.constant 0 : i32
      %dma_start3A_93 = arith.constant 0 : i32
      %dma_start3A_94 = tpu.memref_slice %arg2[%dma_start3A_92, %dma_start3A_93] : memref<10000x128xf32, #tpu.memory_space<hbm>> -> memref<10000x128xf32, #tpu.memory_space<hbm>>
      tpu.enqueue_indirect_dma source(%dma_start3A_94 : memref<10000x128xf32, #tpu.memory_space<hbm>>) target(%arg10 : memref<100x128xf32, #tpu.memory_space<vmem>>) offsets(%dma_start3A_91 : memref<100xi32, #tpu.memory_space<vmem>>) semaphore(%arg14 : memref<!tpu.dma_semaphore, #tpu.memory_space<semaphore_mem>>)
      %dma_wait3A = arith.constant 0 : i32
      %dma_wait3A_95 = tpu.memref_slice %arg7[%add3A_86, %dma_wait3A] : memref<200x100xi32, #tpu.memory_space<vmem>> -> memref<1x100xi32, #tpu.memory_space<vmem>>
      %dma_wait3A_96 = tpu.memref_squeeze %dma_wait3A_95 : memref<1x100xi32, #tpu.memory_space<vmem>> -> memref<100xi32, #tpu.memory_space<vmem>>
      %dma_wait3A_97 = arith.constant 0 : i32
      %dma_wait3A_98 = arith.constant 0 : i32
      %dma_wait3A_99 = tpu.memref_slice %arg2[%dma_wait3A_97, %dma_wait3A_98] : memref<10000x128xf32, #tpu.memory_space<hbm>> -> memref<10000x128xf32, #tpu.memory_space<hbm>>
      tpu.wait_indirect_dma semaphore(%arg13 : memref<!tpu.dma_semaphore, #tpu.memory_space<semaphore_mem>>) src(%dma_wait3A_99 : memref<10000x128xf32, #tpu.memory_space<hbm>>) dst(%arg9 : memref<100x128xf32, #tpu.memory_space<vmem>>)
      "tpu.region"() ({
        %run_scoped3A = tpu.sem_alloc : memref<!tpu.dma_semaphore, #tpu.memory_space<semaphore_mem>>
        %dma_start3A_116 = arith.constant 0 : i32
        %dma_start3A_117 = tpu.memref_slice %arg8[%add3A_86, %dma_start3A_116] : memref<200x100xi32, #tpu.memory_space<vmem>> -> memref<1x100xi32, #tpu.memory_space<vmem>>
        %dma_start3A_118 = tpu.memref_squeeze %dma_start3A_117 : memref<1x100xi32, #tpu.memory_space<vmem>> -> memref<100xi32, #tpu.memory_space<vmem>>
        %dma_start3A_119 = arith.constant 0 : i32
        %dma_start3A_120 = arith.constant 0 : i32
        %dma_start3A_121 = tpu.memref_slice %arg12[%dma_start3A_119, %dma_start3A_120] : memref<2505x128xf32, #tpu.memory_space<vmem_shared>> -> memref<2505x128xf32, #tpu.memory_space<vmem_shared>>
        tpu.enqueue_indirect_dma source(%arg9 : memref<100x128xf32, #tpu.memory_space<vmem>>) target(%dma_start3A_121 : memref<2505x128xf32, #tpu.memory_space<vmem_shared>>) offsets(%dma_start3A_118 : memref<100xi32, #tpu.memory_space<vmem>>) semaphore(%run_scoped3A : memref<!tpu.dma_semaphore, #tpu.memory_space<semaphore_mem>>) {add = true}
        %dma_wait3A_122 = arith.constant 0 : i32
        %dma_wait3A_123 = tpu.memref_slice %arg8[%add3A_86, %dma_wait3A_122] : memref<200x100xi32, #tpu.memory_space<vmem>> -> memref<1x100xi32, #tpu.memory_space<vmem>>
        %dma_wait3A_124 = tpu.memref_squeeze %dma_wait3A_123 : memref<1x100xi32, #tpu.memory_space<vmem>> -> memref<100xi32, #tpu.memory_space<vmem>>
        %dma_wait3A_125 = arith.constant 0 : i32
        %dma_wait3A_126 = arith.constant 0 : i32
        %dma_wait3A_127 = tpu.memref_slice %arg12[%dma_wait3A_125, %dma_wait3A_126] : memref<2505x128xf32, #tpu.memory_space<vmem_shared>> -> memref<2505x128xf32, #tpu.memory_space<vmem_shared>>
        tpu.wait_indirect_dma semaphore(%run_scoped3A : memref<!tpu.dma_semaphore, #tpu.memory_space<semaphore_mem>>) src(%arg9 : memref<100x128xf32, #tpu.memory_space<vmem>>) dst(%dma_wait3A_127 : memref<2505x128xf32, #tpu.memory_space<vmem_shared>>)
        tpu.yield
      }) : () -> ()
      %add3A_100 = arith.constant 2 : i32
      %add3A_101 = arith.addi %add3A_86, %add3A_100 : i32
      %lt3A = arith.constant 200 : i32
      %lt3A_102 = arith.cmpi slt, %add3A_101, %lt3A : i32
      %convert_element_type3A_103 = arith.extui %lt3A_102 : i1 to i32
      %cond3A_104 = arith.constant 0 : i32
      %cond3A_105 = arith.cmpi ne, %convert_element_type3A_103, %cond3A_104 : i32
      scf.if %cond3A_105 {
        %add3A_116 = arith.constant 2 : i32
        %add3A_117 = arith.addi %add3A_86, %add3A_116 : i32
        %dma_start3A_118 = arith.constant 0 : i32
        %dma_start3A_119 = tpu.memref_slice %arg7[%add3A_117, %dma_start3A_118] : memref<200x100xi32, #tpu.memory_space<vmem>> -> memref<1x100xi32, #tpu.memory_space<vmem>>
        %dma_start3A_120 = tpu.memref_squeeze %dma_start3A_119 : memref<1x100xi32, #tpu.memory_space<vmem>> -> memref<100xi32, #tpu.memory_space<vmem>>
        %dma_start3A_121 = arith.constant 0 : i32
        %dma_start3A_122 = arith.constant 0 : i32
        %dma_start3A_123 = tpu.memref_slice %arg2[%dma_start3A_121, %dma_start3A_122] : memref<10000x128xf32, #tpu.memory_space<hbm>> -> memref<10000x128xf32, #tpu.memory_space<hbm>>
        tpu.enqueue_indirect_dma source(%dma_start3A_123 : memref<10000x128xf32, #tpu.memory_space<hbm>>) target(%arg9 : memref<100x128xf32, #tpu.memory_space<vmem>>) offsets(%dma_start3A_120 : memref<100xi32, #tpu.memory_space<vmem>>) semaphore(%arg13 : memref<!tpu.dma_semaphore, #tpu.memory_space<semaphore_mem>>)
      } else {
      }
      %add3A_106 = arith.constant 1 : i32
      %add3A_107 = arith.addi %add3A_86, %add3A_106 : i32
      %dma_wait3A_108 = arith.constant 0 : i32
      %dma_wait3A_109 = tpu.memref_slice %arg7[%add3A_107, %dma_wait3A_108] : memref<200x100xi32, #tpu.memory_space<vmem>> -> memref<1x100xi32, #tpu.memory_space<vmem>>
      %dma_wait3A_110 = tpu.memref_squeeze %dma_wait3A_109 : memref<1x100xi32, #tpu.memory_space<vmem>> -> memref<100xi32, #tpu.memory_space<vmem>>
      %dma_wait3A_111 = arith.constant 0 : i32
      %dma_wait3A_112 = arith.constant 0 : i32
      %dma_wait3A_113 = tpu.memref_slice %arg2[%dma_wait3A_111, %dma_wait3A_112] : memref<10000x128xf32, #tpu.memory_space<hbm>> -> memref<10000x128xf32, #tpu.memory_space<hbm>>
      tpu.wait_indirect_dma semaphore(%arg14 : memref<!tpu.dma_semaphore, #tpu.memory_space<semaphore_mem>>) src(%dma_wait3A_113 : memref<10000x128xf32, #tpu.memory_space<hbm>>) dst(%arg10 : memref<100x128xf32, #tpu.memory_space<vmem>>)
      %add3A_114 = arith.constant 1 : i32
      %add3A_115 = arith.addi %add3A_86, %add3A_114 : i32
      "tpu.region"() ({
        %run_scoped3A = tpu.sem_alloc : memref<!tpu.dma_semaphore, #tpu.memory_space<semaphore_mem>>
        %dma_start3A_116 = arith.constant 0 : i32
        %dma_start3A_117 = tpu.memref_slice %arg8[%add3A_115, %dma_start3A_116] : memref<200x100xi32, #tpu.memory_space<vmem>> -> memref<1x100xi32, #tpu.memory_space<vmem>>
        %dma_start3A_118 = tpu.memref_squeeze %dma_start3A_117 : memref<1x100xi32, #tpu.memory_space<vmem>> -> memref<100xi32, #tpu.memory_space<vmem>>
        %dma_start3A_119 = arith.constant 0 : i32
        %dma_start3A_120 = arith.constant 0 : i32
        %dma_start3A_121 = tpu.memref_slice %arg12[%dma_start3A_119, %dma_start3A_120] : memref<2505x128xf32, #tpu.memory_space<vmem_shared>> -> memref<2505x128xf32, #tpu.memory_space<vmem_shared>>
        tpu.enqueue_indirect_dma source(%arg10 : memref<100x128xf32, #tpu.memory_space<vmem>>) target(%dma_start3A_121 : memref<2505x128xf32, #tpu.memory_space<vmem_shared>>) offsets(%dma_start3A_118 : memref<100xi32, #tpu.memory_space<vmem>>) semaphore(%run_scoped3A : memref<!tpu.dma_semaphore, #tpu.memory_space<semaphore_mem>>) {add = true}
        %dma_wait3A_122 = arith.constant 0 : i32
        %dma_wait3A_123 = tpu.memref_slice %arg8[%add3A_115, %dma_wait3A_122] : memref<200x100xi32, #tpu.memory_space<vmem>> -> memref<1x100xi32, #tpu.memory_space<vmem>>
        %dma_wait3A_124 = tpu.memref_squeeze %dma_wait3A_123 : memref<1x100xi32, #tpu.memory_space<vmem>> -> memref<100xi32, #tpu.memory_space<vmem>>
        %dma_wait3A_125 = arith.constant 0 : i32
        %dma_wait3A_126 = arith.constant 0 : i32
        %dma_wait3A_127 = tpu.memref_slice %arg12[%dma_wait3A_125, %dma_wait3A_126] : memref<2505x128xf32, #tpu.memory_space<vmem_shared>> -> memref<2505x128xf32, #tpu.memory_space<vmem_shared>>
        tpu.wait_indirect_dma semaphore(%run_scoped3A : memref<!tpu.dma_semaphore, #tpu.memory_space<semaphore_mem>>) src(%arg10 : memref<100x128xf32, #tpu.memory_space<vmem>>) dst(%dma_wait3A_127 : memref<2505x128xf32, #tpu.memory_space<vmem_shared>>)
        tpu.yield
      }) : () -> ()
    }
    %scan3A_68 = arith.constant 100 : i32
    %barrier3A_69 = arith.constant 0 : index
    tpu.barrier barrier_id(%barrier3A_69)
    "tpu.region"() ({
      %run_scoped3A = tpu.sem_alloc : memref<!tpu.dma_semaphore, #tpu.memory_space<semaphore_mem>>
      %dma_start3A_82 = arith.constant 0 : i32
      %dma_start3A_83 = tpu.memref_slice %arg12[%mul3A_0, %dma_start3A_82] : memref<2505x128xf32, #tpu.memory_space<vmem_shared>> -> memref<104x128xf32, #tpu.memory_space<vmem_shared>>
      %dma_start3A_84 = arith.constant 0 : i32
      %dma_start3A_85 = tpu.memref_slice %arg12[%mul3A_0, %dma_start3A_84] : memref<2505x128xf32, #tpu.memory_space<vmem_shared>> -> memref<104x128xf32, #tpu.memory_space<vmem_shared>>
      tpu.enqueue_dma source(%dma_start3A_85 : memref<104x128xf32, #tpu.memory_space<vmem_shared>>) target(%arg11 : memref<104x128xf32, #tpu.memory_space<vmem>>) target_semaphore(%run_scoped3A : memref<!tpu.dma_semaphore, #tpu.memory_space<semaphore_mem>>)
      %dma_wait3A = arith.constant 0 : i32
      %dma_wait3A_86 = tpu.memref_slice %arg12[%mul3A_0, %dma_wait3A] : memref<2505x128xf32, #tpu.memory_space<vmem_shared>> -> memref<104x128xf32, #tpu.memory_space<vmem_shared>>
      %dma_wait3A_87 = arith.constant 0 : i32
      %dma_wait3A_88 = tpu.memref_slice %arg12[%mul3A_0, %dma_wait3A_87] : memref<2505x128xf32, #tpu.memory_space<vmem_shared>> -> memref<104x128xf32, #tpu.memory_space<vmem_shared>>
      tpu.wait_dma2 semaphore(%run_scoped3A : memref<!tpu.dma_semaphore, #tpu.memory_space<semaphore_mem>>) src(%dma_wait3A_88 : memref<104x128xf32, #tpu.memory_space<vmem_shared>>) dst(%arg11 : memref<104x128xf32, #tpu.memory_space<vmem>>)
      tpu.yield
    }) : () -> ()
    %add3A_70 = arith.addi %add3A_41, %mul3A_0 : i32
    "tpu.region"() ({
      %run_scoped3A = tpu.sem_alloc : memref<!tpu.dma_semaphore, #tpu.memory_space<semaphore_mem>>
      %dma_start3A_82 = arith.constant 0 : i32
      %dma_start3A_83 = tpu.memref_slice %arg6[%add3A_70, %dma_start3A_82] : memref<10000x128xf32, #tpu.memory_space<hbm>> -> memref<104x128xf32, #tpu.memory_space<hbm>>
      %dma_start3A_84 = arith.constant 0 : i32
      %dma_start3A_85 = tpu.memref_slice %arg6[%add3A_70, %dma_start3A_84] : memref<10000x128xf32, #tpu.memory_space<hbm>> -> memref<104x128xf32, #tpu.memory_space<hbm>>
      tpu.enqueue_dma source(%arg11 : memref<104x128xf32, #tpu.memory_space<vmem>>) target(%dma_start3A_85 : memref<104x128xf32, #tpu.memory_space<hbm>>) target_semaphore(%run_scoped3A : memref<!tpu.dma_semaphore, #tpu.memory_space<semaphore_mem>>)
      %dma_wait3A = arith.constant 0 : i32
      %dma_wait3A_86 = tpu.memref_slice %arg6[%add3A_70, %dma_wait3A] : memref<10000x128xf32, #tpu.memory_space<hbm>> -> memref<104x128xf32, #tpu.memory_space<hbm>>
      %dma_wait3A_87 = arith.constant 0 : i32
      %dma_wait3A_88 = tpu.memref_slice %arg6[%add3A_70, %dma_wait3A_87] : memref<10000x128xf32, #tpu.memory_space<hbm>> -> memref<104x128xf32, #tpu.memory_space<hbm>>
      tpu.wait_dma2 semaphore(%run_scoped3A : memref<!tpu.dma_semaphore, #tpu.memory_space<semaphore_mem>>) src(%arg11 : memref<104x128xf32, #tpu.memory_space<vmem>>) dst(%dma_wait3A_88 : memref<104x128xf32, #tpu.memory_space<hbm>>)
      tpu.yield
    }) : () -> ()
    %add3A_71 = arith.constant 104 : i32
    %add3A_72 = arith.addi %mul3A_0, %add3A_71 : i32
    "tpu.region"() ({
      %run_scoped3A = tpu.sem_alloc : memref<!tpu.dma_semaphore, #tpu.memory_space<semaphore_mem>>
      %dma_start3A_82 = arith.constant 0 : i32
      %dma_start3A_83 = arith.constant 0 : i32
      %dma_start3A_84 = tpu.memref_slice %arg11[%dma_start3A_82, %dma_start3A_83] : memref<104x128xf32, #tpu.memory_space<vmem>> -> memref<48x128xf32, #tpu.memory_space<vmem>>
      %dma_start3A_85 = arith.constant 0 : i32
      %dma_start3A_86 = tpu.memref_slice %arg12[%add3A_72, %dma_start3A_85] : memref<2505x128xf32, #tpu.memory_space<vmem_shared>> -> memref<48x128xf32, #tpu.memory_space<vmem_shared>>
      %dma_start3A_87 = arith.constant 0 : i32
      %dma_start3A_88 = arith.constant 0 : i32
      %dma_start3A_89 = tpu.memref_slice %arg11[%dma_start3A_87, %dma_start3A_88] : memref<104x128xf32, #tpu.memory_space<vmem>> -> memref<48x128xf32, #tpu.memory_space<vmem>>
      %dma_start3A_90 = arith.constant 0 : i32
      %dma_start3A_91 = tpu.memref_slice %arg12[%add3A_72, %dma_start3A_90] : memref<2505x128xf32, #tpu.memory_space<vmem_shared>> -> memref<48x128xf32, #tpu.memory_space<vmem_shared>>
      tpu.enqueue_dma source(%dma_start3A_91 : memref<48x128xf32, #tpu.memory_space<vmem_shared>>) target(%dma_start3A_89 : memref<48x128xf32, #tpu.memory_space<vmem>>) target_semaphore(%run_scoped3A : memref<!tpu.dma_semaphore, #tpu.memory_space<semaphore_mem>>)
      %dma_wait3A = arith.constant 0 : i32
      %dma_wait3A_92 = arith.constant 0 : i32
      %dma_wait3A_93 = tpu.memref_slice %arg11[%dma_wait3A, %dma_wait3A_92] : memref<104x128xf32, #tpu.memory_space<vmem>> -> memref<48x128xf32, #tpu.memory_space<vmem>>
      %dma_wait3A_94 = arith.constant 0 : i32
      %dma_wait3A_95 = tpu.memref_slice %arg12[%add3A_72, %dma_wait3A_94] : memref<2505x128xf32, #tpu.memory_space<vmem_shared>> -> memref<48x128xf32, #tpu.memory_space<vmem_shared>>
      %dma_wait3A_96 = arith.constant 0 : i32
      %dma_wait3A_97 = arith.constant 0 : i32
      %dma_wait3A_98 = tpu.memref_slice %arg11[%dma_wait3A_96, %dma_wait3A_97] : memref<104x128xf32, #tpu.memory_space<vmem>> -> memref<48x128xf32, #tpu.memory_space<vmem>>
      %dma_wait3A_99 = arith.constant 0 : i32
      %dma_wait3A_100 = tpu.memref_slice %arg12[%add3A_72, %dma_wait3A_99] : memref<2505x128xf32, #tpu.memory_space<vmem_shared>> -> memref<48x128xf32, #tpu.memory_space<vmem_shared>>
      tpu.wait_dma2 semaphore(%run_scoped3A : memref<!tpu.dma_semaphore, #tpu.memory_space<semaphore_mem>>) src(%dma_wait3A_100 : memref<48x128xf32, #tpu.memory_space<vmem_shared>>) dst(%dma_wait3A_98 : memref<48x128xf32, #tpu.memory_space<vmem>>)
      tpu.yield
    }) : () -> ()
    %add3A_73 = arith.addi %add3A_41, %mul3A_0 : i32
    %add3A_74 = arith.constant 104 : i32
    %add3A_75 = arith.addi %add3A_73, %add3A_74 : i32
    "tpu.region"() ({
      %run_scoped3A = tpu.sem_alloc : memref<!tpu.dma_semaphore, #tpu.memory_space<semaphore_mem>>
      %dma_start3A_82 = arith.constant 0 : i32
      %dma_start3A_83 = arith.constant 0 : i32
      %dma_start3A_84 = tpu.memref_slice %arg11[%dma_start3A_82, %dma_start3A_83] : memref<104x128xf32, #tpu.memory_space<vmem>> -> memref<48x128xf32, #tpu.memory_space<vmem>>
      %dma_start3A_85 = arith.constant 0 : i32
      %dma_start3A_86 = tpu.memref_slice %arg6[%add3A_75, %dma_start3A_85] : memref<10000x128xf32, #tpu.memory_space<hbm>> -> memref<48x128xf32, #tpu.memory_space<hbm>>
      %dma_start3A_87 = arith.constant 0 : i32
      %dma_start3A_88 = tpu.memref_slice %arg6[%add3A_75, %dma_start3A_87] : memref<10000x128xf32, #tpu.memory_space<hbm>> -> memref<48x128xf32, #tpu.memory_space<hbm>>
      %dma_start3A_89 = arith.constant 0 : i32
      %dma_start3A_90 = arith.constant 0 : i32
      %dma_start3A_91 = tpu.memref_slice %arg11[%dma_start3A_89, %dma_start3A_90] : memref<104x128xf32, #tpu.memory_space<vmem>> -> memref<48x128xf32, #tpu.memory_space<vmem>>
      tpu.enqueue_dma source(%dma_start3A_91 : memref<48x128xf32, #tpu.memory_space<vmem>>) target(%dma_start3A_88 : memref<48x128xf32, #tpu.memory_space<hbm>>) target_semaphore(%run_scoped3A : memref<!tpu.dma_semaphore, #tpu.memory_space<semaphore_mem>>)
      %dma_wait3A = arith.constant 0 : i32
      %dma_wait3A_92 = arith.constant 0 : i32
      %dma_wait3A_93 = tpu.memref_slice %arg11[%dma_wait3A, %dma_wait3A_92] : memref<104x128xf32, #tpu.memory_space<vmem>> -> memref<48x128xf32, #tpu.memory_space<vmem>>
      %dma_wait3A_94 = arith.constant 0 : i32
      %dma_wait3A_95 = tpu.memref_slice %arg6[%add3A_75, %dma_wait3A_94] : memref<10000x128xf32, #tpu.memory_space<hbm>> -> memref<48x128xf32, #tpu.memory_space<hbm>>
      %dma_wait3A_96 = arith.constant 0 : i32
      %dma_wait3A_97 = tpu.memref_slice %arg6[%add3A_75, %dma_wait3A_96] : memref<10000x128xf32, #tpu.memory_space<hbm>> -> memref<48x128xf32, #tpu.memory_space<hbm>>
      %dma_wait3A_98 = arith.constant 0 : i32
      %dma_wait3A_99 = arith.constant 0 : i32
      %dma_wait3A_100 = tpu.memref_slice %arg11[%dma_wait3A_98, %dma_wait3A_99] : memref<104x128xf32, #tpu.memory_space<vmem>> -> memref<48x128xf32, #tpu.memory_space<vmem>>
      tpu.wait_dma2 semaphore(%run_scoped3A : memref<!tpu.dma_semaphore, #tpu.memory_space<semaphore_mem>>) src(%dma_wait3A_100 : memref<48x128xf32, #tpu.memory_space<vmem>>) dst(%dma_wait3A_97 : memref<48x128xf32, #tpu.memory_space<hbm>>)
      tpu.yield
    }) : () -> ()
    %eq3A_76 = arith.constant 15 : i32
    %eq3A_77 = arith.cmpi eq, %arg1, %eq3A_76 : i32
    %convert_element_type3A_78 = arith.extui %eq3A_77 : i1 to i32
    %cond3A_79 = arith.constant 0 : i32
    %cond3A_80 = arith.cmpi ne, %convert_element_type3A_78, %cond3A_79 : i32
    scf.if %cond3A_80 {
      "tpu.region"() ({
        %run_scoped3A = tpu.sem_alloc : memref<!tpu.dma_semaphore, #tpu.memory_space<semaphore_mem>>
        %dma_start3A_84 = arith.constant 0 : i32
        %dma_start3A_85 = arith.constant 0 : i32
        %dma_start3A_86 = tpu.memref_slice %arg11[%dma_start3A_84, %dma_start3A_85] : memref<104x128xf32, #tpu.memory_space<vmem>> -> memref<64x128xf32, #tpu.memory_space<vmem>>
        %dma_start3A_87 = arith.constant 2432 : i32
        %dma_start3A_88 = arith.constant 0 : i32
        %dma_start3A_89 = tpu.memref_slice %arg12[%dma_start3A_87, %dma_start3A_88] : memref<2505x128xf32, #tpu.memory_space<vmem_shared>> -> memref<64x128xf32, #tpu.memory_space<vmem_shared>>
        %dma_start3A_90 = arith.constant 0 : i32
        %dma_start3A_91 = arith.constant 0 : i32
        %dma_start3A_92 = tpu.memref_slice %arg11[%dma_start3A_90, %dma_start3A_91] : memref<104x128xf32, #tpu.memory_space<vmem>> -> memref<64x128xf32, #tpu.memory_space<vmem>>
        %dma_start3A_93 = arith.constant 2432 : i32
        %dma_start3A_94 = arith.constant 0 : i32
        %dma_start3A_95 = tpu.memref_slice %arg12[%dma_start3A_93, %dma_start3A_94] : memref<2505x128xf32, #tpu.memory_space<vmem_shared>> -> memref<64x128xf32, #tpu.memory_space<vmem_shared>>
        tpu.enqueue_dma source(%dma_start3A_95 : memref<64x128xf32, #tpu.memory_space<vmem_shared>>) target(%dma_start3A_92 : memref<64x128xf32, #tpu.memory_space<vmem>>) target_semaphore(%run_scoped3A : memref<!tpu.dma_semaphore, #tpu.memory_space<semaphore_mem>>)
        %dma_wait3A = arith.constant 0 : i32
        %dma_wait3A_96 = arith.constant 0 : i32
        %dma_wait3A_97 = tpu.memref_slice %arg11[%dma_wait3A, %dma_wait3A_96] : memref<104x128xf32, #tpu.memory_space<vmem>> -> memref<64x128xf32, #tpu.memory_space<vmem>>
        %dma_wait3A_98 = arith.constant 2432 : i32
        %dma_wait3A_99 = arith.constant 0 : i32
        %dma_wait3A_100 = tpu.memref_slice %arg12[%dma_wait3A_98, %dma_wait3A_99] : memref<2505x128xf32, #tpu.memory_space<vmem_shared>> -> memref<64x128xf32, #tpu.memory_space<vmem_shared>>
        %dma_wait3A_101 = arith.constant 0 : i32
        %dma_wait3A_102 = arith.constant 0 : i32
        %dma_wait3A_103 = tpu.memref_slice %arg11[%dma_wait3A_101, %dma_wait3A_102] : memref<104x128xf32, #tpu.memory_space<vmem>> -> memref<64x128xf32, #tpu.memory_space<vmem>>
        %dma_wait3A_104 = arith.constant 2432 : i32
        %dma_wait3A_105 = arith.constant 0 : i32
        %dma_wait3A_106 = tpu.memref_slice %arg12[%dma_wait3A_104, %dma_wait3A_105] : memref<2505x128xf32, #tpu.memory_space<vmem_shared>> -> memref<64x128xf32, #tpu.memory_space<vmem_shared>>
        tpu.wait_dma2 semaphore(%run_scoped3A : memref<!tpu.dma_semaphore, #tpu.memory_space<semaphore_mem>>) src(%dma_wait3A_106 : memref<64x128xf32, #tpu.memory_space<vmem_shared>>) dst(%dma_wait3A_103 : memref<64x128xf32, #tpu.memory_space<vmem>>)
        tpu.yield
      }) : () -> ()
      %add3A_82 = arith.constant 2432 : i32
      %add3A_83 = arith.addi %add3A_41, %add3A_82 : i32
      "tpu.region"() ({
        %run_scoped3A = tpu.sem_alloc : memref<!tpu.dma_semaphore, #tpu.memory_space<semaphore_mem>>
        %dma_start3A_84 = arith.constant 0 : i32
        %dma_start3A_85 = arith.constant 0 : i32
        %dma_start3A_86 = tpu.memref_slice %arg11[%dma_start3A_84, %dma_start3A_85] : memref<104x128xf32, #tpu.memory_space<vmem>> -> memref<64x128xf32, #tpu.memory_space<vmem>>
        %dma_start3A_87 = arith.constant 0 : i32
        %dma_start3A_88 = tpu.memref_slice %arg6[%add3A_83, %dma_start3A_87] : memref<10000x128xf32, #tpu.memory_space<hbm>> -> memref<64x128xf32, #tpu.memory_space<hbm>>
        %dma_start3A_89 = arith.constant 0 : i32
        %dma_start3A_90 = tpu.memref_slice %arg6[%add3A_83, %dma_start3A_89] : memref<10000x128xf32, #tpu.memory_space<hbm>> -> memref<64x128xf32, #tpu.memory_space<hbm>>
        %dma_start3A_91 = arith.constant 0 : i32
        %dma_start3A_92 = arith.constant 0 : i32
        %dma_start3A_93 = tpu.memref_slice %arg11[%dma_start3A_91, %dma_start3A_92] : memref<104x128xf32, #tpu.memory_space<vmem>> -> memref<64x128xf32, #tpu.memory_space<vmem>>
        tpu.enqueue_dma source(%dma_start3A_93 : memref<64x128xf32, #tpu.memory_space<vmem>>) target(%dma_start3A_90 : memref<64x128xf32, #tpu.memory_space<hbm>>) target_semaphore(%run_scoped3A : memref<!tpu.dma_semaphore, #tpu.memory_space<semaphore_mem>>)
        %dma_wait3A = arith.constant 0 : i32
        %dma_wait3A_94 = arith.constant 0 : i32
        %dma_wait3A_95 = tpu.memref_slice %arg11[%dma_wait3A, %dma_wait3A_94] : memref<104x128xf32, #tpu.memory_space<vmem>> -> memref<64x128xf32, #tpu.memory_space<vmem>>
        %dma_wait3A_96 = arith.constant 0 : i32
        %dma_wait3A_97 = tpu.memref_slice %arg6[%add3A_83, %dma_wait3A_96] : memref<10000x128xf32, #tpu.memory_space<hbm>> -> memref<64x128xf32, #tpu.memory_space<hbm>>
        %dma_wait3A_98 = arith.constant 0 : i32
        %dma_wait3A_99 = tpu.memref_slice %arg6[%add3A_83, %dma_wait3A_98] : memref<10000x128xf32, #tpu.memory_space<hbm>> -> memref<64x128xf32, #tpu.memory_space<hbm>>
        %dma_wait3A_100 = arith.constant 0 : i32
        %dma_wait3A_101 = arith.constant 0 : i32
        %dma_wait3A_102 = tpu.memref_slice %arg11[%dma_wait3A_100, %dma_wait3A_101] : memref<104x128xf32, #tpu.memory_space<vmem>> -> memref<64x128xf32, #tpu.memory_space<vmem>>
        tpu.wait_dma2 semaphore(%run_scoped3A : memref<!tpu.dma_semaphore, #tpu.memory_space<semaphore_mem>>) src(%dma_wait3A_102 : memref<64x128xf32, #tpu.memory_space<vmem>>) dst(%dma_wait3A_99 : memref<64x128xf32, #tpu.memory_space<hbm>>)
        tpu.yield
      }) : () -> ()
    } else {
    }
    %barrier3A_81 = arith.constant 0 : index
    tpu.barrier barrier_id(%barrier3A_81)
    return
  }
}

#map = affine_map<(d0, d1) -> (0, 0, 0)>
#map1 = affine_map<(d0, d1) -> (0, 0)>
module attributes {stable_mosaic.version = 14 : i64} {
  func.func @k(%arg0: i32, %arg1: i32, %arg2: memref<64x200x100xi32, #tpu.memory_space<hbm>>, %arg3: memref<100x16xf32, #tpu.memory_space<hbm>>, %arg4: memref<152x16xf32, #tpu.memory_space<hbm>>, %arg5: memref<10000x16xf32, #tpu.memory_space<hbm>>, %arg6: memref<200x100xi32, #tpu.memory_space<vmem>>, %arg7: memref<100x16xf32, #tpu.memory_space<vmem>>, %arg8: memref<2505x16xf32, #tpu.memory_space<vmem_shared>>) attributes {dimension_semantics = [#tpu.dimension_semantics<core_parallel>, #tpu.dimension_semantics<subcore_parallel>], iteration_bounds = array<i64: 2, 16>, scalar_prefetch = 0 : i64, scratch_operands = 3 : i64, tpu.core_type = #tpu.core_type<sc_vector_subcore>, window_params = [{transform_indices = #map}, {transform_indices = #map1}, {transform_indices = #map1}, {transform_indices = #map1}]} {
    %mul3A = arith.constant 152 : i32
    %mul3A_0 = arith.muli %arg1, %mul3A : i32
    "tpu.region"() ({
      %run_scoped3A = tpu.sem_alloc : memref<!tpu.dma_semaphore, #tpu.memory_space<semaphore_mem>>
      tpu.enqueue_dma source(%arg3 : memref<100x16xf32, #tpu.memory_space<hbm>>) target(%arg7 : memref<100x16xf32, #tpu.memory_space<vmem>>) target_semaphore(%run_scoped3A : memref<!tpu.dma_semaphore, #tpu.memory_space<semaphore_mem>>)
      tpu.wait_dma2 semaphore(%run_scoped3A : memref<!tpu.dma_semaphore, #tpu.memory_space<semaphore_mem>>) src(%arg3 : memref<100x16xf32, #tpu.memory_space<hbm>>) dst(%arg7 : memref<100x16xf32, #tpu.memory_space<vmem>>)
      tpu.yield
    }) : () -> ()
    %mul3A_1 = arith.constant 5000 : i32
    %mul3A_2 = arith.muli %arg0, %mul3A_1 : i32
    %add3A = arith.constant 0 : i32
    %add3A_3 = arith.addi %mul3A_2, %add3A : i32
    "tpu.region"() ({
      %run_scoped3A = tpu.sem_alloc : memref<!tpu.dma_semaphore, #tpu.memory_space<semaphore_mem>>
      %dma_start3A = arith.constant 0 : i32
      %dma_start3A_55 = tpu.memref_slice %arg8[%mul3A_0, %dma_start3A] : memref<2505x16xf32, #tpu.memory_space<vmem_shared>> -> memref<152x16xf32, #tpu.memory_space<vmem_shared>>
      tpu.enqueue_dma source(%arg4 : memref<152x16xf32, #tpu.memory_space<hbm>>) target(%dma_start3A_55 : memref<152x16xf32, #tpu.memory_space<vmem_shared>>) target_semaphore(%run_scoped3A : memref<!tpu.dma_semaphore, #tpu.memory_space<semaphore_mem>>)
      %dma_wait3A = arith.constant 0 : i32
      %dma_wait3A_56 = tpu.memref_slice %arg8[%mul3A_0, %dma_wait3A] : memref<2505x16xf32, #tpu.memory_space<vmem_shared>> -> memref<152x16xf32, #tpu.memory_space<vmem_shared>>
      tpu.wait_dma2 semaphore(%run_scoped3A : memref<!tpu.dma_semaphore, #tpu.memory_space<semaphore_mem>>) src(%arg4 : memref<152x16xf32, #tpu.memory_space<hbm>>) dst(%dma_wait3A_56 : memref<152x16xf32, #tpu.memory_space<vmem_shared>>)
      tpu.yield
    }) : () -> ()
    %eq3A = arith.constant 15 : i32
    %eq3A_4 = arith.cmpi eq, %arg1, %eq3A : i32
    %convert_element_type3A = arith.extui %eq3A_4 : i1 to i32
    %cond3A = arith.constant 0 : i32
    %cond3A_5 = arith.cmpi ne, %convert_element_type3A, %cond3A : i32
    scf.if %cond3A_5 {
      "tpu.region"() ({
        %run_scoped3A = tpu.sem_alloc : memref<!tpu.dma_semaphore, #tpu.memory_space<semaphore_mem>>
        %dma_start3A = arith.constant 2432 : i32
        %dma_start3A_55 = arith.constant 0 : i32
        %dma_start3A_56 = tpu.memref_slice %arg8[%dma_start3A, %dma_start3A_55] : memref<2505x16xf32, #tpu.memory_space<vmem_shared>> -> memref<72x16xf32, #tpu.memory_space<vmem_shared>>
        %dma_start3A_57 = arith.constant 0 : i32
        %dma_start3A_58 = arith.constant 0 : i32
        %dma_start3A_59 = tpu.memref_slice %arg4[%dma_start3A_57, %dma_start3A_58] : memref<152x16xf32, #tpu.memory_space<hbm>> -> memref<72x16xf32, #tpu.memory_space<hbm>>
        tpu.enqueue_dma source(%dma_start3A_59 : memref<72x16xf32, #tpu.memory_space<hbm>>) target(%dma_start3A_56 : memref<72x16xf32, #tpu.memory_space<vmem_shared>>) target_semaphore(%run_scoped3A : memref<!tpu.dma_semaphore, #tpu.memory_space<semaphore_mem>>)
        %dma_wait3A = arith.constant 2432 : i32
        %dma_wait3A_60 = arith.constant 0 : i32
        %dma_wait3A_61 = tpu.memref_slice %arg8[%dma_wait3A, %dma_wait3A_60] : memref<2505x16xf32, #tpu.memory_space<vmem_shared>> -> memref<72x16xf32, #tpu.memory_space<vmem_shared>>
        %dma_wait3A_62 = arith.constant 0 : i32
        %dma_wait3A_63 = arith.constant 0 : i32
        %dma_wait3A_64 = tpu.memref_slice %arg4[%dma_wait3A_62, %dma_wait3A_63] : memref<152x16xf32, #tpu.memory_space<hbm>> -> memref<72x16xf32, #tpu.memory_space<hbm>>
        tpu.wait_dma2 semaphore(%run_scoped3A : memref<!tpu.dma_semaphore, #tpu.memory_space<semaphore_mem>>) src(%dma_wait3A_64 : memref<72x16xf32, #tpu.memory_space<hbm>>) dst(%dma_wait3A_61 : memref<72x16xf32, #tpu.memory_space<vmem_shared>>)
        tpu.yield
      }) : () -> ()
    } else {
    }
    %mul3A_6 = arith.constant 2 : i32
    %mul3A_7 = arith.muli %arg0, %mul3A_6 : i32
    %add3A_8 = arith.constant 0 : i32
    %add3A_9 = arith.addi %mul3A_7, %add3A_8 : i32
    %mul3A_10 = arith.constant 16 : i32
    %mul3A_11 = arith.muli %add3A_9, %mul3A_10 : i32
    %add3A_12 = arith.addi %mul3A_11, %arg1 : i32
    "tpu.region"() ({
      %run_scoped3A = tpu.sem_alloc : memref<!tpu.dma_semaphore, #tpu.memory_space<semaphore_mem>>
      %dma_start3A = arith.constant 0 : i32
      %dma_start3A_55 = arith.constant 0 : i32
      %dma_start3A_56 = tpu.memref_slice %arg2[%add3A_12, %dma_start3A, %dma_start3A_55] : memref<64x200x100xi32, #tpu.memory_space<hbm>> -> memref<1x200x100xi32, #tpu.memory_space<hbm>>
      %dma_start3A_57 = tpu.memref_squeeze %dma_start3A_56 : memref<1x200x100xi32, #tpu.memory_space<hbm>> -> memref<200x100xi32, #tpu.memory_space<hbm>>
      %dma_start3A_58 = arith.constant 0 : i32
      %dma_start3A_59 = arith.constant 0 : i32
      %dma_start3A_60 = tpu.memref_slice %arg2[%add3A_12, %dma_start3A_58, %dma_start3A_59] : memref<64x200x100xi32, #tpu.memory_space<hbm>> -> memref<1x200x100xi32, #tpu.memory_space<hbm>>
      %dma_start3A_61 = tpu.memref_squeeze %dma_start3A_60 : memref<1x200x100xi32, #tpu.memory_space<hbm>> -> memref<200x100xi32, #tpu.memory_space<hbm>>
      tpu.enqueue_dma source(%dma_start3A_61 : memref<200x100xi32, #tpu.memory_space<hbm>>) target(%arg6 : memref<200x100xi32, #tpu.memory_space<vmem>>) target_semaphore(%run_scoped3A : memref<!tpu.dma_semaphore, #tpu.memory_space<semaphore_mem>>)
      %dma_wait3A = arith.constant 0 : i32
      %dma_wait3A_62 = arith.constant 0 : i32
      %dma_wait3A_63 = tpu.memref_slice %arg2[%add3A_12, %dma_wait3A, %dma_wait3A_62] : memref<64x200x100xi32, #tpu.memory_space<hbm>> -> memref<1x200x100xi32, #tpu.memory_space<hbm>>
      %dma_wait3A_64 = tpu.memref_squeeze %dma_wait3A_63 : memref<1x200x100xi32, #tpu.memory_space<hbm>> -> memref<200x100xi32, #tpu.memory_space<hbm>>
      %dma_wait3A_65 = arith.constant 0 : i32
      %dma_wait3A_66 = arith.constant 0 : i32
      %dma_wait3A_67 = tpu.memref_slice %arg2[%add3A_12, %dma_wait3A_65, %dma_wait3A_66] : memref<64x200x100xi32, #tpu.memory_space<hbm>> -> memref<1x200x100xi32, #tpu.memory_space<hbm>>
      %dma_wait3A_68 = tpu.memref_squeeze %dma_wait3A_67 : memref<1x200x100xi32, #tpu.memory_space<hbm>> -> memref<200x100xi32, #tpu.memory_space<hbm>>
      tpu.wait_dma2 semaphore(%run_scoped3A : memref<!tpu.dma_semaphore, #tpu.memory_space<semaphore_mem>>) src(%dma_wait3A_68 : memref<200x100xi32, #tpu.memory_space<hbm>>) dst(%arg6 : memref<200x100xi32, #tpu.memory_space<vmem>>)
      tpu.yield
    }) : () -> ()
    %barrier3A = arith.constant 0 : index
    tpu.barrier barrier_id(%barrier3A)
    %scan3A = arith.constant 0 : i32
    %scan3A_13 = arith.constant 200 : i32
    %scan3A_14 = arith.addi %scan3A, %scan3A_13 : i32
    %scan3A_15 = arith.constant 1 : i32
    scf.for %scan3A_55 = %scan3A to %scan3A_14 step %scan3A_15  : i32 {
      %mul3A_56 = arith.constant 1 : i32
      %mul3A_57 = arith.muli %scan3A_55, %mul3A_56 : i32
      %add3A_58 = arith.constant 0 : i32
      %add3A_59 = arith.addi %add3A_58, %mul3A_57 : i32
      "tpu.region"() ({
        %run_scoped3A = tpu.sem_alloc : memref<!tpu.dma_semaphore, #tpu.memory_space<semaphore_mem>>
        %dma_start3A = arith.constant 0 : i32
        %dma_start3A_60 = tpu.memref_slice %arg6[%add3A_59, %dma_start3A] : memref<200x100xi32, #tpu.memory_space<vmem>> -> memref<1x100xi32, #tpu.memory_space<vmem>>
        %dma_start3A_61 = tpu.memref_squeeze %dma_start3A_60 : memref<1x100xi32, #tpu.memory_space<vmem>> -> memref<100xi32, #tpu.memory_space<vmem>>
        %dma_start3A_62 = arith.constant 0 : i32
        %dma_start3A_63 = arith.constant 0 : i32
        %dma_start3A_64 = tpu.memref_slice %arg8[%dma_start3A_62, %dma_start3A_63] : memref<2505x16xf32, #tpu.memory_space<vmem_shared>> -> memref<2505x16xf32, #tpu.memory_space<vmem_shared>>
        tpu.enqueue_indirect_dma source(%arg7 : memref<100x16xf32, #tpu.memory_space<vmem>>) target(%dma_start3A_64 : memref<2505x16xf32, #tpu.memory_space<vmem_shared>>) offsets(%dma_start3A_61 : memref<100xi32, #tpu.memory_space<vmem>>) semaphore(%run_scoped3A : memref<!tpu.dma_semaphore, #tpu.memory_space<semaphore_mem>>) {add = true}
        %dma_wait3A = arith.constant 0 : i32
        %dma_wait3A_65 = tpu.memref_slice %arg6[%add3A_59, %dma_wait3A] : memref<200x100xi32, #tpu.memory_space<vmem>> -> memref<1x100xi32, #tpu.memory_space<vmem>>
        %dma_wait3A_66 = tpu.memref_squeeze %dma_wait3A_65 : memref<1x100xi32, #tpu.memory_space<vmem>> -> memref<100xi32, #tpu.memory_space<vmem>>
        %dma_wait3A_67 = arith.constant 0 : i32
        %dma_wait3A_68 = arith.constant 0 : i32
        %dma_wait3A_69 = tpu.memref_slice %arg8[%dma_wait3A_67, %dma_wait3A_68] : memref<2505x16xf32, #tpu.memory_space<vmem_shared>> -> memref<2505x16xf32, #tpu.memory_space<vmem_shared>>
        tpu.wait_indirect_dma semaphore(%run_scoped3A : memref<!tpu.dma_semaphore, #tpu.memory_space<semaphore_mem>>) src(%arg7 : memref<100x16xf32, #tpu.memory_space<vmem>>) dst(%dma_wait3A_69 : memref<2505x16xf32, #tpu.memory_space<vmem_shared>>)
        tpu.yield
      }) : () -> ()
    }
    %scan3A_16 = arith.constant 200 : i32
    %barrier3A_17 = arith.constant 0 : index
    tpu.barrier barrier_id(%barrier3A_17)
    %add3A_18 = arith.addi %add3A_3, %mul3A_0 : i32
    "tpu.region"() ({
      %run_scoped3A = tpu.sem_alloc : memref<!tpu.dma_semaphore, #tpu.memory_space<semaphore_mem>>
      %dma_start3A = arith.constant 0 : i32
      %dma_start3A_55 = tpu.memref_slice %arg5[%add3A_18, %dma_start3A] : memref<10000x16xf32, #tpu.memory_space<hbm>> -> memref<152x16xf32, #tpu.memory_space<hbm>>
      %dma_start3A_56 = arith.constant 0 : i32
      %dma_start3A_57 = tpu.memref_slice %arg8[%mul3A_0, %dma_start3A_56] : memref<2505x16xf32, #tpu.memory_space<vmem_shared>> -> memref<152x16xf32, #tpu.memory_space<vmem_shared>>
      tpu.enqueue_dma source(%dma_start3A_57 : memref<152x16xf32, #tpu.memory_space<vmem_shared>>) target(%dma_start3A_55 : memref<152x16xf32, #tpu.memory_space<hbm>>) target_semaphore(%run_scoped3A : memref<!tpu.dma_semaphore, #tpu.memory_space<semaphore_mem>>)
      %dma_wait3A = arith.constant 0 : i32
      %dma_wait3A_58 = tpu.memref_slice %arg5[%add3A_18, %dma_wait3A] : memref<10000x16xf32, #tpu.memory_space<hbm>> -> memref<152x16xf32, #tpu.memory_space<hbm>>
      %dma_wait3A_59 = arith.constant 0 : i32
      %dma_wait3A_60 = tpu.memref_slice %arg8[%mul3A_0, %dma_wait3A_59] : memref<2505x16xf32, #tpu.memory_space<vmem_shared>> -> memref<152x16xf32, #tpu.memory_space<vmem_shared>>
      tpu.wait_dma2 semaphore(%run_scoped3A : memref<!tpu.dma_semaphore, #tpu.memory_space<semaphore_mem>>) src(%dma_wait3A_60 : memref<152x16xf32, #tpu.memory_space<vmem_shared>>) dst(%dma_wait3A_58 : memref<152x16xf32, #tpu.memory_space<hbm>>)
      tpu.yield
    }) : () -> ()
    %eq3A_19 = arith.constant 15 : i32
    %eq3A_20 = arith.cmpi eq, %arg1, %eq3A_19 : i32
    %convert_element_type3A_21 = arith.extui %eq3A_20 : i1 to i32
    %cond3A_22 = arith.constant 0 : i32
    %cond3A_23 = arith.cmpi ne, %convert_element_type3A_21, %cond3A_22 : i32
    scf.if %cond3A_23 {
      %add3A_55 = arith.constant 2432 : i32
      %add3A_56 = arith.addi %add3A_3, %add3A_55 : i32
      "tpu.region"() ({
        %run_scoped3A = tpu.sem_alloc : memref<!tpu.dma_semaphore, #tpu.memory_space<semaphore_mem>>
        %dma_start3A = arith.constant 0 : i32
        %dma_start3A_57 = tpu.memref_slice %arg5[%add3A_56, %dma_start3A] : memref<10000x16xf32, #tpu.memory_space<hbm>> -> memref<72x16xf32, #tpu.memory_space<hbm>>
        %dma_start3A_58 = arith.constant 2432 : i32
        %dma_start3A_59 = arith.constant 0 : i32
        %dma_start3A_60 = tpu.memref_slice %arg8[%dma_start3A_58, %dma_start3A_59] : memref<2505x16xf32, #tpu.memory_space<vmem_shared>> -> memref<72x16xf32, #tpu.memory_space<vmem_shared>>
        tpu.enqueue_dma source(%dma_start3A_60 : memref<72x16xf32, #tpu.memory_space<vmem_shared>>) target(%dma_start3A_57 : memref<72x16xf32, #tpu.memory_space<hbm>>) target_semaphore(%run_scoped3A : memref<!tpu.dma_semaphore, #tpu.memory_space<semaphore_mem>>)
        %dma_wait3A = arith.constant 0 : i32
        %dma_wait3A_61 = tpu.memref_slice %arg5[%add3A_56, %dma_wait3A] : memref<10000x16xf32, #tpu.memory_space<hbm>> -> memref<72x16xf32, #tpu.memory_space<hbm>>
        %dma_wait3A_62 = arith.constant 2432 : i32
        %dma_wait3A_63 = arith.constant 0 : i32
        %dma_wait3A_64 = tpu.memref_slice %arg8[%dma_wait3A_62, %dma_wait3A_63] : memref<2505x16xf32, #tpu.memory_space<vmem_shared>> -> memref<72x16xf32, #tpu.memory_space<vmem_shared>>
        tpu.wait_dma2 semaphore(%run_scoped3A : memref<!tpu.dma_semaphore, #tpu.memory_space<semaphore_mem>>) src(%dma_wait3A_64 : memref<72x16xf32, #tpu.memory_space<vmem_shared>>) dst(%dma_wait3A_61 : memref<72x16xf32, #tpu.memory_space<hbm>>)
        tpu.yield
      }) : () -> ()
    } else {
    }
    %barrier3A_24 = arith.constant 0 : index
    tpu.barrier barrier_id(%barrier3A_24)
    %mul3A_25 = arith.constant 5000 : i32
    %mul3A_26 = arith.muli %arg0, %mul3A_25 : i32
    %add3A_27 = arith.constant 2504 : i32
    %add3A_28 = arith.addi %mul3A_26, %add3A_27 : i32
    "tpu.region"() ({
      %run_scoped3A = tpu.sem_alloc : memref<!tpu.dma_semaphore, #tpu.memory_space<semaphore_mem>>
      %dma_start3A = arith.constant 0 : i32
      %dma_start3A_55 = tpu.memref_slice %arg8[%mul3A_0, %dma_start3A] : memref<2505x16xf32, #tpu.memory_space<vmem_shared>> -> memref<152x16xf32, #tpu.memory_space<vmem_shared>>
      tpu.enqueue_dma source(%arg4 : memref<152x16xf32, #tpu.memory_space<hbm>>) target(%dma_start3A_55 : memref<152x16xf32, #tpu.memory_space<vmem_shared>>) target_semaphore(%run_scoped3A : memref<!tpu.dma_semaphore, #tpu.memory_space<semaphore_mem>>)
      %dma_wait3A = arith.constant 0 : i32
      %dma_wait3A_56 = tpu.memref_slice %arg8[%mul3A_0, %dma_wait3A] : memref<2505x16xf32, #tpu.memory_space<vmem_shared>> -> memref<152x16xf32, #tpu.memory_space<vmem_shared>>
      tpu.wait_dma2 semaphore(%run_scoped3A : memref<!tpu.dma_semaphore, #tpu.memory_space<semaphore_mem>>) src(%arg4 : memref<152x16xf32, #tpu.memory_space<hbm>>) dst(%dma_wait3A_56 : memref<152x16xf32, #tpu.memory_space<vmem_shared>>)
      tpu.yield
    }) : () -> ()
    %eq3A_29 = arith.constant 15 : i32
    %eq3A_30 = arith.cmpi eq, %arg1, %eq3A_29 : i32
    %convert_element_type3A_31 = arith.extui %eq3A_30 : i1 to i32
    %cond3A_32 = arith.constant 0 : i32
    %cond3A_33 = arith.cmpi ne, %convert_element_type3A_31, %cond3A_32 : i32
    scf.if %cond3A_33 {
      "tpu.region"() ({
        %run_scoped3A = tpu.sem_alloc : memref<!tpu.dma_semaphore, #tpu.memory_space<semaphore_mem>>
        %dma_start3A = arith.constant 2432 : i32
        %dma_start3A_55 = arith.constant 0 : i32
        %dma_start3A_56 = tpu.memref_slice %arg8[%dma_start3A, %dma_start3A_55] : memref<2505x16xf32, #tpu.memory_space<vmem_shared>> -> memref<64x16xf32, #tpu.memory_space<vmem_shared>>
        %dma_start3A_57 = arith.constant 0 : i32
        %dma_start3A_58 = arith.constant 0 : i32
        %dma_start3A_59 = tpu.memref_slice %arg4[%dma_start3A_57, %dma_start3A_58] : memref<152x16xf32, #tpu.memory_space<hbm>> -> memref<64x16xf32, #tpu.memory_space<hbm>>
        tpu.enqueue_dma source(%dma_start3A_59 : memref<64x16xf32, #tpu.memory_space<hbm>>) target(%dma_start3A_56 : memref<64x16xf32, #tpu.memory_space<vmem_shared>>) target_semaphore(%run_scoped3A : memref<!tpu.dma_semaphore, #tpu.memory_space<semaphore_mem>>)
        %dma_wait3A = arith.constant 2432 : i32
        %dma_wait3A_60 = arith.constant 0 : i32
        %dma_wait3A_61 = tpu.memref_slice %arg8[%dma_wait3A, %dma_wait3A_60] : memref<2505x16xf32, #tpu.memory_space<vmem_shared>> -> memref<64x16xf32, #tpu.memory_space<vmem_shared>>
        %dma_wait3A_62 = arith.constant 0 : i32
        %dma_wait3A_63 = arith.constant 0 : i32
        %dma_wait3A_64 = tpu.memref_slice %arg4[%dma_wait3A_62, %dma_wait3A_63] : memref<152x16xf32, #tpu.memory_space<hbm>> -> memref<64x16xf32, #tpu.memory_space<hbm>>
        tpu.wait_dma2 semaphore(%run_scoped3A : memref<!tpu.dma_semaphore, #tpu.memory_space<semaphore_mem>>) src(%dma_wait3A_64 : memref<64x16xf32, #tpu.memory_space<hbm>>) dst(%dma_wait3A_61 : memref<64x16xf32, #tpu.memory_space<vmem_shared>>)
        tpu.yield
      }) : () -> ()
    } else {
    }
    %mul3A_34 = arith.constant 2 : i32
    %mul3A_35 = arith.muli %arg0, %mul3A_34 : i32
    %add3A_36 = arith.constant 1 : i32
    %add3A_37 = arith.addi %mul3A_35, %add3A_36 : i32
    %mul3A_38 = arith.constant 16 : i32
    %mul3A_39 = arith.muli %add3A_37, %mul3A_38 : i32
    %add3A_40 = arith.addi %mul3A_39, %arg1 : i32
    "tpu.region"() ({
      %run_scoped3A = tpu.sem_alloc : memref<!tpu.dma_semaphore, #tpu.memory_space<semaphore_mem>>
      %dma_start3A = arith.constant 0 : i32
      %dma_start3A_55 = arith.constant 0 : i32
      %dma_start3A_56 = tpu.memref_slice %arg2[%add3A_40, %dma_start3A, %dma_start3A_55] : memref<64x200x100xi32, #tpu.memory_space<hbm>> -> memref<1x200x100xi32, #tpu.memory_space<hbm>>
      %dma_start3A_57 = tpu.memref_squeeze %dma_start3A_56 : memref<1x200x100xi32, #tpu.memory_space<hbm>> -> memref<200x100xi32, #tpu.memory_space<hbm>>
      %dma_start3A_58 = arith.constant 0 : i32
      %dma_start3A_59 = arith.constant 0 : i32
      %dma_start3A_60 = tpu.memref_slice %arg2[%add3A_40, %dma_start3A_58, %dma_start3A_59] : memref<64x200x100xi32, #tpu.memory_space<hbm>> -> memref<1x200x100xi32, #tpu.memory_space<hbm>>
      %dma_start3A_61 = tpu.memref_squeeze %dma_start3A_60 : memref<1x200x100xi32, #tpu.memory_space<hbm>> -> memref<200x100xi32, #tpu.memory_space<hbm>>
      tpu.enqueue_dma source(%dma_start3A_61 : memref<200x100xi32, #tpu.memory_space<hbm>>) target(%arg6 : memref<200x100xi32, #tpu.memory_space<vmem>>) target_semaphore(%run_scoped3A : memref<!tpu.dma_semaphore, #tpu.memory_space<semaphore_mem>>)
      %dma_wait3A = arith.constant 0 : i32
      %dma_wait3A_62 = arith.constant 0 : i32
      %dma_wait3A_63 = tpu.memref_slice %arg2[%add3A_40, %dma_wait3A, %dma_wait3A_62] : memref<64x200x100xi32, #tpu.memory_space<hbm>> -> memref<1x200x100xi32, #tpu.memory_space<hbm>>
      %dma_wait3A_64 = tpu.memref_squeeze %dma_wait3A_63 : memref<1x200x100xi32, #tpu.memory_space<hbm>> -> memref<200x100xi32, #tpu.memory_space<hbm>>
      %dma_wait3A_65 = arith.constant 0 : i32
      %dma_wait3A_66 = arith.constant 0 : i32
      %dma_wait3A_67 = tpu.memref_slice %arg2[%add3A_40, %dma_wait3A_65, %dma_wait3A_66] : memref<64x200x100xi32, #tpu.memory_space<hbm>> -> memref<1x200x100xi32, #tpu.memory_space<hbm>>
      %dma_wait3A_68 = tpu.memref_squeeze %dma_wait3A_67 : memref<1x200x100xi32, #tpu.memory_space<hbm>> -> memref<200x100xi32, #tpu.memory_space<hbm>>
      tpu.wait_dma2 semaphore(%run_scoped3A : memref<!tpu.dma_semaphore, #tpu.memory_space<semaphore_mem>>) src(%dma_wait3A_68 : memref<200x100xi32, #tpu.memory_space<hbm>>) dst(%arg6 : memref<200x100xi32, #tpu.memory_space<vmem>>)
      tpu.yield
    }) : () -> ()
    %barrier3A_41 = arith.constant 0 : index
    tpu.barrier barrier_id(%barrier3A_41)
    %scan3A_42 = arith.constant 0 : i32
    %scan3A_43 = arith.constant 200 : i32
    %scan3A_44 = arith.addi %scan3A_42, %scan3A_43 : i32
    %scan3A_45 = arith.constant 1 : i32
    scf.for %scan3A_55 = %scan3A_42 to %scan3A_44 step %scan3A_45  : i32 {
      %mul3A_56 = arith.constant 1 : i32
      %mul3A_57 = arith.muli %scan3A_55, %mul3A_56 : i32
      %add3A_58 = arith.constant 0 : i32
      %add3A_59 = arith.addi %add3A_58, %mul3A_57 : i32
      "tpu.region"() ({
        %run_scoped3A = tpu.sem_alloc : memref<!tpu.dma_semaphore, #tpu.memory_space<semaphore_mem>>
        %dma_start3A = arith.constant 0 : i32
        %dma_start3A_60 = tpu.memref_slice %arg6[%add3A_59, %dma_start3A] : memref<200x100xi32, #tpu.memory_space<vmem>> -> memref<1x100xi32, #tpu.memory_space<vmem>>
        %dma_start3A_61 = tpu.memref_squeeze %dma_start3A_60 : memref<1x100xi32, #tpu.memory_space<vmem>> -> memref<100xi32, #tpu.memory_space<vmem>>
        %dma_start3A_62 = arith.constant 0 : i32
        %dma_start3A_63 = arith.constant 0 : i32
        %dma_start3A_64 = tpu.memref_slice %arg8[%dma_start3A_62, %dma_start3A_63] : memref<2505x16xf32, #tpu.memory_space<vmem_shared>> -> memref<2505x16xf32, #tpu.memory_space<vmem_shared>>
        tpu.enqueue_indirect_dma source(%arg7 : memref<100x16xf32, #tpu.memory_space<vmem>>) target(%dma_start3A_64 : memref<2505x16xf32, #tpu.memory_space<vmem_shared>>) offsets(%dma_start3A_61 : memref<100xi32, #tpu.memory_space<vmem>>) semaphore(%run_scoped3A : memref<!tpu.dma_semaphore, #tpu.memory_space<semaphore_mem>>) {add = true}
        %dma_wait3A = arith.constant 0 : i32
        %dma_wait3A_65 = tpu.memref_slice %arg6[%add3A_59, %dma_wait3A] : memref<200x100xi32, #tpu.memory_space<vmem>> -> memref<1x100xi32, #tpu.memory_space<vmem>>
        %dma_wait3A_66 = tpu.memref_squeeze %dma_wait3A_65 : memref<1x100xi32, #tpu.memory_space<vmem>> -> memref<100xi32, #tpu.memory_space<vmem>>
        %dma_wait3A_67 = arith.constant 0 : i32
        %dma_wait3A_68 = arith.constant 0 : i32
        %dma_wait3A_69 = tpu.memref_slice %arg8[%dma_wait3A_67, %dma_wait3A_68] : memref<2505x16xf32, #tpu.memory_space<vmem_shared>> -> memref<2505x16xf32, #tpu.memory_space<vmem_shared>>
        tpu.wait_indirect_dma semaphore(%run_scoped3A : memref<!tpu.dma_semaphore, #tpu.memory_space<semaphore_mem>>) src(%arg7 : memref<100x16xf32, #tpu.memory_space<vmem>>) dst(%dma_wait3A_69 : memref<2505x16xf32, #tpu.memory_space<vmem_shared>>)
        tpu.yield
      }) : () -> ()
    }
    %scan3A_46 = arith.constant 200 : i32
    %barrier3A_47 = arith.constant 0 : index
    tpu.barrier barrier_id(%barrier3A_47)
    %add3A_48 = arith.addi %add3A_28, %mul3A_0 : i32
    "tpu.region"() ({
      %run_scoped3A = tpu.sem_alloc : memref<!tpu.dma_semaphore, #tpu.memory_space<semaphore_mem>>
      %dma_start3A = arith.constant 0 : i32
      %dma_start3A_55 = tpu.memref_slice %arg5[%add3A_48, %dma_start3A] : memref<10000x16xf32, #tpu.memory_space<hbm>> -> memref<152x16xf32, #tpu.memory_space<hbm>>
      %dma_start3A_56 = arith.constant 0 : i32
      %dma_start3A_57 = tpu.memref_slice %arg8[%mul3A_0, %dma_start3A_56] : memref<2505x16xf32, #tpu.memory_space<vmem_shared>> -> memref<152x16xf32, #tpu.memory_space<vmem_shared>>
      tpu.enqueue_dma source(%dma_start3A_57 : memref<152x16xf32, #tpu.memory_space<vmem_shared>>) target(%dma_start3A_55 : memref<152x16xf32, #tpu.memory_space<hbm>>) target_semaphore(%run_scoped3A : memref<!tpu.dma_semaphore, #tpu.memory_space<semaphore_mem>>)
      %dma_wait3A = arith.constant 0 : i32
      %dma_wait3A_58 = tpu.memref_slice %arg5[%add3A_48, %dma_wait3A] : memref<10000x16xf32, #tpu.memory_space<hbm>> -> memref<152x16xf32, #tpu.memory_space<hbm>>
      %dma_wait3A_59 = arith.constant 0 : i32
      %dma_wait3A_60 = tpu.memref_slice %arg8[%mul3A_0, %dma_wait3A_59] : memref<2505x16xf32, #tpu.memory_space<vmem_shared>> -> memref<152x16xf32, #tpu.memory_space<vmem_shared>>
      tpu.wait_dma2 semaphore(%run_scoped3A : memref<!tpu.dma_semaphore, #tpu.memory_space<semaphore_mem>>) src(%dma_wait3A_60 : memref<152x16xf32, #tpu.memory_space<vmem_shared>>) dst(%dma_wait3A_58 : memref<152x16xf32, #tpu.memory_space<hbm>>)
      tpu.yield
    }) : () -> ()
    %eq3A_49 = arith.constant 15 : i32
    %eq3A_50 = arith.cmpi eq, %arg1, %eq3A_49 : i32
    %convert_element_type3A_51 = arith.extui %eq3A_50 : i1 to i32
    %cond3A_52 = arith.constant 0 : i32
    %cond3A_53 = arith.cmpi ne, %convert_element_type3A_51, %cond3A_52 : i32
    scf.if %cond3A_53 {
      %add3A_55 = arith.constant 2432 : i32
      %add3A_56 = arith.addi %add3A_28, %add3A_55 : i32
      "tpu.region"() ({
        %run_scoped3A = tpu.sem_alloc : memref<!tpu.dma_semaphore, #tpu.memory_space<semaphore_mem>>
        %dma_start3A = arith.constant 0 : i32
        %dma_start3A_57 = tpu.memref_slice %arg5[%add3A_56, %dma_start3A] : memref<10000x16xf32, #tpu.memory_space<hbm>> -> memref<64x16xf32, #tpu.memory_space<hbm>>
        %dma_start3A_58 = arith.constant 2432 : i32
        %dma_start3A_59 = arith.constant 0 : i32
        %dma_start3A_60 = tpu.memref_slice %arg8[%dma_start3A_58, %dma_start3A_59] : memref<2505x16xf32, #tpu.memory_space<vmem_shared>> -> memref<64x16xf32, #tpu.memory_space<vmem_shared>>
        tpu.enqueue_dma source(%dma_start3A_60 : memref<64x16xf32, #tpu.memory_space<vmem_shared>>) target(%dma_start3A_57 : memref<64x16xf32, #tpu.memory_space<hbm>>) target_semaphore(%run_scoped3A : memref<!tpu.dma_semaphore, #tpu.memory_space<semaphore_mem>>)
        %dma_wait3A = arith.constant 0 : i32
        %dma_wait3A_61 = tpu.memref_slice %arg5[%add3A_56, %dma_wait3A] : memref<10000x16xf32, #tpu.memory_space<hbm>> -> memref<64x16xf32, #tpu.memory_space<hbm>>
        %dma_wait3A_62 = arith.constant 2432 : i32
        %dma_wait3A_63 = arith.constant 0 : i32
        %dma_wait3A_64 = tpu.memref_slice %arg8[%dma_wait3A_62, %dma_wait3A_63] : memref<2505x16xf32, #tpu.memory_space<vmem_shared>> -> memref<64x16xf32, #tpu.memory_space<vmem_shared>>
        tpu.wait_dma2 semaphore(%run_scoped3A : memref<!tpu.dma_semaphore, #tpu.memory_space<semaphore_mem>>) src(%dma_wait3A_64 : memref<64x16xf32, #tpu.memory_space<vmem_shared>>) dst(%dma_wait3A_61 : memref<64x16xf32, #tpu.memory_space<hbm>>)
        tpu.yield
      }) : () -> ()
    } else {
    }
    %barrier3A_54 = arith.constant 0 : index
    tpu.barrier barrier_id(%barrier3A_54)
    return
  }
}

#map = affine_map<(d0, d1) -> (0, 0)>
#map1 = affine_map<(d0, d1) -> (0, 0, 0)>
module attributes {stable_mosaic.version = 14 : i64} {
  func.func @k(%arg0: i32, %arg1: i32, %arg2: memref<10000x128xf32, #tpu.memory_space<hbm>>, %arg3: memref<16x200x100xi32, #tpu.memory_space<hbm>>, %arg4: memref<64x200x100xi32, #tpu.memory_space<hbm>>, %arg5: memref<104x128xf32, #tpu.memory_space<hbm>>, %arg6: memref<10000x128xf32, #tpu.memory_space<hbm>>, %arg7: memref<200x100xi32, #tpu.memory_space<vmem>>, %arg8: memref<200x100xi32, #tpu.memory_space<vmem>>, %arg9: memref<100x128xf32, #tpu.memory_space<vmem>>, %arg10: memref<100x128xf32, #tpu.memory_space<vmem>>, %arg11: memref<104x128xf32, #tpu.memory_space<vmem>>, %arg12: memref<2505x128xf32, #tpu.memory_space<vmem_shared>>, %arg13: memref<!tpu.dma_semaphore, #tpu.memory_space<semaphore_mem>>, %arg14: memref<!tpu.dma_semaphore, #tpu.memory_space<semaphore_mem>>) attributes {dimension_semantics = [#tpu.dimension_semantics<core_parallel>, #tpu.dimension_semantics<subcore_parallel>], iteration_bounds = array<i64: 2, 16>, scalar_prefetch = 0 : i64, scratch_operands = 8 : i64, tpu.core_type = #tpu.core_type<sc_vector_subcore>, window_params = [{transform_indices = #map}, {transform_indices = #map1}, {transform_indices = #map1}, {transform_indices = #map}, {transform_indices = #map}]} {
    %mul3A = arith.constant 152 : i32
    %mul3A_0 = arith.muli %arg1, %mul3A : i32
    "tpu.region"() ({
      %run_scoped3A = tpu.sem_alloc : memref<!tpu.dma_semaphore, #tpu.memory_space<semaphore_mem>>
      %dma_start3A_82 = arith.constant 0 : i32
      %dma_start3A_83 = arith.constant 0 : i32
      %dma_start3A_84 = tpu.memref_slice %arg3[%arg1, %dma_start3A_82, %dma_start3A_83] : memref<16x200x100xi32, #tpu.memory_space<hbm>> -> memref<1x200x100xi32, #tpu.memory_space<hbm>>
      %dma_start3A_85 = tpu.memref_squeeze %dma_start3A_84 : memref<1x200x100xi32, #tpu.memory_space<hbm>> -> memref<200x100xi32, #tpu.memory_space<hbm>>
      %dma_start3A_86 = arith.constant 0 : i32
      %dma_start3A_87 = arith.constant 0 : i32
      %dma_start3A_88 = tpu.memref_slice %arg3[%arg1, %dma_start3A_86, %dma_start3A_87] : memref<16x200x100xi32, #tpu.memory_space<hbm>> -> memref<1x200x100xi32, #tpu.memory_space<hbm>>
      %dma_start3A_89 = tpu.memref_squeeze %dma_start3A_88 : memref<1x200x100xi32, #tpu.memory_space<hbm>> -> memref<200x100xi32, #tpu.memory_space<hbm>>
      tpu.enqueue_dma source(%dma_start3A_89 : memref<200x100xi32, #tpu.memory_space<hbm>>) target(%arg7 : memref<200x100xi32, #tpu.memory_space<vmem>>) target_semaphore(%run_scoped3A : memref<!tpu.dma_semaphore, #tpu.memory_space<semaphore_mem>>)
      %dma_wait3A = arith.constant 0 : i32
      %dma_wait3A_90 = arith.constant 0 : i32
      %dma_wait3A_91 = tpu.memref_slice %arg3[%arg1, %dma_wait3A, %dma_wait3A_90] : memref<16x200x100xi32, #tpu.memory_space<hbm>> -> memref<1x200x100xi32, #tpu.memory_space<hbm>>
      %dma_wait3A_92 = tpu.memref_squeeze %dma_wait3A_91 : memref<1x200x100xi32, #tpu.memory_space<hbm>> -> memref<200x100xi32, #tpu.memory_space<hbm>>
      %dma_wait3A_93 = arith.constant 0 : i32
      %dma_wait3A_94 = arith.constant 0 : i32
      %dma_wait3A_95 = tpu.memref_slice %arg3[%arg1, %dma_wait3A_93, %dma_wait3A_94] : memref<16x200x100xi32, #tpu.memory_space<hbm>> -> memref<1x200x100xi32, #tpu.memory_space<hbm>>
      %dma_wait3A_96 = tpu.memref_squeeze %dma_wait3A_95 : memref<1x200x100xi32, #tpu.memory_space<hbm>> -> memref<200x100xi32, #tpu.memory_space<hbm>>
      tpu.wait_dma2 semaphore(%run_scoped3A : memref<!tpu.dma_semaphore, #tpu.memory_space<semaphore_mem>>) src(%dma_wait3A_96 : memref<200x100xi32, #tpu.memory_space<hbm>>) dst(%arg7 : memref<200x100xi32, #tpu.memory_space<vmem>>)
      tpu.yield
    }) : () -> ()
    %mul3A_1 = arith.constant 5000 : i32
    %mul3A_2 = arith.muli %arg0, %mul3A_1 : i32
    %add3A = arith.constant 0 : i32
    %add3A_3 = arith.addi %mul3A_2, %add3A : i32
    "tpu.region"() ({
      %run_scoped3A = tpu.sem_alloc : memref<!tpu.dma_semaphore, #tpu.memory_space<semaphore_mem>>
      tpu.enqueue_dma source(%arg5 : memref<104x128xf32, #tpu.memory_space<hbm>>) target(%arg11 : memref<104x128xf32, #tpu.memory_space<vmem>>) target_semaphore(%run_scoped3A : memref<!tpu.dma_semaphore, #tpu.memory_space<semaphore_mem>>)
      tpu.wait_dma2 semaphore(%run_scoped3A : memref<!tpu.dma_semaphore, #tpu.memory_space<semaphore_mem>>) src(%arg5 : memref<104x128xf32, #tpu.memory_space<hbm>>) dst(%arg11 : memref<104x128xf32, #tpu.memory_space<vmem>>)
      tpu.yield
    }) : () -> ()
    "tpu.region"() ({
      %run_scoped3A = tpu.sem_alloc : memref<!tpu.dma_semaphore, #tpu.memory_space<semaphore_mem>>
      %dma_start3A_82 = arith.constant 0 : i32
      %dma_start3A_83 = tpu.memref_slice %arg12[%mul3A_0, %dma_start3A_82] : memref<2505x128xf32, #tpu.memory_space<vmem_shared>> -> memref<104x128xf32, #tpu.memory_space<vmem_shared>>
      %dma_start3A_84 = arith.constant 0 : i32
      %dma_start3A_85 = tpu.memref_slice %arg12[%mul3A_0, %dma_start3A_84] : memref<2505x128xf32, #tpu.memory_space<vmem_shared>> -> memref<104x128xf32, #tpu.memory_space<vmem_shared>>
      tpu.enqueue_dma source(%arg11 : memref<104x128xf32, #tpu.memory_space<vmem>>) target(%dma_start3A_85 : memref<104x128xf32, #tpu.memory_space<vmem_shared>>) target_semaphore(%run_scoped3A : memref<!tpu.dma_semaphore, #tpu.memory_space<semaphore_mem>>)
      %dma_wait3A = arith.constant 0 : i32
      %dma_wait3A_86 = tpu.memref_slice %arg12[%mul3A_0, %dma_wait3A] : memref<2505x128xf32, #tpu.memory_space<vmem_shared>> -> memref<104x128xf32, #tpu.memory_space<vmem_shared>>
      %dma_wait3A_87 = arith.constant 0 : i32
      %dma_wait3A_88 = tpu.memref_slice %arg12[%mul3A_0, %dma_wait3A_87] : memref<2505x128xf32, #tpu.memory_space<vmem_shared>> -> memref<104x128xf32, #tpu.memory_space<vmem_shared>>
      tpu.wait_dma2 semaphore(%run_scoped3A : memref<!tpu.dma_semaphore, #tpu.memory_space<semaphore_mem>>) src(%arg11 : memref<104x128xf32, #tpu.memory_space<vmem>>) dst(%dma_wait3A_88 : memref<104x128xf32, #tpu.memory_space<vmem_shared>>)
      tpu.yield
    }) : () -> ()
    %add3A_4 = arith.constant 104 : i32
    %add3A_5 = arith.addi %mul3A_0, %add3A_4 : i32
    "tpu.region"() ({
      %run_scoped3A = tpu.sem_alloc : memref<!tpu.dma_semaphore, #tpu.memory_space<semaphore_mem>>
      %dma_start3A_82 = arith.constant 0 : i32
      %dma_start3A_83 = arith.constant 0 : i32
      %dma_start3A_84 = tpu.memref_slice %arg11[%dma_start3A_82, %dma_start3A_83] : memref<104x128xf32, #tpu.memory_space<vmem>> -> memref<48x128xf32, #tpu.memory_space<vmem>>
      %dma_start3A_85 = arith.constant 0 : i32
      %dma_start3A_86 = tpu.memref_slice %arg12[%add3A_5, %dma_start3A_85] : memref<2505x128xf32, #tpu.memory_space<vmem_shared>> -> memref<48x128xf32, #tpu.memory_space<vmem_shared>>
      %dma_start3A_87 = arith.constant 0 : i32
      %dma_start3A_88 = tpu.memref_slice %arg12[%add3A_5, %dma_start3A_87] : memref<2505x128xf32, #tpu.memory_space<vmem_shared>> -> memref<48x128xf32, #tpu.memory_space<vmem_shared>>
      %dma_start3A_89 = arith.constant 0 : i32
      %dma_start3A_90 = arith.constant 0 : i32
      %dma_start3A_91 = tpu.memref_slice %arg11[%dma_start3A_89, %dma_start3A_90] : memref<104x128xf32, #tpu.memory_space<vmem>> -> memref<48x128xf32, #tpu.memory_space<vmem>>
      tpu.enqueue_dma source(%dma_start3A_91 : memref<48x128xf32, #tpu.memory_space<vmem>>) target(%dma_start3A_88 : memref<48x128xf32, #tpu.memory_space<vmem_shared>>) target_semaphore(%run_scoped3A : memref<!tpu.dma_semaphore, #tpu.memory_space<semaphore_mem>>)
      %dma_wait3A = arith.constant 0 : i32
      %dma_wait3A_92 = arith.constant 0 : i32
      %dma_wait3A_93 = tpu.memref_slice %arg11[%dma_wait3A, %dma_wait3A_92] : memref<104x128xf32, #tpu.memory_space<vmem>> -> memref<48x128xf32, #tpu.memory_space<vmem>>
      %dma_wait3A_94 = arith.constant 0 : i32
      %dma_wait3A_95 = tpu.memref_slice %arg12[%add3A_5, %dma_wait3A_94] : memref<2505x128xf32, #tpu.memory_space<vmem_shared>> -> memref<48x128xf32, #tpu.memory_space<vmem_shared>>
      %dma_wait3A_96 = arith.constant 0 : i32
      %dma_wait3A_97 = tpu.memref_slice %arg12[%add3A_5, %dma_wait3A_96] : memref<2505x128xf32, #tpu.memory_space<vmem_shared>> -> memref<48x128xf32, #tpu.memory_space<vmem_shared>>
      %dma_wait3A_98 = arith.constant 0 : i32
      %dma_wait3A_99 = arith.constant 0 : i32
      %dma_wait3A_100 = tpu.memref_slice %arg11[%dma_wait3A_98, %dma_wait3A_99] : memref<104x128xf32, #tpu.memory_space<vmem>> -> memref<48x128xf32, #tpu.memory_space<vmem>>
      tpu.wait_dma2 semaphore(%run_scoped3A : memref<!tpu.dma_semaphore, #tpu.memory_space<semaphore_mem>>) src(%dma_wait3A_100 : memref<48x128xf32, #tpu.memory_space<vmem>>) dst(%dma_wait3A_97 : memref<48x128xf32, #tpu.memory_space<vmem_shared>>)
      tpu.yield
    }) : () -> ()
    %eq3A = arith.constant 15 : i32
    %eq3A_6 = arith.cmpi eq, %arg1, %eq3A : i32
    %convert_element_type3A = arith.extui %eq3A_6 : i1 to i32
    %cond3A = arith.constant 0 : i32
    %cond3A_7 = arith.cmpi ne, %convert_element_type3A, %cond3A : i32
    scf.if %cond3A_7 {
      "tpu.region"() ({
        %run_scoped3A = tpu.sem_alloc : memref<!tpu.dma_semaphore, #tpu.memory_space<semaphore_mem>>
        %dma_start3A_82 = arith.constant 0 : i32
        %dma_start3A_83 = arith.constant 0 : i32
        %dma_start3A_84 = tpu.memref_slice %arg11[%dma_start3A_82, %dma_start3A_83] : memref<104x128xf32, #tpu.memory_space<vmem>> -> memref<72x128xf32, #tpu.memory_space<vmem>>
        %dma_start3A_85 = arith.constant 2432 : i32
        %dma_start3A_86 = arith.constant 0 : i32
        %dma_start3A_87 = tpu.memref_slice %arg12[%dma_start3A_85, %dma_start3A_86] : memref<2505x128xf32, #tpu.memory_space<vmem_shared>> -> memref<72x128xf32, #tpu.memory_space<vmem_shared>>
        %dma_start3A_88 = arith.constant 2432 : i32
        %dma_start3A_89 = arith.constant 0 : i32
        %dma_start3A_90 = tpu.memref_slice %arg12[%dma_start3A_88, %dma_start3A_89] : memref<2505x128xf32, #tpu.memory_space<vmem_shared>> -> memref<72x128xf32, #tpu.memory_space<vmem_shared>>
        %dma_start3A_91 = arith.constant 0 : i32
        %dma_start3A_92 = arith.constant 0 : i32
        %dma_start3A_93 = tpu.memref_slice %arg11[%dma_start3A_91, %dma_start3A_92] : memref<104x128xf32, #tpu.memory_space<vmem>> -> memref<72x128xf32, #tpu.memory_space<vmem>>
        tpu.enqueue_dma source(%dma_start3A_93 : memref<72x128xf32, #tpu.memory_space<vmem>>) target(%dma_start3A_90 : memref<72x128xf32, #tpu.memory_space<vmem_shared>>) target_semaphore(%run_scoped3A : memref<!tpu.dma_semaphore, #tpu.memory_space<semaphore_mem>>)
        %dma_wait3A = arith.constant 0 : i32
        %dma_wait3A_94 = arith.constant 0 : i32
        %dma_wait3A_95 = tpu.memref_slice %arg11[%dma_wait3A, %dma_wait3A_94] : memref<104x128xf32, #tpu.memory_space<vmem>> -> memref<72x128xf32, #tpu.memory_space<vmem>>
        %dma_wait3A_96 = arith.constant 2432 : i32
        %dma_wait3A_97 = arith.constant 0 : i32
        %dma_wait3A_98 = tpu.memref_slice %arg12[%dma_wait3A_96, %dma_wait3A_97] : memref<2505x128xf32, #tpu.memory_space<vmem_shared>> -> memref<72x128xf32, #tpu.memory_space<vmem_shared>>
        %dma_wait3A_99 = arith.constant 2432 : i32
        %dma_wait3A_100 = arith.constant 0 : i32
        %dma_wait3A_101 = tpu.memref_slice %arg12[%dma_wait3A_99, %dma_wait3A_100] : memref<2505x128xf32, #tpu.memory_space<vmem_shared>> -> memref<72x128xf32, #tpu.memory_space<vmem_shared>>
        %dma_wait3A_102 = arith.constant 0 : i32
        %dma_wait3A_103 = arith.constant 0 : i32
        %dma_wait3A_104 = tpu.memref_slice %arg11[%dma_wait3A_102, %dma_wait3A_103] : memref<104x128xf32, #tpu.memory_space<vmem>> -> memref<72x128xf32, #tpu.memory_space<vmem>>
        tpu.wait_dma2 semaphore(%run_scoped3A : memref<!tpu.dma_semaphore, #tpu.memory_space<semaphore_mem>>) src(%dma_wait3A_104 : memref<72x128xf32, #tpu.memory_space<vmem>>) dst(%dma_wait3A_101 : memref<72x128xf32, #tpu.memory_space<vmem_shared>>)
        tpu.yield
      }) : () -> ()
    } else {
    }
    %mul3A_8 = arith.constant 2 : i32
    %mul3A_9 = arith.muli %arg0, %mul3A_8 : i32
    %add3A_10 = arith.constant 0 : i32
    %add3A_11 = arith.addi %mul3A_9, %add3A_10 : i32
    %mul3A_12 = arith.constant 16 : i32
    %mul3A_13 = arith.muli %add3A_11, %mul3A_12 : i32
    %add3A_14 = arith.addi %mul3A_13, %arg1 : i32
    "tpu.region"() ({
      %run_scoped3A = tpu.sem_alloc : memref<!tpu.dma_semaphore, #tpu.memory_space<semaphore_mem>>
      %dma_start3A_82 = arith.constant 0 : i32
      %dma_start3A_83 = arith.constant 0 : i32
      %dma_start3A_84 = tpu.memref_slice %arg4[%add3A_14, %dma_start3A_82, %dma_start3A_83] : memref<64x200x100xi32, #tpu.memory_space<hbm>> -> memref<1x200x100xi32, #tpu.memory_space<hbm>>
      %dma_start3A_85 = tpu.memref_squeeze %dma_start3A_84 : memref<1x200x100xi32, #tpu.memory_space<hbm>> -> memref<200x100xi32, #tpu.memory_space<hbm>>
      %dma_start3A_86 = arith.constant 0 : i32
      %dma_start3A_87 = arith.constant 0 : i32
      %dma_start3A_88 = tpu.memref_slice %arg4[%add3A_14, %dma_start3A_86, %dma_start3A_87] : memref<64x200x100xi32, #tpu.memory_space<hbm>> -> memref<1x200x100xi32, #tpu.memory_space<hbm>>
      %dma_start3A_89 = tpu.memref_squeeze %dma_start3A_88 : memref<1x200x100xi32, #tpu.memory_space<hbm>> -> memref<200x100xi32, #tpu.memory_space<hbm>>
      tpu.enqueue_dma source(%dma_start3A_89 : memref<200x100xi32, #tpu.memory_space<hbm>>) target(%arg8 : memref<200x100xi32, #tpu.memory_space<vmem>>) target_semaphore(%run_scoped3A : memref<!tpu.dma_semaphore, #tpu.memory_space<semaphore_mem>>)
      %dma_wait3A = arith.constant 0 : i32
      %dma_wait3A_90 = arith.constant 0 : i32
      %dma_wait3A_91 = tpu.memref_slice %arg4[%add3A_14, %dma_wait3A, %dma_wait3A_90] : memref<64x200x100xi32, #tpu.memory_space<hbm>> -> memref<1x200x100xi32, #tpu.memory_space<hbm>>
      %dma_wait3A_92 = tpu.memref_squeeze %dma_wait3A_91 : memref<1x200x100xi32, #tpu.memory_space<hbm>> -> memref<200x100xi32, #tpu.memory_space<hbm>>
      %dma_wait3A_93 = arith.constant 0 : i32
      %dma_wait3A_94 = arith.constant 0 : i32
      %dma_wait3A_95 = tpu.memref_slice %arg4[%add3A_14, %dma_wait3A_93, %dma_wait3A_94] : memref<64x200x100xi32, #tpu.memory_space<hbm>> -> memref<1x200x100xi32, #tpu.memory_space<hbm>>
      %dma_wait3A_96 = tpu.memref_squeeze %dma_wait3A_95 : memref<1x200x100xi32, #tpu.memory_space<hbm>> -> memref<200x100xi32, #tpu.memory_space<hbm>>
      tpu.wait_dma2 semaphore(%run_scoped3A : memref<!tpu.dma_semaphore, #tpu.memory_space<semaphore_mem>>) src(%dma_wait3A_96 : memref<200x100xi32, #tpu.memory_space<hbm>>) dst(%arg8 : memref<200x100xi32, #tpu.memory_space<vmem>>)
      tpu.yield
    }) : () -> ()
    %barrier3A = arith.constant 0 : index
    tpu.barrier barrier_id(%barrier3A)
    %dma_start3A = arith.constant 0 : i32
    %dma_start3A_15 = arith.constant 0 : i32
    %dma_start3A_16 = tpu.memref_slice %arg7[%dma_start3A, %dma_start3A_15] : memref<200x100xi32, #tpu.memory_space<vmem>> -> memref<1x100xi32, #tpu.memory_space<vmem>>
    %dma_start3A_17 = tpu.memref_squeeze %dma_start3A_16 : memref<1x100xi32, #tpu.memory_space<vmem>> -> memref<100xi32, #tpu.memory_space<vmem>>
    %dma_start3A_18 = arith.constant 0 : i32
    %dma_start3A_19 = arith.constant 0 : i32
    %dma_start3A_20 = tpu.memref_slice %arg2[%dma_start3A_18, %dma_start3A_19] : memref<10000x128xf32, #tpu.memory_space<hbm>> -> memref<10000x128xf32, #tpu.memory_space<hbm>>
    tpu.enqueue_indirect_dma source(%dma_start3A_20 : memref<10000x128xf32, #tpu.memory_space<hbm>>) target(%arg9 : memref<100x128xf32, #tpu.memory_space<vmem>>) offsets(%dma_start3A_17 : memref<100xi32, #tpu.memory_space<vmem>>) semaphore(%arg13 : memref<!tpu.dma_semaphore, #tpu.memory_space<semaphore_mem>>)
    %scan3A = arith.constant 0 : i32
    %scan3A_21 = arith.constant 100 : i32
    %scan3A_22 = arith.addi %scan3A, %scan3A_21 : i32
    %scan3A_23 = arith.constant 1 : i32
    scf.for %scan3A_82 = %scan3A to %scan3A_22 step %scan3A_23  : i32 {
      %mul3A_83 = arith.constant 2 : i32
      %mul3A_84 = arith.muli %scan3A_82, %mul3A_83 : i32
      %add3A_85 = arith.constant 0 : i32
      %add3A_86 = arith.addi %add3A_85, %mul3A_84 : i32
      %add3A_87 = arith.constant 1 : i32
      %add3A_88 = arith.addi %add3A_86, %add3A_87 : i32
      %dma_start3A_89 = arith.constant 0 : i32
      %dma_start3A_90 = tpu.memref_slice %arg7[%add3A_88, %dma_start3A_89] : memref<200x100xi32, #tpu.memory_space<vmem>> -> memref<1x100xi32, #tpu.memory_space<vmem>>
      %dma_start3A_91 = tpu.memref_squeeze %dma_start3A_90 : memref<1x100xi32, #tpu.memory_space<vmem>> -> memref<100xi32, #tpu.memory_space<vmem>>
      %dma_start3A_92 = arith.constant 0 : i32
      %dma_start3A_93 = arith.constant 0 : i32
      %dma_start3A_94 = tpu.memref_slice %arg2[%dma_start3A_92, %dma_start3A_93] : memref<10000x128xf32, #tpu.memory_space<hbm>> -> memref<10000x128xf32, #tpu.memory_space<hbm>>
      tpu.enqueue_indirect_dma source(%dma_start3A_94 : memref<10000x128xf32, #tpu.memory_space<hbm>>) target(%arg10 : memref<100x128xf32, #tpu.memory_space<vmem>>) offsets(%dma_start3A_91 : memref<100xi32, #tpu.memory_space<vmem>>) semaphore(%arg14 : memref<!tpu.dma_semaphore, #tpu.memory_space<semaphore_mem>>)
      %dma_wait3A = arith.constant 0 : i32
      %dma_wait3A_95 = tpu.memref_slice %arg7[%add3A_86, %dma_wait3A] : memref<200x100xi32, #tpu.memory_space<vmem>> -> memref<1x100xi32, #tpu.memory_space<vmem>>
      %dma_wait3A_96 = tpu.memref_squeeze %dma_wait3A_95 : memref<1x100xi32, #tpu.memory_space<vmem>> -> memref<100xi32, #tpu.memory_space<vmem>>
      %dma_wait3A_97 = arith.constant 0 : i32
      %dma_wait3A_98 = arith.constant 0 : i32
      %dma_wait3A_99 = tpu.memref_slice %arg2[%dma_wait3A_97, %dma_wait3A_98] : memref<10000x128xf32, #tpu.memory_space<hbm>> -> memref<10000x128xf32, #tpu.memory_space<hbm>>
      tpu.wait_indirect_dma semaphore(%arg13 : memref<!tpu.dma_semaphore, #tpu.memory_space<semaphore_mem>>) src(%dma_wait3A_99 : memref<10000x128xf32, #tpu.memory_space<hbm>>) dst(%arg9 : memref<100x128xf32, #tpu.memory_space<vmem>>)
      "tpu.region"() ({
        %run_scoped3A = tpu.sem_alloc : memref<!tpu.dma_semaphore, #tpu.memory_space<semaphore_mem>>
        %dma_start3A_116 = arith.constant 0 : i32
        %dma_start3A_117 = tpu.memref_slice %arg8[%add3A_86, %dma_start3A_116] : memref<200x100xi32, #tpu.memory_space<vmem>> -> memref<1x100xi32, #tpu.memory_space<vmem>>
        %dma_start3A_118 = tpu.memref_squeeze %dma_start3A_117 : memref<1x100xi32, #tpu.memory_space<vmem>> -> memref<100xi32, #tpu.memory_space<vmem>>
        %dma_start3A_119 = arith.constant 0 : i32
        %dma_start3A_120 = arith.constant 0 : i32
        %dma_start3A_121 = tpu.memref_slice %arg12[%dma_start3A_119, %dma_start3A_120] : memref<2505x128xf32, #tpu.memory_space<vmem_shared>> -> memref<2505x128xf32, #tpu.memory_space<vmem_shared>>
        tpu.enqueue_indirect_dma source(%arg9 : memref<100x128xf32, #tpu.memory_space<vmem>>) target(%dma_start3A_121 : memref<2505x128xf32, #tpu.memory_space<vmem_shared>>) offsets(%dma_start3A_118 : memref<100xi32, #tpu.memory_space<vmem>>) semaphore(%run_scoped3A : memref<!tpu.dma_semaphore, #tpu.memory_space<semaphore_mem>>) {add = true}
        %dma_wait3A_122 = arith.constant 0 : i32
        %dma_wait3A_123 = tpu.memref_slice %arg8[%add3A_86, %dma_wait3A_122] : memref<200x100xi32, #tpu.memory_space<vmem>> -> memref<1x100xi32, #tpu.memory_space<vmem>>
        %dma_wait3A_124 = tpu.memref_squeeze %dma_wait3A_123 : memref<1x100xi32, #tpu.memory_space<vmem>> -> memref<100xi32, #tpu.memory_space<vmem>>
        %dma_wait3A_125 = arith.constant 0 : i32
        %dma_wait3A_126 = arith.constant 0 : i32
        %dma_wait3A_127 = tpu.memref_slice %arg12[%dma_wait3A_125, %dma_wait3A_126] : memref<2505x128xf32, #tpu.memory_space<vmem_shared>> -> memref<2505x128xf32, #tpu.memory_space<vmem_shared>>
        tpu.wait_indirect_dma semaphore(%run_scoped3A : memref<!tpu.dma_semaphore, #tpu.memory_space<semaphore_mem>>) src(%arg9 : memref<100x128xf32, #tpu.memory_space<vmem>>) dst(%dma_wait3A_127 : memref<2505x128xf32, #tpu.memory_space<vmem_shared>>)
        tpu.yield
      }) : () -> ()
      %add3A_100 = arith.constant 2 : i32
      %add3A_101 = arith.addi %add3A_86, %add3A_100 : i32
      %lt3A = arith.constant 200 : i32
      %lt3A_102 = arith.cmpi slt, %add3A_101, %lt3A : i32
      %convert_element_type3A_103 = arith.extui %lt3A_102 : i1 to i32
      %cond3A_104 = arith.constant 0 : i32
      %cond3A_105 = arith.cmpi ne, %convert_element_type3A_103, %cond3A_104 : i32
      scf.if %cond3A_105 {
        %add3A_116 = arith.constant 2 : i32
        %add3A_117 = arith.addi %add3A_86, %add3A_116 : i32
        %dma_start3A_118 = arith.constant 0 : i32
        %dma_start3A_119 = tpu.memref_slice %arg7[%add3A_117, %dma_start3A_118] : memref<200x100xi32, #tpu.memory_space<vmem>> -> memref<1x100xi32, #tpu.memory_space<vmem>>
        %dma_start3A_120 = tpu.memref_squeeze %dma_start3A_119 : memref<1x100xi32, #tpu.memory_space<vmem>> -> memref<100xi32, #tpu.memory_space<vmem>>
        %dma_start3A_121 = arith.constant 0 : i32
        %dma_start3A_122 = arith.constant 0 : i32
        %dma_start3A_123 = tpu.memref_slice %arg2[%dma_start3A_121, %dma_start3A_122] : memref<10000x128xf32, #tpu.memory_space<hbm>> -> memref<10000x128xf32, #tpu.memory_space<hbm>>
        tpu.enqueue_indirect_dma source(%dma_start3A_123 : memref<10000x128xf32, #tpu.memory_space<hbm>>) target(%arg9 : memref<100x128xf32, #tpu.memory_space<vmem>>) offsets(%dma_start3A_120 : memref<100xi32, #tpu.memory_space<vmem>>) semaphore(%arg13 : memref<!tpu.dma_semaphore, #tpu.memory_space<semaphore_mem>>)
      } else {
      }
      %add3A_106 = arith.constant 1 : i32
      %add3A_107 = arith.addi %add3A_86, %add3A_106 : i32
      %dma_wait3A_108 = arith.constant 0 : i32
      %dma_wait3A_109 = tpu.memref_slice %arg7[%add3A_107, %dma_wait3A_108] : memref<200x100xi32, #tpu.memory_space<vmem>> -> memref<1x100xi32, #tpu.memory_space<vmem>>
      %dma_wait3A_110 = tpu.memref_squeeze %dma_wait3A_109 : memref<1x100xi32, #tpu.memory_space<vmem>> -> memref<100xi32, #tpu.memory_space<vmem>>
      %dma_wait3A_111 = arith.constant 0 : i32
      %dma_wait3A_112 = arith.constant 0 : i32
      %dma_wait3A_113 = tpu.memref_slice %arg2[%dma_wait3A_111, %dma_wait3A_112] : memref<10000x128xf32, #tpu.memory_space<hbm>> -> memref<10000x128xf32, #tpu.memory_space<hbm>>
      tpu.wait_indirect_dma semaphore(%arg14 : memref<!tpu.dma_semaphore, #tpu.memory_space<semaphore_mem>>) src(%dma_wait3A_113 : memref<10000x128xf32, #tpu.memory_space<hbm>>) dst(%arg10 : memref<100x128xf32, #tpu.memory_space<vmem>>)
      %add3A_114 = arith.constant 1 : i32
      %add3A_115 = arith.addi %add3A_86, %add3A_114 : i32
      "tpu.region"() ({
        %run_scoped3A = tpu.sem_alloc : memref<!tpu.dma_semaphore, #tpu.memory_space<semaphore_mem>>
        %dma_start3A_116 = arith.constant 0 : i32
        %dma_start3A_117 = tpu.memref_slice %arg8[%add3A_115, %dma_start3A_116] : memref<200x100xi32, #tpu.memory_space<vmem>> -> memref<1x100xi32, #tpu.memory_space<vmem>>
        %dma_start3A_118 = tpu.memref_squeeze %dma_start3A_117 : memref<1x100xi32, #tpu.memory_space<vmem>> -> memref<100xi32, #tpu.memory_space<vmem>>
        %dma_start3A_119 = arith.constant 0 : i32
        %dma_start3A_120 = arith.constant 0 : i32
        %dma_start3A_121 = tpu.memref_slice %arg12[%dma_start3A_119, %dma_start3A_120] : memref<2505x128xf32, #tpu.memory_space<vmem_shared>> -> memref<2505x128xf32, #tpu.memory_space<vmem_shared>>
        tpu.enqueue_indirect_dma source(%arg10 : memref<100x128xf32, #tpu.memory_space<vmem>>) target(%dma_start3A_121 : memref<2505x128xf32, #tpu.memory_space<vmem_shared>>) offsets(%dma_start3A_118 : memref<100xi32, #tpu.memory_space<vmem>>) semaphore(%run_scoped3A : memref<!tpu.dma_semaphore, #tpu.memory_space<semaphore_mem>>) {add = true}
        %dma_wait3A_122 = arith.constant 0 : i32
        %dma_wait3A_123 = tpu.memref_slice %arg8[%add3A_115, %dma_wait3A_122] : memref<200x100xi32, #tpu.memory_space<vmem>> -> memref<1x100xi32, #tpu.memory_space<vmem>>
        %dma_wait3A_124 = tpu.memref_squeeze %dma_wait3A_123 : memref<1x100xi32, #tpu.memory_space<vmem>> -> memref<100xi32, #tpu.memory_space<vmem>>
        %dma_wait3A_125 = arith.constant 0 : i32
        %dma_wait3A_126 = arith.constant 0 : i32
        %dma_wait3A_127 = tpu.memref_slice %arg12[%dma_wait3A_125, %dma_wait3A_126] : memref<2505x128xf32, #tpu.memory_space<vmem_shared>> -> memref<2505x128xf32, #tpu.memory_space<vmem_shared>>
        tpu.wait_indirect_dma semaphore(%run_scoped3A : memref<!tpu.dma_semaphore, #tpu.memory_space<semaphore_mem>>) src(%arg10 : memref<100x128xf32, #tpu.memory_space<vmem>>) dst(%dma_wait3A_127 : memref<2505x128xf32, #tpu.memory_space<vmem_shared>>)
        tpu.yield
      }) : () -> ()
    }
    %scan3A_24 = arith.constant 100 : i32
    %barrier3A_25 = arith.constant 0 : index
    tpu.barrier barrier_id(%barrier3A_25)
    "tpu.region"() ({
      %run_scoped3A = tpu.sem_alloc : memref<!tpu.dma_semaphore, #tpu.memory_space<semaphore_mem>>
      %dma_start3A_82 = arith.constant 0 : i32
      %dma_start3A_83 = tpu.memref_slice %arg12[%mul3A_0, %dma_start3A_82] : memref<2505x128xf32, #tpu.memory_space<vmem_shared>> -> memref<104x128xf32, #tpu.memory_space<vmem_shared>>
      %dma_start3A_84 = arith.constant 0 : i32
      %dma_start3A_85 = tpu.memref_slice %arg12[%mul3A_0, %dma_start3A_84] : memref<2505x128xf32, #tpu.memory_space<vmem_shared>> -> memref<104x128xf32, #tpu.memory_space<vmem_shared>>
      tpu.enqueue_dma source(%dma_start3A_85 : memref<104x128xf32, #tpu.memory_space<vmem_shared>>) target(%arg11 : memref<104x128xf32, #tpu.memory_space<vmem>>) target_semaphore(%run_scoped3A : memref<!tpu.dma_semaphore, #tpu.memory_space<semaphore_mem>>)
      %dma_wait3A = arith.constant 0 : i32
      %dma_wait3A_86 = tpu.memref_slice %arg12[%mul3A_0, %dma_wait3A] : memref<2505x128xf32, #tpu.memory_space<vmem_shared>> -> memref<104x128xf32, #tpu.memory_space<vmem_shared>>
      %dma_wait3A_87 = arith.constant 0 : i32
      %dma_wait3A_88 = tpu.memref_slice %arg12[%mul3A_0, %dma_wait3A_87] : memref<2505x128xf32, #tpu.memory_space<vmem_shared>> -> memref<104x128xf32, #tpu.memory_space<vmem_shared>>
      tpu.wait_dma2 semaphore(%run_scoped3A : memref<!tpu.dma_semaphore, #tpu.memory_space<semaphore_mem>>) src(%dma_wait3A_88 : memref<104x128xf32, #tpu.memory_space<vmem_shared>>) dst(%arg11 : memref<104x128xf32, #tpu.memory_space<vmem>>)
      tpu.yield
    }) : () -> ()
    %add3A_26 = arith.addi %add3A_3, %mul3A_0 : i32
    "tpu.region"() ({
      %run_scoped3A = tpu.sem_alloc : memref<!tpu.dma_semaphore, #tpu.memory_space<semaphore_mem>>
      %dma_start3A_82 = arith.constant 0 : i32
      %dma_start3A_83 = tpu.memref_slice %arg6[%add3A_26, %dma_start3A_82] : memref<10000x128xf32, #tpu.memory_space<hbm>> -> memref<104x128xf32, #tpu.memory_space<hbm>>
      %dma_start3A_84 = arith.constant 0 : i32
      %dma_start3A_85 = tpu.memref_slice %arg6[%add3A_26, %dma_start3A_84] : memref<10000x128xf32, #tpu.memory_space<hbm>> -> memref<104x128xf32, #tpu.memory_space<hbm>>
      tpu.enqueue_dma source(%arg11 : memref<104x128xf32, #tpu.memory_space<vmem>>) target(%dma_start3A_85 : memref<104x128xf32, #tpu.memory_space<hbm>>) target_semaphore(%run_scoped3A : memref<!tpu.dma_semaphore, #tpu.memory_space<semaphore_mem>>)
      %dma_wait3A = arith.constant 0 : i32
      %dma_wait3A_86 = tpu.memref_slice %arg6[%add3A_26, %dma_wait3A] : memref<10000x128xf32, #tpu.memory_space<hbm>> -> memref<104x128xf32, #tpu.memory_space<hbm>>
      %dma_wait3A_87 = arith.constant 0 : i32
      %dma_wait3A_88 = tpu.memref_slice %arg6[%add3A_26, %dma_wait3A_87] : memref<10000x128xf32, #tpu.memory_space<hbm>> -> memref<104x128xf32, #tpu.memory_space<hbm>>
      tpu.wait_dma2 semaphore(%run_scoped3A : memref<!tpu.dma_semaphore, #tpu.memory_space<semaphore_mem>>) src(%arg11 : memref<104x128xf32, #tpu.memory_space<vmem>>) dst(%dma_wait3A_88 : memref<104x128xf32, #tpu.memory_space<hbm>>)
      tpu.yield
    }) : () -> ()
    %add3A_27 = arith.constant 104 : i32
    %add3A_28 = arith.addi %mul3A_0, %add3A_27 : i32
    "tpu.region"() ({
      %run_scoped3A = tpu.sem_alloc : memref<!tpu.dma_semaphore, #tpu.memory_space<semaphore_mem>>
      %dma_start3A_82 = arith.constant 0 : i32
      %dma_start3A_83 = arith.constant 0 : i32
      %dma_start3A_84 = tpu.memref_slice %arg11[%dma_start3A_82, %dma_start3A_83] : memref<104x128xf32, #tpu.memory_space<vmem>> -> memref<48x128xf32, #tpu.memory_space<vmem>>
      %dma_start3A_85 = arith.constant 0 : i32
      %dma_start3A_86 = tpu.memref_slice %arg12[%add3A_28, %dma_start3A_85] : memref<2505x128xf32, #tpu.memory_space<vmem_shared>> -> memref<48x128xf32, #tpu.memory_space<vmem_shared>>
      %dma_start3A_87 = arith.constant 0 : i32
      %dma_start3A_88 = arith.constant 0 : i32
      %dma_start3A_89 = tpu.memref_slice %arg11[%dma_start3A_87, %dma_start3A_88] : memref<104x128xf32, #tpu.memory_space<vmem>> -> memref<48x128xf32, #tpu.memory_space<vmem>>
      %dma_start3A_90 = arith.constant 0 : i32
      %dma_start3A_91 = tpu.memref_slice %arg12[%add3A_28, %dma_start3A_90] : memref<2505x128xf32, #tpu.memory_space<vmem_shared>> -> memref<48x128xf32, #tpu.memory_space<vmem_shared>>
      tpu.enqueue_dma source(%dma_start3A_91 : memref<48x128xf32, #tpu.memory_space<vmem_shared>>) target(%dma_start3A_89 : memref<48x128xf32, #tpu.memory_space<vmem>>) target_semaphore(%run_scoped3A : memref<!tpu.dma_semaphore, #tpu.memory_space<semaphore_mem>>)
      %dma_wait3A = arith.constant 0 : i32
      %dma_wait3A_92 = arith.constant 0 : i32
      %dma_wait3A_93 = tpu.memref_slice %arg11[%dma_wait3A, %dma_wait3A_92] : memref<104x128xf32, #tpu.memory_space<vmem>> -> memref<48x128xf32, #tpu.memory_space<vmem>>
      %dma_wait3A_94 = arith.constant 0 : i32
      %dma_wait3A_95 = tpu.memref_slice %arg12[%add3A_28, %dma_wait3A_94] : memref<2505x128xf32, #tpu.memory_space<vmem_shared>> -> memref<48x128xf32, #tpu.memory_space<vmem_shared>>
      %dma_wait3A_96 = arith.constant 0 : i32
      %dma_wait3A_97 = arith.constant 0 : i32
      %dma_wait3A_98 = tpu.memref_slice %arg11[%dma_wait3A_96, %dma_wait3A_97] : memref<104x128xf32, #tpu.memory_space<vmem>> -> memref<48x128xf32, #tpu.memory_space<vmem>>
      %dma_wait3A_99 = arith.constant 0 : i32
      %dma_wait3A_100 = tpu.memref_slice %arg12[%add3A_28, %dma_wait3A_99] : memref<2505x128xf32, #tpu.memory_space<vmem_shared>> -> memref<48x128xf32, #tpu.memory_space<vmem_shared>>
      tpu.wait_dma2 semaphore(%run_scoped3A : memref<!tpu.dma_semaphore, #tpu.memory_space<semaphore_mem>>) src(%dma_wait3A_100 : memref<48x128xf32, #tpu.memory_space<vmem_shared>>) dst(%dma_wait3A_98 : memref<48x128xf32, #tpu.memory_space<vmem>>)
      tpu.yield
    }) : () -> ()
    %add3A_29 = arith.addi %add3A_3, %mul3A_0 : i32
    %add3A_30 = arith.constant 104 : i32
    %add3A_31 = arith.addi %add3A_29, %add3A_30 : i32
    "tpu.region"() ({
      %run_scoped3A = tpu.sem_alloc : memref<!tpu.dma_semaphore, #tpu.memory_space<semaphore_mem>>
      %dma_start3A_82 = arith.constant 0 : i32
      %dma_start3A_83 = arith.constant 0 : i32
      %dma_start3A_84 = tpu.memref_slice %arg11[%dma_start3A_82, %dma_start3A_83] : memref<104x128xf32, #tpu.memory_space<vmem>> -> memref<48x128xf32, #tpu.memory_space<vmem>>
      %dma_start3A_85 = arith.constant 0 : i32
      %dma_start3A_86 = tpu.memref_slice %arg6[%add3A_31, %dma_start3A_85] : memref<10000x128xf32, #tpu.memory_space<hbm>> -> memref<48x128xf32, #tpu.memory_space<hbm>>
      %dma_start3A_87 = arith.constant 0 : i32
      %dma_start3A_88 = tpu.memref_slice %arg6[%add3A_31, %dma_start3A_87] : memref<10000x128xf32, #tpu.memory_space<hbm>> -> memref<48x128xf32, #tpu.memory_space<hbm>>
      %dma_start3A_89 = arith.constant 0 : i32
      %dma_start3A_90 = arith.constant 0 : i32
      %dma_start3A_91 = tpu.memref_slice %arg11[%dma_start3A_89, %dma_start3A_90] : memref<104x128xf32, #tpu.memory_space<vmem>> -> memref<48x128xf32, #tpu.memory_space<vmem>>
      tpu.enqueue_dma source(%dma_start3A_91 : memref<48x128xf32, #tpu.memory_space<vmem>>) target(%dma_start3A_88 : memref<48x128xf32, #tpu.memory_space<hbm>>) target_semaphore(%run_scoped3A : memref<!tpu.dma_semaphore, #tpu.memory_space<semaphore_mem>>)
      %dma_wait3A = arith.constant 0 : i32
      %dma_wait3A_92 = arith.constant 0 : i32
      %dma_wait3A_93 = tpu.memref_slice %arg11[%dma_wait3A, %dma_wait3A_92] : memref<104x128xf32, #tpu.memory_space<vmem>> -> memref<48x128xf32, #tpu.memory_space<vmem>>
      %dma_wait3A_94 = arith.constant 0 : i32
      %dma_wait3A_95 = tpu.memref_slice %arg6[%add3A_31, %dma_wait3A_94] : memref<10000x128xf32, #tpu.memory_space<hbm>> -> memref<48x128xf32, #tpu.memory_space<hbm>>
      %dma_wait3A_96 = arith.constant 0 : i32
      %dma_wait3A_97 = tpu.memref_slice %arg6[%add3A_31, %dma_wait3A_96] : memref<10000x128xf32, #tpu.memory_space<hbm>> -> memref<48x128xf32, #tpu.memory_space<hbm>>
      %dma_wait3A_98 = arith.constant 0 : i32
      %dma_wait3A_99 = arith.constant 0 : i32
      %dma_wait3A_100 = tpu.memref_slice %arg11[%dma_wait3A_98, %dma_wait3A_99] : memref<104x128xf32, #tpu.memory_space<vmem>> -> memref<48x128xf32, #tpu.memory_space<vmem>>
      tpu.wait_dma2 semaphore(%run_scoped3A : memref<!tpu.dma_semaphore, #tpu.memory_space<semaphore_mem>>) src(%dma_wait3A_100 : memref<48x128xf32, #tpu.memory_space<vmem>>) dst(%dma_wait3A_97 : memref<48x128xf32, #tpu.memory_space<hbm>>)
      tpu.yield
    }) : () -> ()
    %eq3A_32 = arith.constant 15 : i32
    %eq3A_33 = arith.cmpi eq, %arg1, %eq3A_32 : i32
    %convert_element_type3A_34 = arith.extui %eq3A_33 : i1 to i32
    %cond3A_35 = arith.constant 0 : i32
    %cond3A_36 = arith.cmpi ne, %convert_element_type3A_34, %cond3A_35 : i32
    scf.if %cond3A_36 {
      "tpu.region"() ({
        %run_scoped3A = tpu.sem_alloc : memref<!tpu.dma_semaphore, #tpu.memory_space<semaphore_mem>>
        %dma_start3A_84 = arith.constant 0 : i32
        %dma_start3A_85 = arith.constant 0 : i32
        %dma_start3A_86 = tpu.memref_slice %arg11[%dma_start3A_84, %dma_start3A_85] : memref<104x128xf32, #tpu.memory_space<vmem>> -> memref<72x128xf32, #tpu.memory_space<vmem>>
        %dma_start3A_87 = arith.constant 2432 : i32
        %dma_start3A_88 = arith.constant 0 : i32
        %dma_start3A_89 = tpu.memref_slice %arg12[%dma_start3A_87, %dma_start3A_88] : memref<2505x128xf32, #tpu.memory_space<vmem_shared>> -> memref<72x128xf32, #tpu.memory_space<vmem_shared>>
        %dma_start3A_90 = arith.constant 0 : i32
        %dma_start3A_91 = arith.constant 0 : i32
        %dma_start3A_92 = tpu.memref_slice %arg11[%dma_start3A_90, %dma_start3A_91] : memref<104x128xf32, #tpu.memory_space<vmem>> -> memref<72x128xf32, #tpu.memory_space<vmem>>
        %dma_start3A_93 = arith.constant 2432 : i32
        %dma_start3A_94 = arith.constant 0 : i32
        %dma_start3A_95 = tpu.memref_slice %arg12[%dma_start3A_93, %dma_start3A_94] : memref<2505x128xf32, #tpu.memory_space<vmem_shared>> -> memref<72x128xf32, #tpu.memory_space<vmem_shared>>
        tpu.enqueue_dma source(%dma_start3A_95 : memref<72x128xf32, #tpu.memory_space<vmem_shared>>) target(%dma_start3A_92 : memref<72x128xf32, #tpu.memory_space<vmem>>) target_semaphore(%run_scoped3A : memref<!tpu.dma_semaphore, #tpu.memory_space<semaphore_mem>>)
        %dma_wait3A = arith.constant 0 : i32
        %dma_wait3A_96 = arith.constant 0 : i32
        %dma_wait3A_97 = tpu.memref_slice %arg11[%dma_wait3A, %dma_wait3A_96] : memref<104x128xf32, #tpu.memory_space<vmem>> -> memref<72x128xf32, #tpu.memory_space<vmem>>
        %dma_wait3A_98 = arith.constant 2432 : i32
        %dma_wait3A_99 = arith.constant 0 : i32
        %dma_wait3A_100 = tpu.memref_slice %arg12[%dma_wait3A_98, %dma_wait3A_99] : memref<2505x128xf32, #tpu.memory_space<vmem_shared>> -> memref<72x128xf32, #tpu.memory_space<vmem_shared>>
        %dma_wait3A_101 = arith.constant 0 : i32
        %dma_wait3A_102 = arith.constant 0 : i32
        %dma_wait3A_103 = tpu.memref_slice %arg11[%dma_wait3A_101, %dma_wait3A_102] : memref<104x128xf32, #tpu.memory_space<vmem>> -> memref<72x128xf32, #tpu.memory_space<vmem>>
        %dma_wait3A_104 = arith.constant 2432 : i32
        %dma_wait3A_105 = arith.constant 0 : i32
        %dma_wait3A_106 = tpu.memref_slice %arg12[%dma_wait3A_104, %dma_wait3A_105] : memref<2505x128xf32, #tpu.memory_space<vmem_shared>> -> memref<72x128xf32, #tpu.memory_space<vmem_shared>>
        tpu.wait_dma2 semaphore(%run_scoped3A : memref<!tpu.dma_semaphore, #tpu.memory_space<semaphore_mem>>) src(%dma_wait3A_106 : memref<72x128xf32, #tpu.memory_space<vmem_shared>>) dst(%dma_wait3A_103 : memref<72x128xf32, #tpu.memory_space<vmem>>)
        tpu.yield
      }) : () -> ()
      %add3A_82 = arith.constant 2432 : i32
      %add3A_83 = arith.addi %add3A_3, %add3A_82 : i32
      "tpu.region"() ({
        %run_scoped3A = tpu.sem_alloc : memref<!tpu.dma_semaphore, #tpu.memory_space<semaphore_mem>>
        %dma_start3A_84 = arith.constant 0 : i32
        %dma_start3A_85 = arith.constant 0 : i32
        %dma_start3A_86 = tpu.memref_slice %arg11[%dma_start3A_84, %dma_start3A_85] : memref<104x128xf32, #tpu.memory_space<vmem>> -> memref<72x128xf32, #tpu.memory_space<vmem>>
        %dma_start3A_87 = arith.constant 0 : i32
        %dma_start3A_88 = tpu.memref_slice %arg6[%add3A_83, %dma_start3A_87] : memref<10000x128xf32, #tpu.memory_space<hbm>> -> memref<72x128xf32, #tpu.memory_space<hbm>>
        %dma_start3A_89 = arith.constant 0 : i32
        %dma_start3A_90 = tpu.memref_slice %arg6[%add3A_83, %dma_start3A_89] : memref<10000x128xf32, #tpu.memory_space<hbm>> -> memref<72x128xf32, #tpu.memory_space<hbm>>
        %dma_start3A_91 = arith.constant 0 : i32
        %dma_start3A_92 = arith.constant 0 : i32
        %dma_start3A_93 = tpu.memref_slice %arg11[%dma_start3A_91, %dma_start3A_92] : memref<104x128xf32, #tpu.memory_space<vmem>> -> memref<72x128xf32, #tpu.memory_space<vmem>>
        tpu.enqueue_dma source(%dma_start3A_93 : memref<72x128xf32, #tpu.memory_space<vmem>>) target(%dma_start3A_90 : memref<72x128xf32, #tpu.memory_space<hbm>>) target_semaphore(%run_scoped3A : memref<!tpu.dma_semaphore, #tpu.memory_space<semaphore_mem>>)
        %dma_wait3A = arith.constant 0 : i32
        %dma_wait3A_94 = arith.constant 0 : i32
        %dma_wait3A_95 = tpu.memref_slice %arg11[%dma_wait3A, %dma_wait3A_94] : memref<104x128xf32, #tpu.memory_space<vmem>> -> memref<72x128xf32, #tpu.memory_space<vmem>>
        %dma_wait3A_96 = arith.constant 0 : i32
        %dma_wait3A_97 = tpu.memref_slice %arg6[%add3A_83, %dma_wait3A_96] : memref<10000x128xf32, #tpu.memory_space<hbm>> -> memref<72x128xf32, #tpu.memory_space<hbm>>
        %dma_wait3A_98 = arith.constant 0 : i32
        %dma_wait3A_99 = tpu.memref_slice %arg6[%add3A_83, %dma_wait3A_98] : memref<10000x128xf32, #tpu.memory_space<hbm>> -> memref<72x128xf32, #tpu.memory_space<hbm>>
        %dma_wait3A_100 = arith.constant 0 : i32
        %dma_wait3A_101 = arith.constant 0 : i32
        %dma_wait3A_102 = tpu.memref_slice %arg11[%dma_wait3A_100, %dma_wait3A_101] : memref<104x128xf32, #tpu.memory_space<vmem>> -> memref<72x128xf32, #tpu.memory_space<vmem>>
        tpu.wait_dma2 semaphore(%run_scoped3A : memref<!tpu.dma_semaphore, #tpu.memory_space<semaphore_mem>>) src(%dma_wait3A_102 : memref<72x128xf32, #tpu.memory_space<vmem>>) dst(%dma_wait3A_99 : memref<72x128xf32, #tpu.memory_space<hbm>>)
        tpu.yield
      }) : () -> ()
    } else {
    }
    %barrier3A_37 = arith.constant 0 : index
    tpu.barrier barrier_id(%barrier3A_37)
    %mul3A_38 = arith.constant 5000 : i32
    %mul3A_39 = arith.muli %arg0, %mul3A_38 : i32
    %add3A_40 = arith.constant 2504 : i32
    %add3A_41 = arith.addi %mul3A_39, %add3A_40 : i32
    "tpu.region"() ({
      %run_scoped3A = tpu.sem_alloc : memref<!tpu.dma_semaphore, #tpu.memory_space<semaphore_mem>>
      tpu.enqueue_dma source(%arg5 : memref<104x128xf32, #tpu.memory_space<hbm>>) target(%arg11 : memref<104x128xf32, #tpu.memory_space<vmem>>) target_semaphore(%run_scoped3A : memref<!tpu.dma_semaphore, #tpu.memory_space<semaphore_mem>>)
      tpu.wait_dma2 semaphore(%run_scoped3A : memref<!tpu.dma_semaphore, #tpu.memory_space<semaphore_mem>>) src(%arg5 : memref<104x128xf32, #tpu.memory_space<hbm>>) dst(%arg11 : memref<104x128xf32, #tpu.memory_space<vmem>>)
      tpu.yield
    }) : () -> ()
    "tpu.region"() ({
      %run_scoped3A = tpu.sem_alloc : memref<!tpu.dma_semaphore, #tpu.memory_space<semaphore_mem>>
      %dma_start3A_82 = arith.constant 0 : i32
      %dma_start3A_83 = tpu.memref_slice %arg12[%mul3A_0, %dma_start3A_82] : memref<2505x128xf32, #tpu.memory_space<vmem_shared>> -> memref<104x128xf32, #tpu.memory_space<vmem_shared>>
      %dma_start3A_84 = arith.constant 0 : i32
      %dma_start3A_85 = tpu.memref_slice %arg12[%mul3A_0, %dma_start3A_84] : memref<2505x128xf32, #tpu.memory_space<vmem_shared>> -> memref<104x128xf32, #tpu.memory_space<vmem_shared>>
      tpu.enqueue_dma source(%arg11 : memref<104x128xf32, #tpu.memory_space<vmem>>) target(%dma_start3A_85 : memref<104x128xf32, #tpu.memory_space<vmem_shared>>) target_semaphore(%run_scoped3A : memref<!tpu.dma_semaphore, #tpu.memory_space<semaphore_mem>>)
      %dma_wait3A = arith.constant 0 : i32
      %dma_wait3A_86 = tpu.memref_slice %arg12[%mul3A_0, %dma_wait3A] : memref<2505x128xf32, #tpu.memory_space<vmem_shared>> -> memref<104x128xf32, #tpu.memory_space<vmem_shared>>
      %dma_wait3A_87 = arith.constant 0 : i32
      %dma_wait3A_88 = tpu.memref_slice %arg12[%mul3A_0, %dma_wait3A_87] : memref<2505x128xf32, #tpu.memory_space<vmem_shared>> -> memref<104x128xf32, #tpu.memory_space<vmem_shared>>
      tpu.wait_dma2 semaphore(%run_scoped3A : memref<!tpu.dma_semaphore, #tpu.memory_space<semaphore_mem>>) src(%arg11 : memref<104x128xf32, #tpu.memory_space<vmem>>) dst(%dma_wait3A_88 : memref<104x128xf32, #tpu.memory_space<vmem_shared>>)
      tpu.yield
    }) : () -> ()
    %add3A_42 = arith.constant 104 : i32
    %add3A_43 = arith.addi %mul3A_0, %add3A_42 : i32
    "tpu.region"() ({
      %run_scoped3A = tpu.sem_alloc : memref<!tpu.dma_semaphore, #tpu.memory_space<semaphore_mem>>
      %dma_start3A_82 = arith.constant 0 : i32
      %dma_start3A_83 = arith.constant 0 : i32
      %dma_start3A_84 = tpu.memref_slice %arg11[%dma_start3A_82, %dma_start3A_83] : memref<104x128xf32, #tpu.memory_space<vmem>> -> memref<48x128xf32, #tpu.memory_space<vmem>>
      %dma_start3A_85 = arith.constant 0 : i32
      %dma_start3A_86 = tpu.memref_slice %arg12[%add3A_43, %dma_start3A_85] : memref<2505x128xf32, #tpu.memory_space<vmem_shared>> -> memref<48x128xf32, #tpu.memory_space<vmem_shared>>
      %dma_start3A_87 = arith.constant 0 : i32
      %dma_start3A_88 = tpu.memref_slice %arg12[%add3A_43, %dma_start3A_87] : memref<2505x128xf32, #tpu.memory_space<vmem_shared>> -> memref<48x128xf32, #tpu.memory_space<vmem_shared>>
      %dma_start3A_89 = arith.constant 0 : i32
      %dma_start3A_90 = arith.constant 0 : i32
      %dma_start3A_91 = tpu.memref_slice %arg11[%dma_start3A_89, %dma_start3A_90] : memref<104x128xf32, #tpu.memory_space<vmem>> -> memref<48x128xf32, #tpu.memory_space<vmem>>
      tpu.enqueue_dma source(%dma_start3A_91 : memref<48x128xf32, #tpu.memory_space<vmem>>) target(%dma_start3A_88 : memref<48x128xf32, #tpu.memory_space<vmem_shared>>) target_semaphore(%run_scoped3A : memref<!tpu.dma_semaphore, #tpu.memory_space<semaphore_mem>>)
      %dma_wait3A = arith.constant 0 : i32
      %dma_wait3A_92 = arith.constant 0 : i32
      %dma_wait3A_93 = tpu.memref_slice %arg11[%dma_wait3A, %dma_wait3A_92] : memref<104x128xf32, #tpu.memory_space<vmem>> -> memref<48x128xf32, #tpu.memory_space<vmem>>
      %dma_wait3A_94 = arith.constant 0 : i32
      %dma_wait3A_95 = tpu.memref_slice %arg12[%add3A_43, %dma_wait3A_94] : memref<2505x128xf32, #tpu.memory_space<vmem_shared>> -> memref<48x128xf32, #tpu.memory_space<vmem_shared>>
      %dma_wait3A_96 = arith.constant 0 : i32
      %dma_wait3A_97 = tpu.memref_slice %arg12[%add3A_43, %dma_wait3A_96] : memref<2505x128xf32, #tpu.memory_space<vmem_shared>> -> memref<48x128xf32, #tpu.memory_space<vmem_shared>>
      %dma_wait3A_98 = arith.constant 0 : i32
      %dma_wait3A_99 = arith.constant 0 : i32
      %dma_wait3A_100 = tpu.memref_slice %arg11[%dma_wait3A_98, %dma_wait3A_99] : memref<104x128xf32, #tpu.memory_space<vmem>> -> memref<48x128xf32, #tpu.memory_space<vmem>>
      tpu.wait_dma2 semaphore(%run_scoped3A : memref<!tpu.dma_semaphore, #tpu.memory_space<semaphore_mem>>) src(%dma_wait3A_100 : memref<48x128xf32, #tpu.memory_space<vmem>>) dst(%dma_wait3A_97 : memref<48x128xf32, #tpu.memory_space<vmem_shared>>)
      tpu.yield
    }) : () -> ()
    %eq3A_44 = arith.constant 15 : i32
    %eq3A_45 = arith.cmpi eq, %arg1, %eq3A_44 : i32
    %convert_element_type3A_46 = arith.extui %eq3A_45 : i1 to i32
    %cond3A_47 = arith.constant 0 : i32
    %cond3A_48 = arith.cmpi ne, %convert_element_type3A_46, %cond3A_47 : i32
    scf.if %cond3A_48 {
      "tpu.region"() ({
        %run_scoped3A = tpu.sem_alloc : memref<!tpu.dma_semaphore, #tpu.memory_space<semaphore_mem>>
        %dma_start3A_82 = arith.constant 0 : i32
        %dma_start3A_83 = arith.constant 0 : i32
        %dma_start3A_84 = tpu.memref_slice %arg11[%dma_start3A_82, %dma_start3A_83] : memref<104x128xf32, #tpu.memory_space<vmem>> -> memref<64x128xf32, #tpu.memory_space<vmem>>
        %dma_start3A_85 = arith.constant 2432 : i32
        %dma_start3A_86 = arith.constant 0 : i32
        %dma_start3A_87 = tpu.memref_slice %arg12[%dma_start3A_85, %dma_start3A_86] : memref<2505x128xf32, #tpu.memory_space<vmem_shared>> -> memref<64x128xf32, #tpu.memory_space<vmem_shared>>
        %dma_start3A_88 = arith.constant 2432 : i32
        %dma_start3A_89 = arith.constant 0 : i32
        %dma_start3A_90 = tpu.memref_slice %arg12[%dma_start3A_88, %dma_start3A_89] : memref<2505x128xf32, #tpu.memory_space<vmem_shared>> -> memref<64x128xf32, #tpu.memory_space<vmem_shared>>
        %dma_start3A_91 = arith.constant 0 : i32
        %dma_start3A_92 = arith.constant 0 : i32
        %dma_start3A_93 = tpu.memref_slice %arg11[%dma_start3A_91, %dma_start3A_92] : memref<104x128xf32, #tpu.memory_space<vmem>> -> memref<64x128xf32, #tpu.memory_space<vmem>>
        tpu.enqueue_dma source(%dma_start3A_93 : memref<64x128xf32, #tpu.memory_space<vmem>>) target(%dma_start3A_90 : memref<64x128xf32, #tpu.memory_space<vmem_shared>>) target_semaphore(%run_scoped3A : memref<!tpu.dma_semaphore, #tpu.memory_space<semaphore_mem>>)
        %dma_wait3A = arith.constant 0 : i32
        %dma_wait3A_94 = arith.constant 0 : i32
        %dma_wait3A_95 = tpu.memref_slice %arg11[%dma_wait3A, %dma_wait3A_94] : memref<104x128xf32, #tpu.memory_space<vmem>> -> memref<64x128xf32, #tpu.memory_space<vmem>>
        %dma_wait3A_96 = arith.constant 2432 : i32
        %dma_wait3A_97 = arith.constant 0 : i32
        %dma_wait3A_98 = tpu.memref_slice %arg12[%dma_wait3A_96, %dma_wait3A_97] : memref<2505x128xf32, #tpu.memory_space<vmem_shared>> -> memref<64x128xf32, #tpu.memory_space<vmem_shared>>
        %dma_wait3A_99 = arith.constant 2432 : i32
        %dma_wait3A_100 = arith.constant 0 : i32
        %dma_wait3A_101 = tpu.memref_slice %arg12[%dma_wait3A_99, %dma_wait3A_100] : memref<2505x128xf32, #tpu.memory_space<vmem_shared>> -> memref<64x128xf32, #tpu.memory_space<vmem_shared>>
        %dma_wait3A_102 = arith.constant 0 : i32
        %dma_wait3A_103 = arith.constant 0 : i32
        %dma_wait3A_104 = tpu.memref_slice %arg11[%dma_wait3A_102, %dma_wait3A_103] : memref<104x128xf32, #tpu.memory_space<vmem>> -> memref<64x128xf32, #tpu.memory_space<vmem>>
        tpu.wait_dma2 semaphore(%run_scoped3A : memref<!tpu.dma_semaphore, #tpu.memory_space<semaphore_mem>>) src(%dma_wait3A_104 : memref<64x128xf32, #tpu.memory_space<vmem>>) dst(%dma_wait3A_101 : memref<64x128xf32, #tpu.memory_space<vmem_shared>>)
        tpu.yield
      }) : () -> ()
    } else {
    }
    %mul3A_49 = arith.constant 2 : i32
    %mul3A_50 = arith.muli %arg0, %mul3A_49 : i32
    %add3A_51 = arith.constant 1 : i32
    %add3A_52 = arith.addi %mul3A_50, %add3A_51 : i32
    %mul3A_53 = arith.constant 16 : i32
    %mul3A_54 = arith.muli %add3A_52, %mul3A_53 : i32
    %add3A_55 = arith.addi %mul3A_54, %arg1 : i32
    "tpu.region"() ({
      %run_scoped3A = tpu.sem_alloc : memref<!tpu.dma_semaphore, #tpu.memory_space<semaphore_mem>>
      %dma_start3A_82 = arith.constant 0 : i32
      %dma_start3A_83 = arith.constant 0 : i32
      %dma_start3A_84 = tpu.memref_slice %arg4[%add3A_55, %dma_start3A_82, %dma_start3A_83] : memref<64x200x100xi32, #tpu.memory_space<hbm>> -> memref<1x200x100xi32, #tpu.memory_space<hbm>>
      %dma_start3A_85 = tpu.memref_squeeze %dma_start3A_84 : memref<1x200x100xi32, #tpu.memory_space<hbm>> -> memref<200x100xi32, #tpu.memory_space<hbm>>
      %dma_start3A_86 = arith.constant 0 : i32
      %dma_start3A_87 = arith.constant 0 : i32
      %dma_start3A_88 = tpu.memref_slice %arg4[%add3A_55, %dma_start3A_86, %dma_start3A_87] : memref<64x200x100xi32, #tpu.memory_space<hbm>> -> memref<1x200x100xi32, #tpu.memory_space<hbm>>
      %dma_start3A_89 = tpu.memref_squeeze %dma_start3A_88 : memref<1x200x100xi32, #tpu.memory_space<hbm>> -> memref<200x100xi32, #tpu.memory_space<hbm>>
      tpu.enqueue_dma source(%dma_start3A_89 : memref<200x100xi32, #tpu.memory_space<hbm>>) target(%arg8 : memref<200x100xi32, #tpu.memory_space<vmem>>) target_semaphore(%run_scoped3A : memref<!tpu.dma_semaphore, #tpu.memory_space<semaphore_mem>>)
      %dma_wait3A = arith.constant 0 : i32
      %dma_wait3A_90 = arith.constant 0 : i32
      %dma_wait3A_91 = tpu.memref_slice %arg4[%add3A_55, %dma_wait3A, %dma_wait3A_90] : memref<64x200x100xi32, #tpu.memory_space<hbm>> -> memref<1x200x100xi32, #tpu.memory_space<hbm>>
      %dma_wait3A_92 = tpu.memref_squeeze %dma_wait3A_91 : memref<1x200x100xi32, #tpu.memory_space<hbm>> -> memref<200x100xi32, #tpu.memory_space<hbm>>
      %dma_wait3A_93 = arith.constant 0 : i32
      %dma_wait3A_94 = arith.constant 0 : i32
      %dma_wait3A_95 = tpu.memref_slice %arg4[%add3A_55, %dma_wait3A_93, %dma_wait3A_94] : memref<64x200x100xi32, #tpu.memory_space<hbm>> -> memref<1x200x100xi32, #tpu.memory_space<hbm>>
      %dma_wait3A_96 = tpu.memref_squeeze %dma_wait3A_95 : memref<1x200x100xi32, #tpu.memory_space<hbm>> -> memref<200x100xi32, #tpu.memory_space<hbm>>
      tpu.wait_dma2 semaphore(%run_scoped3A : memref<!tpu.dma_semaphore, #tpu.memory_space<semaphore_mem>>) src(%dma_wait3A_96 : memref<200x100xi32, #tpu.memory_space<hbm>>) dst(%arg8 : memref<200x100xi32, #tpu.memory_space<vmem>>)
      tpu.yield
    }) : () -> ()
    %barrier3A_56 = arith.constant 0 : index
    tpu.barrier barrier_id(%barrier3A_56)
    %dma_start3A_57 = arith.constant 0 : i32
    %dma_start3A_58 = arith.constant 0 : i32
    %dma_start3A_59 = tpu.memref_slice %arg7[%dma_start3A_57, %dma_start3A_58] : memref<200x100xi32, #tpu.memory_space<vmem>> -> memref<1x100xi32, #tpu.memory_space<vmem>>
    %dma_start3A_60 = tpu.memref_squeeze %dma_start3A_59 : memref<1x100xi32, #tpu.memory_space<vmem>> -> memref<100xi32, #tpu.memory_space<vmem>>
    %dma_start3A_61 = arith.constant 0 : i32
    %dma_start3A_62 = arith.constant 0 : i32
    %dma_start3A_63 = tpu.memref_slice %arg2[%dma_start3A_61, %dma_start3A_62] : memref<10000x128xf32, #tpu.memory_space<hbm>> -> memref<10000x128xf32, #tpu.memory_space<hbm>>
    tpu.enqueue_indirect_dma source(%dma_start3A_63 : memref<10000x128xf32, #tpu.memory_space<hbm>>) target(%arg9 : memref<100x128xf32, #tpu.memory_space<vmem>>) offsets(%dma_start3A_60 : memref<100xi32, #tpu.memory_space<vmem>>) semaphore(%arg13 : memref<!tpu.dma_semaphore, #tpu.memory_space<semaphore_mem>>)
    %scan3A_64 = arith.constant 0 : i32
    %scan3A_65 = arith.constant 100 : i32
    %scan3A_66 = arith.addi %scan3A_64, %scan3A_65 : i32
    %scan3A_67 = arith.constant 1 : i32
    scf.for %scan3A_82 = %scan3A_64 to %scan3A_66 step %scan3A_67  : i32 {
      %mul3A_83 = arith.constant 2 : i32
      %mul3A_84 = arith.muli %scan3A_82, %mul3A_83 : i32
      %add3A_85 = arith.constant 0 : i32
      %add3A_86 = arith.addi %add3A_85, %mul3A_84 : i32
      %add3A_87 = arith.constant 1 : i32
      %add3A_88 = arith.addi %add3A_86, %add3A_87 : i32
      %dma_start3A_89 = arith.constant 0 : i32
      %dma_start3A_90 = tpu.memref_slice %arg7[%add3A_88, %dma_start3A_89] : memref<200x100xi32, #tpu.memory_space<vmem>> -> memref<1x100xi32, #tpu.memory_space<vmem>>
      %dma_start3A_91 = tpu.memref_squeeze %dma_start3A_90 : memref<1x100xi32, #tpu.memory_space<vmem>> -> memref<100xi32, #tpu.memory_space<vmem>>
      %dma_start3A_92 = arith.constant 0 : i32
      %dma_start3A_93 = arith.constant 0 : i32
      %dma_start3A_94 = tpu.memref_slice %arg2[%dma_start3A_92, %dma_start3A_93] : memref<10000x128xf32, #tpu.memory_space<hbm>> -> memref<10000x128xf32, #tpu.memory_space<hbm>>
      tpu.enqueue_indirect_dma source(%dma_start3A_94 : memref<10000x128xf32, #tpu.memory_space<hbm>>) target(%arg10 : memref<100x128xf32, #tpu.memory_space<vmem>>) offsets(%dma_start3A_91 : memref<100xi32, #tpu.memory_space<vmem>>) semaphore(%arg14 : memref<!tpu.dma_semaphore, #tpu.memory_space<semaphore_mem>>)
      %dma_wait3A = arith.constant 0 : i32
      %dma_wait3A_95 = tpu.memref_slice %arg7[%add3A_86, %dma_wait3A] : memref<200x100xi32, #tpu.memory_space<vmem>> -> memref<1x100xi32, #tpu.memory_space<vmem>>
      %dma_wait3A_96 = tpu.memref_squeeze %dma_wait3A_95 : memref<1x100xi32, #tpu.memory_space<vmem>> -> memref<100xi32, #tpu.memory_space<vmem>>
      %dma_wait3A_97 = arith.constant 0 : i32
      %dma_wait3A_98 = arith.constant 0 : i32
      %dma_wait3A_99 = tpu.memref_slice %arg2[%dma_wait3A_97, %dma_wait3A_98] : memref<10000x128xf32, #tpu.memory_space<hbm>> -> memref<10000x128xf32, #tpu.memory_space<hbm>>
      tpu.wait_indirect_dma semaphore(%arg13 : memref<!tpu.dma_semaphore, #tpu.memory_space<semaphore_mem>>) src(%dma_wait3A_99 : memref<10000x128xf32, #tpu.memory_space<hbm>>) dst(%arg9 : memref<100x128xf32, #tpu.memory_space<vmem>>)
      "tpu.region"() ({
        %run_scoped3A = tpu.sem_alloc : memref<!tpu.dma_semaphore, #tpu.memory_space<semaphore_mem>>
        %dma_start3A_116 = arith.constant 0 : i32
        %dma_start3A_117 = tpu.memref_slice %arg8[%add3A_86, %dma_start3A_116] : memref<200x100xi32, #tpu.memory_space<vmem>> -> memref<1x100xi32, #tpu.memory_space<vmem>>
        %dma_start3A_118 = tpu.memref_squeeze %dma_start3A_117 : memref<1x100xi32, #tpu.memory_space<vmem>> -> memref<100xi32, #tpu.memory_space<vmem>>
        %dma_start3A_119 = arith.constant 0 : i32
        %dma_start3A_120 = arith.constant 0 : i32
        %dma_start3A_121 = tpu.memref_slice %arg12[%dma_start3A_119, %dma_start3A_120] : memref<2505x128xf32, #tpu.memory_space<vmem_shared>> -> memref<2505x128xf32, #tpu.memory_space<vmem_shared>>
        tpu.enqueue_indirect_dma source(%arg9 : memref<100x128xf32, #tpu.memory_space<vmem>>) target(%dma_start3A_121 : memref<2505x128xf32, #tpu.memory_space<vmem_shared>>) offsets(%dma_start3A_118 : memref<100xi32, #tpu.memory_space<vmem>>) semaphore(%run_scoped3A : memref<!tpu.dma_semaphore, #tpu.memory_space<semaphore_mem>>) {add = true}
        %dma_wait3A_122 = arith.constant 0 : i32
        %dma_wait3A_123 = tpu.memref_slice %arg8[%add3A_86, %dma_wait3A_122] : memref<200x100xi32, #tpu.memory_space<vmem>> -> memref<1x100xi32, #tpu.memory_space<vmem>>
        %dma_wait3A_124 = tpu.memref_squeeze %dma_wait3A_123 : memref<1x100xi32, #tpu.memory_space<vmem>> -> memref<100xi32, #tpu.memory_space<vmem>>
        %dma_wait3A_125 = arith.constant 0 : i32
        %dma_wait3A_126 = arith.constant 0 : i32
        %dma_wait3A_127 = tpu.memref_slice %arg12[%dma_wait3A_125, %dma_wait3A_126] : memref<2505x128xf32, #tpu.memory_space<vmem_shared>> -> memref<2505x128xf32, #tpu.memory_space<vmem_shared>>
        tpu.wait_indirect_dma semaphore(%run_scoped3A : memref<!tpu.dma_semaphore, #tpu.memory_space<semaphore_mem>>) src(%arg9 : memref<100x128xf32, #tpu.memory_space<vmem>>) dst(%dma_wait3A_127 : memref<2505x128xf32, #tpu.memory_space<vmem_shared>>)
        tpu.yield
      }) : () -> ()
      %add3A_100 = arith.constant 2 : i32
      %add3A_101 = arith.addi %add3A_86, %add3A_100 : i32
      %lt3A = arith.constant 200 : i32
      %lt3A_102 = arith.cmpi slt, %add3A_101, %lt3A : i32
      %convert_element_type3A_103 = arith.extui %lt3A_102 : i1 to i32
      %cond3A_104 = arith.constant 0 : i32
      %cond3A_105 = arith.cmpi ne, %convert_element_type3A_103, %cond3A_104 : i32
      scf.if %cond3A_105 {
        %add3A_116 = arith.constant 2 : i32
        %add3A_117 = arith.addi %add3A_86, %add3A_116 : i32
        %dma_start3A_118 = arith.constant 0 : i32
        %dma_start3A_119 = tpu.memref_slice %arg7[%add3A_117, %dma_start3A_118] : memref<200x100xi32, #tpu.memory_space<vmem>> -> memref<1x100xi32, #tpu.memory_space<vmem>>
        %dma_start3A_120 = tpu.memref_squeeze %dma_start3A_119 : memref<1x100xi32, #tpu.memory_space<vmem>> -> memref<100xi32, #tpu.memory_space<vmem>>
        %dma_start3A_121 = arith.constant 0 : i32
        %dma_start3A_122 = arith.constant 0 : i32
        %dma_start3A_123 = tpu.memref_slice %arg2[%dma_start3A_121, %dma_start3A_122] : memref<10000x128xf32, #tpu.memory_space<hbm>> -> memref<10000x128xf32, #tpu.memory_space<hbm>>
        tpu.enqueue_indirect_dma source(%dma_start3A_123 : memref<10000x128xf32, #tpu.memory_space<hbm>>) target(%arg9 : memref<100x128xf32, #tpu.memory_space<vmem>>) offsets(%dma_start3A_120 : memref<100xi32, #tpu.memory_space<vmem>>) semaphore(%arg13 : memref<!tpu.dma_semaphore, #tpu.memory_space<semaphore_mem>>)
      } else {
      }
      %add3A_106 = arith.constant 1 : i32
      %add3A_107 = arith.addi %add3A_86, %add3A_106 : i32
      %dma_wait3A_108 = arith.constant 0 : i32
      %dma_wait3A_109 = tpu.memref_slice %arg7[%add3A_107, %dma_wait3A_108] : memref<200x100xi32, #tpu.memory_space<vmem>> -> memref<1x100xi32, #tpu.memory_space<vmem>>
      %dma_wait3A_110 = tpu.memref_squeeze %dma_wait3A_109 : memref<1x100xi32, #tpu.memory_space<vmem>> -> memref<100xi32, #tpu.memory_space<vmem>>
      %dma_wait3A_111 = arith.constant 0 : i32
      %dma_wait3A_112 = arith.constant 0 : i32
      %dma_wait3A_113 = tpu.memref_slice %arg2[%dma_wait3A_111, %dma_wait3A_112] : memref<10000x128xf32, #tpu.memory_space<hbm>> -> memref<10000x128xf32, #tpu.memory_space<hbm>>
      tpu.wait_indirect_dma semaphore(%arg14 : memref<!tpu.dma_semaphore, #tpu.memory_space<semaphore_mem>>) src(%dma_wait3A_113 : memref<10000x128xf32, #tpu.memory_space<hbm>>) dst(%arg10 : memref<100x128xf32, #tpu.memory_space<vmem>>)
      %add3A_114 = arith.constant 1 : i32
      %add3A_115 = arith.addi %add3A_86, %add3A_114 : i32
      "tpu.region"() ({
        %run_scoped3A = tpu.sem_alloc : memref<!tpu.dma_semaphore, #tpu.memory_space<semaphore_mem>>
        %dma_start3A_116 = arith.constant 0 : i32
        %dma_start3A_117 = tpu.memref_slice %arg8[%add3A_115, %dma_start3A_116] : memref<200x100xi32, #tpu.memory_space<vmem>> -> memref<1x100xi32, #tpu.memory_space<vmem>>
        %dma_start3A_118 = tpu.memref_squeeze %dma_start3A_117 : memref<1x100xi32, #tpu.memory_space<vmem>> -> memref<100xi32, #tpu.memory_space<vmem>>
        %dma_start3A_119 = arith.constant 0 : i32
        %dma_start3A_120 = arith.constant 0 : i32
        %dma_start3A_121 = tpu.memref_slice %arg12[%dma_start3A_119, %dma_start3A_120] : memref<2505x128xf32, #tpu.memory_space<vmem_shared>> -> memref<2505x128xf32, #tpu.memory_space<vmem_shared>>
        tpu.enqueue_indirect_dma source(%arg10 : memref<100x128xf32, #tpu.memory_space<vmem>>) target(%dma_start3A_121 : memref<2505x128xf32, #tpu.memory_space<vmem_shared>>) offsets(%dma_start3A_118 : memref<100xi32, #tpu.memory_space<vmem>>) semaphore(%run_scoped3A : memref<!tpu.dma_semaphore, #tpu.memory_space<semaphore_mem>>) {add = true}
        %dma_wait3A_122 = arith.constant 0 : i32
        %dma_wait3A_123 = tpu.memref_slice %arg8[%add3A_115, %dma_wait3A_122] : memref<200x100xi32, #tpu.memory_space<vmem>> -> memref<1x100xi32, #tpu.memory_space<vmem>>
        %dma_wait3A_124 = tpu.memref_squeeze %dma_wait3A_123 : memref<1x100xi32, #tpu.memory_space<vmem>> -> memref<100xi32, #tpu.memory_space<vmem>>
        %dma_wait3A_125 = arith.constant 0 : i32
        %dma_wait3A_126 = arith.constant 0 : i32
        %dma_wait3A_127 = tpu.memref_slice %arg12[%dma_wait3A_125, %dma_wait3A_126] : memref<2505x128xf32, #tpu.memory_space<vmem_shared>> -> memref<2505x128xf32, #tpu.memory_space<vmem_shared>>
        tpu.wait_indirect_dma semaphore(%run_scoped3A : memref<!tpu.dma_semaphore, #tpu.memory_space<semaphore_mem>>) src(%arg10 : memref<100x128xf32, #tpu.memory_space<vmem>>) dst(%dma_wait3A_127 : memref<2505x128xf32, #tpu.memory_space<vmem_shared>>)
        tpu.yield
      }) : () -> ()
    }
    %scan3A_68 = arith.constant 100 : i32
    %barrier3A_69 = arith.constant 0 : index
    tpu.barrier barrier_id(%barrier3A_69)
    "tpu.region"() ({
      %run_scoped3A = tpu.sem_alloc : memref<!tpu.dma_semaphore, #tpu.memory_space<semaphore_mem>>
      %dma_start3A_82 = arith.constant 0 : i32
      %dma_start3A_83 = tpu.memref_slice %arg12[%mul3A_0, %dma_start3A_82] : memref<2505x128xf32, #tpu.memory_space<vmem_shared>> -> memref<104x128xf32, #tpu.memory_space<vmem_shared>>
      %dma_start3A_84 = arith.constant 0 : i32
      %dma_start3A_85 = tpu.memref_slice %arg12[%mul3A_0, %dma_start3A_84] : memref<2505x128xf32, #tpu.memory_space<vmem_shared>> -> memref<104x128xf32, #tpu.memory_space<vmem_shared>>
      tpu.enqueue_dma source(%dma_start3A_85 : memref<104x128xf32, #tpu.memory_space<vmem_shared>>) target(%arg11 : memref<104x128xf32, #tpu.memory_space<vmem>>) target_semaphore(%run_scoped3A : memref<!tpu.dma_semaphore, #tpu.memory_space<semaphore_mem>>)
      %dma_wait3A = arith.constant 0 : i32
      %dma_wait3A_86 = tpu.memref_slice %arg12[%mul3A_0, %dma_wait3A] : memref<2505x128xf32, #tpu.memory_space<vmem_shared>> -> memref<104x128xf32, #tpu.memory_space<vmem_shared>>
      %dma_wait3A_87 = arith.constant 0 : i32
      %dma_wait3A_88 = tpu.memref_slice %arg12[%mul3A_0, %dma_wait3A_87] : memref<2505x128xf32, #tpu.memory_space<vmem_shared>> -> memref<104x128xf32, #tpu.memory_space<vmem_shared>>
      tpu.wait_dma2 semaphore(%run_scoped3A : memref<!tpu.dma_semaphore, #tpu.memory_space<semaphore_mem>>) src(%dma_wait3A_88 : memref<104x128xf32, #tpu.memory_space<vmem_shared>>) dst(%arg11 : memref<104x128xf32, #tpu.memory_space<vmem>>)
      tpu.yield
    }) : () -> ()
    %add3A_70 = arith.addi %add3A_41, %mul3A_0 : i32
    "tpu.region"() ({
      %run_scoped3A = tpu.sem_alloc : memref<!tpu.dma_semaphore, #tpu.memory_space<semaphore_mem>>
      %dma_start3A_82 = arith.constant 0 : i32
      %dma_start3A_83 = tpu.memref_slice %arg6[%add3A_70, %dma_start3A_82] : memref<10000x128xf32, #tpu.memory_space<hbm>> -> memref<104x128xf32, #tpu.memory_space<hbm>>
      %dma_start3A_84 = arith.constant 0 : i32
      %dma_start3A_85 = tpu.memref_slice %arg6[%add3A_70, %dma_start3A_84] : memref<10000x128xf32, #tpu.memory_space<hbm>> -> memref<104x128xf32, #tpu.memory_space<hbm>>
      tpu.enqueue_dma source(%arg11 : memref<104x128xf32, #tpu.memory_space<vmem>>) target(%dma_start3A_85 : memref<104x128xf32, #tpu.memory_space<hbm>>) target_semaphore(%run_scoped3A : memref<!tpu.dma_semaphore, #tpu.memory_space<semaphore_mem>>)
      %dma_wait3A = arith.constant 0 : i32
      %dma_wait3A_86 = tpu.memref_slice %arg6[%add3A_70, %dma_wait3A] : memref<10000x128xf32, #tpu.memory_space<hbm>> -> memref<104x128xf32, #tpu.memory_space<hbm>>
      %dma_wait3A_87 = arith.constant 0 : i32
      %dma_wait3A_88 = tpu.memref_slice %arg6[%add3A_70, %dma_wait3A_87] : memref<10000x128xf32, #tpu.memory_space<hbm>> -> memref<104x128xf32, #tpu.memory_space<hbm>>
      tpu.wait_dma2 semaphore(%run_scoped3A : memref<!tpu.dma_semaphore, #tpu.memory_space<semaphore_mem>>) src(%arg11 : memref<104x128xf32, #tpu.memory_space<vmem>>) dst(%dma_wait3A_88 : memref<104x128xf32, #tpu.memory_space<hbm>>)
      tpu.yield
    }) : () -> ()
    %add3A_71 = arith.constant 104 : i32
    %add3A_72 = arith.addi %mul3A_0, %add3A_71 : i32
    "tpu.region"() ({
      %run_scoped3A = tpu.sem_alloc : memref<!tpu.dma_semaphore, #tpu.memory_space<semaphore_mem>>
      %dma_start3A_82 = arith.constant 0 : i32
      %dma_start3A_83 = arith.constant 0 : i32
      %dma_start3A_84 = tpu.memref_slice %arg11[%dma_start3A_82, %dma_start3A_83] : memref<104x128xf32, #tpu.memory_space<vmem>> -> memref<48x128xf32, #tpu.memory_space<vmem>>
      %dma_start3A_85 = arith.constant 0 : i32
      %dma_start3A_86 = tpu.memref_slice %arg12[%add3A_72, %dma_start3A_85] : memref<2505x128xf32, #tpu.memory_space<vmem_shared>> -> memref<48x128xf32, #tpu.memory_space<vmem_shared>>
      %dma_start3A_87 = arith.constant 0 : i32
      %dma_start3A_88 = arith.constant 0 : i32
      %dma_start3A_89 = tpu.memref_slice %arg11[%dma_start3A_87, %dma_start3A_88] : memref<104x128xf32, #tpu.memory_space<vmem>> -> memref<48x128xf32, #tpu.memory_space<vmem>>
      %dma_start3A_90 = arith.constant 0 : i32
      %dma_start3A_91 = tpu.memref_slice %arg12[%add3A_72, %dma_start3A_90] : memref<2505x128xf32, #tpu.memory_space<vmem_shared>> -> memref<48x128xf32, #tpu.memory_space<vmem_shared>>
      tpu.enqueue_dma source(%dma_start3A_91 : memref<48x128xf32, #tpu.memory_space<vmem_shared>>) target(%dma_start3A_89 : memref<48x128xf32, #tpu.memory_space<vmem>>) target_semaphore(%run_scoped3A : memref<!tpu.dma_semaphore, #tpu.memory_space<semaphore_mem>>)
      %dma_wait3A = arith.constant 0 : i32
      %dma_wait3A_92 = arith.constant 0 : i32
      %dma_wait3A_93 = tpu.memref_slice %arg11[%dma_wait3A, %dma_wait3A_92] : memref<104x128xf32, #tpu.memory_space<vmem>> -> memref<48x128xf32, #tpu.memory_space<vmem>>
      %dma_wait3A_94 = arith.constant 0 : i32
      %dma_wait3A_95 = tpu.memref_slice %arg12[%add3A_72, %dma_wait3A_94] : memref<2505x128xf32, #tpu.memory_space<vmem_shared>> -> memref<48x128xf32, #tpu.memory_space<vmem_shared>>
      %dma_wait3A_96 = arith.constant 0 : i32
      %dma_wait3A_97 = arith.constant 0 : i32
      %dma_wait3A_98 = tpu.memref_slice %arg11[%dma_wait3A_96, %dma_wait3A_97] : memref<104x128xf32, #tpu.memory_space<vmem>> -> memref<48x128xf32, #tpu.memory_space<vmem>>
      %dma_wait3A_99 = arith.constant 0 : i32
      %dma_wait3A_100 = tpu.memref_slice %arg12[%add3A_72, %dma_wait3A_99] : memref<2505x128xf32, #tpu.memory_space<vmem_shared>> -> memref<48x128xf32, #tpu.memory_space<vmem_shared>>
      tpu.wait_dma2 semaphore(%run_scoped3A : memref<!tpu.dma_semaphore, #tpu.memory_space<semaphore_mem>>) src(%dma_wait3A_100 : memref<48x128xf32, #tpu.memory_space<vmem_shared>>) dst(%dma_wait3A_98 : memref<48x128xf32, #tpu.memory_space<vmem>>)
      tpu.yield
    }) : () -> ()
    %add3A_73 = arith.addi %add3A_41, %mul3A_0 : i32
    %add3A_74 = arith.constant 104 : i32
    %add3A_75 = arith.addi %add3A_73, %add3A_74 : i32
    "tpu.region"() ({
      %run_scoped3A = tpu.sem_alloc : memref<!tpu.dma_semaphore, #tpu.memory_space<semaphore_mem>>
      %dma_start3A_82 = arith.constant 0 : i32
      %dma_start3A_83 = arith.constant 0 : i32
      %dma_start3A_84 = tpu.memref_slice %arg11[%dma_start3A_82, %dma_start3A_83] : memref<104x128xf32, #tpu.memory_space<vmem>> -> memref<48x128xf32, #tpu.memory_space<vmem>>
      %dma_start3A_85 = arith.constant 0 : i32
      %dma_start3A_86 = tpu.memref_slice %arg6[%add3A_75, %dma_start3A_85] : memref<10000x128xf32, #tpu.memory_space<hbm>> -> memref<48x128xf32, #tpu.memory_space<hbm>>
      %dma_start3A_87 = arith.constant 0 : i32
      %dma_start3A_88 = tpu.memref_slice %arg6[%add3A_75, %dma_start3A_87] : memref<10000x128xf32, #tpu.memory_space<hbm>> -> memref<48x128xf32, #tpu.memory_space<hbm>>
      %dma_start3A_89 = arith.constant 0 : i32
      %dma_start3A_90 = arith.constant 0 : i32
      %dma_start3A_91 = tpu.memref_slice %arg11[%dma_start3A_89, %dma_start3A_90] : memref<104x128xf32, #tpu.memory_space<vmem>> -> memref<48x128xf32, #tpu.memory_space<vmem>>
      tpu.enqueue_dma source(%dma_start3A_91 : memref<48x128xf32, #tpu.memory_space<vmem>>) target(%dma_start3A_88 : memref<48x128xf32, #tpu.memory_space<hbm>>) target_semaphore(%run_scoped3A : memref<!tpu.dma_semaphore, #tpu.memory_space<semaphore_mem>>)
      %dma_wait3A = arith.constant 0 : i32
      %dma_wait3A_92 = arith.constant 0 : i32
      %dma_wait3A_93 = tpu.memref_slice %arg11[%dma_wait3A, %dma_wait3A_92] : memref<104x128xf32, #tpu.memory_space<vmem>> -> memref<48x128xf32, #tpu.memory_space<vmem>>
      %dma_wait3A_94 = arith.constant 0 : i32
      %dma_wait3A_95 = tpu.memref_slice %arg6[%add3A_75, %dma_wait3A_94] : memref<10000x128xf32, #tpu.memory_space<hbm>> -> memref<48x128xf32, #tpu.memory_space<hbm>>
      %dma_wait3A_96 = arith.constant 0 : i32
      %dma_wait3A_97 = tpu.memref_slice %arg6[%add3A_75, %dma_wait3A_96] : memref<10000x128xf32, #tpu.memory_space<hbm>> -> memref<48x128xf32, #tpu.memory_space<hbm>>
      %dma_wait3A_98 = arith.constant 0 : i32
      %dma_wait3A_99 = arith.constant 0 : i32
      %dma_wait3A_100 = tpu.memref_slice %arg11[%dma_wait3A_98, %dma_wait3A_99] : memref<104x128xf32, #tpu.memory_space<vmem>> -> memref<48x128xf32, #tpu.memory_space<vmem>>
      tpu.wait_dma2 semaphore(%run_scoped3A : memref<!tpu.dma_semaphore, #tpu.memory_space<semaphore_mem>>) src(%dma_wait3A_100 : memref<48x128xf32, #tpu.memory_space<vmem>>) dst(%dma_wait3A_97 : memref<48x128xf32, #tpu.memory_space<hbm>>)
      tpu.yield
    }) : () -> ()
    %eq3A_76 = arith.constant 15 : i32
    %eq3A_77 = arith.cmpi eq, %arg1, %eq3A_76 : i32
    %convert_element_type3A_78 = arith.extui %eq3A_77 : i1 to i32
    %cond3A_79 = arith.constant 0 : i32
    %cond3A_80 = arith.cmpi ne, %convert_element_type3A_78, %cond3A_79 : i32
    scf.if %cond3A_80 {
      "tpu.region"() ({
        %run_scoped3A = tpu.sem_alloc : memref<!tpu.dma_semaphore, #tpu.memory_space<semaphore_mem>>
        %dma_start3A_84 = arith.constant 0 : i32
        %dma_start3A_85 = arith.constant 0 : i32
        %dma_start3A_86 = tpu.memref_slice %arg11[%dma_start3A_84, %dma_start3A_85] : memref<104x128xf32, #tpu.memory_space<vmem>> -> memref<64x128xf32, #tpu.memory_space<vmem>>
        %dma_start3A_87 = arith.constant 2432 : i32
        %dma_start3A_88 = arith.constant 0 : i32
        %dma_start3A_89 = tpu.memref_slice %arg12[%dma_start3A_87, %dma_start3A_88] : memref<2505x128xf32, #tpu.memory_space<vmem_shared>> -> memref<64x128xf32, #tpu.memory_space<vmem_shared>>
        %dma_start3A_90 = arith.constant 0 : i32
        %dma_start3A_91 = arith.constant 0 : i32
        %dma_start3A_92 = tpu.memref_slice %arg11[%dma_start3A_90, %dma_start3A_91] : memref<104x128xf32, #tpu.memory_space<vmem>> -> memref<64x128xf32, #tpu.memory_space<vmem>>
        %dma_start3A_93 = arith.constant 2432 : i32
        %dma_start3A_94 = arith.constant 0 : i32
        %dma_start3A_95 = tpu.memref_slice %arg12[%dma_start3A_93, %dma_start3A_94] : memref<2505x128xf32, #tpu.memory_space<vmem_shared>> -> memref<64x128xf32, #tpu.memory_space<vmem_shared>>
        tpu.enqueue_dma source(%dma_start3A_95 : memref<64x128xf32, #tpu.memory_space<vmem_shared>>) target(%dma_start3A_92 : memref<64x128xf32, #tpu.memory_space<vmem>>) target_semaphore(%run_scoped3A : memref<!tpu.dma_semaphore, #tpu.memory_space<semaphore_mem>>)
        %dma_wait3A = arith.constant 0 : i32
        %dma_wait3A_96 = arith.constant 0 : i32
        %dma_wait3A_97 = tpu.memref_slice %arg11[%dma_wait3A, %dma_wait3A_96] : memref<104x128xf32, #tpu.memory_space<vmem>> -> memref<64x128xf32, #tpu.memory_space<vmem>>
        %dma_wait3A_98 = arith.constant 2432 : i32
        %dma_wait3A_99 = arith.constant 0 : i32
        %dma_wait3A_100 = tpu.memref_slice %arg12[%dma_wait3A_98, %dma_wait3A_99] : memref<2505x128xf32, #tpu.memory_space<vmem_shared>> -> memref<64x128xf32, #tpu.memory_space<vmem_shared>>
        %dma_wait3A_101 = arith.constant 0 : i32
        %dma_wait3A_102 = arith.constant 0 : i32
        %dma_wait3A_103 = tpu.memref_slice %arg11[%dma_wait3A_101, %dma_wait3A_102] : memref<104x128xf32, #tpu.memory_space<vmem>> -> memref<64x128xf32, #tpu.memory_space<vmem>>
        %dma_wait3A_104 = arith.constant 2432 : i32
        %dma_wait3A_105 = arith.constant 0 : i32
        %dma_wait3A_106 = tpu.memref_slice %arg12[%dma_wait3A_104, %dma_wait3A_105] : memref<2505x128xf32, #tpu.memory_space<vmem_shared>> -> memref<64x128xf32, #tpu.memory_space<vmem_shared>>
        tpu.wait_dma2 semaphore(%run_scoped3A : memref<!tpu.dma_semaphore, #tpu.memory_space<semaphore_mem>>) src(%dma_wait3A_106 : memref<64x128xf32, #tpu.memory_space<vmem_shared>>) dst(%dma_wait3A_103 : memref<64x128xf32, #tpu.memory_space<vmem>>)
        tpu.yield
      }) : () -> ()
      %add3A_82 = arith.constant 2432 : i32
      %add3A_83 = arith.addi %add3A_41, %add3A_82 : i32
      "tpu.region"() ({
        %run_scoped3A = tpu.sem_alloc : memref<!tpu.dma_semaphore, #tpu.memory_space<semaphore_mem>>
        %dma_start3A_84 = arith.constant 0 : i32
        %dma_start3A_85 = arith.constant 0 : i32
        %dma_start3A_86 = tpu.memref_slice %arg11[%dma_start3A_84, %dma_start3A_85] : memref<104x128xf32, #tpu.memory_space<vmem>> -> memref<64x128xf32, #tpu.memory_space<vmem>>
        %dma_start3A_87 = arith.constant 0 : i32
        %dma_start3A_88 = tpu.memref_slice %arg6[%add3A_83, %dma_start3A_87] : memref<10000x128xf32, #tpu.memory_space<hbm>> -> memref<64x128xf32, #tpu.memory_space<hbm>>
        %dma_start3A_89 = arith.constant 0 : i32
        %dma_start3A_90 = tpu.memref_slice %arg6[%add3A_83, %dma_start3A_89] : memref<10000x128xf32, #tpu.memory_space<hbm>> -> memref<64x128xf32, #tpu.memory_space<hbm>>
        %dma_start3A_91 = arith.constant 0 : i32
        %dma_start3A_92 = arith.constant 0 : i32
        %dma_start3A_93 = tpu.memref_slice %arg11[%dma_start3A_91, %dma_start3A_92] : memref<104x128xf32, #tpu.memory_space<vmem>> -> memref<64x128xf32, #tpu.memory_space<vmem>>
        tpu.enqueue_dma source(%dma_start3A_93 : memref<64x128xf32, #tpu.memory_space<vmem>>) target(%dma_start3A_90 : memref<64x128xf32, #tpu.memory_space<hbm>>) target_semaphore(%run_scoped3A : memref<!tpu.dma_semaphore, #tpu.memory_space<semaphore_mem>>)
        %dma_wait3A = arith.constant 0 : i32
        %dma_wait3A_94 = arith.constant 0 : i32
        %dma_wait3A_95 = tpu.memref_slice %arg11[%dma_wait3A, %dma_wait3A_94] : memref<104x128xf32, #tpu.memory_space<vmem>> -> memref<64x128xf32, #tpu.memory_space<vmem>>
        %dma_wait3A_96 = arith.constant 0 : i32
        %dma_wait3A_97 = tpu.memref_slice %arg6[%add3A_83, %dma_wait3A_96] : memref<10000x128xf32, #tpu.memory_space<hbm>> -> memref<64x128xf32, #tpu.memory_space<hbm>>
        %dma_wait3A_98 = arith.constant 0 : i32
        %dma_wait3A_99 = tpu.memref_slice %arg6[%add3A_83, %dma_wait3A_98] : memref<10000x128xf32, #tpu.memory_space<hbm>> -> memref<64x128xf32, #tpu.memory_space<hbm>>
        %dma_wait3A_100 = arith.constant 0 : i32
        %dma_wait3A_101 = arith.constant 0 : i32
        %dma_wait3A_102 = tpu.memref_slice %arg11[%dma_wait3A_100, %dma_wait3A_101] : memref<104x128xf32, #tpu.memory_space<vmem>> -> memref<64x128xf32, #tpu.memory_space<vmem>>
        tpu.wait_dma2 semaphore(%run_scoped3A : memref<!tpu.dma_semaphore, #tpu.memory_space<semaphore_mem>>) src(%dma_wait3A_102 : memref<64x128xf32, #tpu.memory_space<vmem>>) dst(%dma_wait3A_99 : memref<64x128xf32, #tpu.memory_space<hbm>>)
        tpu.yield
      }) : () -> ()
    } else {
    }
    %barrier3A_81 = arith.constant 0 : index
    tpu.barrier barrier_id(%barrier3A_81)
    return
  }
}

module attributes {stable_mosaic.version = 14 : i64} {
  func.func @body(%arg0: i32, %arg1: memref<1000x16xf32, #tpu.memory_space<vmem>>, %arg2: memref<1000x128xf32, #tpu.memory_space<vmem>>, %arg3: memref<128x128xf32, #tpu.memory_space<vmem>>, %arg4: memref<1000x1xf32, #tpu.memory_space<vmem>>, %arg5: memref<1000x128xf32, #tpu.memory_space<vmem>>) attributes {dimension_semantics = [#tpu.dimension_semantics<arbitrary>], iteration_bounds = array<i64: 10>, scalar_prefetch = 0 : i64, scratch_operands = 0 : i64, tpu.core_type = #tpu.core_type<tc>, window_params = [{transform_indices = @transform_0, window_bounds = array<i64: 1000, 16>}, {transform_indices = @transform_1, window_bounds = array<i64: 1000, 128>}, {pipeline_mode = #tpu.pipeline_mode<synchronous>, transform_indices = @transform_2, window_bounds = array<i64: 128, 128>}, {transform_indices = @transform_3, window_bounds = array<i64: 1000, 1>}, {transform_indices = @transform_4, window_bounds = array<i64: 1000, 128>}]} {
    %get3A = arith.constant 0 : index
    %get3A_0 = arith.constant 0 : index
    %get3A_1 = vector.load %arg1[%get3A, %get3A_0] : memref<1000x16xf32, #tpu.memory_space<vmem>>, vector<1000x1xf32>
    %add3A = arith.constant 1.000000e+00 : f32
    %add3A_2 = vector.broadcast %add3A : f32 to vector<1000x1xf32>
    %add3A_3 = arith.addf %add3A_2, %get3A_1 : vector<1000x1xf32>
    %rsqrt3A = math.rsqrt %add3A_3 : vector<1000x1xf32>
    %swap3A = arith.constant 0 : index
    %swap3A_4 = arith.constant 0 : index
    %swap3A_5 = vector.load %arg4[%swap3A, %swap3A_4] : memref<1000x1xf32, #tpu.memory_space<vmem>>, vector<1000x1xf32>
    tpu.vector_store %arg4[%swap3A, %swap3A_4], %rsqrt3A {strides = array<i32>} : memref<1000x1xf32, #tpu.memory_space<vmem>>, vector<1000x1xf32>,
    %get3A_6 = arith.constant 0 : index
    %get3A_7 = arith.constant 0 : index
    %get3A_8 = vector.load %arg2[%get3A_6, %get3A_7] : memref<1000x128xf32, #tpu.memory_space<vmem>>, vector<1000x128xf32>
    %get3A_9 = arith.constant 0 : index
    %get3A_10 = arith.constant 0 : index
    %get3A_11 = vector.load %arg3[%get3A_9, %get3A_10] : memref<128x128xf32, #tpu.memory_space<vmem>>, vector<128x128xf32>
    %dot_general3A = arith.constant dense<0.000000e+00> : vector<1000x128xf32>
    %dot_general3A_12 = tpu.matmul %get3A_8, %get3A_11, %dot_general3A {dimension_numbers = #tpu.dot_dimension_numbers<[1], [0], [0], [1], [0, 0, 1, 1], [], []>, precision = #tpu.contract_precision<fp32>, transpose_lhs_hint = false} : vector<1000x128xf32>, vector<128x128xf32>, vector<1000x128xf32> -> vector<1000x128xf32>
    %mul3A = vector.broadcast %rsqrt3A : vector<1000x1xf32> to vector<1000x128xf32>
    %mul3A_13 = arith.mulf %mul3A, %dot_general3A_12 : vector<1000x128xf32>
    %swap3A_14 = arith.constant 0 : index
    %swap3A_15 = arith.constant 0 : index
    %swap3A_16 = vector.load %arg5[%swap3A_14, %swap3A_15] : memref<1000x128xf32, #tpu.memory_space<vmem>>, vector<1000x128xf32>
    tpu.vector_store %arg5[%swap3A_14, %swap3A_15], %mul3A_13 {strides = array<i32>} : memref<1000x128xf32, #tpu.memory_space<vmem>>, vector<1000x128xf32>,
    return
  }
  func.func @transform_0(%arg0: i32) -> (i32, i32) {
    %c0_i32 = arith.constant 0 : i32
    %c0_i32_0 = arith.constant 0 : i32
    return %arg0, %c0_i32 : i32, i32
  }
  func.func @transform_1(%arg0: i32) -> (i32, i32) {
    %c0_i32 = arith.constant 0 : i32
    %c0_i32_0 = arith.constant 0 : i32
    return %arg0, %c0_i32 : i32, i32
  }
  func.func @transform_2(%arg0: i32) -> (i32, i32) {
    %c0_i32 = arith.constant 0 : i32
    %c0_i32_0 = arith.constant 0 : i32
    %c0_i32_1 = arith.constant 0 : i32
    return %c0_i32, %c0_i32_0 : i32, i32
  }
  func.func @transform_3(%arg0: i32) -> (i32, i32) {
    %c0_i32 = arith.constant 0 : i32
    %c0_i32_0 = arith.constant 0 : i32
    return %arg0, %c0_i32 : i32, i32
  }
  func.func @transform_4(%arg0: i32) -> (i32, i32) {
    %c0_i32 = arith.constant 0 : i32
    %c0_i32_0 = arith.constant 0 : i32
    return %arg0, %c0_i32 : i32, i32
  }
}

module attributes {stable_mosaic.version = 14 : i64} {
  func.func @body(%arg0: i32, %arg1: memref<1000x128xf32, #tpu.memory_space<vmem>>, %arg2: memref<1000x128xf32, #tpu.memory_space<vmem>>, %arg3: memref<1000x1xf32, #tpu.memory_space<vmem>>, %arg4: memref<1x128xf32, #tpu.memory_space<vmem>>, %arg5: memref<128x128xf32, #tpu.memory_space<vmem>>, %arg6: memref<1000x128xf32, #tpu.memory_space<vmem>>) attributes {dimension_semantics = [#tpu.dimension_semantics<arbitrary>], iteration_bounds = array<i64: 10>, scalar_prefetch = 0 : i64, scratch_operands = 0 : i64, tpu.core_type = #tpu.core_type<tc>, window_params = [{transform_indices = @transform_0, window_bounds = array<i64: 1000, 128>}, {transform_indices = @transform_1, window_bounds = array<i64: 1000, 128>}, {transform_indices = @transform_2, window_bounds = array<i64: 1000, 1>}, {pipeline_mode = #tpu.pipeline_mode<synchronous>, transform_indices = @transform_3, window_bounds = array<i64: 1, 128>}, {pipeline_mode = #tpu.pipeline_mode<synchronous>, transform_indices = @transform_4, window_bounds = array<i64: 128, 128>}, {transform_indices = @transform_5, window_bounds = array<i64: 1000, 128>}]} {
    %get3A = arith.constant 0 : index
    %get3A_0 = arith.constant 0 : index
    %get3A_1 = vector.load %arg3[%get3A, %get3A_0] : memref<1000x1xf32, #tpu.memory_space<vmem>>, vector<1000x1xf32>
    %get3A_2 = arith.constant 0 : index
    %get3A_3 = arith.constant 0 : index
    %get3A_4 = vector.load %arg1[%get3A_2, %get3A_3] : memref<1000x128xf32, #tpu.memory_space<vmem>>, vector<1000x128xf32>
    %get3A_5 = arith.constant 0 : index
    %get3A_6 = arith.constant 0 : index
    %get3A_7 = vector.load %arg2[%get3A_5, %get3A_6] : memref<1000x128xf32, #tpu.memory_space<vmem>>, vector<1000x128xf32>
    %add3A = arith.addf %get3A_4, %get3A_7 : vector<1000x128xf32>
    %mul3A = vector.broadcast %get3A_1 : vector<1000x1xf32> to vector<1000x128xf32>
    %mul3A_8 = arith.mulf %add3A, %mul3A : vector<1000x128xf32>
    %get3A_9 = arith.constant 0 : index
    %get3A_10 = arith.constant 0 : index
    %get3A_11 = vector.load %arg4[%get3A_9, %get3A_10] : memref<1x128xf32, #tpu.memory_space<vmem>>, vector<1x128xf32>
    %add3A_12 = vector.broadcast %get3A_11 : vector<1x128xf32> to vector<1000x128xf32>
    %add3A_13 = arith.addf %mul3A_8, %add3A_12 : vector<1000x128xf32>
    %max3A = arith.constant 0.000000e+00 : f32
    %max3A_14 = vector.broadcast %max3A : f32 to vector<1000x128xf32>
    %max3A_15 = arith.maximumf %add3A_13, %max3A_14 : vector<1000x128xf32>
    %get3A_16 = arith.constant 0 : index
    %get3A_17 = arith.constant 0 : index
    %get3A_18 = vector.load %arg5[%get3A_16, %get3A_17] : memref<128x128xf32, #tpu.memory_space<vmem>>, vector<128x128xf32>
    %dot_general3A = arith.constant dense<0.000000e+00> : vector<1000x128xf32>
    %dot_general3A_19 = tpu.matmul %max3A_15, %get3A_18, %dot_general3A {dimension_numbers = #tpu.dot_dimension_numbers<[1], [0], [0], [1], [0, 0, 1, 1], [], []>, precision = #tpu.contract_precision<fp32>, transpose_lhs_hint = false} : vector<1000x128xf32>, vector<128x128xf32>, vector<1000x128xf32> -> vector<1000x128xf32>
    %mul3A_20 = vector.broadcast %get3A_1 : vector<1000x1xf32> to vector<1000x128xf32>
    %mul3A_21 = arith.mulf %mul3A_20, %dot_general3A_19 : vector<1000x128xf32>
    %swap3A = arith.constant 0 : index
    %swap3A_22 = arith.constant 0 : index
    %swap3A_23 = vector.load %arg6[%swap3A, %swap3A_22] : memref<1000x128xf32, #tpu.memory_space<vmem>>, vector<1000x128xf32>
    tpu.vector_store %arg6[%swap3A, %swap3A_22], %mul3A_21 {strides = array<i32>} : memref<1000x128xf32, #tpu.memory_space<vmem>>, vector<1000x128xf32>,
    return
  }
  func.func @transform_0(%arg0: i32) -> (i32, i32) {
    %c0_i32 = arith.constant 0 : i32
    %c0_i32_0 = arith.constant 0 : i32
    return %arg0, %c0_i32 : i32, i32
  }
  func.func @transform_1(%arg0: i32) -> (i32, i32) {
    %c0_i32 = arith.constant 0 : i32
    %c0_i32_0 = arith.constant 0 : i32
    return %arg0, %c0_i32 : i32, i32
  }
  func.func @transform_2(%arg0: i32) -> (i32, i32) {
    %c0_i32 = arith.constant 0 : i32
    %c0_i32_0 = arith.constant 0 : i32
    return %arg0, %c0_i32 : i32, i32
  }
  func.func @transform_3(%arg0: i32) -> (i32, i32) {
    %c0_i32 = arith.constant 0 : i32
    %c0_i32_0 = arith.constant 0 : i32
    %c0_i32_1 = arith.constant 0 : i32
    return %c0_i32, %c0_i32_0 : i32, i32
  }
  func.func @transform_4(%arg0: i32) -> (i32, i32) {
    %c0_i32 = arith.constant 0 : i32
    %c0_i32_0 = arith.constant 0 : i32
    %c0_i32_1 = arith.constant 0 : i32
    return %c0_i32, %c0_i32_0 : i32, i32
  }
  func.func @transform_5(%arg0: i32) -> (i32, i32) {
    %c0_i32 = arith.constant 0 : i32
    %c0_i32_0 = arith.constant 0 : i32
    return %arg0, %c0_i32 : i32, i32
  }
}

module attributes {stable_mosaic.version = 14 : i64} {
  func.func @body(%arg0: i32, %arg1: memref<1000x128xf32, #tpu.memory_space<vmem>>, %arg2: memref<1000x128xf32, #tpu.memory_space<vmem>>, %arg3: memref<1000x1xf32, #tpu.memory_space<vmem>>, %arg4: memref<1x128xf32, #tpu.memory_space<vmem>>, %arg5: memref<128x1xf32, #tpu.memory_space<vmem>>, %arg6: memref<1x1xf32, #tpu.memory_space<vmem>>, %arg7: memref<1000x1xf32, #tpu.memory_space<vmem>>) attributes {dimension_semantics = [#tpu.dimension_semantics<arbitrary>], iteration_bounds = array<i64: 10>, scalar_prefetch = 0 : i64, scratch_operands = 0 : i64, tpu.core_type = #tpu.core_type<tc>, window_params = [{transform_indices = @transform_0, window_bounds = array<i64: 1000, 128>}, {transform_indices = @transform_1, window_bounds = array<i64: 1000, 128>}, {transform_indices = @transform_2, window_bounds = array<i64: 1000, 1>}, {pipeline_mode = #tpu.pipeline_mode<synchronous>, transform_indices = @transform_3, window_bounds = array<i64: 1, 128>}, {pipeline_mode = #tpu.pipeline_mode<synchronous>, transform_indices = @transform_4, window_bounds = array<i64: 128, 1>}, {pipeline_mode = #tpu.pipeline_mode<synchronous>, transform_indices = @transform_5, window_bounds = array<i64: 1, 1>}, {transform_indices = @transform_6, window_bounds = array<i64: 1000, 1>}]} {
    %get3A = arith.constant 0 : index
    %get3A_0 = arith.constant 0 : index
    %get3A_1 = vector.load %arg3[%get3A, %get3A_0] : memref<1000x1xf32, #tpu.memory_space<vmem>>, vector<1000x1xf32>
    %get3A_2 = arith.constant 0 : index
    %get3A_3 = arith.constant 0 : index
    %get3A_4 = vector.load %arg1[%get3A_2, %get3A_3] : memref<1000x128xf32, #tpu.memory_space<vmem>>, vector<1000x128xf32>
    %get3A_5 = arith.constant 0 : index
    %get3A_6 = arith.constant 0 : index
    %get3A_7 = vector.load %arg2[%get3A_5, %get3A_6] : memref<1000x128xf32, #tpu.memory_space<vmem>>, vector<1000x128xf32>
    %add3A = arith.addf %get3A_4, %get3A_7 : vector<1000x128xf32>
    %mul3A = vector.broadcast %get3A_1 : vector<1000x1xf32> to vector<1000x128xf32>
    %mul3A_8 = arith.mulf %add3A, %mul3A : vector<1000x128xf32>
    %get3A_9 = arith.constant 0 : index
    %get3A_10 = arith.constant 0 : index
    %get3A_11 = vector.load %arg4[%get3A_9, %get3A_10] : memref<1x128xf32, #tpu.memory_space<vmem>>, vector<1x128xf32>
    %add3A_12 = vector.broadcast %get3A_11 : vector<1x128xf32> to vector<1000x128xf32>
    %add3A_13 = arith.addf %mul3A_8, %add3A_12 : vector<1000x128xf32>
    %max3A = arith.constant 0.000000e+00 : f32
    %max3A_14 = vector.broadcast %max3A : f32 to vector<1000x128xf32>
    %max3A_15 = arith.maximumf %add3A_13, %max3A_14 : vector<1000x128xf32>
    %get3A_16 = arith.constant 0 : index
    %get3A_17 = arith.constant 0 : index
    %get3A_18 = vector.load %arg5[%get3A_16, %get3A_17] : memref<128x1xf32, #tpu.memory_space<vmem>>, vector<128x1xf32>
    %dot_general3A = arith.constant dense<0.000000e+00> : vector<1000x1xf32>
    %dot_general3A_19 = tpu.matmul %max3A_15, %get3A_18, %dot_general3A {dimension_numbers = #tpu.dot_dimension_numbers<[1], [0], [0], [1], [0, 0, 1, 1], [], []>, precision = #tpu.contract_precision<fp32>, transpose_lhs_hint = false} : vector<1000x128xf32>, vector<128x1xf32>, vector<1000x1xf32> -> vector<1000x1xf32>
    %get3A_20 = arith.constant 0 : index
    %get3A_21 = arith.constant 0 : index
    %get3A_22 = vector.load %arg6[%get3A_20, %get3A_21] : memref<1x1xf32, #tpu.memory_space<vmem>>, vector<1x1xf32>
    %add3A_23 = vector.broadcast %get3A_22 : vector<1x1xf32> to vector<1000x1xf32>
    %add3A_24 = arith.addf %dot_general3A_19, %add3A_23 : vector<1000x1xf32>
    %swap3A = arith.constant 0 : index
    %swap3A_25 = arith.constant 0 : index
    %swap3A_26 = vector.load %arg7[%swap3A, %swap3A_25] : memref<1000x1xf32, #tpu.memory_space<vmem>>, vector<1000x1xf32>
    tpu.vector_store %arg7[%swap3A, %swap3A_25], %add3A_24 {strides = array<i32>} : memref<1000x1xf32, #tpu.memory_space<vmem>>, vector<1000x1xf32>,
    return
  }
  func.func @transform_0(%arg0: i32) -> (i32, i32) {
    %c0_i32 = arith.constant 0 : i32
    %c0_i32_0 = arith.constant 0 : i32
    return %arg0, %c0_i32 : i32, i32
  }
  func.func @transform_1(%arg0: i32) -> (i32, i32) {
    %c0_i32 = arith.constant 0 : i32
    %c0_i32_0 = arith.constant 0 : i32
    return %arg0, %c0_i32 : i32, i32
  }
  func.func @transform_2(%arg0: i32) -> (i32, i32) {
    %c0_i32 = arith.constant 0 : i32
    %c0_i32_0 = arith.constant 0 : i32
    return %arg0, %c0_i32 : i32, i32
  }
  func.func @transform_3(%arg0: i32) -> (i32, i32) {
    %c0_i32 = arith.constant 0 : i32
    %c0_i32_0 = arith.constant 0 : i32
    %c0_i32_1 = arith.constant 0 : i32
    return %c0_i32, %c0_i32_0 : i32, i32
  }
  func.func @transform_4(%arg0: i32) -> (i32, i32) {
    %c0_i32 = arith.constant 0 : i32
    %c0_i32_0 = arith.constant 0 : i32
    %c0_i32_1 = arith.constant 0 : i32
    return %c0_i32, %c0_i32_0 : i32, i32
  }
  func.func @transform_5(%arg0: i32) -> (i32, i32) {
    %c0_i32 = arith.constant 0 : i32
    %c0_i32_0 = arith.constant 0 : i32
    %c0_i32_1 = arith.constant 0 : i32
    return %c0_i32, %c0_i32_0 : i32, i32
  }
  func.func @transform_6(%arg0: i32) -> (i32, i32) {
    %c0_i32 = arith.constant 0 : i32
    %c0_i32_0 = arith.constant 0 : i32
    return %arg0, %c0_i32 : i32, i32
  }
}

</mosaic_0001>

<sc_bundles>
// kernel: kernel.10.cloned.1.call-start
scs
__scs_entry_jumppad:
0x0: {  	(pc) =	sbr.rel $0x88, $3  }
0x1: {  	(tag) =	ssettag $0x0;
	lr =	simm.s32 $0x1  }
0x2: {  	[smem:$0x3F97] =	sst lr;
	_ =	strace $0xD0000000  }
0x3: {  	_ = 	snop  }
0x4: {  	_ = 	snop  }
0x5: {  	_ = 	snop  }
0x6: {  	_ = 	snop  }
0x7: {  	_ = 	snop  }
__scs_overlays_trampoline_lowered:
0x8: {  	[smem:$0x3FA6] =	sst s0  }
0x9: {  	[smem:$0x3FA7] =	sst s1  }
0xa: {  	[smem:$0x3FA8] =	sst s2  }
0xb: {  	[smem:$0x3FA9] =	sst s3  }
0xc: {  	[smem:$0x3FAA] =	sst s4  }
0xd: {  	[smem:$0x3FAB] =	sst s5  }
0xe: {  	[smem:$0x3FAC] =	sst s6  }
0xf: {  	[smem:$0x3FAD] =	sst s7  }
0x10: {  	[smem:$0x3FAE] =	sst s8  }
0x11: {  	[smem:$0x3FAF] =	sst s9;
	s0 =	simm.s32 @!p0 $0x0  }
0x12: {  	s1 =	sld [smem:$0x3F95];
	s0 =	simm.s32 @p0 $0x1  }
0x13: {  	[smem:$0x3FB0] =	sst s0;
	s0 =	simm.s32 @!p1 $0x0  }
0x14: {  	s2 =	sld [smem:$0x3F94];
	s0 =	simm.s32 @p1 $0x1  }
0x15: {  	[smem:$0x3FB1] =	sst s0;
	s0 =	simm.s32 @!p2 $0x0  }
0x16: {  	s3 =	sld [smem:$0x3FDB];
	s0 =	simm.s32 @p2 $0x1  }
0x17: {  	s4 =	simm.s32 $0x1BF5;
	[smem:$0x3FB3] =	sst s0  }
0x18: {  	s0 =	sld [smem:$0x3F96];
	_ =	swait.ge [sflag:s4], $0x0  }
0x19: {  	s7 =	sld [smem:$0x3F97]  }
0x1a: {  	s8 =	sadd.s32 $0xFFFFE003, lr  }
0x1b: {  	s9 =	sadd.s32 $0xFFFFFEF7, lr;
	s5 =	simm.s32 $0xFFFFFFFF;
	p2 =	slt.u32 s8, $0xFFFFF086  }
0x1c: {  	p1 =	slt.u32 s9, $0xF7A;
	s5 =	simm.s32 @!p2 $0x0  }
0x1d: {  	s5 =	simm.s32 @p1 $0x1;
	p0 =	seq.s32 s7, s2  }
0x1e: {  	s7 =	smul.u32 @!p0 $0xF7A, s2;
	p2 =	seq.s32 @!p0 s5, $0x0  }
0x1f: {  	s9 =	smul.u32 $0xF7A, s1;
	s8 =	simm.s32 @!p0 $0x1BF5;
	p2 =	por !p2, p0  }
0x20: {  	[sflag:s8] =	ssyncset.s32 @!p0 $0xFFFFF086;
	s6 =	sadd.s32 @!p0 s3, s7;
	s7 =	simm.s32 @!p0 $0x108  }
0x21: {  	s3 =	sadd.s32 s3, s9;
	s6 =	sadd.s32 @!p0 $0x88, s6;
	s7 =	simm.s32 @p2 $0x1082  }
0x22: {  	[simem:s7], [sflag:s8] =	dma.local @!p0 [hbm:s6], $0xF7A  }
0x23: {  	s9 =	sor.u32 $0xD0000000, s2;
	s6 =	simm.s32 $0x108;
	_ =	swait.ge @!p0 [sflag:s8], $0x0  }
0x24: {  	s3 =	sadd.s32 $0x88, s3;
	s6 =	simm.s32 @!p1 $0x1082;
	[sflag:s4] =	ssyncset.s32 $0xFFFFF086  }
0x25: {  	[simem:s6], [sflag:s4] =	dma.local [hbm:s3], $0xF7A  }
0x26: {  	[smem:$0x3F97] =	sst s1;
	(tag) =	ssettag s2;
	_ =	strace s9  }
0x27: {  	s1 =	sld [smem:$0x3FA7]  }
0x28: {  	s2 =	sld [smem:$0x3FA8]  }
0x29: {  	s4 =	sld [smem:$0x3FAA]  }
0x2a: {  	p0 =	seq.s32 s5, $0x0;
	s5 =	sld [smem:$0x3FAB]  }
0x2b: {  	s6 =	sld [smem:$0x3FAC]  }
0x2c: {  	s7 =	sld [smem:$0x3FAD]  }
0x2d: {  	s3 =	simm.s32 $0x108;
	s8 =	sld [smem:$0x3FAE]  }
0x2e: {  	s3 =	simm.s32 @!p0 $0x1082;
	s9 =	sld [smem:$0x3FAF]  }
0x2f: {  	lr =	sadd.s32 s0, s3;
	s0 =	sld [smem:$0x3FA6]  }
0x30: {  	s3 =	sld [smem:$0x3FA9]  }
0x31: {  	[smem:$0x3FB2] =	sst s10  }
0x32: {  	s10 =	sld [smem:$0x3FB0];
	_ =	sdelay $0x3  }
0x33: {  	p0 =	seq.s32 s10, $0x1;
	s10 =	sld [smem:$0x3FB2];
	_ =	sdelay $0x3  }
0x34: {  	[smem:$0x3FB2] =	sst s10  }
0x35: {  	s10 =	sld [smem:$0x3FB1];
	_ =	sdelay $0x3  }
0x36: {  	p1 =	seq.s32 s10, $0x1;
	s10 =	sld [smem:$0x3FB2];
	_ =	sdelay $0x3  }
0x37: {  	[smem:$0x3FB2] =	sst s10  }
0x38: {  	s10 =	sld [smem:$0x3FB3]  }
0x39: {  	_ = 	snop;
	(pc) =	sbr.ind lr, $3  }
0x3a: {  	_ = 	snop  }
0x3b: {  	_ = 	snop  }
0x3c: {  	p2 =	seq.s32 s10, $0x1;
	s10 =	sld [smem:$0x3FB2]  }
0x3d: {  	_ =	shalt  }
0x3e: {  	_ =	shalt  }
0x3f: {  	_ =	shalt  }
0x40: {  	_ =	shalt  }
0x41: {  	_ =	shalt  }
0x42: {  	_ =	shalt  }
0x43: {  	_ =	shalt  }
0x44: {  	_ =	shalt  }
0x45: {  	_ =	shalt  }
0x46: {  	_ =	shalt  }
0x47: {  	_ =	shalt  }
0x48: {  	_ =	shalt  }
0x49: {  	_ =	shalt  }
0x4a: {  	_ =	shalt  }
0x4b: {  	_ =	shalt  }
0x4c: {  	_ =	shalt  }
0x4d: {  	_ =	shalt  }
0x4e: {  	_ =	shalt  }
0x4f: {  	_ =	shalt  }
0x50: {  	_ =	shalt  }
0x51: {  	_ =	shalt  }
0x52: {  	_ =	shalt  }
0x53: {  	_ =	shalt  }
0x54: {  	_ =	shalt  }
0x55: {  	_ =	shalt  }
0x56: {  	_ =	shalt  }
0x57: {  	_ =	shalt  }
0x58: {  	_ =	shalt  }
0x59: {  	_ =	shalt  }
0x5a: {  	_ =	shalt  }
0x5b: {  	_ =	shalt  }
0x5c: {  	_ =	shalt  }
0x5d: {  	_ =	shalt  }
0x5e: {  	_ =	shalt  }
0x5f: {  	_ =	shalt  }
0x60: {  	_ =	shalt  }
0x61: {  	_ =	shalt  }
0x62: {  	_ =	shalt  }
0x63: {  	_ =	shalt  }
0x64: {  	_ =	shalt  }
0x65: {  	_ =	shalt  }
0x66: {  	_ =	shalt  }
0x67: {  	_ =	shalt  }
0x68: {  	_ =	shalt  }
0x69: {  	_ =	shalt  }
0x6a: {  	_ =	shalt  }
0x6b: {  	_ =	shalt  }
0x6c: {  	_ =	shalt  }
0x6d: {  	_ =	shalt  }
0x6e: {  	_ =	shalt  }
0x6f: {  	_ =	shalt  }
0x70: {  	_ =	shalt  }
0x71: {  	_ =	shalt  }
0x72: {  	_ =	shalt  }
0x73: {  	_ =	shalt  }
0x74: {  	_ =	shalt  }
0x75: {  	_ =	shalt  }
0x76: {  	_ =	shalt  }
0x77: {  	_ =	shalt  }
0x78: {  	_ =	shalt  }
0x79: {  	_ =	shalt  }
0x7a: {  	_ =	shalt  }
0x7b: {  	_ =	shalt  }
0x7c: {  	_ =	shalt  }
0x7d: {  	_ =	shalt  }
0x7e: {  	_ =	shalt  }
0x7f: {  	_ =	shalt  }
0x80: {  	_ =	shalt  }
0x81: {  	_ =	shalt  }
0x82: {  	_ =	shalt  }
0x83: {  	_ =	shalt  }
0x84: {  	_ =	shalt  }
0x85: {  	_ =	shalt  }
0x86: {  	_ =	shalt  }
0x87: {  	_ =	shalt  }
.Lfunc_end0:
.L_simem_size_0:
called_computation_lowered:
.L_overlay_start_0:
0x88: {  	s2 =	sld [smem:$0x3FD9]  }
0x89: {  	s3 =	sld [smem:$0x3FFE];
	_ =	sdelay $0x1  }
0x8a: {  	s1 =	srdreg.scid  }
0x8b: {  	s0 =	sand.u32 $0x1, s1  }
0x8c: {  	s16 =	sshll.u32 s0, $0xA;
	s2 =	sadd.s32 s3, s2  }
0x8d: {  	s2 =	sadd.s32 s2, s16  }
0x8e: {  	[smem:$0x3FBE] =	sst s2  }
0x8f: {  	_ = 	snop  }
0x90: {  	(tm) =	ssettm $0x1  }
0x91: {  	s17 =	sld [smem:$0x3FFB];
	_ =	sdelay $0x3  }
0x92: {  	_ =	strace s17  }
0x93: {  	s2 =	sld [smem:$0x3FFC];
	_ =	sdelay $0x3  }
0x94: {  	_ =	strace s2  }
0x95: {  	s2 =	sld [smem:$0x3FFD];
	_ =	sdelay $0x3  }
0x96: {  	_ =	strace s2  }
0x97: {  	_ =	strace $0x8FFFFFFF  }
0x98: {  	s18 =	sld [smem:$0x3FDB];
	_ =	sdelay $0x1  }
0x99: {  	s19 =	simm.s32 $_scs_section_size  }
0x9a: {  	s4 =	simm.s32 $_size__tile_overlayer_lowered;
	s5 =	simm.s32 $_tile_overlayer_lowered  }
0x9b: {  	s22 =	simm.s32 $0x1BFF;
	s21 =	sshll.u32 s5, $0x1;
	s2 =	sadd.s32 s19, s18  }
0x9c: {  	s6 =	simm.s32 $0x0;
	s20 =	sshll.u32 s4, $0x1;
	s4 =	sadd.s32 s21, s2  }
0x9d: {  	[timem:s6], [sflag:s22] =	dma.local [hbm:s4], s20  }
0x9e: {  	_ =	swait.ge [sflag:s22], s20  }
0x9f: {  	s3 =	ssub.s32 $0x0, s20;
	[sflag:s22] =	ssyncset.done $0x0  }
0xa0: {  	[sflag:s22] =	ssyncadd.s32 s3;
	_ =	sdelay $0x1  }
0xa1: {  	s23 =	simm.s32 $0x1B8B  }
0xa2: {  	_ =	swait.ge [sflag:s23], $0x1  }
0xa3: {  	[sflag:s23] =	ssyncset.done $0x0  }
0xa4: {  	s25 =	simm.s32 $0x1B8E;
	s24 =	sld [smem:$0x3FFE];
	[sflag:s23] =	ssyncadd.s32 $0xFFFFFFFF  }
0xa5: {  	s26 =	simm.s32 $execute0_lowered;
	[smem:$0x3FD2] =	sst s25  }
0xa6: {  	s4 =	sshll.u32 s26, $0x1;
	_ =	strace $0x80000046;
	[dreg:$0x1] =	wrdreg $0xFFFFFFFF  }
0xa7: {  	s28 =	simm.s32 $_size_execute0_lowered;
	s2 =	sadd.s32 s2, s4;
	[dreg:$0x0] =	wrdreg $0x0  }
0xa8: {  	s4 =	sshll.u32 s28, $0x1;
	[dreg:$0x2] =	wrdreg s2  }
0xa9: {  	[dreg:$0x3] =	wrdreg s4  }
0xaa: {  	[dreg:$0x4] =	wrdreg $0xC0  }
0xab: {  	_ =	task [dreg:s6], $0x5FFFF  }
0xac: {  	[dreg:$0x1] =	wrdreg $0xFFFFFFFF  }
0xad: {  	[dreg:$0x0] =	wrdreg $0x60  }
0xae: {  	[dreg:$0x2] =	wrdreg s24  }
0xaf: {  	[dreg:$0x3] =	wrdreg $0x98000  }
0xb0: {  	[dreg:$0x4] =	wrdreg $0x9  }
0xb1: {  	_ =	task.clear_ibuf [dreg:s6], $0x5FFFF;
	_ =	strace $0x90000046  }
0xb2: {  	s29 =	simm.s32 $0x9;
	_ =	strace $0x80000048  }
0xb3: {  	_ =	swait.ge [sflag:s29], $0x1  }
0xb4: {  	[sflag:s29] =	ssyncadd.s32 $0xFFFFFFFF  }
0xb5: {  	_ =	strace $0x90000048  }
0xb6: {  	_ =	sfence  }
0xb7: {  	s30 =	sld [smem:$0x0];
	_ =	sdelay $0x2  }
0xb8: {  	s31 =	sshll.u32 s1, $0xD;
	s1 =	sshrl.u32 s1, $0x2  }
0xb9: {  	s3 =	sand.u32 $0x4000, s31;
	s1 =	sadd.s32 s1, s30  }
0xba: {  	s0 =	sor.u32 s3, s0;
	s1 =	sshll.u32 s1, $0x11  }
0xbb: {  	s0 =	sor.u32 s1, s0  }
0xbc: {  	s0 =	sadd.s32 $0x8F2B, s0  }
0xbd: {  	[sflag:s0] =	ssyncadd.remote.s32 $0x1  }
0xbe: {  	_ =	sfence.sel $0xFFFF  }
0xbf: {  	[dreg:$0x0] =	wrdreg $0xFFFFFFFF;
	(pc) =	sbr.abs _section_cstart, $3  }
0xc0: {  	[dreg:$0x1] =	wrdreg $0xFFFFFFFF  }
0xc1: {  	_ =	task.clear_ibuf [dreg:s6], $0x2FFFF;
	_ =	strace $0x9FFFFFFF  }
0xc2: {  	(tm) =	ssettm $0x7FFFFFFF  }
0xc3: {  	_ =	shalt  }
tec
execute0_lowered:
.L_overlay_start_1:
0x0: {  	(tag) =	ssettag $0x1  }
0x1: {  	s7 =	rddreg [dreg:$0x0]  }
0x2: {  	s0 =	srdreg.scid;
	s2 =	rddreg [dreg:$0x1]  }
0x3: {  	s3 =	simm.s32 $0x0;
	s6 =	sand.u32 $0x1, s0;
	s0 =	stileid.u32  }
0x4: {  	s14 =	simm.s32 $0x1;
	s18 =	simm.s32 $0x64;
	s8 =	smul.u32 $0x98, s0  }
0x5: {  	s21 =	simm.s32 $0x0;
	[smem:$0x7FF] =	sst s3;
	s10 =	smul.u32 $0x1388, s6  }
0x6: {  	s5 =	sadd.s32 $0x35A00, s7;
	s17 =	sadd.s32 $0x4C000, s2;
	s12 =	smul.u32 $0x13000, s0  }
0x7: {  	s1 =	sshll.u32 s6, $0x5;
	s11 =	ssub.s32 $0x2, s6;
	s6 =	smul.u32 $0x9C400, s6  }
0x8: {  	p0 =	sne.s32 s0, $0xF;
	s15 =	sshll.u32 s0, $0x6;
	s4 =	sor.u32 s0, s1  }
0x9: {  	s1 =	rddreg [dreg:$0x2];
	_ =	strace $0x80000047;
	s13 =	sshrl.u32 s11, $0x1  }
0xa: {  	s15 =	sor.u32 $0x1C01, s15;
	s17 =	sshrl.u32 @!p0 s17, $0x3;
	s4 =	smul.u32 $0xC80, s4  }
0xb: {  	s13 =	ssub.s32 s11, s13;
	s30 =	sshrl.u32 s12, $0x2;
	s8 =	sadd.s32 s8, s10  }
0xc: {  	s6 =	sshrl.u32 s6, $0x3;
	s20 =	sadd.s32 s30, s2;
	s8 =	sshll.u32 s8, $0x4  }
0xd: {  	s12 =	smax.u32 s13, $0x1;
	s13 =	simm.s32 $0x6400;
	s9 =	sadd.s32 s4, s7  }
0xe: {  	s4 =	sadd.s32 $0x36400, s7;
	s7 =	sadd.s32 $0x36C00, s7;
	s16 =	sshrl.u32 s20, $0x3  }
0xf: {  	s19 =	sshrl.u32 @p0 s20, $0x3;
	s20 =	sshrl.u32 @!p0 s20, $0x3;
	s31 =	sadd.s32 s7, s6  }
0x10: {  	s6 =	sadd.s32 $0x3A00, s9;
	s7 =	sadd.s32 s7, s8;
	s9 =	sadd.s32 $0x10200, s9  }
0x11: {  	s8 =	sadd.s32 $0x9800, s31;
	s10 =	sadd.s32 $0x9C80, s7;
	s11 =	sadd.s32 $0x13480, s31  }
.LBB2_1:
0x12: {  	[tilespmem:s13], [sflag:$0x1] =	stream.linear.gather [hbm4b:s4+s3], $0x3200, $0x38;
	[tilespmem:$0xA1D0] =	vst v63  }
0x13: {  	_ =	swait.ge [sflag:s14], $0x3200  }
0x14: {  	[sflag:s14] =	ssyncset.done $0x0  }
0x15: {  	[sflag:s14] =	ssyncadd.s32 $0xFFFFCE00  }
0x16: {  	[spmem:s16], [sflag:s15] =	dma.local [hbm:s5], $0x980  }
0x17: {  	_ =	swait.ge [sflag:s14], $0x980  }
0x18: {  	[sflag:s14] =	ssyncset.done $0x0  }
0x19: {  	s22 =	simm.s32 @!p0 $0x1;
	[sflag:s14] =	ssyncadd.s32 $0xFFFFF680  }
0x1a: {  	[spmem:s17], [sflag:s15] =	dma.local @!p0 [hbm:s5], $0x480  }
0x1b: {  	_ =	swait.ge @!p0 [sflag:s22], $0x480  }
0x1c: {  	[sflag:s22] =	ssyncset.done @!p0 $0x0  }
0x1d: {  	[sflag:s22] =	ssyncadd.s32 @!p0 $0xFFFFFB80  }
0x1e: {  	[tilespmem:s3], [sflag:$0x1] =	stream.linear.gather [hbm4b:s6+s3], $0x6400, $0x38;
	[tilespmem:$0xA1D0] =	vst v63  }
0x1f: {  	_ =	swait.ge [sflag:s14], $0x6400  }
0x20: {  	[sflag:s14] =	ssyncset.done $0x0  }
0x21: {  	[sflag:s14] =	ssyncadd.s32 $0xFFFF9C00  }
0x22: {  	s31 =	simm.s32 $0x0;
	[bflag:$0x0] =	sbarrier.arrive $0xFFFF  }
0x23: {  	[spmem:s2] =	stream.indirect.scatter.add.f32 [tilespmem:s13], [sflag:$0x1], $0x10, s31, s18, $0xb8;
	[tilespmem:$0xA1D0] =	vst v63  }
0x24: {  	_ =	swait.ge [sflag:s14], $0x640  }
0x25: {  	s22 =	simm.s32 $0x200;
	[sflag:s14] =	ssyncset.done $0x0  }
.LBB2_2:
0x26: {  	s23 =	sshra.s32 s22, $0x2;
	[sflag:s14] =	ssyncadd.s32 $0xFFFFF9C0;
	p1 =	sne.s32 s22, $0x18E00  }
0x27: {  	[spmem:s2] =	stream.indirect.scatter.add.f32 [tilespmem:s13], [sflag:$0x1], $0x10, s23, s18, $0xb8;
	[tilespmem:$0xA1D0] =	vst v63  }
.Ltmp0:
0x28: {  	_ = 	snop;
	(pc) =	sbr.rel @p1 .LBB2_2-.Ltmp0, $4  }
0x29: {  	_ = 	snop  }
0x2a: {  	s22 =	sadd.s32 $0x200, s22  }
0x2b: {  	_ =	swait.ge [sflag:s14], $0x640  }
0x2c: {  	[sflag:s14] =	ssyncset.done $0x0  }
0x2d: {  	[sflag:s14] =	ssyncadd.s32 $0xFFFFF9C0  }
0x2e: {  	[bflag:$0x0] =	sbarrier.arrive $0xFFFF  }
0x2f: {  	[hbm:s7], [sflag:s15] =	dma.local [spmem:s16], $0x980  }
0x30: {  	_ =	swait.ge [sflag:s14], $0x980  }
0x31: {  	[sflag:s14] =	ssyncset.done $0x0  }
0x32: {  	[sflag:s14] =	ssyncadd.s32 $0xFFFFF680  }
0x33: {  	s22 =	simm.s32 @p0 $0x1;
	[bflag:$0x0] =	sbarrier.arrive @p0 $0xFFFF  }
0x34: {  	[spmem:s19], [sflag:s15] =	dma.local @p0 [hbm:s5], $0x980  }
0x35: {  	_ =	swait.ge @p0 [sflag:s22], $0x980  }
0x36: {  	[sflag:s22] =	ssyncset.done @p0 $0x0  }
0x37: {  	[sflag:s22] =	ssyncadd.s32 @p0 $0xFFFFF680;
	s22 =	simm.s32 @!p0 $0x1  }
0x38: {  	[hbm:s8], [sflag:s15] =	dma.local @!p0 [spmem:s17], $0x480  }
0x39: {  	_ =	swait.ge @!p0 [sflag:s22], $0x480  }
0x3a: {  	[sflag:s22] =	ssyncset.done @!p0 $0x0  }
0x3b: {  	[sflag:s22] =	ssyncadd.s32 @!p0 $0xFFFFFB80  }
0x3c: {  	[bflag:$0x0] =	sbarrier.arrive @!p0 $0xFFFF  }
0x3d: {  	[spmem:s20], [sflag:s15] =	dma.local @!p0 [hbm:s5], $0x980  }
0x3e: {  	_ =	swait.ge @!p0 [sflag:s22], $0x980  }
0x3f: {  	[sflag:s22] =	ssyncset.done @!p0 $0x0  }
0x40: {  	[sflag:s22] =	ssyncadd.s32 @!p0 $0xFFFFF680  }
0x41: {  	[spmem:s17], [sflag:s15] =	dma.local @!p0 [hbm:s5], $0x400  }
0x42: {  	_ =	swait.ge @!p0 [sflag:s22], $0x400  }
0x43: {  	[sflag:s22] =	ssyncset.done @!p0 $0x0  }
0x44: {  	s30 =	simm.s32 $0x0;
	[sflag:s22] =	ssyncadd.s32 @!p0 $0xFFFFFC00  }
0x45: {  	[tilespmem:s30], [sflag:$0x1] =	stream.linear.gather [hbm4b:s9+s30], $0x6400, $0x38;
	[tilespmem:$0xA1D0] =	vst v63  }
0x46: {  	_ =	swait.ge [sflag:s14], $0x6400  }
0x47: {  	[sflag:s14] =	ssyncset.done $0x0  }
0x48: {  	[sflag:s14] =	ssyncadd.s32 $0xFFFF9C00  }
0x49: {  	s31 =	simm.s32 $0x0;
	[bflag:$0x0] =	sbarrier.arrive $0xFFFF  }
0x4a: {  	[spmem:s2] =	stream.indirect.scatter.add.f32 [tilespmem:s13], [sflag:$0x1], $0x10, s31, s18, $0xb8;
	[tilespmem:$0xA1D0] =	vst v63  }
0x4b: {  	_ =	swait.ge [sflag:s14], $0x640  }
0x4c: {  	s22 =	simm.s32 $0x200;
	[sflag:s14] =	ssyncset.done $0x0  }
.LBB2_4:
0x4d: {  	s23 =	sshra.s32 s22, $0x2;
	[sflag:s14] =	ssyncadd.s32 $0xFFFFF9C0;
	p1 =	sne.s32 s22, $0x18E00  }
0x4e: {  	[spmem:s2] =	stream.indirect.scatter.add.f32 [tilespmem:s13], [sflag:$0x1], $0x10, s23, s18, $0xb8;
	[tilespmem:$0xA1D0] =	vst v63  }
.Ltmp1:
0x4f: {  	_ = 	snop;
	(pc) =	sbr.rel @p1 .LBB2_4-.Ltmp1, $4  }
0x50: {  	_ = 	snop  }
0x51: {  	s22 =	sadd.s32 $0x200, s22  }
0x52: {  	_ =	swait.ge [sflag:s14], $0x640  }
0x53: {  	[sflag:s14] =	ssyncset.done $0x0  }
0x54: {  	[sflag:s14] =	ssyncadd.s32 $0xFFFFF9C0  }
0x55: {  	[bflag:$0x0] =	sbarrier.arrive $0xFFFF  }
0x56: {  	[hbm:s10], [sflag:s15] =	dma.local [spmem:s16], $0x980  }
0x57: {  	_ =	swait.ge [sflag:s14], $0x980  }
0x58: {  	s21 =	sadd.s32 $0x1, s21;
	[sflag:s14] =	ssyncset.done $0x0  }
0x59: {  	s22 =	simm.s32 @!p0 $0x1;
	p1 =	sne.s32 s21, s12;
	[sflag:s14] =	ssyncadd.s32 $0xFFFFF680  }
0x5a: {  	[hbm:s11], [sflag:s15] =	dma.local @!p0 [spmem:s17], $0x400  }
.Ltmp2:
0x5b: {  	_ =	swait.ge @!p0 [sflag:s22], $0x400;
	(pc) =	sbr.rel @p1 .LBB2_1-.Ltmp2, $3  }
0x5c: {  	[sflag:s22] =	ssyncset.done @!p0 $0x0  }
0x5d: {  	[sflag:s22] =	ssyncadd.s32 @!p0 $0xFFFFFC00  }
0x5e: {  	[bflag:$0x0] =	sbarrier.arrive $0xFFFF;
	_ =	sdelay $0x1  }
0x5f: {  	_ =	sfence.sel $0x180000  }
0x60: {  	[bflag:$0x0] =	sbarrier.arrive $0xFFFF  }
0x61: {  	p0 =	sne.s32 s0, $0x0;
	_ =	strace $0x90000047  }
0x62: {  	s0 =	sadd.s32 @!p0 $0x100000, s1;
	[bflag:$0x2] =	sbarrier.arrive $0xFFFF  }
0x63: {  	[sflag:s0] =	ssyncadd.tile.s32 @!p0 $0x1;
	_ =	shalt  }
.Lfunc_end2:
_tile_overlayer_lowered:
.L_overlay_start_2:
0x64: {  	(tag) =	ssettag $0x2  }
0x65: {  	s0 =	rddreg [dreg:$0x0];
	s2 =	stileid.u32  }
0x66: {  	s1 =	rddreg [dreg:$0x1];
	p0 =	sne.s32 s2, $0x0  }
0x67: {  	s3 =	rddreg [dreg:$0x2];
	[bflag:$0x3] =	sbarrier.arrive $0xFFFF;
	s2 =	simm.s32 @!p0 $0x1C01  }
0x68: {  	[timem:s3], [sflag:s2] =	dma.local @!p0 [hbm:s0], s1  }
0x69: {  	s0 =	simm.s32 @!p0 $0x1  }
0x6a: {  	_ =	swait.ge @!p0 [sflag:s0], s1  }
0x6b: {  	s1 =	ssub.s32 @!p0 $0x0, s1;
	[sflag:s0] =	ssyncset.done @!p0 $0x0  }
0x6c: {  	[sflag:s0] =	ssyncadd.s32 @!p0 s1  }
0x6d: {  	[bflag:$0x3] =	sbarrier.arrive $0xFFFF  }
0x6e: {  	_ =	shalt  }

// kernel: kernel.13.cloned.1.call-start
scs
__scs_entry_jumppad:
0x0: {  	(pc) =	sbr.rel $0x88, $3  }
0x1: {  	(tag) =	ssettag $0x0;
	lr =	simm.s32 $0x1  }
0x2: {  	[smem:$0x3F97] =	sst lr;
	_ =	strace $0xD0000000  }
0x3: {  	_ = 	snop  }
0x4: {  	_ = 	snop  }
0x5: {  	_ = 	snop  }
0x6: {  	_ = 	snop  }
0x7: {  	_ = 	snop  }
__scs_overlays_trampoline_lowered:
0x8: {  	[smem:$0x3FA6] =	sst s0  }
0x9: {  	[smem:$0x3FA7] =	sst s1  }
0xa: {  	[smem:$0x3FA8] =	sst s2  }
0xb: {  	[smem:$0x3FA9] =	sst s3  }
0xc: {  	[smem:$0x3FAA] =	sst s4  }
0xd: {  	[smem:$0x3FAB] =	sst s5  }
0xe: {  	[smem:$0x3FAC] =	sst s6  }
0xf: {  	[smem:$0x3FAD] =	sst s7  }
0x10: {  	[smem:$0x3FAE] =	sst s8  }
0x11: {  	[smem:$0x3FAF] =	sst s9;
	s0 =	simm.s32 @!p0 $0x0  }
0x12: {  	s1 =	sld [smem:$0x3F95];
	s0 =	simm.s32 @p0 $0x1  }
0x13: {  	[smem:$0x3FB0] =	sst s0;
	s0 =	simm.s32 @!p1 $0x0  }
0x14: {  	s2 =	sld [smem:$0x3F94];
	s0 =	simm.s32 @p1 $0x1  }
0x15: {  	[smem:$0x3FB1] =	sst s0;
	s0 =	simm.s32 @!p2 $0x0  }
0x16: {  	s3 =	sld [smem:$0x3FDB];
	s0 =	simm.s32 @p2 $0x1  }
0x17: {  	s4 =	simm.s32 $0x1BF5;
	[smem:$0x3FB3] =	sst s0  }
0x18: {  	s0 =	sld [smem:$0x3F96];
	_ =	swait.ge [sflag:s4], $0x0  }
0x19: {  	s7 =	sld [smem:$0x3F97]  }
0x1a: {  	s8 =	sadd.s32 $0xFFFFE003, lr  }
0x1b: {  	s9 =	sadd.s32 $0xFFFFFEF7, lr;
	s5 =	simm.s32 $0xFFFFFFFF;
	p2 =	slt.u32 s8, $0xFFFFF086  }
0x1c: {  	p1 =	slt.u32 s9, $0xF7A;
	s5 =	simm.s32 @!p2 $0x0  }
0x1d: {  	s5 =	simm.s32 @p1 $0x1;
	p0 =	seq.s32 s7, s2  }
0x1e: {  	s7 =	smul.u32 @!p0 $0xF7A, s2;
	p2 =	seq.s32 @!p0 s5, $0x0  }
0x1f: {  	s9 =	smul.u32 $0xF7A, s1;
	s8 =	simm.s32 @!p0 $0x1BF5;
	p2 =	por !p2, p0  }
0x20: {  	[sflag:s8] =	ssyncset.s32 @!p0 $0xFFFFF086;
	s6 =	sadd.s32 @!p0 s3, s7;
	s7 =	simm.s32 @!p0 $0x108  }
0x21: {  	s3 =	sadd.s32 s3, s9;
	s6 =	sadd.s32 @!p0 $0x88, s6;
	s7 =	simm.s32 @p2 $0x1082  }
0x22: {  	[simem:s7], [sflag:s8] =	dma.local @!p0 [hbm:s6], $0xF7A  }
0x23: {  	s9 =	sor.u32 $0xD0000000, s2;
	s6 =	simm.s32 $0x108;
	_ =	swait.ge @!p0 [sflag:s8], $0x0  }
0x24: {  	s3 =	sadd.s32 $0x88, s3;
	s6 =	simm.s32 @!p1 $0x1082;
	[sflag:s4] =	ssyncset.s32 $0xFFFFF086  }
0x25: {  	[simem:s6], [sflag:s4] =	dma.local [hbm:s3], $0xF7A  }
0x26: {  	[smem:$0x3F97] =	sst s1;
	(tag) =	ssettag s2;
	_ =	strace s9  }
0x27: {  	s1 =	sld [smem:$0x3FA7]  }
0x28: {  	s2 =	sld [smem:$0x3FA8]  }
0x29: {  	s4 =	sld [smem:$0x3FAA]  }
0x2a: {  	p0 =	seq.s32 s5, $0x0;
	s5 =	sld [smem:$0x3FAB]  }
0x2b: {  	s6 =	sld [smem:$0x3FAC]  }
0x2c: {  	s7 =	sld [smem:$0x3FAD]  }
0x2d: {  	s3 =	simm.s32 $0x108;
	s8 =	sld [smem:$0x3FAE]  }
0x2e: {  	s3 =	simm.s32 @!p0 $0x1082;
	s9 =	sld [smem:$0x3FAF]  }
0x2f: {  	lr =	sadd.s32 s0, s3;
	s0 =	sld [smem:$0x3FA6]  }
0x30: {  	s3 =	sld [smem:$0x3FA9]  }
0x31: {  	[smem:$0x3FB2] =	sst s10  }
0x32: {  	s10 =	sld [smem:$0x3FB0];
	_ =	sdelay $0x3  }
0x33: {  	p0 =	seq.s32 s10, $0x1;
	s10 =	sld [smem:$0x3FB2];
	_ =	sdelay $0x3  }
0x34: {  	[smem:$0x3FB2] =	sst s10  }
0x35: {  	s10 =	sld [smem:$0x3FB1];
	_ =	sdelay $0x3  }
0x36: {  	p1 =	seq.s32 s10, $0x1;
	s10 =	sld [smem:$0x3FB2];
	_ =	sdelay $0x3  }
0x37: {  	[smem:$0x3FB2] =	sst s10  }
0x38: {  	s10 =	sld [smem:$0x3FB3]  }
0x39: {  	_ = 	snop;
	(pc) =	sbr.ind lr, $3  }
0x3a: {  	_ = 	snop  }
0x3b: {  	_ = 	snop  }
0x3c: {  	p2 =	seq.s32 s10, $0x1;
	s10 =	sld [smem:$0x3FB2]  }
0x3d: {  	_ =	shalt  }
0x3e: {  	_ =	shalt  }
0x3f: {  	_ =	shalt  }
0x40: {  	_ =	shalt  }
0x41: {  	_ =	shalt  }
0x42: {  	_ =	shalt  }
0x43: {  	_ =	shalt  }
0x44: {  	_ =	shalt  }
0x45: {  	_ =	shalt  }
0x46: {  	_ =	shalt  }
0x47: {  	_ =	shalt  }
0x48: {  	_ =	shalt  }
0x49: {  	_ =	shalt  }
0x4a: {  	_ =	shalt  }
0x4b: {  	_ =	shalt  }
0x4c: {  	_ =	shalt  }
0x4d: {  	_ =	shalt  }
0x4e: {  	_ =	shalt  }
0x4f: {  	_ =	shalt  }
0x50: {  	_ =	shalt  }
0x51: {  	_ =	shalt  }
0x52: {  	_ =	shalt  }
0x53: {  	_ =	shalt  }
0x54: {  	_ =	shalt  }
0x55: {  	_ =	shalt  }
0x56: {  	_ =	shalt  }
0x57: {  	_ =	shalt  }
0x58: {  	_ =	shalt  }
0x59: {  	_ =	shalt  }
0x5a: {  	_ =	shalt  }
0x5b: {  	_ =	shalt  }
0x5c: {  	_ =	shalt  }
0x5d: {  	_ =	shalt  }
0x5e: {  	_ =	shalt  }
0x5f: {  	_ =	shalt  }
0x60: {  	_ =	shalt  }
0x61: {  	_ =	shalt  }
0x62: {  	_ =	shalt  }
0x63: {  	_ =	shalt  }
0x64: {  	_ =	shalt  }
0x65: {  	_ =	shalt  }
0x66: {  	_ =	shalt  }
0x67: {  	_ =	shalt  }
0x68: {  	_ =	shalt  }
0x69: {  	_ =	shalt  }
0x6a: {  	_ =	shalt  }
0x6b: {  	_ =	shalt  }
0x6c: {  	_ =	shalt  }
0x6d: {  	_ =	shalt  }
0x6e: {  	_ =	shalt  }
0x6f: {  	_ =	shalt  }
0x70: {  	_ =	shalt  }
0x71: {  	_ =	shalt  }
0x72: {  	_ =	shalt  }
0x73: {  	_ =	shalt  }
0x74: {  	_ =	shalt  }
0x75: {  	_ =	shalt  }
0x76: {  	_ =	shalt  }
0x77: {  	_ =	shalt  }
0x78: {  	_ =	shalt  }
0x79: {  	_ =	shalt  }
0x7a: {  	_ =	shalt  }
0x7b: {  	_ =	shalt  }
0x7c: {  	_ =	shalt  }
0x7d: {  	_ =	shalt  }
0x7e: {  	_ =	shalt  }
0x7f: {  	_ =	shalt  }
0x80: {  	_ =	shalt  }
0x81: {  	_ =	shalt  }
0x82: {  	_ =	shalt  }
0x83: {  	_ =	shalt  }
0x84: {  	_ =	shalt  }
0x85: {  	_ =	shalt  }
0x86: {  	_ =	shalt  }
0x87: {  	_ =	shalt  }
.Lfunc_end0:
.L_simem_size_0:
called_computation.1_lowered:
.L_overlay_start_0:
0x88: {  	s2 =	sld [smem:$0x3FD9]  }
0x89: {  	s3 =	sld [smem:$0x3FFE];
	_ =	sdelay $0x1  }
0x8a: {  	s1 =	srdreg.scid  }
0x8b: {  	s0 =	sand.u32 $0x1, s1  }
0x8c: {  	s16 =	sshll.u32 s0, $0xA;
	s2 =	sadd.s32 s3, s2  }
0x8d: {  	s2 =	sadd.s32 s2, s16  }
0x8e: {  	[smem:$0x3FBE] =	sst s2  }
0x8f: {  	_ = 	snop  }
0x90: {  	(tm) =	ssettm $0x1  }
0x91: {  	s17 =	sld [smem:$0x3FFB];
	_ =	sdelay $0x3  }
0x92: {  	_ =	strace s17  }
0x93: {  	s2 =	sld [smem:$0x3FFC];
	_ =	sdelay $0x3  }
0x94: {  	_ =	strace s2  }
0x95: {  	s2 =	sld [smem:$0x3FFD];
	_ =	sdelay $0x3  }
0x96: {  	_ =	strace s2  }
0x97: {  	_ =	strace $0x8FFFFFFF  }
0x98: {  	s18 =	sld [smem:$0x3FDB];
	_ =	sdelay $0x1  }
0x99: {  	s19 =	simm.s32 $_scs_section_size  }
0x9a: {  	s4 =	simm.s32 $_size__tile_overlayer_lowered;
	s5 =	simm.s32 $_tile_overlayer_lowered  }
0x9b: {  	s22 =	simm.s32 $0x1BFF;
	s21 =	sshll.u32 s5, $0x1;
	s2 =	sadd.s32 s19, s18  }
0x9c: {  	s6 =	simm.s32 $0x0;
	s20 =	sshll.u32 s4, $0x1;
	s4 =	sadd.s32 s21, s2  }
0x9d: {  	[timem:s6], [sflag:s22] =	dma.local [hbm:s4], s20  }
0x9e: {  	_ =	swait.ge [sflag:s22], s20  }
0x9f: {  	s3 =	ssub.s32 $0x0, s20;
	[sflag:s22] =	ssyncset.done $0x0  }
0xa0: {  	[sflag:s22] =	ssyncadd.s32 s3;
	_ =	sdelay $0x1  }
0xa1: {  	s23 =	simm.s32 $0x1B8B  }
0xa2: {  	_ =	swait.ge [sflag:s23], $0x1  }
0xa3: {  	[sflag:s23] =	ssyncset.done $0x0  }
0xa4: {  	s25 =	simm.s32 $0x1B8E;
	s24 =	sld [smem:$0x3FFE];
	[sflag:s23] =	ssyncadd.s32 $0xFFFFFFFF  }
0xa5: {  	s26 =	simm.s32 $execute0_lowered;
	[smem:$0x3FD2] =	sst s25  }
0xa6: {  	s4 =	sshll.u32 s26, $0x1;
	_ =	strace $0x80000049;
	[dreg:$0x1] =	wrdreg $0xFFFFFFFF  }
0xa7: {  	s28 =	simm.s32 $_size_execute0_lowered;
	s2 =	sadd.s32 s2, s4;
	[dreg:$0x0] =	wrdreg $0x0  }
0xa8: {  	s4 =	sshll.u32 s28, $0x1;
	[dreg:$0x2] =	wrdreg s2  }
0xa9: {  	[dreg:$0x3] =	wrdreg s4  }
0xaa: {  	[dreg:$0x4] =	wrdreg $0xC0  }
0xab: {  	_ =	task [dreg:s6], $0x5FFFF  }
0xac: {  	[dreg:$0x1] =	wrdreg $0xFFFFFFFF  }
0xad: {  	[dreg:$0x0] =	wrdreg $0x60  }
0xae: {  	[dreg:$0x2] =	wrdreg s24  }
0xaf: {  	[dreg:$0x3] =	wrdreg $0x164000  }
0xb0: {  	[dreg:$0x4] =	wrdreg $0x9  }
0xb1: {  	_ =	task.clear_ibuf [dreg:s6], $0x5FFFF;
	_ =	strace $0x90000049  }
0xb2: {  	s29 =	simm.s32 $0x9;
	_ =	strace $0x8000004B  }
0xb3: {  	_ =	swait.ge [sflag:s29], $0x1  }
0xb4: {  	[sflag:s29] =	ssyncadd.s32 $0xFFFFFFFF  }
0xb5: {  	_ =	strace $0x9000004B  }
0xb6: {  	_ =	sfence  }
0xb7: {  	s30 =	sld [smem:$0x0];
	_ =	sdelay $0x2  }
0xb8: {  	s31 =	sshll.u32 s1, $0xD;
	s1 =	sshrl.u32 s1, $0x2  }
0xb9: {  	s3 =	sand.u32 $0x4000, s31;
	s1 =	sadd.s32 s1, s30  }
0xba: {  	s0 =	sor.u32 s3, s0;
	s1 =	sshll.u32 s1, $0x11  }
0xbb: {  	s0 =	sor.u32 s1, s0  }
0xbc: {  	s0 =	sadd.s32 $0x8F2B, s0  }
0xbd: {  	[sflag:s0] =	ssyncadd.remote.s32 $0x1  }
0xbe: {  	_ =	sfence.sel $0xFFFF  }
0xbf: {  	[dreg:$0x0] =	wrdreg $0xFFFFFFFF;
	(pc) =	sbr.abs _section_cstart, $3  }
0xc0: {  	[dreg:$0x1] =	wrdreg $0xFFFFFFFF  }
0xc1: {  	_ =	task.clear_ibuf [dreg:s6], $0x2FFFF;
	_ =	strace $0x9FFFFFFF  }
0xc2: {  	(tm) =	ssettm $0x7FFFFFFF  }
0xc3: {  	_ =	shalt  }
tec
execute0_lowered:
.L_overlay_start_1:
0x0: {  	(tag) =	ssettag $0x1  }
0x1: {  	s0 =	rddreg [dreg:$0x0]  }
0x2: {  	s1 =	srdreg.scid;
	s2 =	rddreg [dreg:$0x1]  }
0x3: {  	s19 =	stileid.u32;
	s3 =	simm.s32 $0x0;
	s20 =	simm.s32 $0x13000  }
0x4: {  	s21 =	simm.s32 $0x6400;
	s22 =	simm.s32 $0x64;
	s28 =	simm.s32 $0x6380  }
0x5: {  	s29 =	simm.s32 $0xC700;
	s30 =	simm.s32 $0xC780;
	s5 =	smul.u32 $0xC80, s19  }
0x6: {  	s31 =	simm.s32 $0x0;
	s1 =	sand.u32 $0x1, s1;
	s8 =	smul.u32 $0x13000, s19  }
0x7: {  	[smem:$0x7FF] =	sst s3;
	s15 =	sadd.s32 $0x6A600, s0;
	s10 =	smul.u32 $0x98, s19  }
0x8: {  	p0 =	sne.s32 s19, $0xF;
	s4 =	sshll.u32 s1, $0x5;
	s11 =	smul.u32 $0x1388, s1  }
0x9: {  	_ =	strace $0x8000004A;
	s23 =	ssub.s32 $0x2, s1;
	s1 =	smul.u32 $0x9C400, s1  }
0xa: {  	s4 =	sor.u32 s19, s4;
	s7 =	sadd.s32 s5, s0;
	s5 =	sadd.s32 $0x5CC00, s0  }
0xb: {  	s9 =	sshrl.u32 s23, $0x1;
	s8 =	sshrl.u32 s8, $0x2;
	s19 =	simm.s32 $0x3  }
0xc: {  	s6 =	smul.u32 $0xC80, s4;
	s4 =	sadd.s32 $0x35A00, s0;
	s18 =	ssub.s32 s23, s9  }
0xd: {  	s24 =	sadd.s32 $0x5DE00, s7;
	s7 =	sadd.s32 s8, s2;
	s9 =	sadd.s32 $0x4C000, s2  }
0xe: {  	s11 =	sadd.s32 s10, s11;
	s1 =	sshrl.u32 s1, $0x3;
	s23 =	simm.s32 $0xC800  }
0xf: {  	[dreg:$0x3] =	wrdreg s24;
	s8 =	sadd.s32 $0x3400, s7;
	s16 =	sshll.u32 s11, $0x4  }
0x10: {  	s1 =	sadd.s32 s15, s1;
	s18 =	smax.u32 s18, $0x1;
	s24 =	simm.s32 $0xFC00  }
0x11: {  	s14 =	sadd.s32 s6, s0;
	s26 =	sadd.s32 s15, s16;
	s0 =	sadd.s32 $0x6AC80, s0  }
0x12: {  	s13 =	sadd.s32 $0x9800, s1;
	s17 =	sadd.s32 $0x13480, s1;
	s25 =	sadd.s32 $0x3A00, s14  }
0x13: {  	[dreg:$0x5] =	wrdreg s26;
	s12 =	sadd.s32 s16, s0;
	s16 =	sadd.s32 $0x9C80, s16  }
0x14: {  	s14 =	sadd.s32 $0x10200, s14;
	s26 =	simm.s32 $0x2;
	[dreg:$0x4] =	wrdreg s25  }
0x15: {  	s15 =	sadd.s32 s15, s16;
	s16 =	sadd.s32 s16, s0;
	s25 =	simm.s32 $0x1  }
.LBB2_1:
0x16: {  	s0 =	rddreg [dreg:$0x3]  }
0x17: {  	[tilespmem:s3], [sflag:$0x3] =	stream.linear.gather [hbm4b:s0+s3], $0x6400, $0x38;
	[tilespmem:$0x1B248] =	vst v63  }
0x18: {  	_ =	swait.ge [sflag:s19], $0x6400  }
0x19: {  	[sflag:s19] =	ssyncset.done $0x0  }
0x1a: {  	[sflag:s19] =	ssyncadd.s32 $0xFFFF9C00  }
0x1b: {  	[tilespmem:s20], [sflag:$0x3] =	stream.linear.gather [hbm4b:s5+s3], $0x3400, $0x38;
	[tilespmem:$0x1B248] =	vst v63  }
0x1c: {  	_ =	swait.ge [sflag:s19], $0x3400  }
0x1d: {  	[sflag:s19] =	ssyncset.done $0x0  }
0x1e: {  	[sflag:s19] =	ssyncadd.s32 $0xFFFFCC00  }
0x1f: {  	[spmem:s7] =	stream.linear.scatter [tilespmem:s20], [sflag:$0x3], $0x3400, $0x38;
	[tilespmem:$0x1B248] =	vst v63  }
0x20: {  	_ =	swait.ge [sflag:s19], $0x3400  }
0x21: {  	[sflag:s19] =	ssyncset.done $0x0  }
0x22: {  	[sflag:s19] =	ssyncadd.s32 $0xFFFFCC00  }
0x23: {  	[spmem:s8] =	stream.linear.scatter [tilespmem:s20], [sflag:$0x3], $0x1800, $0x38;
	[tilespmem:$0x1B248] =	vst v63  }
0x24: {  	_ =	swait.ge [sflag:s19], $0x1800  }
0x25: {  	[sflag:s19] =	ssyncset.done $0x0  }
0x26: {  	s0 =	simm.s32 @!p0 $0x13000;
	[sflag:s19] =	ssyncadd.s32 $0xFFFFE800  }
0x27: {  	[spmem:s9] =	stream.linear.scatter @!p0 [tilespmem:s0], [sflag:$0x3], $0x2400, $0x38;
	[tilespmem:$0x1B248] =	vst v63  }
0x28: {  	s0 =	simm.s32 @!p0 $0x3  }
0x29: {  	_ =	swait.ge @!p0 [sflag:s0], $0x2400  }
0x2a: {  	[sflag:s0] =	ssyncset.done @!p0 $0x0  }
0x2b: {  	s11 =	rddreg [dreg:$0x4];
	[sflag:s0] =	ssyncadd.s32 @!p0 $0xFFFFDC00  }
0x2c: {  	[tilespmem:s21], [sflag:$0x3] =	stream.linear.gather [hbm4b:s11+s3], $0x6400, $0x38;
	[tilespmem:$0x1B248] =	vst v63  }
0x2d: {  	_ =	swait.ge [sflag:s19], $0x6400  }
0x2e: {  	[sflag:s19] =	ssyncset.done $0x0  }
0x2f: {  	[sflag:s19] =	ssyncadd.s32 $0xFFFF9C00  }
0x30: {  	[bflag:$0x0] =	sbarrier.arrive $0xFFFF  }
0x31: {  	[tilespmem:s23], [sflag:$0x1] =	stream.indirect.gather [hbm4b:s4+s22], $0x80, s3, s22, $0xb8;
	[tilespmem:$0x1B248] =	vst v63  }
0x32: {  	s1 =	simm.s32 $0x80  }
0x33: {  	[tilespmem:s24], [sflag:$0x2] =	stream.indirect.gather [hbm4b:s4+s22], $0x80, s1, s22, $0xb8;
	[tilespmem:$0x1B248] =	vst v63  }
0x34: {  	_ =	swait.ge [sflag:s25], $0x3200  }
0x35: {  	[sflag:s25] =	ssyncset.done $0x0  }
0x36: {  	s6 =	simm.s32 $0x6400;
	[sflag:s25] =	ssyncadd.s32 $0xFFFFCE00  }
0x37: {  	[spmem:s2] =	stream.indirect.scatter.add.f32 [tilespmem:s23], [sflag:$0x3], $0x80, s6, s22, $0xb8;
	[tilespmem:$0x1B248] =	vst v63  }
0x38: {  	_ =	swait.ge [sflag:s19], $0x3200  }
0x39: {  	[sflag:s19] =	ssyncset.done $0x0  }
0x3a: {  	s10 =	simm.s32 $0x100;
	[sflag:s19] =	ssyncadd.s32 $0xFFFFCE00  }
0x3b: {  	[tilespmem:s23], [sflag:$0x1] =	stream.indirect.gather [hbm4b:s4+s22], $0x80, s10, s22, $0xb8;
	[tilespmem:$0x1B248] =	vst v63  }
0x3c: {  	_ =	swait.ge [sflag:s26], $0x3200  }
0x3d: {  	[sflag:s26] =	ssyncset.done $0x0  }
0x3e: {  	s11 =	simm.s32 $0x6480;
	[sflag:s26] =	ssyncadd.s32 $0xFFFFCE00  }
0x3f: {  	[spmem:s2] =	stream.indirect.scatter.add.f32 [tilespmem:s24], [sflag:$0x3], $0x80, s11, s22, $0xb8;
	[tilespmem:$0x1B248] =	vst v63  }
0x40: {  	_ =	swait.ge [sflag:s19], $0x3200  }
0x41: {  	s0 =	simm.s32 $0x100;
	s1 =	simm.s32 $0x800;
	[sflag:s19] =	ssyncset.done $0x0  }
.LBB2_2:
0x42: {  	s6 =	sadd.s32 $0x80, s0  }
0x43: {  	[sflag:s19] =	ssyncadd.s32 $0xFFFFCE00;
	s10 =	smov.u32 s1;
	s11 =	sadd.s32 $0x400, s1  }
0x44: {  	[tilespmem:s24], [sflag:$0x2] =	stream.indirect.gather [hbm4b:s4+s22], $0x80, s6, s22, $0xb8;
	[tilespmem:$0x1B248] =	vst v63  }
0x45: {  	p1 =	sne.s32 s1, $0x18800;
	_ =	swait.ge [sflag:s25], $0x3200  }
0x46: {  	[sflag:s25] =	ssyncset.done $0x0  }
0x47: {  	s1 =	sadd.s32 $0x6400, s0;
	[sflag:s25] =	ssyncadd.s32 $0xFFFFCE00  }
0x48: {  	[spmem:s2] =	stream.indirect.scatter.add.f32 [tilespmem:s23], [sflag:$0x3], $0x80, s1, s22, $0xb8;
	[tilespmem:$0x1B248] =	vst v63  }
0x49: {  	_ =	swait.ge [sflag:s19], $0x3200  }
0x4a: {  	[sflag:s19] =	ssyncset.done $0x0  }
0x4b: {  	s1 =	sadd.s32 $0x100, s0;
	[sflag:s19] =	ssyncadd.s32 $0xFFFFCE00  }
0x4c: {  	[tilespmem:s23], [sflag:$0x1] =	stream.indirect.gather [hbm4b:s4+s22], $0x80, s1, s22, $0xb8;
	[tilespmem:$0x1B248] =	vst v63  }
0x4d: {  	_ =	swait.ge [sflag:s26], $0x3200  }
.Ltmp0:
0x4e: {  	[sflag:s26] =	ssyncset.done $0x0;
	(pc) =	sbr.rel @p1 .LBB2_2-.Ltmp0, $4  }
0x4f: {  	s0 =	sadd.s32 $0x6480, s0;
	[sflag:s26] =	ssyncadd.s32 $0xFFFFCE00  }
0x50: {  	[spmem:s2] =	stream.indirect.scatter.add.f32 [tilespmem:s24], [sflag:$0x3], $0x80, s0, s22, $0xb8;
	[tilespmem:$0x1B248] =	vst v63  }
0x51: {  	_ =	swait.ge [sflag:s19], $0x3200  }
0x52: {  	s1 =	smov.u32 s11;
	s0 =	sshra.s32 s10, $0x2;
	[sflag:s19] =	ssyncset.done $0x0  }
0x53: {  	s1 =	sadd.s32 $0x80, s0;
	[sflag:s19] =	ssyncadd.s32 $0xFFFFCE00  }
0x54: {  	[tilespmem:s24], [sflag:$0x2] =	stream.indirect.gather [hbm4b:s4+s22], $0x80, s1, s22, $0xb8;
	[tilespmem:$0x1B248] =	vst v63  }
0x55: {  	_ =	swait.ge [sflag:s25], $0x3200  }
0x56: {  	[sflag:s25] =	ssyncset.done $0x0  }
0x57: {  	s10 =	sadd.s32 $0x6400, s0;
	[sflag:s25] =	ssyncadd.s32 $0xFFFFCE00  }
0x58: {  	[spmem:s2] =	stream.indirect.scatter.add.f32 [tilespmem:s23], [sflag:$0x3], $0x80, s10, s22, $0xb8;
	[tilespmem:$0x1B248] =	vst v63  }
0x59: {  	_ =	swait.ge [sflag:s19], $0x3200  }
0x5a: {  	[sflag:s19] =	ssyncset.done $0x0  }
0x5b: {  	s11 =	sadd.s32 $0x100, s0;
	[sflag:s19] =	ssyncadd.s32 $0xFFFFCE00  }
0x5c: {  	[tilespmem:s23], [sflag:$0x1] =	stream.indirect.gather [hbm4b:s4+s22], $0x80, s11, s22, $0xb8;
	[tilespmem:$0x1B248] =	vst v63  }
0x5d: {  	_ =	swait.ge [sflag:s26], $0x3200  }
0x5e: {  	[sflag:s26] =	ssyncset.done $0x0  }
0x5f: {  	s6 =	sadd.s32 $0x6480, s0;
	[sflag:s26] =	ssyncadd.s32 $0xFFFFCE00  }
0x60: {  	[spmem:s2] =	stream.indirect.scatter.add.f32 [tilespmem:s24], [sflag:$0x3], $0x80, s6, s22, $0xb8;
	[tilespmem:$0x1B248] =	vst v63  }
0x61: {  	_ =	swait.ge [sflag:s19], $0x3200  }
0x62: {  	[sflag:s19] =	ssyncset.done $0x0  }
0x63: {  	[sflag:s19] =	ssyncadd.s32 $0xFFFFCE00  }
0x64: {  	[tilespmem:s24], [sflag:$0x2] =	stream.indirect.gather [hbm4b:s4+s22], $0x80, s28, s22, $0xb8;
	[tilespmem:$0x1B248] =	vst v63  }
0x65: {  	_ =	swait.ge [sflag:s25], $0x3200  }
0x66: {  	[sflag:s25] =	ssyncset.done $0x0  }
0x67: {  	[sflag:s25] =	ssyncadd.s32 $0xFFFFCE00  }
0x68: {  	[spmem:s2] =	stream.indirect.scatter.add.f32 [tilespmem:s23], [sflag:$0x3], $0x80, s29, s22, $0xb8;
	[tilespmem:$0x1B248] =	vst v63  }
0x69: {  	_ =	swait.ge [sflag:s19], $0x3200  }
0x6a: {  	[sflag:s19] =	ssyncset.done $0x0  }
0x6b: {  	[sflag:s19] =	ssyncadd.s32 $0xFFFFCE00  }
0x6c: {  	_ =	swait.ge [sflag:s26], $0x3200  }
0x6d: {  	[sflag:s26] =	ssyncset.done $0x0  }
0x6e: {  	[sflag:s26] =	ssyncadd.s32 $0xFFFFCE00  }
0x6f: {  	[spmem:s2] =	stream.indirect.scatter.add.f32 [tilespmem:s24], [sflag:$0x3], $0x80, s30, s22, $0xb8;
	[tilespmem:$0x1B248] =	vst v63  }
0x70: {  	_ =	swait.ge [sflag:s19], $0x3200  }
0x71: {  	[sflag:s19] =	ssyncset.done $0x0  }
0x72: {  	[sflag:s19] =	ssyncadd.s32 $0xFFFFCE00  }
0x73: {  	[bflag:$0x0] =	sbarrier.arrive $0xFFFF  }
0x74: {  	[tilespmem:s20], [sflag:$0x3] =	stream.linear.gather [spmem:s7], $0x3400, $0x38;
	[tilespmem:$0x1B248] =	vst v63  }
0x75: {  	_ =	swait.ge [sflag:s19], $0x3400  }
0x76: {  	[sflag:s19] =	ssyncset.done $0x0  }
0x77: {  	s10 =	rddreg [dreg:$0x5];
	[sflag:s19] =	ssyncadd.s32 $0xFFFFCC00  }
0x78: {  	[hbm4b:s10+s3] =	stream.linear.scatter [tilespmem:s20], [sflag:$0x3], $0x3400, $0x38;
	[tilespmem:$0x1B248] =	vst v63  }
0x79: {  	_ =	swait.ge [sflag:s19], $0x3400  }
0x7a: {  	[sflag:s19] =	ssyncset.done $0x0  }
0x7b: {  	[sflag:s19] =	ssyncadd.s32 $0xFFFFCC00  }
0x7c: {  	[tilespmem:s20], [sflag:$0x3] =	stream.linear.gather [spmem:s8], $0x1800, $0x38;
	[tilespmem:$0x1B248] =	vst v63  }
0x7d: {  	_ =	swait.ge [sflag:s19], $0x1800  }
0x7e: {  	[sflag:s19] =	ssyncset.done $0x0  }
0x7f: {  	[sflag:s19] =	ssyncadd.s32 $0xFFFFE800  }
0x80: {  	[hbm4b:s12+s3] =	stream.linear.scatter [tilespmem:s20], [sflag:$0x3], $0x1800, $0x38;
	[tilespmem:$0x1B248] =	vst v63  }
0x81: {  	_ =	swait.ge [sflag:s19], $0x1800  }
0x82: {  	[sflag:s19] =	ssyncset.done $0x0  }
0x83: {  	s0 =	simm.s32 @!p0 $0x13000;
	s1 =	simm.s32 @!p0 $0x3;
	[sflag:s19] =	ssyncadd.s32 $0xFFFFE800  }
0x84: {  	[tilespmem:s0], [sflag:$0x3] =	stream.linear.gather @!p0 [spmem:s9], $0x2400, $0x38;
	[tilespmem:$0x1B248] =	vst v63  }
0x85: {  	_ =	swait.ge @!p0 [sflag:s1], $0x2400  }
0x86: {  	[sflag:s1] =	ssyncset.done @!p0 $0x0  }
0x87: {  	s6 =	simm.s32 @!p0 $0x0;
	[sflag:s1] =	ssyncadd.s32 @!p0 $0xFFFFDC00  }
0x88: {  	[hbm4b:s13+s6] =	stream.linear.scatter @!p0 [tilespmem:s0], [sflag:$0x3], $0x2400, $0x38;
	[tilespmem:$0x1B248] =	vst v63  }
0x89: {  	_ =	swait.ge @!p0 [sflag:s1], $0x2400  }
0x8a: {  	[sflag:s1] =	ssyncset.done @!p0 $0x0  }
0x8b: {  	[sflag:s1] =	ssyncadd.s32 @!p0 $0xFFFFDC00  }
0x8c: {  	[bflag:$0x0] =	sbarrier.arrive $0xFFFF  }
0x8d: {  	[tilespmem:s20], [sflag:$0x3] =	stream.linear.gather [hbm4b:s5+s3], $0x3400, $0x38;
	[tilespmem:$0x1B248] =	vst v63  }
0x8e: {  	_ =	swait.ge [sflag:s19], $0x3400  }
0x8f: {  	[sflag:s19] =	ssyncset.done $0x0  }
0x90: {  	[sflag:s19] =	ssyncadd.s32 $0xFFFFCC00  }
0x91: {  	[spmem:s7] =	stream.linear.scatter [tilespmem:s20], [sflag:$0x3], $0x3400, $0x38;
	[tilespmem:$0x1B248] =	vst v63  }
0x92: {  	_ =	swait.ge [sflag:s19], $0x3400  }
0x93: {  	[sflag:s19] =	ssyncset.done $0x0  }
0x94: {  	[sflag:s19] =	ssyncadd.s32 $0xFFFFCC00  }
0x95: {  	[spmem:s8] =	stream.linear.scatter [tilespmem:s20], [sflag:$0x3], $0x1800, $0x38;
	[tilespmem:$0x1B248] =	vst v63  }
0x96: {  	_ =	swait.ge [sflag:s19], $0x1800  }
0x97: {  	[sflag:s19] =	ssyncset.done $0x0  }
0x98: {  	[sflag:s19] =	ssyncadd.s32 $0xFFFFE800  }
0x99: {  	[spmem:s9] =	stream.linear.scatter @!p0 [tilespmem:s0], [sflag:$0x3], $0x2000, $0x38;
	[tilespmem:$0x1B248] =	vst v63  }
0x9a: {  	_ =	swait.ge @!p0 [sflag:s1], $0x2000  }
0x9b: {  	[sflag:s1] =	ssyncset.done @!p0 $0x0  }
0x9c: {  	s11 =	simm.s32 $0x0;
	[sflag:s1] =	ssyncadd.s32 @!p0 $0xFFFFE000  }
0x9d: {  	[tilespmem:s21], [sflag:$0x3] =	stream.linear.gather [hbm4b:s14+s11], $0x6400, $0x38;
	[tilespmem:$0x1B248] =	vst v63  }
0x9e: {  	_ =	swait.ge [sflag:s19], $0x6400  }
0x9f: {  	[sflag:s19] =	ssyncset.done $0x0  }
0xa0: {  	[sflag:s19] =	ssyncadd.s32 $0xFFFF9C00  }
0xa1: {  	[bflag:$0x0] =	sbarrier.arrive $0xFFFF  }
0xa2: {  	[tilespmem:s23], [sflag:$0x1] =	stream.indirect.gather [hbm4b:s4+s22], $0x80, s11, s22, $0xb8;
	[tilespmem:$0x1B248] =	vst v63  }
0xa3: {  	s1 =	simm.s32 $0x80  }
0xa4: {  	[tilespmem:s24], [sflag:$0x2] =	stream.indirect.gather [hbm4b:s4+s22], $0x80, s1, s22, $0xb8;
	[tilespmem:$0x1B248] =	vst v63  }
0xa5: {  	_ =	swait.ge [sflag:s25], $0x3200  }
0xa6: {  	[sflag:s25] =	ssyncset.done $0x0  }
0xa7: {  	s6 =	simm.s32 $0x6400;
	[sflag:s25] =	ssyncadd.s32 $0xFFFFCE00  }
0xa8: {  	[spmem:s2] =	stream.indirect.scatter.add.f32 [tilespmem:s23], [sflag:$0x3], $0x80, s6, s22, $0xb8;
	[tilespmem:$0x1B248] =	vst v63  }
0xa9: {  	_ =	swait.ge [sflag:s19], $0x3200  }
0xaa: {  	[sflag:s19] =	ssyncset.done $0x0  }
0xab: {  	s10 =	simm.s32 $0x100;
	[sflag:s19] =	ssyncadd.s32 $0xFFFFCE00  }
0xac: {  	[tilespmem:s23], [sflag:$0x1] =	stream.indirect.gather [hbm4b:s4+s22], $0x80, s10, s22, $0xb8;
	[tilespmem:$0x1B248] =	vst v63  }
0xad: {  	_ =	swait.ge [sflag:s26], $0x3200  }
0xae: {  	[sflag:s26] =	ssyncset.done $0x0  }
0xaf: {  	s11 =	simm.s32 $0x6480;
	[sflag:s26] =	ssyncadd.s32 $0xFFFFCE00  }
0xb0: {  	[spmem:s2] =	stream.indirect.scatter.add.f32 [tilespmem:s24], [sflag:$0x3], $0x80, s11, s22, $0xb8;
	[tilespmem:$0x1B248] =	vst v63  }
0xb1: {  	_ =	swait.ge [sflag:s19], $0x3200  }
0xb2: {  	s0 =	simm.s32 $0x100;
	s1 =	simm.s32 $0x800;
	[sflag:s19] =	ssyncset.done $0x0  }
.LBB2_4:
0xb3: {  	s6 =	sadd.s32 $0x80, s0  }
0xb4: {  	[sflag:s19] =	ssyncadd.s32 $0xFFFFCE00;
	s10 =	smov.u32 s1;
	s11 =	sadd.s32 $0x400, s1  }
0xb5: {  	[tilespmem:s24], [sflag:$0x2] =	stream.indirect.gather [hbm4b:s4+s22], $0x80, s6, s22, $0xb8;
	[tilespmem:$0x1B248] =	vst v63  }
0xb6: {  	p1 =	sne.s32 s1, $0x18800;
	_ =	swait.ge [sflag:s25], $0x3200  }
0xb7: {  	[sflag:s25] =	ssyncset.done $0x0  }
0xb8: {  	s1 =	sadd.s32 $0x6400, s0;
	[sflag:s25] =	ssyncadd.s32 $0xFFFFCE00  }
0xb9: {  	[spmem:s2] =	stream.indirect.scatter.add.f32 [tilespmem:s23], [sflag:$0x3], $0x80, s1, s22, $0xb8;
	[tilespmem:$0x1B248] =	vst v63  }
0xba: {  	_ =	swait.ge [sflag:s19], $0x3200  }
0xbb: {  	[sflag:s19] =	ssyncset.done $0x0  }
0xbc: {  	s1 =	sadd.s32 $0x100, s0;
	[sflag:s19] =	ssyncadd.s32 $0xFFFFCE00  }
0xbd: {  	[tilespmem:s23], [sflag:$0x1] =	stream.indirect.gather [hbm4b:s4+s22], $0x80, s1, s22, $0xb8;
	[tilespmem:$0x1B248] =	vst v63  }
0xbe: {  	_ =	swait.ge [sflag:s26], $0x3200  }
.Ltmp1:
0xbf: {  	[sflag:s26] =	ssyncset.done $0x0;
	(pc) =	sbr.rel @p1 .LBB2_4-.Ltmp1, $4  }
0xc0: {  	s0 =	sadd.s32 $0x6480, s0;
	[sflag:s26] =	ssyncadd.s32 $0xFFFFCE00  }
0xc1: {  	[spmem:s2] =	stream.indirect.scatter.add.f32 [tilespmem:s24], [sflag:$0x3], $0x80, s0, s22, $0xb8;
	[tilespmem:$0x1B248] =	vst v63  }
0xc2: {  	_ =	swait.ge [sflag:s19], $0x3200  }
0xc3: {  	s1 =	smov.u32 s11;
	s0 =	sshra.s32 s10, $0x2;
	[sflag:s19] =	ssyncset.done $0x0  }
0xc4: {  	s1 =	sadd.s32 $0x80, s0;
	[sflag:s19] =	ssyncadd.s32 $0xFFFFCE00  }
0xc5: {  	[tilespmem:s24], [sflag:$0x2] =	stream.indirect.gather [hbm4b:s4+s22], $0x80, s1, s22, $0xb8;
	[tilespmem:$0x1B248] =	vst v63  }
0xc6: {  	_ =	swait.ge [sflag:s25], $0x3200  }
0xc7: {  	[sflag:s25] =	ssyncset.done $0x0  }
0xc8: {  	s6 =	sadd.s32 $0x6400, s0;
	[sflag:s25] =	ssyncadd.s32 $0xFFFFCE00  }
0xc9: {  	[spmem:s2] =	stream.indirect.scatter.add.f32 [tilespmem:s23], [sflag:$0x3], $0x80, s6, s22, $0xb8;
	[tilespmem:$0x1B248] =	vst v63  }
0xca: {  	_ =	swait.ge [sflag:s19], $0x3200  }
0xcb: {  	[sflag:s19] =	ssyncset.done $0x0  }
0xcc: {  	s10 =	sadd.s32 $0x100, s0;
	[sflag:s19] =	ssyncadd.s32 $0xFFFFCE00  }
0xcd: {  	[tilespmem:s23], [sflag:$0x1] =	stream.indirect.gather [hbm4b:s4+s22], $0x80, s10, s22, $0xb8;
	[tilespmem:$0x1B248] =	vst v63  }
0xce: {  	_ =	swait.ge [sflag:s26], $0x3200  }
0xcf: {  	[sflag:s26] =	ssyncset.done $0x0  }
0xd0: {  	s11 =	sadd.s32 $0x6480, s0;
	[sflag:s26] =	ssyncadd.s32 $0xFFFFCE00  }
0xd1: {  	[spmem:s2] =	stream.indirect.scatter.add.f32 [tilespmem:s24], [sflag:$0x3], $0x80, s11, s22, $0xb8;
	[tilespmem:$0x1B248] =	vst v63  }
0xd2: {  	_ =	swait.ge [sflag:s19], $0x3200  }
0xd3: {  	[sflag:s19] =	ssyncset.done $0x0  }
0xd4: {  	[sflag:s19] =	ssyncadd.s32 $0xFFFFCE00  }
0xd5: {  	[tilespmem:s24], [sflag:$0x2] =	stream.indirect.gather [hbm4b:s4+s22], $0x80, s28, s22, $0xb8;
	[tilespmem:$0x1B248] =	vst v63  }
0xd6: {  	_ =	swait.ge [sflag:s25], $0x3200  }
0xd7: {  	[sflag:s25] =	ssyncset.done $0x0  }
0xd8: {  	[sflag:s25] =	ssyncadd.s32 $0xFFFFCE00  }
0xd9: {  	[spmem:s2] =	stream.indirect.scatter.add.f32 [tilespmem:s23], [sflag:$0x3], $0x80, s29, s22, $0xb8;
	[tilespmem:$0x1B248] =	vst v63  }
0xda: {  	_ =	swait.ge [sflag:s19], $0x3200  }
0xdb: {  	[sflag:s19] =	ssyncset.done $0x0  }
0xdc: {  	[sflag:s19] =	ssyncadd.s32 $0xFFFFCE00  }
0xdd: {  	_ =	swait.ge [sflag:s26], $0x3200  }
0xde: {  	[sflag:s26] =	ssyncset.done $0x0  }
0xdf: {  	[sflag:s26] =	ssyncadd.s32 $0xFFFFCE00  }
0xe0: {  	[spmem:s2] =	stream.indirect.scatter.add.f32 [tilespmem:s24], [sflag:$0x3], $0x80, s30, s22, $0xb8;
	[tilespmem:$0x1B248] =	vst v63  }
0xe1: {  	_ =	swait.ge [sflag:s19], $0x3200  }
0xe2: {  	[sflag:s19] =	ssyncset.done $0x0  }
0xe3: {  	[sflag:s19] =	ssyncadd.s32 $0xFFFFCE00  }
0xe4: {  	[bflag:$0x0] =	sbarrier.arrive $0xFFFF  }
0xe5: {  	[tilespmem:s20], [sflag:$0x3] =	stream.linear.gather [spmem:s7], $0x3400, $0x38;
	[tilespmem:$0x1B248] =	vst v63  }
0xe6: {  	_ =	swait.ge [sflag:s19], $0x3400  }
0xe7: {  	[sflag:s19] =	ssyncset.done $0x0  }
0xe8: {  	[sflag:s19] =	ssyncadd.s32 $0xFFFFCC00  }
0xe9: {  	[hbm4b:s15+s3] =	stream.linear.scatter [tilespmem:s20], [sflag:$0x3], $0x3400, $0x38;
	[tilespmem:$0x1B248] =	vst v63  }
0xea: {  	_ =	swait.ge [sflag:s19], $0x3400  }
0xeb: {  	[sflag:s19] =	ssyncset.done $0x0  }
0xec: {  	[sflag:s19] =	ssyncadd.s32 $0xFFFFCC00  }
0xed: {  	[tilespmem:s20], [sflag:$0x3] =	stream.linear.gather [spmem:s8], $0x1800, $0x38;
	[tilespmem:$0x1B248] =	vst v63  }
0xee: {  	_ =	swait.ge [sflag:s19], $0x1800  }
0xef: {  	[sflag:s19] =	ssyncset.done $0x0  }
0xf0: {  	[sflag:s19] =	ssyncadd.s32 $0xFFFFE800  }
0xf1: {  	[hbm4b:s16+s3] =	stream.linear.scatter [tilespmem:s20], [sflag:$0x3], $0x1800, $0x38;
	[tilespmem:$0x1B248] =	vst v63  }
0xf2: {  	_ =	swait.ge [sflag:s19], $0x1800  }
0xf3: {  	[sflag:s19] =	ssyncset.done $0x0  }
0xf4: {  	s0 =	simm.s32 @!p0 $0x13000;
	s1 =	simm.s32 @!p0 $0x3;
	[sflag:s19] =	ssyncadd.s32 $0xFFFFE800  }
0xf5: {  	[tilespmem:s0], [sflag:$0x3] =	stream.linear.gather @!p0 [spmem:s9], $0x2000, $0x38;
	[tilespmem:$0x1B248] =	vst v63  }
0xf6: {  	_ =	swait.ge @!p0 [sflag:s1], $0x2000  }
0xf7: {  	s31 =	sadd.s32 $0x1, s31;
	[sflag:s1] =	ssyncset.done @!p0 $0x0  }
0xf8: {  	p1 =	sne.s32 s31, s18;
	s6 =	simm.s32 @!p0 $0x0;
	[sflag:s1] =	ssyncadd.s32 @!p0 $0xFFFFE000  }
0xf9: {  	[hbm4b:s17+s6] =	stream.linear.scatter @!p0 [tilespmem:s0], [sflag:$0x3], $0x2000, $0x38;
	[tilespmem:$0x1B248] =	vst v63  }
.Ltmp2:
0xfa: {  	_ =	swait.ge @!p0 [sflag:s1], $0x2000;
	(pc) =	sbr.rel @p1 .LBB2_1-.Ltmp2, $3  }
0xfb: {  	[sflag:s1] =	ssyncset.done @!p0 $0x0  }
0xfc: {  	[sflag:s1] =	ssyncadd.s32 @!p0 $0xFFFFE000  }
0xfd: {  	[bflag:$0x0] =	sbarrier.arrive $0xFFFF;
	_ =	sdelay $0x1  }
0xfe: {  	_ =	sfence.sel $0x180000  }
0xff: {  	[bflag:$0x0] =	sbarrier.arrive $0xFFFF  }
0x100: {  	_ =	strace $0x9000004A  }
0x101: {  	s0 =	stileid.u32;
	[bflag:$0x2] =	sbarrier.arrive $0xFFFF  }
0x102: {  	p0 =	sne.s32 s0, $0x0;
	s0 =	rddreg [dreg:$0x2]  }
0x103: {  	s0 =	sadd.s32 @!p0 $0x100000, s0  }
0x104: {  	[sflag:s0] =	ssyncadd.tile.s32 @!p0 $0x1;
	_ =	shalt  }
.Lfunc_end2:
_tile_overlayer_lowered:
.L_overlay_start_2:
0x105: {  	(tag) =	ssettag $0x2  }
0x106: {  	s0 =	rddreg [dreg:$0x0];
	s2 =	stileid.u32  }
0x107: {  	s1 =	rddreg [dreg:$0x1];
	p0 =	sne.s32 s2, $0x0  }
0x108: {  	s3 =	rddreg [dreg:$0x2];
	[bflag:$0x3] =	sbarrier.arrive $0xFFFF;
	s2 =	simm.s32 @!p0 $0x1C03  }
0x109: {  	[timem:s3], [sflag:s2] =	dma.local @!p0 [hbm:s0], s1  }
0x10a: {  	s0 =	simm.s32 @!p0 $0x3  }
0x10b: {  	_ =	swait.ge @!p0 [sflag:s0], s1  }
0x10c: {  	s1 =	ssub.s32 @!p0 $0x0, s1;
	[sflag:s0] =	ssyncset.done @!p0 $0x0  }
0x10d: {  	[sflag:s0] =	ssyncadd.s32 @!p0 s1  }
0x10e: {  	[bflag:$0x3] =	sbarrier.arrive $0xFFFF  }
0x10f: {  	_ =	shalt  }

// kernel: kernel.16.cloned.1.call-start
scs
__scs_entry_jumppad:
0x0: {  	(pc) =	sbr.rel $0x88, $3  }
0x1: {  	(tag) =	ssettag $0x0;
	lr =	simm.s32 $0x1  }
0x2: {  	[smem:$0x3F97] =	sst lr;
	_ =	strace $0xD0000000  }
0x3: {  	_ = 	snop  }
0x4: {  	_ = 	snop  }
0x5: {  	_ = 	snop  }
0x6: {  	_ = 	snop  }
0x7: {  	_ = 	snop  }
__scs_overlays_trampoline_lowered:
0x8: {  	[smem:$0x3FA6] =	sst s0  }
0x9: {  	[smem:$0x3FA7] =	sst s1  }
0xa: {  	[smem:$0x3FA8] =	sst s2  }
0xb: {  	[smem:$0x3FA9] =	sst s3  }
0xc: {  	[smem:$0x3FAA] =	sst s4  }
0xd: {  	[smem:$0x3FAB] =	sst s5  }
0xe: {  	[smem:$0x3FAC] =	sst s6  }
0xf: {  	[smem:$0x3FAD] =	sst s7  }
0x10: {  	[smem:$0x3FAE] =	sst s8  }
0x11: {  	[smem:$0x3FAF] =	sst s9;
	s0 =	simm.s32 @!p0 $0x0  }
0x12: {  	s1 =	sld [smem:$0x3F95];
	s0 =	simm.s32 @p0 $0x1  }
0x13: {  	[smem:$0x3FB0] =	sst s0;
	s0 =	simm.s32 @!p1 $0x0  }
0x14: {  	s2 =	sld [smem:$0x3F94];
	s0 =	simm.s32 @p1 $0x1  }
0x15: {  	[smem:$0x3FB1] =	sst s0;
	s0 =	simm.s32 @!p2 $0x0  }
0x16: {  	s3 =	sld [smem:$0x3FDB];
	s0 =	simm.s32 @p2 $0x1  }
0x17: {  	s4 =	simm.s32 $0x1BF5;
	[smem:$0x3FB3] =	sst s0  }
0x18: {  	s0 =	sld [smem:$0x3F96];
	_ =	swait.ge [sflag:s4], $0x0  }
0x19: {  	s7 =	sld [smem:$0x3F97]  }
0x1a: {  	s8 =	sadd.s32 $0xFFFFE003, lr  }
0x1b: {  	s9 =	sadd.s32 $0xFFFFFEF7, lr;
	s5 =	simm.s32 $0xFFFFFFFF;
	p2 =	slt.u32 s8, $0xFFFFF086  }
0x1c: {  	p1 =	slt.u32 s9, $0xF7A;
	s5 =	simm.s32 @!p2 $0x0  }
0x1d: {  	s5 =	simm.s32 @p1 $0x1;
	p0 =	seq.s32 s7, s2  }
0x1e: {  	s7 =	smul.u32 @!p0 $0xF7A, s2;
	p2 =	seq.s32 @!p0 s5, $0x0  }
0x1f: {  	s9 =	smul.u32 $0xF7A, s1;
	s8 =	simm.s32 @!p0 $0x1BF5;
	p2 =	por !p2, p0  }
0x20: {  	[sflag:s8] =	ssyncset.s32 @!p0 $0xFFFFF086;
	s6 =	sadd.s32 @!p0 s3, s7;
	s7 =	simm.s32 @!p0 $0x108  }
0x21: {  	s3 =	sadd.s32 s3, s9;
	s6 =	sadd.s32 @!p0 $0x88, s6;
	s7 =	simm.s32 @p2 $0x1082  }
0x22: {  	[simem:s7], [sflag:s8] =	dma.local @!p0 [hbm:s6], $0xF7A  }
0x23: {  	s9 =	sor.u32 $0xD0000000, s2;
	s6 =	simm.s32 $0x108;
	_ =	swait.ge @!p0 [sflag:s8], $0x0  }
0x24: {  	s3 =	sadd.s32 $0x88, s3;
	s6 =	simm.s32 @!p1 $0x1082;
	[sflag:s4] =	ssyncset.s32 $0xFFFFF086  }
0x25: {  	[simem:s6], [sflag:s4] =	dma.local [hbm:s3], $0xF7A  }
0x26: {  	[smem:$0x3F97] =	sst s1;
	(tag) =	ssettag s2;
	_ =	strace s9  }
0x27: {  	s1 =	sld [smem:$0x3FA7]  }
0x28: {  	s2 =	sld [smem:$0x3FA8]  }
0x29: {  	s4 =	sld [smem:$0x3FAA]  }
0x2a: {  	p0 =	seq.s32 s5, $0x0;
	s5 =	sld [smem:$0x3FAB]  }
0x2b: {  	s6 =	sld [smem:$0x3FAC]  }
0x2c: {  	s7 =	sld [smem:$0x3FAD]  }
0x2d: {  	s3 =	simm.s32 $0x108;
	s8 =	sld [smem:$0x3FAE]  }
0x2e: {  	s3 =	simm.s32 @!p0 $0x1082;
	s9 =	sld [smem:$0x3FAF]  }
0x2f: {  	lr =	sadd.s32 s0, s3;
	s0 =	sld [smem:$0x3FA6]  }
0x30: {  	s3 =	sld [smem:$0x3FA9]  }
0x31: {  	[smem:$0x3FB2] =	sst s10  }
0x32: {  	s10 =	sld [smem:$0x3FB0];
	_ =	sdelay $0x3  }
0x33: {  	p0 =	seq.s32 s10, $0x1;
	s10 =	sld [smem:$0x3FB2];
	_ =	sdelay $0x3  }
0x34: {  	[smem:$0x3FB2] =	sst s10  }
0x35: {  	s10 =	sld [smem:$0x3FB1];
	_ =	sdelay $0x3  }
0x36: {  	p1 =	seq.s32 s10, $0x1;
	s10 =	sld [smem:$0x3FB2];
	_ =	sdelay $0x3  }
0x37: {  	[smem:$0x3FB2] =	sst s10  }
0x38: {  	s10 =	sld [smem:$0x3FB3]  }
0x39: {  	_ = 	snop;
	(pc) =	sbr.ind lr, $3  }
0x3a: {  	_ = 	snop  }
0x3b: {  	_ = 	snop  }
0x3c: {  	p2 =	seq.s32 s10, $0x1;
	s10 =	sld [smem:$0x3FB2]  }
0x3d: {  	_ =	shalt  }
0x3e: {  	_ =	shalt  }
0x3f: {  	_ =	shalt  }
0x40: {  	_ =	shalt  }
0x41: {  	_ =	shalt  }
0x42: {  	_ =	shalt  }
0x43: {  	_ =	shalt  }
0x44: {  	_ =	shalt  }
0x45: {  	_ =	shalt  }
0x46: {  	_ =	shalt  }
0x47: {  	_ =	shalt  }
0x48: {  	_ =	shalt  }
0x49: {  	_ =	shalt  }
0x4a: {  	_ =	shalt  }
0x4b: {  	_ =	shalt  }
0x4c: {  	_ =	shalt  }
0x4d: {  	_ =	shalt  }
0x4e: {  	_ =	shalt  }
0x4f: {  	_ =	shalt  }
0x50: {  	_ =	shalt  }
0x51: {  	_ =	shalt  }
0x52: {  	_ =	shalt  }
0x53: {  	_ =	shalt  }
0x54: {  	_ =	shalt  }
0x55: {  	_ =	shalt  }
0x56: {  	_ =	shalt  }
0x57: {  	_ =	shalt  }
0x58: {  	_ =	shalt  }
0x59: {  	_ =	shalt  }
0x5a: {  	_ =	shalt  }
0x5b: {  	_ =	shalt  }
0x5c: {  	_ =	shalt  }
0x5d: {  	_ =	shalt  }
0x5e: {  	_ =	shalt  }
0x5f: {  	_ =	shalt  }
0x60: {  	_ =	shalt  }
0x61: {  	_ =	shalt  }
0x62: {  	_ =	shalt  }
0x63: {  	_ =	shalt  }
0x64: {  	_ =	shalt  }
0x65: {  	_ =	shalt  }
0x66: {  	_ =	shalt  }
0x67: {  	_ =	shalt  }
0x68: {  	_ =	shalt  }
0x69: {  	_ =	shalt  }
0x6a: {  	_ =	shalt  }
0x6b: {  	_ =	shalt  }
0x6c: {  	_ =	shalt  }
0x6d: {  	_ =	shalt  }
0x6e: {  	_ =	shalt  }
0x6f: {  	_ =	shalt  }
0x70: {  	_ =	shalt  }
0x71: {  	_ =	shalt  }
0x72: {  	_ =	shalt  }
0x73: {  	_ =	shalt  }
0x74: {  	_ =	shalt  }
0x75: {  	_ =	shalt  }
0x76: {  	_ =	shalt  }
0x77: {  	_ =	shalt  }
0x78: {  	_ =	shalt  }
0x79: {  	_ =	shalt  }
0x7a: {  	_ =	shalt  }
0x7b: {  	_ =	shalt  }
0x7c: {  	_ =	shalt  }
0x7d: {  	_ =	shalt  }
0x7e: {  	_ =	shalt  }
0x7f: {  	_ =	shalt  }
0x80: {  	_ =	shalt  }
0x81: {  	_ =	shalt  }
0x82: {  	_ =	shalt  }
0x83: {  	_ =	shalt  }
0x84: {  	_ =	shalt  }
0x85: {  	_ =	shalt  }
0x86: {  	_ =	shalt  }
0x87: {  	_ =	shalt  }
.Lfunc_end0:
.L_simem_size_0:
called_computation.2_lowered:
.L_overlay_start_0:
0x88: {  	s2 =	sld [smem:$0x3FD9]  }
0x89: {  	s3 =	sld [smem:$0x3FFE];
	_ =	sdelay $0x1  }
0x8a: {  	s1 =	srdreg.scid  }
0x8b: {  	s0 =	sand.u32 $0x1, s1  }
0x8c: {  	s16 =	sshll.u32 s0, $0xA;
	s2 =	sadd.s32 s3, s2  }
0x8d: {  	s2 =	sadd.s32 s2, s16  }
0x8e: {  	[smem:$0x3FBE] =	sst s2  }
0x8f: {  	_ = 	snop  }
0x90: {  	(tm) =	ssettm $0x1  }
0x91: {  	s17 =	sld [smem:$0x3FFB];
	_ =	sdelay $0x3  }
0x92: {  	_ =	strace s17  }
0x93: {  	s2 =	sld [smem:$0x3FFC];
	_ =	sdelay $0x3  }
0x94: {  	_ =	strace s2  }
0x95: {  	s2 =	sld [smem:$0x3FFD];
	_ =	sdelay $0x3  }
0x96: {  	_ =	strace s2  }
0x97: {  	_ =	strace $0x8FFFFFFF  }
0x98: {  	s18 =	sld [smem:$0x3FDB];
	_ =	sdelay $0x1  }
0x99: {  	s19 =	simm.s32 $_scs_section_size  }
0x9a: {  	s4 =	simm.s32 $_size__tile_overlayer_lowered;
	s5 =	simm.s32 $_tile_overlayer_lowered  }
0x9b: {  	s22 =	simm.s32 $0x1BFF;
	s21 =	sshll.u32 s5, $0x1;
	s2 =	sadd.s32 s19, s18  }
0x9c: {  	s6 =	simm.s32 $0x0;
	s20 =	sshll.u32 s4, $0x1;
	s4 =	sadd.s32 s21, s2  }
0x9d: {  	[timem:s6], [sflag:s22] =	dma.local [hbm:s4], s20  }
0x9e: {  	_ =	swait.ge [sflag:s22], s20  }
0x9f: {  	s3 =	ssub.s32 $0x0, s20;
	[sflag:s22] =	ssyncset.done $0x0  }
0xa0: {  	[sflag:s22] =	ssyncadd.s32 s3;
	_ =	sdelay $0x1  }
0xa1: {  	s23 =	simm.s32 $0x1B8B  }
0xa2: {  	_ =	swait.ge [sflag:s23], $0x1  }
0xa3: {  	[sflag:s23] =	ssyncset.done $0x0  }
0xa4: {  	s25 =	simm.s32 $0x1B8E;
	s24 =	sld [smem:$0x3FFE];
	[sflag:s23] =	ssyncadd.s32 $0xFFFFFFFF  }
0xa5: {  	s26 =	simm.s32 $execute0_lowered;
	[smem:$0x3FD2] =	sst s25  }
0xa6: {  	s4 =	sshll.u32 s26, $0x1;
	_ =	strace $0x8000004C;
	[dreg:$0x1] =	wrdreg $0xFFFFFFFF  }
0xa7: {  	s28 =	simm.s32 $_size_execute0_lowered;
	s2 =	sadd.s32 s2, s4;
	[dreg:$0x0] =	wrdreg $0x0  }
0xa8: {  	s4 =	sshll.u32 s28, $0x1;
	[dreg:$0x2] =	wrdreg s2  }
0xa9: {  	[dreg:$0x3] =	wrdreg s4  }
0xaa: {  	[dreg:$0x4] =	wrdreg $0xC0  }
0xab: {  	_ =	task [dreg:s6], $0x5FFFF  }
0xac: {  	[dreg:$0x1] =	wrdreg $0xFFFFFFFF  }
0xad: {  	[dreg:$0x0] =	wrdreg $0x60  }
0xae: {  	[dreg:$0x2] =	wrdreg s24  }
0xaf: {  	[dreg:$0x3] =	wrdreg $0x164000  }
0xb0: {  	[dreg:$0x4] =	wrdreg $0x9  }
0xb1: {  	_ =	task.clear_ibuf [dreg:s6], $0x5FFFF;
	_ =	strace $0x9000004C  }
0xb2: {  	s29 =	simm.s32 $0x9;
	_ =	strace $0x8000004E  }
0xb3: {  	_ =	swait.ge [sflag:s29], $0x1  }
0xb4: {  	[sflag:s29] =	ssyncadd.s32 $0xFFFFFFFF  }
0xb5: {  	_ =	strace $0x9000004E  }
0xb6: {  	_ =	sfence  }
0xb7: {  	s30 =	sld [smem:$0x0];
	_ =	sdelay $0x2  }
0xb8: {  	s31 =	sshll.u32 s1, $0xD;
	s1 =	sshrl.u32 s1, $0x2  }
0xb9: {  	s3 =	sand.u32 $0x4000, s31;
	s1 =	sadd.s32 s1, s30  }
0xba: {  	s0 =	sor.u32 s3, s0;
	s1 =	sshll.u32 s1, $0x11  }
0xbb: {  	s0 =	sor.u32 s1, s0  }
0xbc: {  	s0 =	sadd.s32 $0x8F2B, s0  }
0xbd: {  	[sflag:s0] =	ssyncadd.remote.s32 $0x1  }
0xbe: {  	_ =	sfence.sel $0xFFFF  }
0xbf: {  	[dreg:$0x0] =	wrdreg $0xFFFFFFFF;
	(pc) =	sbr.abs _section_cstart, $3  }
0xc0: {  	[dreg:$0x1] =	wrdreg $0xFFFFFFFF  }
0xc1: {  	_ =	task.clear_ibuf [dreg:s6], $0x2FFFF;
	_ =	strace $0x9FFFFFFF  }
0xc2: {  	(tm) =	ssettm $0x7FFFFFFF  }
0xc3: {  	_ =	shalt  }
tec
execute0_lowered:
.L_overlay_start_1:
0x0: {  	(tag) =	ssettag $0x1  }
0x1: {  	s0 =	rddreg [dreg:$0x0]  }
0x2: {  	s1 =	srdreg.scid;
	s2 =	rddreg [dreg:$0x1]  }
0x3: {  	s19 =	stileid.u32;
	s3 =	simm.s32 $0x0;
	s20 =	simm.s32 $0x13000  }
0x4: {  	s21 =	simm.s32 $0x6400;
	s22 =	simm.s32 $0x64;
	s28 =	simm.s32 $0x6380  }
0x5: {  	s29 =	simm.s32 $0xC700;
	s30 =	simm.s32 $0xC780;
	s5 =	smul.u32 $0xC80, s19  }
0x6: {  	s31 =	simm.s32 $0x0;
	s1 =	sand.u32 $0x1, s1;
	s8 =	smul.u32 $0x13000, s19  }
0x7: {  	[smem:$0x7FF] =	sst s3;
	s15 =	sadd.s32 $0x6A600, s0;
	s10 =	smul.u32 $0x98, s19  }
0x8: {  	p0 =	sne.s32 s19, $0xF;
	s4 =	sshll.u32 s1, $0x5;
	s11 =	smul.u32 $0x1388, s1  }
0x9: {  	_ =	strace $0x8000004D;
	s23 =	ssub.s32 $0x2, s1;
	s1 =	smul.u32 $0x9C400, s1  }
0xa: {  	s4 =	sor.u32 s19, s4;
	s7 =	sadd.s32 s5, s0;
	s5 =	sadd.s32 $0x5CC00, s0  }
0xb: {  	s9 =	sshrl.u32 s23, $0x1;
	s8 =	sshrl.u32 s8, $0x2;
	s19 =	simm.s32 $0x3  }
0xc: {  	s6 =	smul.u32 $0xC80, s4;
	s4 =	sadd.s32 $0x35A00, s0;
	s18 =	ssub.s32 s23, s9  }
0xd: {  	s24 =	sadd.s32 $0x5DE00, s7;
	s7 =	sadd.s32 s8, s2;
	s9 =	sadd.s32 $0x4C000, s2  }
0xe: {  	s11 =	sadd.s32 s10, s11;
	s1 =	sshrl.u32 s1, $0x3;
	s23 =	simm.s32 $0xC800  }
0xf: {  	[dreg:$0x3] =	wrdreg s24;
	s8 =	sadd.s32 $0x3400, s7;
	s16 =	sshll.u32 s11, $0x4  }
0x10: {  	s1 =	sadd.s32 s15, s1;
	s18 =	smax.u32 s18, $0x1;
	s24 =	simm.s32 $0xFC00  }
0x11: {  	s14 =	sadd.s32 s6, s0;
	s26 =	sadd.s32 s15, s16;
	s0 =	sadd.s32 $0x6AC80, s0  }
0x12: {  	s13 =	sadd.s32 $0x9800, s1;
	s17 =	sadd.s32 $0x13480, s1;
	s25 =	sadd.s32 $0x3A00, s14  }
0x13: {  	[dreg:$0x5] =	wrdreg s26;
	s12 =	sadd.s32 s16, s0;
	s16 =	sadd.s32 $0x9C80, s16  }
0x14: {  	s14 =	sadd.s32 $0x10200, s14;
	s26 =	simm.s32 $0x2;
	[dreg:$0x4] =	wrdreg s25  }
0x15: {  	s15 =	sadd.s32 s15, s16;
	s16 =	sadd.s32 s16, s0;
	s25 =	simm.s32 $0x1  }
.LBB2_1:
0x16: {  	s0 =	rddreg [dreg:$0x3]  }
0x17: {  	[tilespmem:s3], [sflag:$0x3] =	stream.linear.gather [hbm4b:s0+s3], $0x6400, $0x38;
	[tilespmem:$0x1B248] =	vst v63  }
0x18: {  	_ =	swait.ge [sflag:s19], $0x6400  }
0x19: {  	[sflag:s19] =	ssyncset.done $0x0  }
0x1a: {  	[sflag:s19] =	ssyncadd.s32 $0xFFFF9C00  }
0x1b: {  	[tilespmem:s20], [sflag:$0x3] =	stream.linear.gather [hbm4b:s5+s3], $0x3400, $0x38;
	[tilespmem:$0x1B248] =	vst v63  }
0x1c: {  	_ =	swait.ge [sflag:s19], $0x3400  }
0x1d: {  	[sflag:s19] =	ssyncset.done $0x0  }
0x1e: {  	[sflag:s19] =	ssyncadd.s32 $0xFFFFCC00  }
0x1f: {  	[spmem:s7] =	stream.linear.scatter [tilespmem:s20], [sflag:$0x3], $0x3400, $0x38;
	[tilespmem:$0x1B248] =	vst v63  }
0x20: {  	_ =	swait.ge [sflag:s19], $0x3400  }
0x21: {  	[sflag:s19] =	ssyncset.done $0x0  }
0x22: {  	[sflag:s19] =	ssyncadd.s32 $0xFFFFCC00  }
0x23: {  	[spmem:s8] =	stream.linear.scatter [tilespmem:s20], [sflag:$0x3], $0x1800, $0x38;
	[tilespmem:$0x1B248] =	vst v63  }
0x24: {  	_ =	swait.ge [sflag:s19], $0x1800  }
0x25: {  	[sflag:s19] =	ssyncset.done $0x0  }
0x26: {  	s0 =	simm.s32 @!p0 $0x13000;
	[sflag:s19] =	ssyncadd.s32 $0xFFFFE800  }
0x27: {  	[spmem:s9] =	stream.linear.scatter @!p0 [tilespmem:s0], [sflag:$0x3], $0x2400, $0x38;
	[tilespmem:$0x1B248] =	vst v63  }
0x28: {  	s0 =	simm.s32 @!p0 $0x3  }
0x29: {  	_ =	swait.ge @!p0 [sflag:s0], $0x2400  }
0x2a: {  	[sflag:s0] =	ssyncset.done @!p0 $0x0  }
0x2b: {  	s11 =	rddreg [dreg:$0x4];
	[sflag:s0] =	ssyncadd.s32 @!p0 $0xFFFFDC00  }
0x2c: {  	[tilespmem:s21], [sflag:$0x3] =	stream.linear.gather [hbm4b:s11+s3], $0x6400, $0x38;
	[tilespmem:$0x1B248] =	vst v63  }
0x2d: {  	_ =	swait.ge [sflag:s19], $0x6400  }
0x2e: {  	[sflag:s19] =	ssyncset.done $0x0  }
0x2f: {  	[sflag:s19] =	ssyncadd.s32 $0xFFFF9C00  }
0x30: {  	[bflag:$0x0] =	sbarrier.arrive $0xFFFF  }
0x31: {  	[tilespmem:s23], [sflag:$0x1] =	stream.indirect.gather [hbm4b:s4+s22], $0x80, s3, s22, $0xb8;
	[tilespmem:$0x1B248] =	vst v63  }
0x32: {  	s1 =	simm.s32 $0x80  }
0x33: {  	[tilespmem:s24], [sflag:$0x2] =	stream.indirect.gather [hbm4b:s4+s22], $0x80, s1, s22, $0xb8;
	[tilespmem:$0x1B248] =	vst v63  }
0x34: {  	_ =	swait.ge [sflag:s25], $0x3200  }
0x35: {  	[sflag:s25] =	ssyncset.done $0x0  }
0x36: {  	s6 =	simm.s32 $0x6400;
	[sflag:s25] =	ssyncadd.s32 $0xFFFFCE00  }
0x37: {  	[spmem:s2] =	stream.indirect.scatter.add.f32 [tilespmem:s23], [sflag:$0x3], $0x80, s6, s22, $0xb8;
	[tilespmem:$0x1B248] =	vst v63  }
0x38: {  	_ =	swait.ge [sflag:s19], $0x3200  }
0x39: {  	[sflag:s19] =	ssyncset.done $0x0  }
0x3a: {  	s10 =	simm.s32 $0x100;
	[sflag:s19] =	ssyncadd.s32 $0xFFFFCE00  }
0x3b: {  	[tilespmem:s23], [sflag:$0x1] =	stream.indirect.gather [hbm4b:s4+s22], $0x80, s10, s22, $0xb8;
	[tilespmem:$0x1B248] =	vst v63  }
0x3c: {  	_ =	swait.ge [sflag:s26], $0x3200  }
0x3d: {  	[sflag:s26] =	ssyncset.done $0x0  }
0x3e: {  	s11 =	simm.s32 $0x6480;
	[sflag:s26] =	ssyncadd.s32 $0xFFFFCE00  }
0x3f: {  	[spmem:s2] =	stream.indirect.scatter.add.f32 [tilespmem:s24], [sflag:$0x3], $0x80, s11, s22, $0xb8;
	[tilespmem:$0x1B248] =	vst v63  }
0x40: {  	_ =	swait.ge [sflag:s19], $0x3200  }
0x41: {  	s0 =	simm.s32 $0x100;
	s1 =	simm.s32 $0x800;
	[sflag:s19] =	ssyncset.done $0x0  }
.LBB2_2:
0x42: {  	s6 =	sadd.s32 $0x80, s0  }
0x43: {  	[sflag:s19] =	ssyncadd.s32 $0xFFFFCE00;
	s10 =	smov.u32 s1;
	s11 =	sadd.s32 $0x400, s1  }
0x44: {  	[tilespmem:s24], [sflag:$0x2] =	stream.indirect.gather [hbm4b:s4+s22], $0x80, s6, s22, $0xb8;
	[tilespmem:$0x1B248] =	vst v63  }
0x45: {  	p1 =	sne.s32 s1, $0x18800;
	_ =	swait.ge [sflag:s25], $0x3200  }
0x46: {  	[sflag:s25] =	ssyncset.done $0x0  }
0x47: {  	s1 =	sadd.s32 $0x6400, s0;
	[sflag:s25] =	ssyncadd.s32 $0xFFFFCE00  }
0x48: {  	[spmem:s2] =	stream.indirect.scatter.add.f32 [tilespmem:s23], [sflag:$0x3], $0x80, s1, s22, $0xb8;
	[tilespmem:$0x1B248] =	vst v63  }
0x49: {  	_ =	swait.ge [sflag:s19], $0x3200  }
0x4a: {  	[sflag:s19] =	ssyncset.done $0x0  }
0x4b: {  	s1 =	sadd.s32 $0x100, s0;
	[sflag:s19] =	ssyncadd.s32 $0xFFFFCE00  }
0x4c: {  	[tilespmem:s23], [sflag:$0x1] =	stream.indirect.gather [hbm4b:s4+s22], $0x80, s1, s22, $0xb8;
	[tilespmem:$0x1B248] =	vst v63  }
0x4d: {  	_ =	swait.ge [sflag:s26], $0x3200  }
.Ltmp0:
0x4e: {  	[sflag:s26] =	ssyncset.done $0x0;
	(pc) =	sbr.rel @p1 .LBB2_2-.Ltmp0, $4  }
0x4f: {  	s0 =	sadd.s32 $0x6480, s0;
	[sflag:s26] =	ssyncadd.s32 $0xFFFFCE00  }
0x50: {  	[spmem:s2] =	stream.indirect.scatter.add.f32 [tilespmem:s24], [sflag:$0x3], $0x80, s0, s22, $0xb8;
	[tilespmem:$0x1B248] =	vst v63  }
0x51: {  	_ =	swait.ge [sflag:s19], $0x3200  }
0x52: {  	s1 =	smov.u32 s11;
	s0 =	sshra.s32 s10, $0x2;
	[sflag:s19] =	ssyncset.done $0x0  }
0x53: {  	s1 =	sadd.s32 $0x80, s0;
	[sflag:s19] =	ssyncadd.s32 $0xFFFFCE00  }
0x54: {  	[tilespmem:s24], [sflag:$0x2] =	stream.indirect.gather [hbm4b:s4+s22], $0x80, s1, s22, $0xb8;
	[tilespmem:$0x1B248] =	vst v63  }
0x55: {  	_ =	swait.ge [sflag:s25], $0x3200  }
0x56: {  	[sflag:s25] =	ssyncset.done $0x0  }
0x57: {  	s10 =	sadd.s32 $0x6400, s0;
	[sflag:s25] =	ssyncadd.s32 $0xFFFFCE00  }
0x58: {  	[spmem:s2] =	stream.indirect.scatter.add.f32 [tilespmem:s23], [sflag:$0x3], $0x80, s10, s22, $0xb8;
	[tilespmem:$0x1B248] =	vst v63  }
0x59: {  	_ =	swait.ge [sflag:s19], $0x3200  }
0x5a: {  	[sflag:s19] =	ssyncset.done $0x0  }
0x5b: {  	s11 =	sadd.s32 $0x100, s0;
	[sflag:s19] =	ssyncadd.s32 $0xFFFFCE00  }
0x5c: {  	[tilespmem:s23], [sflag:$0x1] =	stream.indirect.gather [hbm4b:s4+s22], $0x80, s11, s22, $0xb8;
	[tilespmem:$0x1B248] =	vst v63  }
0x5d: {  	_ =	swait.ge [sflag:s26], $0x3200  }
0x5e: {  	[sflag:s26] =	ssyncset.done $0x0  }
0x5f: {  	s6 =	sadd.s32 $0x6480, s0;
	[sflag:s26] =	ssyncadd.s32 $0xFFFFCE00  }
0x60: {  	[spmem:s2] =	stream.indirect.scatter.add.f32 [tilespmem:s24], [sflag:$0x3], $0x80, s6, s22, $0xb8;
	[tilespmem:$0x1B248] =	vst v63  }
0x61: {  	_ =	swait.ge [sflag:s19], $0x3200  }
0x62: {  	[sflag:s19] =	ssyncset.done $0x0  }
0x63: {  	[sflag:s19] =	ssyncadd.s32 $0xFFFFCE00  }
0x64: {  	[tilespmem:s24], [sflag:$0x2] =	stream.indirect.gather [hbm4b:s4+s22], $0x80, s28, s22, $0xb8;
	[tilespmem:$0x1B248] =	vst v63  }
0x65: {  	_ =	swait.ge [sflag:s25], $0x3200  }
0x66: {  	[sflag:s25] =	ssyncset.done $0x0  }
0x67: {  	[sflag:s25] =	ssyncadd.s32 $0xFFFFCE00  }
0x68: {  	[spmem:s2] =	stream.indirect.scatter.add.f32 [tilespmem:s23], [sflag:$0x3], $0x80, s29, s22, $0xb8;
	[tilespmem:$0x1B248] =	vst v63  }
0x69: {  	_ =	swait.ge [sflag:s19], $0x3200  }
0x6a: {  	[sflag:s19] =	ssyncset.done $0x0  }
0x6b: {  	[sflag:s19] =	ssyncadd.s32 $0xFFFFCE00  }
0x6c: {  	_ =	swait.ge [sflag:s26], $0x3200  }
0x6d: {  	[sflag:s26] =	ssyncset.done $0x0  }
0x6e: {  	[sflag:s26] =	ssyncadd.s32 $0xFFFFCE00  }
0x6f: {  	[spmem:s2] =	stream.indirect.scatter.add.f32 [tilespmem:s24], [sflag:$0x3], $0x80, s30, s22, $0xb8;
	[tilespmem:$0x1B248] =	vst v63  }
0x70: {  	_ =	swait.ge [sflag:s19], $0x3200  }
0x71: {  	[sflag:s19] =	ssyncset.done $0x0  }
0x72: {  	[sflag:s19] =	ssyncadd.s32 $0xFFFFCE00  }
0x73: {  	[bflag:$0x0] =	sbarrier.arrive $0xFFFF  }
0x74: {  	[tilespmem:s20], [sflag:$0x3] =	stream.linear.gather [spmem:s7], $0x3400, $0x38;
	[tilespmem:$0x1B248] =	vst v63  }
0x75: {  	_ =	swait.ge [sflag:s19], $0x3400  }
0x76: {  	[sflag:s19] =	ssyncset.done $0x0  }
0x77: {  	s10 =	rddreg [dreg:$0x5];
	[sflag:s19] =	ssyncadd.s32 $0xFFFFCC00  }
0x78: {  	[hbm4b:s10+s3] =	stream.linear.scatter [tilespmem:s20], [sflag:$0x3], $0x3400, $0x38;
	[tilespmem:$0x1B248] =	vst v63  }
0x79: {  	_ =	swait.ge [sflag:s19], $0x3400  }
0x7a: {  	[sflag:s19] =	ssyncset.done $0x0  }
0x7b: {  	[sflag:s19] =	ssyncadd.s32 $0xFFFFCC00  }
0x7c: {  	[tilespmem:s20], [sflag:$0x3] =	stream.linear.gather [spmem:s8], $0x1800, $0x38;
	[tilespmem:$0x1B248] =	vst v63  }
0x7d: {  	_ =	swait.ge [sflag:s19], $0x1800  }
0x7e: {  	[sflag:s19] =	ssyncset.done $0x0  }
0x7f: {  	[sflag:s19] =	ssyncadd.s32 $0xFFFFE800  }
0x80: {  	[hbm4b:s12+s3] =	stream.linear.scatter [tilespmem:s20], [sflag:$0x3], $0x1800, $0x38;
	[tilespmem:$0x1B248] =	vst v63  }
0x81: {  	_ =	swait.ge [sflag:s19], $0x1800  }
0x82: {  	[sflag:s19] =	ssyncset.done $0x0  }
0x83: {  	s0 =	simm.s32 @!p0 $0x13000;
	s1 =	simm.s32 @!p0 $0x3;
	[sflag:s19] =	ssyncadd.s32 $0xFFFFE800  }
0x84: {  	[tilespmem:s0], [sflag:$0x3] =	stream.linear.gather @!p0 [spmem:s9], $0x2400, $0x38;
	[tilespmem:$0x1B248] =	vst v63  }
0x85: {  	_ =	swait.ge @!p0 [sflag:s1], $0x2400  }
0x86: {  	[sflag:s1] =	ssyncset.done @!p0 $0x0  }
0x87: {  	s6 =	simm.s32 @!p0 $0x0;
	[sflag:s1] =	ssyncadd.s32 @!p0 $0xFFFFDC00  }
0x88: {  	[hbm4b:s13+s6] =	stream.linear.scatter @!p0 [tilespmem:s0], [sflag:$0x3], $0x2400, $0x38;
	[tilespmem:$0x1B248] =	vst v63  }
0x89: {  	_ =	swait.ge @!p0 [sflag:s1], $0x2400  }
0x8a: {  	[sflag:s1] =	ssyncset.done @!p0 $0x0  }
0x8b: {  	[sflag:s1] =	ssyncadd.s32 @!p0 $0xFFFFDC00  }
0x8c: {  	[bflag:$0x0] =	sbarrier.arrive $0xFFFF  }
0x8d: {  	[tilespmem:s20], [sflag:$0x3] =	stream.linear.gather [hbm4b:s5+s3], $0x3400, $0x38;
	[tilespmem:$0x1B248] =	vst v63  }
0x8e: {  	_ =	swait.ge [sflag:s19], $0x3400  }
0x8f: {  	[sflag:s19] =	ssyncset.done $0x0  }
0x90: {  	[sflag:s19] =	ssyncadd.s32 $0xFFFFCC00  }
0x91: {  	[spmem:s7] =	stream.linear.scatter [tilespmem:s20], [sflag:$0x3], $0x3400, $0x38;
	[tilespmem:$0x1B248] =	vst v63  }
0x92: {  	_ =	swait.ge [sflag:s19], $0x3400  }
0x93: {  	[sflag:s19] =	ssyncset.done $0x0  }
0x94: {  	[sflag:s19] =	ssyncadd.s32 $0xFFFFCC00  }
0x95: {  	[spmem:s8] =	stream.linear.scatter [tilespmem:s20], [sflag:$0x3], $0x1800, $0x38;
	[tilespmem:$0x1B248] =	vst v63  }
0x96: {  	_ =	swait.ge [sflag:s19], $0x1800  }
0x97: {  	[sflag:s19] =	ssyncset.done $0x0  }
0x98: {  	[sflag:s19] =	ssyncadd.s32 $0xFFFFE800  }
0x99: {  	[spmem:s9] =	stream.linear.scatter @!p0 [tilespmem:s0], [sflag:$0x3], $0x2000, $0x38;
	[tilespmem:$0x1B248] =	vst v63  }
0x9a: {  	_ =	swait.ge @!p0 [sflag:s1], $0x2000  }
0x9b: {  	[sflag:s1] =	ssyncset.done @!p0 $0x0  }
0x9c: {  	s11 =	simm.s32 $0x0;
	[sflag:s1] =	ssyncadd.s32 @!p0 $0xFFFFE000  }
0x9d: {  	[tilespmem:s21], [sflag:$0x3] =	stream.linear.gather [hbm4b:s14+s11], $0x6400, $0x38;
	[tilespmem:$0x1B248] =	vst v63  }
0x9e: {  	_ =	swait.ge [sflag:s19], $0x6400  }
0x9f: {  	[sflag:s19] =	ssyncset.done $0x0  }
0xa0: {  	[sflag:s19] =	ssyncadd.s32 $0xFFFF9C00  }
0xa1: {  	[bflag:$0x0] =	sbarrier.arrive $0xFFFF  }
0xa2: {  	[tilespmem:s23], [sflag:$0x1] =	stream.indirect.gather [hbm4b:s4+s22], $0x80, s11, s22, $0xb8;
	[tilespmem:$0x1B248] =	vst v63  }
0xa3: {  	s1 =	simm.s32 $0x80  }
0xa4: {  	[tilespmem:s24], [sflag:$0x2] =	stream.indirect.gather [hbm4b:s4+s22], $0x80, s1, s22, $0xb8;
	[tilespmem:$0x1B248] =	vst v63  }
0xa5: {  	_ =	swait.ge [sflag:s25], $0x3200  }
0xa6: {  	[sflag:s25] =	ssyncset.done $0x0  }
0xa7: {  	s6 =	simm.s32 $0x6400;
	[sflag:s25] =	ssyncadd.s32 $0xFFFFCE00  }
0xa8: {  	[spmem:s2] =	stream.indirect.scatter.add.f32 [tilespmem:s23], [sflag:$0x3], $0x80, s6, s22, $0xb8;
	[tilespmem:$0x1B248] =	vst v63  }
0xa9: {  	_ =	swait.ge [sflag:s19], $0x3200  }
0xaa: {  	[sflag:s19] =	ssyncset.done $0x0  }
0xab: {  	s10 =	simm.s32 $0x100;
	[sflag:s19] =	ssyncadd.s32 $0xFFFFCE00  }
0xac: {  	[tilespmem:s23], [sflag:$0x1] =	stream.indirect.gather [hbm4b:s4+s22], $0x80, s10, s22, $0xb8;
	[tilespmem:$0x1B248] =	vst v63  }
0xad: {  	_ =	swait.ge [sflag:s26], $0x3200  }
0xae: {  	[sflag:s26] =	ssyncset.done $0x0  }
0xaf: {  	s11 =	simm.s32 $0x6480;
	[sflag:s26] =	ssyncadd.s32 $0xFFFFCE00  }
0xb0: {  	[spmem:s2] =	stream.indirect.scatter.add.f32 [tilespmem:s24], [sflag:$0x3], $0x80, s11, s22, $0xb8;
	[tilespmem:$0x1B248] =	vst v63  }
0xb1: {  	_ =	swait.ge [sflag:s19], $0x3200  }
0xb2: {  	s0 =	simm.s32 $0x100;
	s1 =	simm.s32 $0x800;
	[sflag:s19] =	ssyncset.done $0x0  }
.LBB2_4:
0xb3: {  	s6 =	sadd.s32 $0x80, s0  }
0xb4: {  	[sflag:s19] =	ssyncadd.s32 $0xFFFFCE00;
	s10 =	smov.u32 s1;
	s11 =	sadd.s32 $0x400, s1  }
0xb5: {  	[tilespmem:s24], [sflag:$0x2] =	stream.indirect.gather [hbm4b:s4+s22], $0x80, s6, s22, $0xb8;
	[tilespmem:$0x1B248] =	vst v63  }
0xb6: {  	p1 =	sne.s32 s1, $0x18800;
	_ =	swait.ge [sflag:s25], $0x3200  }
0xb7: {  	[sflag:s25] =	ssyncset.done $0x0  }
0xb8: {  	s1 =	sadd.s32 $0x6400, s0;
	[sflag:s25] =	ssyncadd.s32 $0xFFFFCE00  }
0xb9: {  	[spmem:s2] =	stream.indirect.scatter.add.f32 [tilespmem:s23], [sflag:$0x3], $0x80, s1, s22, $0xb8;
	[tilespmem:$0x1B248] =	vst v63  }
0xba: {  	_ =	swait.ge [sflag:s19], $0x3200  }
0xbb: {  	[sflag:s19] =	ssyncset.done $0x0  }
0xbc: {  	s1 =	sadd.s32 $0x100, s0;
	[sflag:s19] =	ssyncadd.s32 $0xFFFFCE00  }
0xbd: {  	[tilespmem:s23], [sflag:$0x1] =	stream.indirect.gather [hbm4b:s4+s22], $0x80, s1, s22, $0xb8;
	[tilespmem:$0x1B248] =	vst v63  }
0xbe: {  	_ =	swait.ge [sflag:s26], $0x3200  }
.Ltmp1:
0xbf: {  	[sflag:s26] =	ssyncset.done $0x0;
	(pc) =	sbr.rel @p1 .LBB2_4-.Ltmp1, $4  }
0xc0: {  	s0 =	sadd.s32 $0x6480, s0;
	[sflag:s26] =	ssyncadd.s32 $0xFFFFCE00  }
0xc1: {  	[spmem:s2] =	stream.indirect.scatter.add.f32 [tilespmem:s24], [sflag:$0x3], $0x80, s0, s22, $0xb8;
	[tilespmem:$0x1B248] =	vst v63  }
0xc2: {  	_ =	swait.ge [sflag:s19], $0x3200  }
0xc3: {  	s1 =	smov.u32 s11;
	s0 =	sshra.s32 s10, $0x2;
	[sflag:s19] =	ssyncset.done $0x0  }
0xc4: {  	s1 =	sadd.s32 $0x80, s0;
	[sflag:s19] =	ssyncadd.s32 $0xFFFFCE00  }
0xc5: {  	[tilespmem:s24], [sflag:$0x2] =	stream.indirect.gather [hbm4b:s4+s22], $0x80, s1, s22, $0xb8;
	[tilespmem:$0x1B248] =	vst v63  }
0xc6: {  	_ =	swait.ge [sflag:s25], $0x3200  }
0xc7: {  	[sflag:s25] =	ssyncset.done $0x0  }
0xc8: {  	s6 =	sadd.s32 $0x6400, s0;
	[sflag:s25] =	ssyncadd.s32 $0xFFFFCE00  }
0xc9: {  	[spmem:s2] =	stream.indirect.scatter.add.f32 [tilespmem:s23], [sflag:$0x3], $0x80, s6, s22, $0xb8;
	[tilespmem:$0x1B248] =	vst v63  }
0xca: {  	_ =	swait.ge [sflag:s19], $0x3200  }
0xcb: {  	[sflag:s19] =	ssyncset.done $0x0  }
0xcc: {  	s10 =	sadd.s32 $0x100, s0;
	[sflag:s19] =	ssyncadd.s32 $0xFFFFCE00  }
0xcd: {  	[tilespmem:s23], [sflag:$0x1] =	stream.indirect.gather [hbm4b:s4+s22], $0x80, s10, s22, $0xb8;
	[tilespmem:$0x1B248] =	vst v63  }
0xce: {  	_ =	swait.ge [sflag:s26], $0x3200  }
0xcf: {  	[sflag:s26] =	ssyncset.done $0x0  }
0xd0: {  	s11 =	sadd.s32 $0x6480, s0;
	[sflag:s26] =	ssyncadd.s32 $0xFFFFCE00  }
0xd1: {  	[spmem:s2] =	stream.indirect.scatter.add.f32 [tilespmem:s24], [sflag:$0x3], $0x80, s11, s22, $0xb8;
	[tilespmem:$0x1B248] =	vst v63  }
0xd2: {  	_ =	swait.ge [sflag:s19], $0x3200  }
0xd3: {  	[sflag:s19] =	ssyncset.done $0x0  }
0xd4: {  	[sflag:s19] =	ssyncadd.s32 $0xFFFFCE00  }
0xd5: {  	[tilespmem:s24], [sflag:$0x2] =	stream.indirect.gather [hbm4b:s4+s22], $0x80, s28, s22, $0xb8;
	[tilespmem:$0x1B248] =	vst v63  }
0xd6: {  	_ =	swait.ge [sflag:s25], $0x3200  }
0xd7: {  	[sflag:s25] =	ssyncset.done $0x0  }
0xd8: {  	[sflag:s25] =	ssyncadd.s32 $0xFFFFCE00  }
0xd9: {  	[spmem:s2] =	stream.indirect.scatter.add.f32 [tilespmem:s23], [sflag:$0x3], $0x80, s29, s22, $0xb8;
	[tilespmem:$0x1B248] =	vst v63  }
0xda: {  	_ =	swait.ge [sflag:s19], $0x3200  }
0xdb: {  	[sflag:s19] =	ssyncset.done $0x0  }
0xdc: {  	[sflag:s19] =	ssyncadd.s32 $0xFFFFCE00  }
0xdd: {  	_ =	swait.ge [sflag:s26], $0x3200  }
0xde: {  	[sflag:s26] =	ssyncset.done $0x0  }
0xdf: {  	[sflag:s26] =	ssyncadd.s32 $0xFFFFCE00  }
0xe0: {  	[spmem:s2] =	stream.indirect.scatter.add.f32 [tilespmem:s24], [sflag:$0x3], $0x80, s30, s22, $0xb8;
	[tilespmem:$0x1B248] =	vst v63  }
0xe1: {  	_ =	swait.ge [sflag:s19], $0x3200  }
0xe2: {  	[sflag:s19] =	ssyncset.done $0x0  }
0xe3: {  	[sflag:s19] =	ssyncadd.s32 $0xFFFFCE00  }
0xe4: {  	[bflag:$0x0] =	sbarrier.arrive $0xFFFF  }
0xe5: {  	[tilespmem:s20], [sflag:$0x3] =	stream.linear.gather [spmem:s7], $0x3400, $0x38;
	[tilespmem:$0x1B248] =	vst v63  }
0xe6: {  	_ =	swait.ge [sflag:s19], $0x3400  }
0xe7: {  	[sflag:s19] =	ssyncset.done $0x0  }
0xe8: {  	[sflag:s19] =	ssyncadd.s32 $0xFFFFCC00  }
0xe9: {  	[hbm4b:s15+s3] =	stream.linear.scatter [tilespmem:s20], [sflag:$0x3], $0x3400, $0x38;
	[tilespmem:$0x1B248] =	vst v63  }
0xea: {  	_ =	swait.ge [sflag:s19], $0x3400  }
0xeb: {  	[sflag:s19] =	ssyncset.done $0x0  }
0xec: {  	[sflag:s19] =	ssyncadd.s32 $0xFFFFCC00  }
0xed: {  	[tilespmem:s20], [sflag:$0x3] =	stream.linear.gather [spmem:s8], $0x1800, $0x38;
	[tilespmem:$0x1B248] =	vst v63  }
0xee: {  	_ =	swait.ge [sflag:s19], $0x1800  }
0xef: {  	[sflag:s19] =	ssyncset.done $0x0  }
0xf0: {  	[sflag:s19] =	ssyncadd.s32 $0xFFFFE800  }
0xf1: {  	[hbm4b:s16+s3] =	stream.linear.scatter [tilespmem:s20], [sflag:$0x3], $0x1800, $0x38;
	[tilespmem:$0x1B248] =	vst v63  }
0xf2: {  	_ =	swait.ge [sflag:s19], $0x1800  }
0xf3: {  	[sflag:s19] =	ssyncset.done $0x0  }
0xf4: {  	s0 =	simm.s32 @!p0 $0x13000;
	s1 =	simm.s32 @!p0 $0x3;
	[sflag:s19] =	ssyncadd.s32 $0xFFFFE800  }
0xf5: {  	[tilespmem:s0], [sflag:$0x3] =	stream.linear.gather @!p0 [spmem:s9], $0x2000, $0x38;
	[tilespmem:$0x1B248] =	vst v63  }
0xf6: {  	_ =	swait.ge @!p0 [sflag:s1], $0x2000  }
0xf7: {  	s31 =	sadd.s32 $0x1, s31;
	[sflag:s1] =	ssyncset.done @!p0 $0x0  }
0xf8: {  	p1 =	sne.s32 s31, s18;
	s6 =	simm.s32 @!p0 $0x0;
	[sflag:s1] =	ssyncadd.s32 @!p0 $0xFFFFE000  }
0xf9: {  	[hbm4b:s17+s6] =	stream.linear.scatter @!p0 [tilespmem:s0], [sflag:$0x3], $0x2000, $0x38;
	[tilespmem:$0x1B248] =	vst v63  }
.Ltmp2:
0xfa: {  	_ =	swait.ge @!p0 [sflag:s1], $0x2000;
	(pc) =	sbr.rel @p1 .LBB2_1-.Ltmp2, $3  }
0xfb: {  	[sflag:s1] =	ssyncset.done @!p0 $0x0  }
0xfc: {  	[sflag:s1] =	ssyncadd.s32 @!p0 $0xFFFFE000  }
0xfd: {  	[bflag:$0x0] =	sbarrier.arrive $0xFFFF;
	_ =	sdelay $0x1  }
0xfe: {  	_ =	sfence.sel $0x180000  }
0xff: {  	[bflag:$0x0] =	sbarrier.arrive $0xFFFF  }
0x100: {  	_ =	strace $0x9000004D  }
0x101: {  	s0 =	stileid.u32;
	[bflag:$0x2] =	sbarrier.arrive $0xFFFF  }
0x102: {  	p0 =	sne.s32 s0, $0x0;
	s0 =	rddreg [dreg:$0x2]  }
0x103: {  	s0 =	sadd.s32 @!p0 $0x100000, s0  }
0x104: {  	[sflag:s0] =	ssyncadd.tile.s32 @!p0 $0x1;
	_ =	shalt  }
.Lfunc_end2:
_tile_overlayer_lowered:
.L_overlay_start_2:
0x105: {  	(tag) =	ssettag $0x2  }
0x106: {  	s0 =	rddreg [dreg:$0x0];
	s2 =	stileid.u32  }
0x107: {  	s1 =	rddreg [dreg:$0x1];
	p0 =	sne.s32 s2, $0x0  }
0x108: {  	s3 =	rddreg [dreg:$0x2];
	[bflag:$0x3] =	sbarrier.arrive $0xFFFF;
	s2 =	simm.s32 @!p0 $0x1C03  }
0x109: {  	[timem:s3], [sflag:s2] =	dma.local @!p0 [hbm:s0], s1  }
0x10a: {  	s0 =	simm.s32 @!p0 $0x3  }
0x10b: {  	_ =	swait.ge @!p0 [sflag:s0], s1  }
0x10c: {  	s1 =	ssub.s32 @!p0 $0x0, s1;
	[sflag:s0] =	ssyncset.done @!p0 $0x0  }
0x10d: {  	[sflag:s0] =	ssyncadd.s32 @!p0 s1  }
0x10e: {  	[bflag:$0x3] =	sbarrier.arrive $0xFFFF  }
0x10f: {  	_ =	shalt  }

// kernel: kernel.19.cloned.1.call-start
scs
__scs_entry_jumppad:
0x0: {  	(pc) =	sbr.rel $0x88, $3  }
0x1: {  	(tag) =	ssettag $0x0;
	lr =	simm.s32 $0x1  }
0x2: {  	[smem:$0x3F97] =	sst lr;
	_ =	strace $0xD0000000  }
0x3: {  	_ = 	snop  }
0x4: {  	_ = 	snop  }
0x5: {  	_ = 	snop  }
0x6: {  	_ = 	snop  }
0x7: {  	_ = 	snop  }
__scs_overlays_trampoline_lowered:
0x8: {  	[smem:$0x3FA6] =	sst s0  }
0x9: {  	[smem:$0x3FA7] =	sst s1  }
0xa: {  	[smem:$0x3FA8] =	sst s2  }
0xb: {  	[smem:$0x3FA9] =	sst s3  }
0xc: {  	[smem:$0x3FAA] =	sst s4  }
0xd: {  	[smem:$0x3FAB] =	sst s5  }
0xe: {  	[smem:$0x3FAC] =	sst s6  }
0xf: {  	[smem:$0x3FAD] =	sst s7  }
0x10: {  	[smem:$0x3FAE] =	sst s8  }
0x11: {  	[smem:$0x3FAF] =	sst s9;
	s0 =	simm.s32 @!p0 $0x0  }
0x12: {  	s1 =	sld [smem:$0x3F95];
	s0 =	simm.s32 @p0 $0x1  }
0x13: {  	[smem:$0x3FB0] =	sst s0;
	s0 =	simm.s32 @!p1 $0x0  }
0x14: {  	s2 =	sld [smem:$0x3F94];
	s0 =	simm.s32 @p1 $0x1  }
0x15: {  	[smem:$0x3FB1] =	sst s0;
	s0 =	simm.s32 @!p2 $0x0  }
0x16: {  	s3 =	sld [smem:$0x3FDB];
	s0 =	simm.s32 @p2 $0x1  }
0x17: {  	s4 =	simm.s32 $0x1BF5;
	[smem:$0x3FB3] =	sst s0  }
0x18: {  	s0 =	sld [smem:$0x3F96];
	_ =	swait.ge [sflag:s4], $0x0  }
0x19: {  	s7 =	sld [smem:$0x3F97]  }
0x1a: {  	s8 =	sadd.s32 $0xFFFFE003, lr  }
0x1b: {  	s9 =	sadd.s32 $0xFFFFFEF7, lr;
	s5 =	simm.s32 $0xFFFFFFFF;
	p2 =	slt.u32 s8, $0xFFFFF086  }
0x1c: {  	p1 =	slt.u32 s9, $0xF7A;
	s5 =	simm.s32 @!p2 $0x0  }
0x1d: {  	s5 =	simm.s32 @p1 $0x1;
	p0 =	seq.s32 s7, s2  }
0x1e: {  	s7 =	smul.u32 @!p0 $0xF7A, s2;
	p2 =	seq.s32 @!p0 s5, $0x0  }
0x1f: {  	s9 =	smul.u32 $0xF7A, s1;
	s8 =	simm.s32 @!p0 $0x1BF5;
	p2 =	por !p2, p0  }
0x20: {  	[sflag:s8] =	ssyncset.s32 @!p0 $0xFFFFF086;
	s6 =	sadd.s32 @!p0 s3, s7;
	s7 =	simm.s32 @!p0 $0x108  }
0x21: {  	s3 =	sadd.s32 s3, s9;
	s6 =	sadd.s32 @!p0 $0x88, s6;
	s7 =	simm.s32 @p2 $0x1082  }
0x22: {  	[simem:s7], [sflag:s8] =	dma.local @!p0 [hbm:s6], $0xF7A  }
0x23: {  	s9 =	sor.u32 $0xD0000000, s2;
	s6 =	simm.s32 $0x108;
	_ =	swait.ge @!p0 [sflag:s8], $0x0  }
0x24: {  	s3 =	sadd.s32 $0x88, s3;
	s6 =	simm.s32 @!p1 $0x1082;
	[sflag:s4] =	ssyncset.s32 $0xFFFFF086  }
0x25: {  	[simem:s6], [sflag:s4] =	dma.local [hbm:s3], $0xF7A  }
0x26: {  	[smem:$0x3F97] =	sst s1;
	(tag) =	ssettag s2;
	_ =	strace s9  }
0x27: {  	s1 =	sld [smem:$0x3FA7]  }
0x28: {  	s2 =	sld [smem:$0x3FA8]  }
0x29: {  	s4 =	sld [smem:$0x3FAA]  }
0x2a: {  	p0 =	seq.s32 s5, $0x0;
	s5 =	sld [smem:$0x3FAB]  }
0x2b: {  	s6 =	sld [smem:$0x3FAC]  }
0x2c: {  	s7 =	sld [smem:$0x3FAD]  }
0x2d: {  	s3 =	simm.s32 $0x108;
	s8 =	sld [smem:$0x3FAE]  }
0x2e: {  	s3 =	simm.s32 @!p0 $0x1082;
	s9 =	sld [smem:$0x3FAF]  }
0x2f: {  	lr =	sadd.s32 s0, s3;
	s0 =	sld [smem:$0x3FA6]  }
0x30: {  	s3 =	sld [smem:$0x3FA9]  }
0x31: {  	[smem:$0x3FB2] =	sst s10  }
0x32: {  	s10 =	sld [smem:$0x3FB0];
	_ =	sdelay $0x3  }
0x33: {  	p0 =	seq.s32 s10, $0x1;
	s10 =	sld [smem:$0x3FB2];
	_ =	sdelay $0x3  }
0x34: {  	[smem:$0x3FB2] =	sst s10  }
0x35: {  	s10 =	sld [smem:$0x3FB1];
	_ =	sdelay $0x3  }
0x36: {  	p1 =	seq.s32 s10, $0x1;
	s10 =	sld [smem:$0x3FB2];
	_ =	sdelay $0x3  }
0x37: {  	[smem:$0x3FB2] =	sst s10  }
0x38: {  	s10 =	sld [smem:$0x3FB3]  }
0x39: {  	_ = 	snop;
	(pc) =	sbr.ind lr, $3  }
0x3a: {  	_ = 	snop  }
0x3b: {  	_ = 	snop  }
0x3c: {  	p2 =	seq.s32 s10, $0x1;
	s10 =	sld [smem:$0x3FB2]  }
0x3d: {  	_ =	shalt  }
0x3e: {  	_ =	shalt  }
0x3f: {  	_ =	shalt  }
0x40: {  	_ =	shalt  }
0x41: {  	_ =	shalt  }
0x42: {  	_ =	shalt  }
0x43: {  	_ =	shalt  }
0x44: {  	_ =	shalt  }
0x45: {  	_ =	shalt  }
0x46: {  	_ =	shalt  }
0x47: {  	_ =	shalt  }
0x48: {  	_ =	shalt  }
0x49: {  	_ =	shalt  }
0x4a: {  	_ =	shalt  }
0x4b: {  	_ =	shalt  }
0x4c: {  	_ =	shalt  }
0x4d: {  	_ =	shalt  }
0x4e: {  	_ =	shalt  }
0x4f: {  	_ =	shalt  }
0x50: {  	_ =	shalt  }
0x51: {  	_ =	shalt  }
0x52: {  	_ =	shalt  }
0x53: {  	_ =	shalt  }
0x54: {  	_ =	shalt  }
0x55: {  	_ =	shalt  }
0x56: {  	_ =	shalt  }
0x57: {  	_ =	shalt  }
0x58: {  	_ =	shalt  }
0x59: {  	_ =	shalt  }
0x5a: {  	_ =	shalt  }
0x5b: {  	_ =	shalt  }
0x5c: {  	_ =	shalt  }
0x5d: {  	_ =	shalt  }
0x5e: {  	_ =	shalt  }
0x5f: {  	_ =	shalt  }
0x60: {  	_ =	shalt  }
0x61: {  	_ =	shalt  }
0x62: {  	_ =	shalt  }
0x63: {  	_ =	shalt  }
0x64: {  	_ =	shalt  }
0x65: {  	_ =	shalt  }
0x66: {  	_ =	shalt  }
0x67: {  	_ =	shalt  }
0x68: {  	_ =	shalt  }
0x69: {  	_ =	shalt  }
0x6a: {  	_ =	shalt  }
0x6b: {  	_ =	shalt  }
0x6c: {  	_ =	shalt  }
0x6d: {  	_ =	shalt  }
0x6e: {  	_ =	shalt  }
0x6f: {  	_ =	shalt  }
0x70: {  	_ =	shalt  }
0x71: {  	_ =	shalt  }
0x72: {  	_ =	shalt  }
0x73: {  	_ =	shalt  }
0x74: {  	_ =	shalt  }
0x75: {  	_ =	shalt  }
0x76: {  	_ =	shalt  }
0x77: {  	_ =	shalt  }
0x78: {  	_ =	shalt  }
0x79: {  	_ =	shalt  }
0x7a: {  	_ =	shalt  }
0x7b: {  	_ =	shalt  }
0x7c: {  	_ =	shalt  }
0x7d: {  	_ =	shalt  }
0x7e: {  	_ =	shalt  }
0x7f: {  	_ =	shalt  }
0x80: {  	_ =	shalt  }
0x81: {  	_ =	shalt  }
0x82: {  	_ =	shalt  }
0x83: {  	_ =	shalt  }
0x84: {  	_ =	shalt  }
0x85: {  	_ =	shalt  }
0x86: {  	_ =	shalt  }
0x87: {  	_ =	shalt  }
.Lfunc_end0:
.L_simem_size_0:
called_computation.3_lowered:
.L_overlay_start_0:
0x88: {  	s2 =	sld [smem:$0x3FD9]  }
0x89: {  	s3 =	sld [smem:$0x3FFE];
	_ =	sdelay $0x1  }
0x8a: {  	s1 =	srdreg.scid  }
0x8b: {  	s0 =	sand.u32 $0x1, s1  }
0x8c: {  	s16 =	sshll.u32 s0, $0xA;
	s2 =	sadd.s32 s3, s2  }
0x8d: {  	s2 =	sadd.s32 s2, s16  }
0x8e: {  	[smem:$0x3FBE] =	sst s2  }
0x8f: {  	_ = 	snop  }
0x90: {  	(tm) =	ssettm $0x1  }
0x91: {  	s17 =	sld [smem:$0x3FFB];
	_ =	sdelay $0x3  }
0x92: {  	_ =	strace s17  }
0x93: {  	s2 =	sld [smem:$0x3FFC];
	_ =	sdelay $0x3  }
0x94: {  	_ =	strace s2  }
0x95: {  	s2 =	sld [smem:$0x3FFD];
	_ =	sdelay $0x3  }
0x96: {  	_ =	strace s2  }
0x97: {  	_ =	strace $0x8FFFFFFF  }
0x98: {  	s18 =	sld [smem:$0x3FDB];
	_ =	sdelay $0x1  }
0x99: {  	s19 =	simm.s32 $_scs_section_size  }
0x9a: {  	s4 =	simm.s32 $_size__tile_overlayer_lowered;
	s5 =	simm.s32 $_tile_overlayer_lowered  }
0x9b: {  	s22 =	simm.s32 $0x1BFF;
	s21 =	sshll.u32 s5, $0x1;
	s2 =	sadd.s32 s19, s18  }
0x9c: {  	s6 =	simm.s32 $0x0;
	s20 =	sshll.u32 s4, $0x1;
	s4 =	sadd.s32 s21, s2  }
0x9d: {  	[timem:s6], [sflag:s22] =	dma.local [hbm:s4], s20  }
0x9e: {  	_ =	swait.ge [sflag:s22], s20  }
0x9f: {  	s3 =	ssub.s32 $0x0, s20;
	[sflag:s22] =	ssyncset.done $0x0  }
0xa0: {  	[sflag:s22] =	ssyncadd.s32 s3;
	_ =	sdelay $0x1  }
0xa1: {  	s23 =	simm.s32 $0x1B8B  }
0xa2: {  	_ =	swait.ge [sflag:s23], $0x1  }
0xa3: {  	[sflag:s23] =	ssyncset.done $0x0  }
0xa4: {  	s25 =	simm.s32 $0x1B8E;
	s24 =	sld [smem:$0x3FFE];
	[sflag:s23] =	ssyncadd.s32 $0xFFFFFFFF  }
0xa5: {  	s26 =	simm.s32 $execute0_lowered;
	[smem:$0x3FD2] =	sst s25  }
0xa6: {  	s4 =	sshll.u32 s26, $0x1;
	_ =	strace $0x8000004F;
	[dreg:$0x1] =	wrdreg $0xFFFFFFFF  }
0xa7: {  	s28 =	simm.s32 $_size_execute0_lowered;
	s2 =	sadd.s32 s2, s4;
	[dreg:$0x0] =	wrdreg $0x0  }
0xa8: {  	s4 =	sshll.u32 s28, $0x1;
	[dreg:$0x2] =	wrdreg s2  }
0xa9: {  	[dreg:$0x3] =	wrdreg s4  }
0xaa: {  	[dreg:$0x4] =	wrdreg $0xC0  }
0xab: {  	_ =	task [dreg:s6], $0x5FFFF  }
0xac: {  	[dreg:$0x1] =	wrdreg $0xFFFFFFFF  }
0xad: {  	[dreg:$0x0] =	wrdreg $0x60  }
0xae: {  	[dreg:$0x2] =	wrdreg s24  }
0xaf: {  	[dreg:$0x3] =	wrdreg $0x164000  }
0xb0: {  	[dreg:$0x4] =	wrdreg $0x9  }
0xb1: {  	_ =	task.clear_ibuf [dreg:s6], $0x5FFFF;
	_ =	strace $0x9000004F  }
0xb2: {  	s29 =	simm.s32 $0x9;
	_ =	strace $0x80000051  }
0xb3: {  	_ =	swait.ge [sflag:s29], $0x1  }
0xb4: {  	[sflag:s29] =	ssyncadd.s32 $0xFFFFFFFF  }
0xb5: {  	_ =	strace $0x90000051  }
0xb6: {  	_ =	sfence  }
0xb7: {  	s30 =	sld [smem:$0x0];
	_ =	sdelay $0x2  }
0xb8: {  	s31 =	sshll.u32 s1, $0xD;
	s1 =	sshrl.u32 s1, $0x2  }
0xb9: {  	s3 =	sand.u32 $0x4000, s31;
	s1 =	sadd.s32 s1, s30  }
0xba: {  	s0 =	sor.u32 s3, s0;
	s1 =	sshll.u32 s1, $0x11  }
0xbb: {  	s0 =	sor.u32 s1, s0  }
0xbc: {  	s0 =	sadd.s32 $0x8F2B, s0  }
0xbd: {  	[sflag:s0] =	ssyncadd.remote.s32 $0x1  }
0xbe: {  	_ =	sfence.sel $0xFFFF  }
0xbf: {  	[dreg:$0x0] =	wrdreg $0xFFFFFFFF;
	(pc) =	sbr.abs _section_cstart, $3  }
0xc0: {  	[dreg:$0x1] =	wrdreg $0xFFFFFFFF  }
0xc1: {  	_ =	task.clear_ibuf [dreg:s6], $0x2FFFF;
	_ =	strace $0x9FFFFFFF  }
0xc2: {  	(tm) =	ssettm $0x7FFFFFFF  }
0xc3: {  	_ =	shalt  }
tec
execute0_lowered:
.L_overlay_start_1:
0x0: {  	(tag) =	ssettag $0x1  }
0x1: {  	s0 =	rddreg [dreg:$0x0]  }
0x2: {  	s1 =	srdreg.scid;
	s2 =	rddreg [dreg:$0x1]  }
0x3: {  	s19 =	stileid.u32;
	s3 =	simm.s32 $0x0;
	s20 =	simm.s32 $0x13000  }
0x4: {  	s21 =	simm.s32 $0x6400;
	s22 =	simm.s32 $0x64;
	s28 =	simm.s32 $0x6380  }
0x5: {  	s29 =	simm.s32 $0xC700;
	s30 =	simm.s32 $0xC780;
	s5 =	smul.u32 $0xC80, s19  }
0x6: {  	s31 =	simm.s32 $0x0;
	s1 =	sand.u32 $0x1, s1;
	s8 =	smul.u32 $0x13000, s19  }
0x7: {  	[smem:$0x7FF] =	sst s3;
	s15 =	sadd.s32 $0x6A600, s0;
	s10 =	smul.u32 $0x98, s19  }
0x8: {  	p0 =	sne.s32 s19, $0xF;
	s4 =	sshll.u32 s1, $0x5;
	s11 =	smul.u32 $0x1388, s1  }
0x9: {  	_ =	strace $0x80000050;
	s23 =	ssub.s32 $0x2, s1;
	s1 =	smul.u32 $0x9C400, s1  }
0xa: {  	s4 =	sor.u32 s19, s4;
	s7 =	sadd.s32 s5, s0;
	s5 =	sadd.s32 $0x5CC00, s0  }
0xb: {  	s9 =	sshrl.u32 s23, $0x1;
	s8 =	sshrl.u32 s8, $0x2;
	s19 =	simm.s32 $0x3  }
0xc: {  	s6 =	smul.u32 $0xC80, s4;
	s4 =	sadd.s32 $0x35A00, s0;
	s18 =	ssub.s32 s23, s9  }
0xd: {  	s24 =	sadd.s32 $0x5DE00, s7;
	s7 =	sadd.s32 s8, s2;
	s9 =	sadd.s32 $0x4C000, s2  }
0xe: {  	s11 =	sadd.s32 s10, s11;
	s1 =	sshrl.u32 s1, $0x3;
	s23 =	simm.s32 $0xC800  }
0xf: {  	[dreg:$0x3] =	wrdreg s24;
	s8 =	sadd.s32 $0x3400, s7;
	s16 =	sshll.u32 s11, $0x4  }
0x10: {  	s1 =	sadd.s32 s15, s1;
	s18 =	smax.u32 s18, $0x1;
	s24 =	simm.s32 $0xFC00  }
0x11: {  	s14 =	sadd.s32 s6, s0;
	s26 =	sadd.s32 s15, s16;
	s0 =	sadd.s32 $0x6AC80, s0  }
0x12: {  	s13 =	sadd.s32 $0x9800, s1;
	s17 =	sadd.s32 $0x13480, s1;
	s25 =	sadd.s32 $0x3A00, s14  }
0x13: {  	[dreg:$0x5] =	wrdreg s26;
	s12 =	sadd.s32 s16, s0;
	s16 =	sadd.s32 $0x9C80, s16  }
0x14: {  	s14 =	sadd.s32 $0x10200, s14;
	s26 =	simm.s32 $0x2;
	[dreg:$0x4] =	wrdreg s25  }
0x15: {  	s15 =	sadd.s32 s15, s16;
	s16 =	sadd.s32 s16, s0;
	s25 =	simm.s32 $0x1  }
.LBB2_1:
0x16: {  	s0 =	rddreg [dreg:$0x3]  }
0x17: {  	[tilespmem:s3], [sflag:$0x3] =	stream.linear.gather [hbm4b:s0+s3], $0x6400, $0x38;
	[tilespmem:$0x1B248] =	vst v63  }
0x18: {  	_ =	swait.ge [sflag:s19], $0x6400  }
0x19: {  	[sflag:s19] =	ssyncset.done $0x0  }
0x1a: {  	[sflag:s19] =	ssyncadd.s32 $0xFFFF9C00  }
0x1b: {  	[tilespmem:s20], [sflag:$0x3] =	stream.linear.gather [hbm4b:s5+s3], $0x3400, $0x38;
	[tilespmem:$0x1B248] =	vst v63  }
0x1c: {  	_ =	swait.ge [sflag:s19], $0x3400  }
0x1d: {  	[sflag:s19] =	ssyncset.done $0x0  }
0x1e: {  	[sflag:s19] =	ssyncadd.s32 $0xFFFFCC00  }
0x1f: {  	[spmem:s7] =	stream.linear.scatter [tilespmem:s20], [sflag:$0x3], $0x3400, $0x38;
	[tilespmem:$0x1B248] =	vst v63  }
0x20: {  	_ =	swait.ge [sflag:s19], $0x3400  }
0x21: {  	[sflag:s19] =	ssyncset.done $0x0  }
0x22: {  	[sflag:s19] =	ssyncadd.s32 $0xFFFFCC00  }
0x23: {  	[spmem:s8] =	stream.linear.scatter [tilespmem:s20], [sflag:$0x3], $0x1800, $0x38;
	[tilespmem:$0x1B248] =	vst v63  }
0x24: {  	_ =	swait.ge [sflag:s19], $0x1800  }
0x25: {  	[sflag:s19] =	ssyncset.done $0x0  }
0x26: {  	s0 =	simm.s32 @!p0 $0x13000;
	[sflag:s19] =	ssyncadd.s32 $0xFFFFE800  }
0x27: {  	[spmem:s9] =	stream.linear.scatter @!p0 [tilespmem:s0], [sflag:$0x3], $0x2400, $0x38;
	[tilespmem:$0x1B248] =	vst v63  }
0x28: {  	s0 =	simm.s32 @!p0 $0x3  }
0x29: {  	_ =	swait.ge @!p0 [sflag:s0], $0x2400  }
0x2a: {  	[sflag:s0] =	ssyncset.done @!p0 $0x0  }
0x2b: {  	s11 =	rddreg [dreg:$0x4];
	[sflag:s0] =	ssyncadd.s32 @!p0 $0xFFFFDC00  }
0x2c: {  	[tilespmem:s21], [sflag:$0x3] =	stream.linear.gather [hbm4b:s11+s3], $0x6400, $0x38;
	[tilespmem:$0x1B248] =	vst v63  }
0x2d: {  	_ =	swait.ge [sflag:s19], $0x6400  }
0x2e: {  	[sflag:s19] =	ssyncset.done $0x0  }
0x2f: {  	[sflag:s19] =	ssyncadd.s32 $0xFFFF9C00  }
0x30: {  	[bflag:$0x0] =	sbarrier.arrive $0xFFFF  }
0x31: {  	[tilespmem:s23], [sflag:$0x1] =	stream.indirect.gather [hbm4b:s4+s22], $0x80, s3, s22, $0xb8;
	[tilespmem:$0x1B248] =	vst v63  }
0x32: {  	s1 =	simm.s32 $0x80  }
0x33: {  	[tilespmem:s24], [sflag:$0x2] =	stream.indirect.gather [hbm4b:s4+s22], $0x80, s1, s22, $0xb8;
	[tilespmem:$0x1B248] =	vst v63  }
0x34: {  	_ =	swait.ge [sflag:s25], $0x3200  }
0x35: {  	[sflag:s25] =	ssyncset.done $0x0  }
0x36: {  	s6 =	simm.s32 $0x6400;
	[sflag:s25] =	ssyncadd.s32 $0xFFFFCE00  }
0x37: {  	[spmem:s2] =	stream.indirect.scatter.add.f32 [tilespmem:s23], [sflag:$0x3], $0x80, s6, s22, $0xb8;
	[tilespmem:$0x1B248] =	vst v63  }
0x38: {  	_ =	swait.ge [sflag:s19], $0x3200  }
0x39: {  	[sflag:s19] =	ssyncset.done $0x0  }
0x3a: {  	s10 =	simm.s32 $0x100;
	[sflag:s19] =	ssyncadd.s32 $0xFFFFCE00  }
0x3b: {  	[tilespmem:s23], [sflag:$0x1] =	stream.indirect.gather [hbm4b:s4+s22], $0x80, s10, s22, $0xb8;
	[tilespmem:$0x1B248] =	vst v63  }
0x3c: {  	_ =	swait.ge [sflag:s26], $0x3200  }
0x3d: {  	[sflag:s26] =	ssyncset.done $0x0  }
0x3e: {  	s11 =	simm.s32 $0x6480;
	[sflag:s26] =	ssyncadd.s32 $0xFFFFCE00  }
0x3f: {  	[spmem:s2] =	stream.indirect.scatter.add.f32 [tilespmem:s24], [sflag:$0x3], $0x80, s11, s22, $0xb8;
	[tilespmem:$0x1B248] =	vst v63  }
0x40: {  	_ =	swait.ge [sflag:s19], $0x3200  }
0x41: {  	s0 =	simm.s32 $0x100;
	s1 =	simm.s32 $0x800;
	[sflag:s19] =	ssyncset.done $0x0  }
.LBB2_2:
0x42: {  	s6 =	sadd.s32 $0x80, s0  }
0x43: {  	[sflag:s19] =	ssyncadd.s32 $0xFFFFCE00;
	s10 =	smov.u32 s1;
	s11 =	sadd.s32 $0x400, s1  }
0x44: {  	[tilespmem:s24], [sflag:$0x2] =	stream.indirect.gather [hbm4b:s4+s22], $0x80, s6, s22, $0xb8;
	[tilespmem:$0x1B248] =	vst v63  }
0x45: {  	p1 =	sne.s32 s1, $0x18800;
	_ =	swait.ge [sflag:s25], $0x3200  }
0x46: {  	[sflag:s25] =	ssyncset.done $0x0  }
0x47: {  	s1 =	sadd.s32 $0x6400, s0;
	[sflag:s25] =	ssyncadd.s32 $0xFFFFCE00  }
0x48: {  	[spmem:s2] =	stream.indirect.scatter.add.f32 [tilespmem:s23], [sflag:$0x3], $0x80, s1, s22, $0xb8;
	[tilespmem:$0x1B248] =	vst v63  }
0x49: {  	_ =	swait.ge [sflag:s19], $0x3200  }
0x4a: {  	[sflag:s19] =	ssyncset.done $0x0  }
0x4b: {  	s1 =	sadd.s32 $0x100, s0;
	[sflag:s19] =	ssyncadd.s32 $0xFFFFCE00  }
0x4c: {  	[tilespmem:s23], [sflag:$0x1] =	stream.indirect.gather [hbm4b:s4+s22], $0x80, s1, s22, $0xb8;
	[tilespmem:$0x1B248] =	vst v63  }
0x4d: {  	_ =	swait.ge [sflag:s26], $0x3200  }
.Ltmp0:
0x4e: {  	[sflag:s26] =	ssyncset.done $0x0;
	(pc) =	sbr.rel @p1 .LBB2_2-.Ltmp0, $4  }
0x4f: {  	s0 =	sadd.s32 $0x6480, s0;
	[sflag:s26] =	ssyncadd.s32 $0xFFFFCE00  }
0x50: {  	[spmem:s2] =	stream.indirect.scatter.add.f32 [tilespmem:s24], [sflag:$0x3], $0x80, s0, s22, $0xb8;
	[tilespmem:$0x1B248] =	vst v63  }
0x51: {  	_ =	swait.ge [sflag:s19], $0x3200  }
0x52: {  	s1 =	smov.u32 s11;
	s0 =	sshra.s32 s10, $0x2;
	[sflag:s19] =	ssyncset.done $0x0  }
0x53: {  	s1 =	sadd.s32 $0x80, s0;
	[sflag:s19] =	ssyncadd.s32 $0xFFFFCE00  }
0x54: {  	[tilespmem:s24], [sflag:$0x2] =	stream.indirect.gather [hbm4b:s4+s22], $0x80, s1, s22, $0xb8;
	[tilespmem:$0x1B248] =	vst v63  }
0x55: {  	_ =	swait.ge [sflag:s25], $0x3200  }
0x56: {  	[sflag:s25] =	ssyncset.done $0x0  }
0x57: {  	s10 =	sadd.s32 $0x6400, s0;
	[sflag:s25] =	ssyncadd.s32 $0xFFFFCE00  }
0x58: {  	[spmem:s2] =	stream.indirect.scatter.add.f32 [tilespmem:s23], [sflag:$0x3], $0x80, s10, s22, $0xb8;
	[tilespmem:$0x1B248] =	vst v63  }
0x59: {  	_ =	swait.ge [sflag:s19], $0x3200  }
0x5a: {  	[sflag:s19] =	ssyncset.done $0x0  }
0x5b: {  	s11 =	sadd.s32 $0x100, s0;
	[sflag:s19] =	ssyncadd.s32 $0xFFFFCE00  }
0x5c: {  	[tilespmem:s23], [sflag:$0x1] =	stream.indirect.gather [hbm4b:s4+s22], $0x80, s11, s22, $0xb8;
	[tilespmem:$0x1B248] =	vst v63  }
0x5d: {  	_ =	swait.ge [sflag:s26], $0x3200  }
0x5e: {  	[sflag:s26] =	ssyncset.done $0x0  }
0x5f: {  	s6 =	sadd.s32 $0x6480, s0;
	[sflag:s26] =	ssyncadd.s32 $0xFFFFCE00  }
0x60: {  	[spmem:s2] =	stream.indirect.scatter.add.f32 [tilespmem:s24], [sflag:$0x3], $0x80, s6, s22, $0xb8;
	[tilespmem:$0x1B248] =	vst v63  }
0x61: {  	_ =	swait.ge [sflag:s19], $0x3200  }
0x62: {  	[sflag:s19] =	ssyncset.done $0x0  }
0x63: {  	[sflag:s19] =	ssyncadd.s32 $0xFFFFCE00  }
0x64: {  	[tilespmem:s24], [sflag:$0x2] =	stream.indirect.gather [hbm4b:s4+s22], $0x80, s28, s22, $0xb8;
	[tilespmem:$0x1B248] =	vst v63  }
0x65: {  	_ =	swait.ge [sflag:s25], $0x3200  }
0x66: {  	[sflag:s25] =	ssyncset.done $0x0  }
0x67: {  	[sflag:s25] =	ssyncadd.s32 $0xFFFFCE00  }
0x68: {  	[spmem:s2] =	stream.indirect.scatter.add.f32 [tilespmem:s23], [sflag:$0x3], $0x80, s29, s22, $0xb8;
	[tilespmem:$0x1B248] =	vst v63  }
0x69: {  	_ =	swait.ge [sflag:s19], $0x3200  }
0x6a: {  	[sflag:s19] =	ssyncset.done $0x0  }
0x6b: {  	[sflag:s19] =	ssyncadd.s32 $0xFFFFCE00  }
0x6c: {  	_ =	swait.ge [sflag:s26], $0x3200  }
0x6d: {  	[sflag:s26] =	ssyncset.done $0x0  }
0x6e: {  	[sflag:s26] =	ssyncadd.s32 $0xFFFFCE00  }
0x6f: {  	[spmem:s2] =	stream.indirect.scatter.add.f32 [tilespmem:s24], [sflag:$0x3], $0x80, s30, s22, $0xb8;
	[tilespmem:$0x1B248] =	vst v63  }
0x70: {  	_ =	swait.ge [sflag:s19], $0x3200  }
0x71: {  	[sflag:s19] =	ssyncset.done $0x0  }
0x72: {  	[sflag:s19] =	ssyncadd.s32 $0xFFFFCE00  }
0x73: {  	[bflag:$0x0] =	sbarrier.arrive $0xFFFF  }
0x74: {  	[tilespmem:s20], [sflag:$0x3] =	stream.linear.gather [spmem:s7], $0x3400, $0x38;
	[tilespmem:$0x1B248] =	vst v63  }
0x75: {  	_ =	swait.ge [sflag:s19], $0x3400  }
0x76: {  	[sflag:s19] =	ssyncset.done $0x0  }
0x77: {  	s10 =	rddreg [dreg:$0x5];
	[sflag:s19] =	ssyncadd.s32 $0xFFFFCC00  }
0x78: {  	[hbm4b:s10+s3] =	stream.linear.scatter [tilespmem:s20], [sflag:$0x3], $0x3400, $0x38;
	[tilespmem:$0x1B248] =	vst v63  }
0x79: {  	_ =	swait.ge [sflag:s19], $0x3400  }
0x7a: {  	[sflag:s19] =	ssyncset.done $0x0  }
0x7b: {  	[sflag:s19] =	ssyncadd.s32 $0xFFFFCC00  }
0x7c: {  	[tilespmem:s20], [sflag:$0x3] =	stream.linear.gather [spmem:s8], $0x1800, $0x38;
	[tilespmem:$0x1B248] =	vst v63  }
0x7d: {  	_ =	swait.ge [sflag:s19], $0x1800  }
0x7e: {  	[sflag:s19] =	ssyncset.done $0x0  }
0x7f: {  	[sflag:s19] =	ssyncadd.s32 $0xFFFFE800  }
0x80: {  	[hbm4b:s12+s3] =	stream.linear.scatter [tilespmem:s20], [sflag:$0x3], $0x1800, $0x38;
	[tilespmem:$0x1B248] =	vst v63  }
0x81: {  	_ =	swait.ge [sflag:s19], $0x1800  }
0x82: {  	[sflag:s19] =	ssyncset.done $0x0  }
0x83: {  	s0 =	simm.s32 @!p0 $0x13000;
	s1 =	simm.s32 @!p0 $0x3;
	[sflag:s19] =	ssyncadd.s32 $0xFFFFE800  }
0x84: {  	[tilespmem:s0], [sflag:$0x3] =	stream.linear.gather @!p0 [spmem:s9], $0x2400, $0x38;
	[tilespmem:$0x1B248] =	vst v63  }
0x85: {  	_ =	swait.ge @!p0 [sflag:s1], $0x2400  }
0x86: {  	[sflag:s1] =	ssyncset.done @!p0 $0x0  }
0x87: {  	s6 =	simm.s32 @!p0 $0x0;
	[sflag:s1] =	ssyncadd.s32 @!p0 $0xFFFFDC00  }
0x88: {  	[hbm4b:s13+s6] =	stream.linear.scatter @!p0 [tilespmem:s0], [sflag:$0x3], $0x2400, $0x38;
	[tilespmem:$0x1B248] =	vst v63  }
0x89: {  	_ =	swait.ge @!p0 [sflag:s1], $0x2400  }
0x8a: {  	[sflag:s1] =	ssyncset.done @!p0 $0x0  }
0x8b: {  	[sflag:s1] =	ssyncadd.s32 @!p0 $0xFFFFDC00  }
0x8c: {  	[bflag:$0x0] =	sbarrier.arrive $0xFFFF  }
0x8d: {  	[tilespmem:s20], [sflag:$0x3] =	stream.linear.gather [hbm4b:s5+s3], $0x3400, $0x38;
	[tilespmem:$0x1B248] =	vst v63  }
0x8e: {  	_ =	swait.ge [sflag:s19], $0x3400  }
0x8f: {  	[sflag:s19] =	ssyncset.done $0x0  }
0x90: {  	[sflag:s19] =	ssyncadd.s32 $0xFFFFCC00  }
0x91: {  	[spmem:s7] =	stream.linear.scatter [tilespmem:s20], [sflag:$0x3], $0x3400, $0x38;
	[tilespmem:$0x1B248] =	vst v63  }
0x92: {  	_ =	swait.ge [sflag:s19], $0x3400  }
0x93: {  	[sflag:s19] =	ssyncset.done $0x0  }
0x94: {  	[sflag:s19] =	ssyncadd.s32 $0xFFFFCC00  }
0x95: {  	[spmem:s8] =	stream.linear.scatter [tilespmem:s20], [sflag:$0x3], $0x1800, $0x38;
	[tilespmem:$0x1B248] =	vst v63  }
0x96: {  	_ =	swait.ge [sflag:s19], $0x1800  }
0x97: {  	[sflag:s19] =	ssyncset.done $0x0  }
0x98: {  	[sflag:s19] =	ssyncadd.s32 $0xFFFFE800  }
0x99: {  	[spmem:s9] =	stream.linear.scatter @!p0 [tilespmem:s0], [sflag:$0x3], $0x2000, $0x38;
	[tilespmem:$0x1B248] =	vst v63  }
0x9a: {  	_ =	swait.ge @!p0 [sflag:s1], $0x2000  }
0x9b: {  	[sflag:s1] =	ssyncset.done @!p0 $0x0  }
0x9c: {  	s11 =	simm.s32 $0x0;
	[sflag:s1] =	ssyncadd.s32 @!p0 $0xFFFFE000  }
0x9d: {  	[tilespmem:s21], [sflag:$0x3] =	stream.linear.gather [hbm4b:s14+s11], $0x6400, $0x38;
	[tilespmem:$0x1B248] =	vst v63  }
0x9e: {  	_ =	swait.ge [sflag:s19], $0x6400  }
0x9f: {  	[sflag:s19] =	ssyncset.done $0x0  }
0xa0: {  	[sflag:s19] =	ssyncadd.s32 $0xFFFF9C00  }
0xa1: {  	[bflag:$0x0] =	sbarrier.arrive $0xFFFF  }
0xa2: {  	[tilespmem:s23], [sflag:$0x1] =	stream.indirect.gather [hbm4b:s4+s22], $0x80, s11, s22, $0xb8;
	[tilespmem:$0x1B248] =	vst v63  }
0xa3: {  	s1 =	simm.s32 $0x80  }
0xa4: {  	[tilespmem:s24], [sflag:$0x2] =	stream.indirect.gather [hbm4b:s4+s22], $0x80, s1, s22, $0xb8;
	[tilespmem:$0x1B248] =	vst v63  }
0xa5: {  	_ =	swait.ge [sflag:s25], $0x3200  }
0xa6: {  	[sflag:s25] =	ssyncset.done $0x0  }
0xa7: {  	s6 =	simm.s32 $0x6400;
	[sflag:s25] =	ssyncadd.s32 $0xFFFFCE00  }
0xa8: {  	[spmem:s2] =	stream.indirect.scatter.add.f32 [tilespmem:s23], [sflag:$0x3], $0x80, s6, s22, $0xb8;
	[tilespmem:$0x1B248] =	vst v63  }
0xa9: {  	_ =	swait.ge [sflag:s19], $0x3200  }
0xaa: {  	[sflag:s19] =	ssyncset.done $0x0  }
0xab: {  	s10 =	simm.s32 $0x100;
	[sflag:s19] =	ssyncadd.s32 $0xFFFFCE00  }
0xac: {  	[tilespmem:s23], [sflag:$0x1] =	stream.indirect.gather [hbm4b:s4+s22], $0x80, s10, s22, $0xb8;
	[tilespmem:$0x1B248] =	vst v63  }
0xad: {  	_ =	swait.ge [sflag:s26], $0x3200  }
0xae: {  	[sflag:s26] =	ssyncset.done $0x0  }
0xaf: {  	s11 =	simm.s32 $0x6480;
	[sflag:s26] =	ssyncadd.s32 $0xFFFFCE00  }
0xb0: {  	[spmem:s2] =	stream.indirect.scatter.add.f32 [tilespmem:s24], [sflag:$0x3], $0x80, s11, s22, $0xb8;
	[tilespmem:$0x1B248] =	vst v63  }
0xb1: {  	_ =	swait.ge [sflag:s19], $0x3200  }
0xb2: {  	s0 =	simm.s32 $0x100;
	s1 =	simm.s32 $0x800;
	[sflag:s19] =	ssyncset.done $0x0  }
.LBB2_4:
0xb3: {  	s6 =	sadd.s32 $0x80, s0  }
0xb4: {  	[sflag:s19] =	ssyncadd.s32 $0xFFFFCE00;
	s10 =	smov.u32 s1;
	s11 =	sadd.s32 $0x400, s1  }
0xb5: {  	[tilespmem:s24], [sflag:$0x2] =	stream.indirect.gather [hbm4b:s4+s22], $0x80, s6, s22, $0xb8;
	[tilespmem:$0x1B248] =	vst v63  }
0xb6: {  	p1 =	sne.s32 s1, $0x18800;
	_ =	swait.ge [sflag:s25], $0x3200  }
0xb7: {  	[sflag:s25] =	ssyncset.done $0x0  }
0xb8: {  	s1 =	sadd.s32 $0x6400, s0;
	[sflag:s25] =	ssyncadd.s32 $0xFFFFCE00  }
0xb9: {  	[spmem:s2] =	stream.indirect.scatter.add.f32 [tilespmem:s23], [sflag:$0x3], $0x80, s1, s22, $0xb8;
	[tilespmem:$0x1B248] =	vst v63  }
0xba: {  	_ =	swait.ge [sflag:s19], $0x3200  }
0xbb: {  	[sflag:s19] =	ssyncset.done $0x0  }
0xbc: {  	s1 =	sadd.s32 $0x100, s0;
	[sflag:s19] =	ssyncadd.s32 $0xFFFFCE00  }
0xbd: {  	[tilespmem:s23], [sflag:$0x1] =	stream.indirect.gather [hbm4b:s4+s22], $0x80, s1, s22, $0xb8;
	[tilespmem:$0x1B248] =	vst v63  }
0xbe: {  	_ =	swait.ge [sflag:s26], $0x3200  }
.Ltmp1:
0xbf: {  	[sflag:s26] =	ssyncset.done $0x0;
	(pc) =	sbr.rel @p1 .LBB2_4-.Ltmp1, $4  }
0xc0: {  	s0 =	sadd.s32 $0x6480, s0;
	[sflag:s26] =	ssyncadd.s32 $0xFFFFCE00  }
0xc1: {  	[spmem:s2] =	stream.indirect.scatter.add.f32 [tilespmem:s24], [sflag:$0x3], $0x80, s0, s22, $0xb8;
	[tilespmem:$0x1B248] =	vst v63  }
0xc2: {  	_ =	swait.ge [sflag:s19], $0x3200  }
0xc3: {  	s1 =	smov.u32 s11;
	s0 =	sshra.s32 s10, $0x2;
	[sflag:s19] =	ssyncset.done $0x0  }
0xc4: {  	s1 =	sadd.s32 $0x80, s0;
	[sflag:s19] =	ssyncadd.s32 $0xFFFFCE00  }
0xc5: {  	[tilespmem:s24], [sflag:$0x2] =	stream.indirect.gather [hbm4b:s4+s22], $0x80, s1, s22, $0xb8;
	[tilespmem:$0x1B248] =	vst v63  }
0xc6: {  	_ =	swait.ge [sflag:s25], $0x3200  }
0xc7: {  	[sflag:s25] =	ssyncset.done $0x0  }
0xc8: {  	s6 =	sadd.s32 $0x6400, s0;
	[sflag:s25] =	ssyncadd.s32 $0xFFFFCE00  }
0xc9: {  	[spmem:s2] =	stream.indirect.scatter.add.f32 [tilespmem:s23], [sflag:$0x3], $0x80, s6, s22, $0xb8;
	[tilespmem:$0x1B248] =	vst v63  }
0xca: {  	_ =	swait.ge [sflag:s19], $0x3200  }
0xcb: {  	[sflag:s19] =	ssyncset.done $0x0  }
0xcc: {  	s10 =	sadd.s32 $0x100, s0;
	[sflag:s19] =	ssyncadd.s32 $0xFFFFCE00  }
0xcd: {  	[tilespmem:s23], [sflag:$0x1] =	stream.indirect.gather [hbm4b:s4+s22], $0x80, s10, s22, $0xb8;
	[tilespmem:$0x1B248] =	vst v63  }
0xce: {  	_ =	swait.ge [sflag:s26], $0x3200  }
0xcf: {  	[sflag:s26] =	ssyncset.done $0x0  }
0xd0: {  	s11 =	sadd.s32 $0x6480, s0;
	[sflag:s26] =	ssyncadd.s32 $0xFFFFCE00  }
0xd1: {  	[spmem:s2] =	stream.indirect.scatter.add.f32 [tilespmem:s24], [sflag:$0x3], $0x80, s11, s22, $0xb8;
	[tilespmem:$0x1B248] =	vst v63  }
0xd2: {  	_ =	swait.ge [sflag:s19], $0x3200  }
0xd3: {  	[sflag:s19] =	ssyncset.done $0x0  }
0xd4: {  	[sflag:s19] =	ssyncadd.s32 $0xFFFFCE00  }
0xd5: {  	[tilespmem:s24], [sflag:$0x2] =	stream.indirect.gather [hbm4b:s4+s22], $0x80, s28, s22, $0xb8;
	[tilespmem:$0x1B248] =	vst v63  }
0xd6: {  	_ =	swait.ge [sflag:s25], $0x3200  }
0xd7: {  	[sflag:s25] =	ssyncset.done $0x0  }
0xd8: {  	[sflag:s25] =	ssyncadd.s32 $0xFFFFCE00  }
0xd9: {  	[spmem:s2] =	stream.indirect.scatter.add.f32 [tilespmem:s23], [sflag:$0x3], $0x80, s29, s22, $0xb8;
	[tilespmem:$0x1B248] =	vst v63  }
0xda: {  	_ =	swait.ge [sflag:s19], $0x3200  }
0xdb: {  	[sflag:s19] =	ssyncset.done $0x0  }
0xdc: {  	[sflag:s19] =	ssyncadd.s32 $0xFFFFCE00  }
0xdd: {  	_ =	swait.ge [sflag:s26], $0x3200  }
0xde: {  	[sflag:s26] =	ssyncset.done $0x0  }
0xdf: {  	[sflag:s26] =	ssyncadd.s32 $0xFFFFCE00  }
0xe0: {  	[spmem:s2] =	stream.indirect.scatter.add.f32 [tilespmem:s24], [sflag:$0x3], $0x80, s30, s22, $0xb8;
	[tilespmem:$0x1B248] =	vst v63  }
0xe1: {  	_ =	swait.ge [sflag:s19], $0x3200  }
0xe2: {  	[sflag:s19] =	ssyncset.done $0x0  }
0xe3: {  	[sflag:s19] =	ssyncadd.s32 $0xFFFFCE00  }
0xe4: {  	[bflag:$0x0] =	sbarrier.arrive $0xFFFF  }
0xe5: {  	[tilespmem:s20], [sflag:$0x3] =	stream.linear.gather [spmem:s7], $0x3400, $0x38;
	[tilespmem:$0x1B248] =	vst v63  }
0xe6: {  	_ =	swait.ge [sflag:s19], $0x3400  }
0xe7: {  	[sflag:s19] =	ssyncset.done $0x0  }
0xe8: {  	[sflag:s19] =	ssyncadd.s32 $0xFFFFCC00  }
0xe9: {  	[hbm4b:s15+s3] =	stream.linear.scatter [tilespmem:s20], [sflag:$0x3], $0x3400, $0x38;
	[tilespmem:$0x1B248] =	vst v63  }
0xea: {  	_ =	swait.ge [sflag:s19], $0x3400  }
0xeb: {  	[sflag:s19] =	ssyncset.done $0x0  }
0xec: {  	[sflag:s19] =	ssyncadd.s32 $0xFFFFCC00  }
0xed: {  	[tilespmem:s20], [sflag:$0x3] =	stream.linear.gather [spmem:s8], $0x1800, $0x38;
	[tilespmem:$0x1B248] =	vst v63  }
0xee: {  	_ =	swait.ge [sflag:s19], $0x1800  }
0xef: {  	[sflag:s19] =	ssyncset.done $0x0  }
0xf0: {  	[sflag:s19] =	ssyncadd.s32 $0xFFFFE800  }
0xf1: {  	[hbm4b:s16+s3] =	stream.linear.scatter [tilespmem:s20], [sflag:$0x3], $0x1800, $0x38;
	[tilespmem:$0x1B248] =	vst v63  }
0xf2: {  	_ =	swait.ge [sflag:s19], $0x1800  }
0xf3: {  	[sflag:s19] =	ssyncset.done $0x0  }
0xf4: {  	s0 =	simm.s32 @!p0 $0x13000;
	s1 =	simm.s32 @!p0 $0x3;
	[sflag:s19] =	ssyncadd.s32 $0xFFFFE800  }
0xf5: {  	[tilespmem:s0], [sflag:$0x3] =	stream.linear.gather @!p0 [spmem:s9], $0x2000, $0x38;
	[tilespmem:$0x1B248] =	vst v63  }
0xf6: {  	_ =	swait.ge @!p0 [sflag:s1], $0x2000  }
0xf7: {  	s31 =	sadd.s32 $0x1, s31;
	[sflag:s1] =	ssyncset.done @!p0 $0x0  }
0xf8: {  	p1 =	sne.s32 s31, s18;
	s6 =	simm.s32 @!p0 $0x0;
	[sflag:s1] =	ssyncadd.s32 @!p0 $0xFFFFE000  }
0xf9: {  	[hbm4b:s17+s6] =	stream.linear.scatter @!p0 [tilespmem:s0], [sflag:$0x3], $0x2000, $0x38;
	[tilespmem:$0x1B248] =	vst v63  }
.Ltmp2:
0xfa: {  	_ =	swait.ge @!p0 [sflag:s1], $0x2000;
	(pc) =	sbr.rel @p1 .LBB2_1-.Ltmp2, $3  }
0xfb: {  	[sflag:s1] =	ssyncset.done @!p0 $0x0  }
0xfc: {  	[sflag:s1] =	ssyncadd.s32 @!p0 $0xFFFFE000  }
0xfd: {  	[bflag:$0x0] =	sbarrier.arrive $0xFFFF;
	_ =	sdelay $0x1  }
0xfe: {  	_ =	sfence.sel $0x180000  }
0xff: {  	[bflag:$0x0] =	sbarrier.arrive $0xFFFF  }
0x100: {  	_ =	strace $0x90000050  }
0x101: {  	s0 =	stileid.u32;
	[bflag:$0x2] =	sbarrier.arrive $0xFFFF  }
0x102: {  	p0 =	sne.s32 s0, $0x0;
	s0 =	rddreg [dreg:$0x2]  }
0x103: {  	s0 =	sadd.s32 @!p0 $0x100000, s0  }
0x104: {  	[sflag:s0] =	ssyncadd.tile.s32 @!p0 $0x1;
	_ =	shalt  }
.Lfunc_end2:
_tile_overlayer_lowered:
.L_overlay_start_2:
0x105: {  	(tag) =	ssettag $0x2  }
0x106: {  	s0 =	rddreg [dreg:$0x0];
	s2 =	stileid.u32  }
0x107: {  	s1 =	rddreg [dreg:$0x1];
	p0 =	sne.s32 s2, $0x0  }
0x108: {  	s3 =	rddreg [dreg:$0x2];
	[bflag:$0x3] =	sbarrier.arrive $0xFFFF;
	s2 =	simm.s32 @!p0 $0x1C03  }
0x109: {  	[timem:s3], [sflag:s2] =	dma.local @!p0 [hbm:s0], s1  }
0x10a: {  	s0 =	simm.s32 @!p0 $0x3  }
0x10b: {  	_ =	swait.ge @!p0 [sflag:s0], s1  }
0x10c: {  	s1 =	ssub.s32 @!p0 $0x0, s1;
	[sflag:s0] =	ssyncset.done @!p0 $0x0  }
0x10d: {  	[sflag:s0] =	ssyncadd.s32 @!p0 s1  }
0x10e: {  	[bflag:$0x3] =	sbarrier.arrive $0xFFFF  }
0x10f: {  	_ =	shalt  }

</sc_bundles>
